<compile_context>
chip_gen: v7x
topology: tpu7x:2x2x1
jax: 0.10.2.dev20260603
libtpu: 0.0.44.dev20260713+nightly
codegen_flags: <defaults>
</compile_context>

<pallas_src>
import functools

import jax
import jax.numpy as jnp
from jax import lax
from jax.experimental import pallas as pl
from jax.experimental.pallas import tpu as pltpu
from jax.experimental.pallas import tpu_sc as plsc

ROWS = 4096
COLS = 200
EMBED_DIM = 32
B = ROWS * COLS

_NUM_CORES = 2
_NUM_SUBCORES = 16
NW = _NUM_CORES * _NUM_SUBCORES

UNIT = 512
IHR = UNIT // 128
NDH = EMBED_DIM // 8
UNIT_OUT = UNIT * EMBED_DIM
SEG = UNIT_OUT // NDH
UNITS_PER_COL = ROWS // UNIT
NUNITS = COLS * UNITS_PER_COL
UNITS_PER_W = NUNITS // NW


def _make_gather():
    mesh = plsc.VectorSubcoreMesh(core_axis_name="c", subcore_axis_name="s")

    @functools.partial(
        pl.kernel,
        mesh=mesh,
        out_type=jax.ShapeDtypeStruct((B * EMBED_DIM,), jnp.float32),
        compiler_params=pltpu.CompilerParams(
            use_tc_tiling_on_sc=False, needs_layout_passes=False,
            disable_bounds_checks=True),
        scratch_types=[
            pltpu.VMEM((IHR, 128), jnp.int32),
            pltpu.VMEM((IHR, 128), jnp.int32),
            pltpu.VMEM((UNIT, EMBED_DIM), jnp.float32),
            pltpu.VMEM((UNIT, EMBED_DIM), jnp.float32),
            pltpu.VMEM((UNIT_OUT,), jnp.float32),
            pltpu.VMEM((UNIT_OUT,), jnp.float32),
            pltpu.SemaphoreType.DMA,
            pltpu.SemaphoreType.DMA,
            pltpu.SemaphoreType.DMA,
            pltpu.SemaphoreType.DMA,
            pltpu.SemaphoreType.DMA,
            pltpu.SemaphoreType.DMA,
        ],
    )
    def gather_kernel(idx_hbm, table_hbm, out_hbm, idx0, idx1, g0, g1,
                      t0, t1, sg0, sg1, sw0, sw1, si0, si1):
        wid = lax.axis_index("s") * _NUM_CORES + lax.axis_index("c")
        u0 = wid * UNITS_PER_W
        idx_b = (idx0, idx1)
        g_b = (g0, g1)
        t_b = (t0, t1)
        sg = (sg0, sg1)
        sw = (sw0, sw1)
        si = (si0, si1)
        iota = lax.iota(jnp.int32, 16)
        rot = [(iota + s) % 16 for s in range(16)]
        froti = [(r // 8) * SEG + (r % 8) * 128 + iota for r in rot]

        def unit_jir(u):
            gu = u0 + u
            return gu // UNITS_PER_COL, gu % UNITS_PER_COL

        def load_idx(u, b):
            j, ir = unit_jir(u)
            pltpu.async_copy(
                idx_hbm.at[j // 8, pl.ds(ir * IHR, IHR),
                           pl.ds((j % 8) * 128, 128)],
                idx_b[b], si[b])

        def wait_idx(b):
            pltpu.make_async_copy(
                idx_hbm.at[0, pl.ds(0, IHR), pl.ds(0, 128)], idx_b[b], si[b]
            ).wait()

        def fire_gather(b):
            for k in range(IHR):
                pltpu.async_copy(
                    table_hbm.at[idx_b[b].at[k]],
                    g_b[b].at[pl.ds(k * 128, 128)], sg[b])

        def wait_gather(b):
            for k in range(IHR):
                pltpu.make_async_copy(
                    table_hbm.at[idx_b[b].at[k]],
                    g_b[b].at[pl.ds(k * 128, 128)], sg[b]
                ).wait()

        load_idx(0, 0)
        wait_idx(0)
        fire_gather(0)
        load_idx(1, 1)

        def unit_step(u, b):
            j, ir = unit_jir(u)
            gbuf = g_b[b]
            tbuf = t_b[b]

            wait_gather(b)

            @pl.when(u + 1 < UNITS_PER_W)
            def _next_gather():
                wait_idx(1 - b)
                fire_gather(1 - b)

            @pl.when(u + 2 < UNITS_PER_W)
            def _stage_idx():
                load_idx(u + 2, b)

            @pl.when(u >= 2)
            def _drain():
                for _ in range(NDH):
                    pltpu.make_async_copy(
                        tbuf.at[pl.ds(0, SEG)], out_hbm.at[pl.ds(0, SEG)],
                        sw[b],
                    ).wait()

            @plsc.parallel_loop(0, UNIT // 16, unroll=4)
            def _transpose(mb):
                rowvec = mb * 16 + iota
                sbase = (mb // 8) * 1024 + (mb % 8) * 16
                for dg in range(2):
                    for s in range(16):
                        colvec = dg * 16 + rot[s]
                        sivec = sbase + dg * (2 * SEG) + froti[s]
                        vals = plsc.load_gather(gbuf, [rowvec, colvec])
                        plsc.store_scatter(tbuf, [sivec], vals)

            out_base = pl.multiple_of(
                j * (ROWS * EMBED_DIM) + ir * (UNIT_OUT // NDH), 8)
            for dh in range(NDH):
                pltpu.async_copy(
                    tbuf.at[pl.ds(dh * SEG, SEG)],
                    out_hbm.at[pl.ds(out_base + dh * (ROWS * EMBED_DIM
                                                      // NDH), SEG)],
                    sw[b],
                )

        def outer(g2, _):
            for b in range(2):
                unit_step(g2 * 2 + b, b)
            return 0

        lax.fori_loop(0, UNITS_PER_W // 2, outer, 0)

        for b in range(2):
            for _ in range(NDH):
                pltpu.make_async_copy(
                    t_b[b].at[pl.ds(0, SEG)], out_hbm.at[pl.ds(0, SEG)], sw[b]
                ).wait()

    return gather_kernel


_gather = _make_gather()


def kernel(sentence, table):
    idx_view = (jnp.swapaxes(sentence, 0, 1)
                .reshape(COLS // 8, 8, ROWS // 128, 128)
                .transpose(0, 2, 1, 3)
                .reshape(COLS // 8, ROWS // 128, 8 * 128)
                .astype(jnp.int32))
    out_flat = _gather(idx_view, table)
    out_q = out_flat.reshape(COLS, NDH, ROWS // 128, 8, 128)
    return out_q.transpose(2, 4, 0, 1, 3).reshape(ROWS, COLS, EMBED_DIM)

# --- scband reference (transcript-rebuilt; emitter-appended) ---
"""Pipeline reference for scband-embedding-layer-14508399526230 (READ-ONLY COPY).

The authoritative reference and input builder live on the scoring server;
editing this copy changes nothing except your own understanding.
"""

import jax, jax.numpy as jnp
import numpy as np

VOCAB = 1000000
EMBED_DIM = 32

def setup_inputs(seed: int = 0) -> dict:
    key = jax.random.key(seed)
    k1, k2 = jax.random.split(key)
    sentence = jax.random.randint(k1, (4096, 200), 0, VOCAB, dtype=jnp.int64 if jax.config.jax_enable_x64 else jnp.int32)
    # xavier normal init for embedding table [vocab, dim]
    std = float(np.sqrt(2.0 / (VOCAB + EMBED_DIM)))
    table = jax.random.normal(k2, (VOCAB, EMBED_DIM), dtype=jnp.float32) * std
    return {"sentence": sentence, "table": table}

def reference(sentence, table):
    # nn.Embedding lookup: gather rows of table by index
    return jnp.take(table, sentence, axis=0)

if __name__ == "__main__":
    import jax
    _d = setup_inputs()
    print(jax.jit(kernel)(*tuple(_d.values())))

</pallas_src>

<mosaic_0001>
#map = affine_map<(d0, d1) -> (0, 0, 0)>
#map1 = affine_map<(d0, d1) -> (0, 0)>
#map2 = affine_map<(d0, d1) -> (0)>
module attributes {stable_mosaic.version = 14 : i64} {
  func.func @gather_kernel(%arg0: i32, %arg1: i32, %arg2: memref<25x32x1024xi32, #tpu.memory_space<hbm>>, %arg3: memref<1000000x32xf32, #tpu.memory_space<hbm>>, %arg4: memref<26214400xf32, #tpu.memory_space<hbm>>, %arg5: memref<4x128xi32, #tpu.memory_space<vmem>>, %arg6: memref<4x128xi32, #tpu.memory_space<vmem>>, %arg7: memref<512x32xf32, #tpu.memory_space<vmem>>, %arg8: memref<512x32xf32, #tpu.memory_space<vmem>>, %arg9: memref<16384xf32, #tpu.memory_space<vmem>>, %arg10: memref<16384xf32, #tpu.memory_space<vmem>>, %arg11: memref<!tpu.dma_semaphore, #tpu.memory_space<semaphore_mem>>, %arg12: memref<!tpu.dma_semaphore, #tpu.memory_space<semaphore_mem>>, %arg13: memref<!tpu.dma_semaphore, #tpu.memory_space<semaphore_mem>>, %arg14: memref<!tpu.dma_semaphore, #tpu.memory_space<semaphore_mem>>, %arg15: memref<!tpu.dma_semaphore, #tpu.memory_space<semaphore_mem>>, %arg16: memref<!tpu.dma_semaphore, #tpu.memory_space<semaphore_mem>>) attributes {dimension_semantics = [#tpu.dimension_semantics<core_parallel>, #tpu.dimension_semantics<subcore_parallel>], iteration_bounds = array<i64: 2, 16>, scalar_prefetch = 0 : i64, scratch_operands = 12 : i64, tpu.core_type = #tpu.core_type<sc_vector_subcore>, window_params = [{transform_indices = #map}, {transform_indices = #map1}, {transform_indices = #map2}]} {
    %mul3A = arith.constant 2 : i32
    %mul3A_0 = arith.muli %arg1, %mul3A : i32
    %add3A = arith.addi %mul3A_0, %arg0 : i32
    %mul3A_1 = arith.constant 50 : i32
    %mul3A_2 = arith.muli %add3A, %mul3A_1 : i32
    %iota3A = tpu.iota {dimensions = array<i32: 0>} : vector<16xi32>
    %add3A_3 = arith.constant 0 : i32
    %add3A_4 = vector.broadcast %add3A_3 : i32 to vector<16xi32>
    %add3A_5 = arith.addi %iota3A, %add3A_4 : vector<16xi32>
    %jit3A = arith.constant 16 : i32
    %eq3A = arith.constant 0 : i32
    %eq3A_6 = arith.cmpi eq, %jit3A, %eq3A : i32
    %jit3A_7 = arith.constant 1 : i32
    %select_n3A = arith.select %eq3A_6, %jit3A_7, %jit3A : i32
    %rem3A = vector.broadcast %select_n3A : i32 to vector<16xi32>
    %rem3A_8 = arith.remsi %add3A_5, %rem3A : vector<16xi32>
    %ne3A = arith.constant 0 : i32
    %ne3A_9 = vector.broadcast %ne3A : i32 to vector<16xi32>
    %ne3A_10 = arith.cmpi ne, %rem3A_8, %ne3A_9 : vector<16xi32>
    %lt3A = arith.constant 0 : i32
    %lt3A_11 = vector.broadcast %lt3A : i32 to vector<16xi32>
    %lt3A_12 = arith.cmpi slt, %rem3A_8, %lt3A_11 : vector<16xi32>
    %lt3A_13 = arith.constant 0 : i32
    %lt3A_14 = arith.cmpi slt, %select_n3A, %lt3A_13 : i32
    %ne3A_15 = vector.broadcast %lt3A_14 : i1 to vector<16xi1>
    %ne3A_16 = vector.broadcast %ne3A_15 : vector<16xi1> to vector<16xi1>
    %ne3A_17 = arith.xori %lt3A_12, %ne3A_16 : vector<16xi1>
    %and3A = arith.andi %ne3A_17, %ne3A_10 : vector<16xi1>
    %add3A_18 = vector.broadcast %select_n3A : i32 to vector<16xi32>
    %add3A_19 = arith.addi %rem3A_8, %add3A_18 : vector<16xi32>
    %select_n3A_20 = arith.select %and3A, %add3A_19, %rem3A_8 : vector<16xi1>, vector<16xi32>
    %add3A_21 = arith.constant 1 : i32
    %add3A_22 = vector.broadcast %add3A_21 : i32 to vector<16xi32>
    %add3A_23 = arith.addi %iota3A, %add3A_22 : vector<16xi32>
    %jit3A_24 = arith.constant 16 : i32
    %eq3A_25 = arith.constant 0 : i32
    %eq3A_26 = arith.cmpi eq, %jit3A_24, %eq3A_25 : i32
    %jit3A_27 = arith.constant 1 : i32
    %select_n3A_28 = arith.select %eq3A_26, %jit3A_27, %jit3A_24 : i32
    %rem3A_29 = vector.broadcast %select_n3A_28 : i32 to vector<16xi32>
    %rem3A_30 = arith.remsi %add3A_23, %rem3A_29 : vector<16xi32>
    %ne3A_31 = arith.constant 0 : i32
    %ne3A_32 = vector.broadcast %ne3A_31 : i32 to vector<16xi32>
    %ne3A_33 = arith.cmpi ne, %rem3A_30, %ne3A_32 : vector<16xi32>
    %lt3A_34 = arith.constant 0 : i32
    %lt3A_35 = vector.broadcast %lt3A_34 : i32 to vector<16xi32>
    %lt3A_36 = arith.cmpi slt, %rem3A_30, %lt3A_35 : vector<16xi32>
    %lt3A_37 = arith.constant 0 : i32
    %lt3A_38 = arith.cmpi slt, %select_n3A_28, %lt3A_37 : i32
    %ne3A_39 = vector.broadcast %lt3A_38 : i1 to vector<16xi1>
    %ne3A_40 = vector.broadcast %ne3A_39 : vector<16xi1> to vector<16xi1>
    %ne3A_41 = arith.xori %lt3A_36, %ne3A_40 : vector<16xi1>
    %and3A_42 = arith.andi %ne3A_41, %ne3A_33 : vector<16xi1>
    %add3A_43 = vector.broadcast %select_n3A_28 : i32 to vector<16xi32>
    %add3A_44 = arith.addi %rem3A_30, %add3A_43 : vector<16xi32>
    %select_n3A_45 = arith.select %and3A_42, %add3A_44, %rem3A_30 : vector<16xi1>, vector<16xi32>
    %add3A_46 = arith.constant 2 : i32
    %add3A_47 = vector.broadcast %add3A_46 : i32 to vector<16xi32>
    %add3A_48 = arith.addi %iota3A, %add3A_47 : vector<16xi32>
    %jit3A_49 = arith.constant 16 : i32
    %eq3A_50 = arith.constant 0 : i32
    %eq3A_51 = arith.cmpi eq, %jit3A_49, %eq3A_50 : i32
    %jit3A_52 = arith.constant 1 : i32
    %select_n3A_53 = arith.select %eq3A_51, %jit3A_52, %jit3A_49 : i32
    %rem3A_54 = vector.broadcast %select_n3A_53 : i32 to vector<16xi32>
    %rem3A_55 = arith.remsi %add3A_48, %rem3A_54 : vector<16xi32>
    %ne3A_56 = arith.constant 0 : i32
    %ne3A_57 = vector.broadcast %ne3A_56 : i32 to vector<16xi32>
    %ne3A_58 = arith.cmpi ne, %rem3A_55, %ne3A_57 : vector<16xi32>
    %lt3A_59 = arith.constant 0 : i32
    %lt3A_60 = vector.broadcast %lt3A_59 : i32 to vector<16xi32>
    %lt3A_61 = arith.cmpi slt, %rem3A_55, %lt3A_60 : vector<16xi32>
    %lt3A_62 = arith.constant 0 : i32
    %lt3A_63 = arith.cmpi slt, %select_n3A_53, %lt3A_62 : i32
    %ne3A_64 = vector.broadcast %lt3A_63 : i1 to vector<16xi1>
    %ne3A_65 = vector.broadcast %ne3A_64 : vector<16xi1> to vector<16xi1>
    %ne3A_66 = arith.xori %lt3A_61, %ne3A_65 : vector<16xi1>
    %and3A_67 = arith.andi %ne3A_66, %ne3A_58 : vector<16xi1>
    %add3A_68 = vector.broadcast %select_n3A_53 : i32 to vector<16xi32>
    %add3A_69 = arith.addi %rem3A_55, %add3A_68 : vector<16xi32>
    %select_n3A_70 = arith.select %and3A_67, %add3A_69, %rem3A_55 : vector<16xi1>, vector<16xi32>
    %add3A_71 = arith.constant 3 : i32
    %add3A_72 = vector.broadcast %add3A_71 : i32 to vector<16xi32>
    %add3A_73 = arith.addi %iota3A, %add3A_72 : vector<16xi32>
    %jit3A_74 = arith.constant 16 : i32
    %eq3A_75 = arith.constant 0 : i32
    %eq3A_76 = arith.cmpi eq, %jit3A_74, %eq3A_75 : i32
    %jit3A_77 = arith.constant 1 : i32
    %select_n3A_78 = arith.select %eq3A_76, %jit3A_77, %jit3A_74 : i32
    %rem3A_79 = vector.broadcast %select_n3A_78 : i32 to vector<16xi32>
    %rem3A_80 = arith.remsi %add3A_73, %rem3A_79 : vector<16xi32>
    %ne3A_81 = arith.constant 0 : i32
    %ne3A_82 = vector.broadcast %ne3A_81 : i32 to vector<16xi32>
    %ne3A_83 = arith.cmpi ne, %rem3A_80, %ne3A_82 : vector<16xi32>
    %lt3A_84 = arith.constant 0 : i32
    %lt3A_85 = vector.broadcast %lt3A_84 : i32 to vector<16xi32>
    %lt3A_86 = arith.cmpi slt, %rem3A_80, %lt3A_85 : vector<16xi32>
    %lt3A_87 = arith.constant 0 : i32
    %lt3A_88 = arith.cmpi slt, %select_n3A_78, %lt3A_87 : i32
    %ne3A_89 = vector.broadcast %lt3A_88 : i1 to vector<16xi1>
    %ne3A_90 = vector.broadcast %ne3A_89 : vector<16xi1> to vector<16xi1>
    %ne3A_91 = arith.xori %lt3A_86, %ne3A_90 : vector<16xi1>
    %and3A_92 = arith.andi %ne3A_91, %ne3A_83 : vector<16xi1>
    %add3A_93 = vector.broadcast %select_n3A_78 : i32 to vector<16xi32>
    %add3A_94 = arith.addi %rem3A_80, %add3A_93 : vector<16xi32>
    %select_n3A_95 = arith.select %and3A_92, %add3A_94, %rem3A_80 : vector<16xi1>, vector<16xi32>
    %add3A_96 = arith.constant 4 : i32
    %add3A_97 = vector.broadcast %add3A_96 : i32 to vector<16xi32>
    %add3A_98 = arith.addi %iota3A, %add3A_97 : vector<16xi32>
    %jit3A_99 = arith.constant 16 : i32
    %eq3A_100 = arith.constant 0 : i32
    %eq3A_101 = arith.cmpi eq, %jit3A_99, %eq3A_100 : i32
    %jit3A_102 = arith.constant 1 : i32
    %select_n3A_103 = arith.select %eq3A_101, %jit3A_102, %jit3A_99 : i32
    %rem3A_104 = vector.broadcast %select_n3A_103 : i32 to vector<16xi32>
    %rem3A_105 = arith.remsi %add3A_98, %rem3A_104 : vector<16xi32>
    %ne3A_106 = arith.constant 0 : i32
    %ne3A_107 = vector.broadcast %ne3A_106 : i32 to vector<16xi32>
    %ne3A_108 = arith.cmpi ne, %rem3A_105, %ne3A_107 : vector<16xi32>
    %lt3A_109 = arith.constant 0 : i32
    %lt3A_110 = vector.broadcast %lt3A_109 : i32 to vector<16xi32>
    %lt3A_111 = arith.cmpi slt, %rem3A_105, %lt3A_110 : vector<16xi32>
    %lt3A_112 = arith.constant 0 : i32
    %lt3A_113 = arith.cmpi slt, %select_n3A_103, %lt3A_112 : i32
    %ne3A_114 = vector.broadcast %lt3A_113 : i1 to vector<16xi1>
    %ne3A_115 = vector.broadcast %ne3A_114 : vector<16xi1> to vector<16xi1>
    %ne3A_116 = arith.xori %lt3A_111, %ne3A_115 : vector<16xi1>
    %and3A_117 = arith.andi %ne3A_116, %ne3A_108 : vector<16xi1>
    %add3A_118 = vector.broadcast %select_n3A_103 : i32 to vector<16xi32>
    %add3A_119 = arith.addi %rem3A_105, %add3A_118 : vector<16xi32>
    %select_n3A_120 = arith.select %and3A_117, %add3A_119, %rem3A_105 : vector<16xi1>, vector<16xi32>
    %add3A_121 = arith.constant 5 : i32
    %add3A_122 = vector.broadcast %add3A_121 : i32 to vector<16xi32>
    %add3A_123 = arith.addi %iota3A, %add3A_122 : vector<16xi32>
    %jit3A_124 = arith.constant 16 : i32
    %eq3A_125 = arith.constant 0 : i32
    %eq3A_126 = arith.cmpi eq, %jit3A_124, %eq3A_125 : i32
    %jit3A_127 = arith.constant 1 : i32
    %select_n3A_128 = arith.select %eq3A_126, %jit3A_127, %jit3A_124 : i32
    %rem3A_129 = vector.broadcast %select_n3A_128 : i32 to vector<16xi32>
    %rem3A_130 = arith.remsi %add3A_123, %rem3A_129 : vector<16xi32>
    %ne3A_131 = arith.constant 0 : i32
    %ne3A_132 = vector.broadcast %ne3A_131 : i32 to vector<16xi32>
    %ne3A_133 = arith.cmpi ne, %rem3A_130, %ne3A_132 : vector<16xi32>
    %lt3A_134 = arith.constant 0 : i32
    %lt3A_135 = vector.broadcast %lt3A_134 : i32 to vector<16xi32>
    %lt3A_136 = arith.cmpi slt, %rem3A_130, %lt3A_135 : vector<16xi32>
    %lt3A_137 = arith.constant 0 : i32
    %lt3A_138 = arith.cmpi slt, %select_n3A_128, %lt3A_137 : i32
    %ne3A_139 = vector.broadcast %lt3A_138 : i1 to vector<16xi1>
    %ne3A_140 = vector.broadcast %ne3A_139 : vector<16xi1> to vector<16xi1>
    %ne3A_141 = arith.xori %lt3A_136, %ne3A_140 : vector<16xi1>
    %and3A_142 = arith.andi %ne3A_141, %ne3A_133 : vector<16xi1>
    %add3A_143 = vector.broadcast %select_n3A_128 : i32 to vector<16xi32>
    %add3A_144 = arith.addi %rem3A_130, %add3A_143 : vector<16xi32>
    %select_n3A_145 = arith.select %and3A_142, %add3A_144, %rem3A_130 : vector<16xi1>, vector<16xi32>
    %add3A_146 = arith.constant 6 : i32
    %add3A_147 = vector.broadcast %add3A_146 : i32 to vector<16xi32>
    %add3A_148 = arith.addi %iota3A, %add3A_147 : vector<16xi32>
    %jit3A_149 = arith.constant 16 : i32
    %eq3A_150 = arith.constant 0 : i32
    %eq3A_151 = arith.cmpi eq, %jit3A_149, %eq3A_150 : i32
    %jit3A_152 = arith.constant 1 : i32
    %select_n3A_153 = arith.select %eq3A_151, %jit3A_152, %jit3A_149 : i32
    %rem3A_154 = vector.broadcast %select_n3A_153 : i32 to vector<16xi32>
    %rem3A_155 = arith.remsi %add3A_148, %rem3A_154 : vector<16xi32>
    %ne3A_156 = arith.constant 0 : i32
    %ne3A_157 = vector.broadcast %ne3A_156 : i32 to vector<16xi32>
    %ne3A_158 = arith.cmpi ne, %rem3A_155, %ne3A_157 : vector<16xi32>
    %lt3A_159 = arith.constant 0 : i32
    %lt3A_160 = vector.broadcast %lt3A_159 : i32 to vector<16xi32>
    %lt3A_161 = arith.cmpi slt, %rem3A_155, %lt3A_160 : vector<16xi32>
    %lt3A_162 = arith.constant 0 : i32
    %lt3A_163 = arith.cmpi slt, %select_n3A_153, %lt3A_162 : i32
    %ne3A_164 = vector.broadcast %lt3A_163 : i1 to vector<16xi1>
    %ne3A_165 = vector.broadcast %ne3A_164 : vector<16xi1> to vector<16xi1>
    %ne3A_166 = arith.xori %lt3A_161, %ne3A_165 : vector<16xi1>
    %and3A_167 = arith.andi %ne3A_166, %ne3A_158 : vector<16xi1>
    %add3A_168 = vector.broadcast %select_n3A_153 : i32 to vector<16xi32>
    %add3A_169 = arith.addi %rem3A_155, %add3A_168 : vector<16xi32>
    %select_n3A_170 = arith.select %and3A_167, %add3A_169, %rem3A_155 : vector<16xi1>, vector<16xi32>
    %add3A_171 = arith.constant 7 : i32
    %add3A_172 = vector.broadcast %add3A_171 : i32 to vector<16xi32>
    %add3A_173 = arith.addi %iota3A, %add3A_172 : vector<16xi32>
    %jit3A_174 = arith.constant 16 : i32
    %eq3A_175 = arith.constant 0 : i32
    %eq3A_176 = arith.cmpi eq, %jit3A_174, %eq3A_175 : i32
    %jit3A_177 = arith.constant 1 : i32
    %select_n3A_178 = arith.select %eq3A_176, %jit3A_177, %jit3A_174 : i32
    %rem3A_179 = vector.broadcast %select_n3A_178 : i32 to vector<16xi32>
    %rem3A_180 = arith.remsi %add3A_173, %rem3A_179 : vector<16xi32>
    %ne3A_181 = arith.constant 0 : i32
    %ne3A_182 = vector.broadcast %ne3A_181 : i32 to vector<16xi32>
    %ne3A_183 = arith.cmpi ne, %rem3A_180, %ne3A_182 : vector<16xi32>
    %lt3A_184 = arith.constant 0 : i32
    %lt3A_185 = vector.broadcast %lt3A_184 : i32 to vector<16xi32>
    %lt3A_186 = arith.cmpi slt, %rem3A_180, %lt3A_185 : vector<16xi32>
    %lt3A_187 = arith.constant 0 : i32
    %lt3A_188 = arith.cmpi slt, %select_n3A_178, %lt3A_187 : i32
    %ne3A_189 = vector.broadcast %lt3A_188 : i1 to vector<16xi1>
    %ne3A_190 = vector.broadcast %ne3A_189 : vector<16xi1> to vector<16xi1>
    %ne3A_191 = arith.xori %lt3A_186, %ne3A_190 : vector<16xi1>
    %and3A_192 = arith.andi %ne3A_191, %ne3A_183 : vector<16xi1>
    %add3A_193 = vector.broadcast %select_n3A_178 : i32 to vector<16xi32>
    %add3A_194 = arith.addi %rem3A_180, %add3A_193 : vector<16xi32>
    %select_n3A_195 = arith.select %and3A_192, %add3A_194, %rem3A_180 : vector<16xi1>, vector<16xi32>
    %add3A_196 = arith.constant 8 : i32
    %add3A_197 = vector.broadcast %add3A_196 : i32 to vector<16xi32>
    %add3A_198 = arith.addi %iota3A, %add3A_197 : vector<16xi32>
    %jit3A_199 = arith.constant 16 : i32
    %eq3A_200 = arith.constant 0 : i32
    %eq3A_201 = arith.cmpi eq, %jit3A_199, %eq3A_200 : i32
    %jit3A_202 = arith.constant 1 : i32
    %select_n3A_203 = arith.select %eq3A_201, %jit3A_202, %jit3A_199 : i32
    %rem3A_204 = vector.broadcast %select_n3A_203 : i32 to vector<16xi32>
    %rem3A_205 = arith.remsi %add3A_198, %rem3A_204 : vector<16xi32>
    %ne3A_206 = arith.constant 0 : i32
    %ne3A_207 = vector.broadcast %ne3A_206 : i32 to vector<16xi32>
    %ne3A_208 = arith.cmpi ne, %rem3A_205, %ne3A_207 : vector<16xi32>
    %lt3A_209 = arith.constant 0 : i32
    %lt3A_210 = vector.broadcast %lt3A_209 : i32 to vector<16xi32>
    %lt3A_211 = arith.cmpi slt, %rem3A_205, %lt3A_210 : vector<16xi32>
    %lt3A_212 = arith.constant 0 : i32
    %lt3A_213 = arith.cmpi slt, %select_n3A_203, %lt3A_212 : i32
    %ne3A_214 = vector.broadcast %lt3A_213 : i1 to vector<16xi1>
    %ne3A_215 = vector.broadcast %ne3A_214 : vector<16xi1> to vector<16xi1>
    %ne3A_216 = arith.xori %lt3A_211, %ne3A_215 : vector<16xi1>
    %and3A_217 = arith.andi %ne3A_216, %ne3A_208 : vector<16xi1>
    %add3A_218 = vector.broadcast %select_n3A_203 : i32 to vector<16xi32>
    %add3A_219 = arith.addi %rem3A_205, %add3A_218 : vector<16xi32>
    %select_n3A_220 = arith.select %and3A_217, %add3A_219, %rem3A_205 : vector<16xi1>, vector<16xi32>
    %add3A_221 = arith.constant 9 : i32
    %add3A_222 = vector.broadcast %add3A_221 : i32 to vector<16xi32>
    %add3A_223 = arith.addi %iota3A, %add3A_222 : vector<16xi32>
    %jit3A_224 = arith.constant 16 : i32
    %eq3A_225 = arith.constant 0 : i32
    %eq3A_226 = arith.cmpi eq, %jit3A_224, %eq3A_225 : i32
    %jit3A_227 = arith.constant 1 : i32
    %select_n3A_228 = arith.select %eq3A_226, %jit3A_227, %jit3A_224 : i32
    %rem3A_229 = vector.broadcast %select_n3A_228 : i32 to vector<16xi32>
    %rem3A_230 = arith.remsi %add3A_223, %rem3A_229 : vector<16xi32>
    %ne3A_231 = arith.constant 0 : i32
    %ne3A_232 = vector.broadcast %ne3A_231 : i32 to vector<16xi32>
    %ne3A_233 = arith.cmpi ne, %rem3A_230, %ne3A_232 : vector<16xi32>
    %lt3A_234 = arith.constant 0 : i32
    %lt3A_235 = vector.broadcast %lt3A_234 : i32 to vector<16xi32>
    %lt3A_236 = arith.cmpi slt, %rem3A_230, %lt3A_235 : vector<16xi32>
    %lt3A_237 = arith.constant 0 : i32
    %lt3A_238 = arith.cmpi slt, %select_n3A_228, %lt3A_237 : i32
    %ne3A_239 = vector.broadcast %lt3A_238 : i1 to vector<16xi1>
    %ne3A_240 = vector.broadcast %ne3A_239 : vector<16xi1> to vector<16xi1>
    %ne3A_241 = arith.xori %lt3A_236, %ne3A_240 : vector<16xi1>
    %and3A_242 = arith.andi %ne3A_241, %ne3A_233 : vector<16xi1>
    %add3A_243 = vector.broadcast %select_n3A_228 : i32 to vector<16xi32>
    %add3A_244 = arith.addi %rem3A_230, %add3A_243 : vector<16xi32>
    %select_n3A_245 = arith.select %and3A_242, %add3A_244, %rem3A_230 : vector<16xi1>, vector<16xi32>
    %add3A_246 = arith.constant 10 : i32
    %add3A_247 = vector.broadcast %add3A_246 : i32 to vector<16xi32>
    %add3A_248 = arith.addi %iota3A, %add3A_247 : vector<16xi32>
    %jit3A_249 = arith.constant 16 : i32
    %eq3A_250 = arith.constant 0 : i32
    %eq3A_251 = arith.cmpi eq, %jit3A_249, %eq3A_250 : i32
    %jit3A_252 = arith.constant 1 : i32
    %select_n3A_253 = arith.select %eq3A_251, %jit3A_252, %jit3A_249 : i32
    %rem3A_254 = vector.broadcast %select_n3A_253 : i32 to vector<16xi32>
    %rem3A_255 = arith.remsi %add3A_248, %rem3A_254 : vector<16xi32>
    %ne3A_256 = arith.constant 0 : i32
    %ne3A_257 = vector.broadcast %ne3A_256 : i32 to vector<16xi32>
    %ne3A_258 = arith.cmpi ne, %rem3A_255, %ne3A_257 : vector<16xi32>
    %lt3A_259 = arith.constant 0 : i32
    %lt3A_260 = vector.broadcast %lt3A_259 : i32 to vector<16xi32>
    %lt3A_261 = arith.cmpi slt, %rem3A_255, %lt3A_260 : vector<16xi32>
    %lt3A_262 = arith.constant 0 : i32
    %lt3A_263 = arith.cmpi slt, %select_n3A_253, %lt3A_262 : i32
    %ne3A_264 = vector.broadcast %lt3A_263 : i1 to vector<16xi1>
    %ne3A_265 = vector.broadcast %ne3A_264 : vector<16xi1> to vector<16xi1>
    %ne3A_266 = arith.xori %lt3A_261, %ne3A_265 : vector<16xi1>
    %and3A_267 = arith.andi %ne3A_266, %ne3A_258 : vector<16xi1>
    %add3A_268 = vector.broadcast %select_n3A_253 : i32 to vector<16xi32>
    %add3A_269 = arith.addi %rem3A_255, %add3A_268 : vector<16xi32>
    %select_n3A_270 = arith.select %and3A_267, %add3A_269, %rem3A_255 : vector<16xi1>, vector<16xi32>
    %add3A_271 = arith.constant 11 : i32
    %add3A_272 = vector.broadcast %add3A_271 : i32 to vector<16xi32>
    %add3A_273 = arith.addi %iota3A, %add3A_272 : vector<16xi32>
    %jit3A_274 = arith.constant 16 : i32
    %eq3A_275 = arith.constant 0 : i32
    %eq3A_276 = arith.cmpi eq, %jit3A_274, %eq3A_275 : i32
    %jit3A_277 = arith.constant 1 : i32
    %select_n3A_278 = arith.select %eq3A_276, %jit3A_277, %jit3A_274 : i32
    %rem3A_279 = vector.broadcast %select_n3A_278 : i32 to vector<16xi32>
    %rem3A_280 = arith.remsi %add3A_273, %rem3A_279 : vector<16xi32>
    %ne3A_281 = arith.constant 0 : i32
    %ne3A_282 = vector.broadcast %ne3A_281 : i32 to vector<16xi32>
    %ne3A_283 = arith.cmpi ne, %rem3A_280, %ne3A_282 : vector<16xi32>
    %lt3A_284 = arith.constant 0 : i32
    %lt3A_285 = vector.broadcast %lt3A_284 : i32 to vector<16xi32>
    %lt3A_286 = arith.cmpi slt, %rem3A_280, %lt3A_285 : vector<16xi32>
    %lt3A_287 = arith.constant 0 : i32
    %lt3A_288 = arith.cmpi slt, %select_n3A_278, %lt3A_287 : i32
    %ne3A_289 = vector.broadcast %lt3A_288 : i1 to vector<16xi1>
    %ne3A_290 = vector.broadcast %ne3A_289 : vector<16xi1> to vector<16xi1>
    %ne3A_291 = arith.xori %lt3A_286, %ne3A_290 : vector<16xi1>
    %and3A_292 = arith.andi %ne3A_291, %ne3A_283 : vector<16xi1>
    %add3A_293 = vector.broadcast %select_n3A_278 : i32 to vector<16xi32>
    %add3A_294 = arith.addi %rem3A_280, %add3A_293 : vector<16xi32>
    %select_n3A_295 = arith.select %and3A_292, %add3A_294, %rem3A_280 : vector<16xi1>, vector<16xi32>
    %add3A_296 = arith.constant 12 : i32
    %add3A_297 = vector.broadcast %add3A_296 : i32 to vector<16xi32>
    %add3A_298 = arith.addi %iota3A, %add3A_297 : vector<16xi32>
    %jit3A_299 = arith.constant 16 : i32
    %eq3A_300 = arith.constant 0 : i32
    %eq3A_301 = arith.cmpi eq, %jit3A_299, %eq3A_300 : i32
    %jit3A_302 = arith.constant 1 : i32
    %select_n3A_303 = arith.select %eq3A_301, %jit3A_302, %jit3A_299 : i32
    %rem3A_304 = vector.broadcast %select_n3A_303 : i32 to vector<16xi32>
    %rem3A_305 = arith.remsi %add3A_298, %rem3A_304 : vector<16xi32>
    %ne3A_306 = arith.constant 0 : i32
    %ne3A_307 = vector.broadcast %ne3A_306 : i32 to vector<16xi32>
    %ne3A_308 = arith.cmpi ne, %rem3A_305, %ne3A_307 : vector<16xi32>
    %lt3A_309 = arith.constant 0 : i32
    %lt3A_310 = vector.broadcast %lt3A_309 : i32 to vector<16xi32>
    %lt3A_311 = arith.cmpi slt, %rem3A_305, %lt3A_310 : vector<16xi32>
    %lt3A_312 = arith.constant 0 : i32
    %lt3A_313 = arith.cmpi slt, %select_n3A_303, %lt3A_312 : i32
    %ne3A_314 = vector.broadcast %lt3A_313 : i1 to vector<16xi1>
    %ne3A_315 = vector.broadcast %ne3A_314 : vector<16xi1> to vector<16xi1>
    %ne3A_316 = arith.xori %lt3A_311, %ne3A_315 : vector<16xi1>
    %and3A_317 = arith.andi %ne3A_316, %ne3A_308 : vector<16xi1>
    %add3A_318 = vector.broadcast %select_n3A_303 : i32 to vector<16xi32>
    %add3A_319 = arith.addi %rem3A_305, %add3A_318 : vector<16xi32>
    %select_n3A_320 = arith.select %and3A_317, %add3A_319, %rem3A_305 : vector<16xi1>, vector<16xi32>
    %add3A_321 = arith.constant 13 : i32
    %add3A_322 = vector.broadcast %add3A_321 : i32 to vector<16xi32>
    %add3A_323 = arith.addi %iota3A, %add3A_322 : vector<16xi32>
    %jit3A_324 = arith.constant 16 : i32
    %eq3A_325 = arith.constant 0 : i32
    %eq3A_326 = arith.cmpi eq, %jit3A_324, %eq3A_325 : i32
    %jit3A_327 = arith.constant 1 : i32
    %select_n3A_328 = arith.select %eq3A_326, %jit3A_327, %jit3A_324 : i32
    %rem3A_329 = vector.broadcast %select_n3A_328 : i32 to vector<16xi32>
    %rem3A_330 = arith.remsi %add3A_323, %rem3A_329 : vector<16xi32>
    %ne3A_331 = arith.constant 0 : i32
    %ne3A_332 = vector.broadcast %ne3A_331 : i32 to vector<16xi32>
    %ne3A_333 = arith.cmpi ne, %rem3A_330, %ne3A_332 : vector<16xi32>
    %lt3A_334 = arith.constant 0 : i32
    %lt3A_335 = vector.broadcast %lt3A_334 : i32 to vector<16xi32>
    %lt3A_336 = arith.cmpi slt, %rem3A_330, %lt3A_335 : vector<16xi32>
    %lt3A_337 = arith.constant 0 : i32
    %lt3A_338 = arith.cmpi slt, %select_n3A_328, %lt3A_337 : i32
    %ne3A_339 = vector.broadcast %lt3A_338 : i1 to vector<16xi1>
    %ne3A_340 = vector.broadcast %ne3A_339 : vector<16xi1> to vector<16xi1>
    %ne3A_341 = arith.xori %lt3A_336, %ne3A_340 : vector<16xi1>
    %and3A_342 = arith.andi %ne3A_341, %ne3A_333 : vector<16xi1>
    %add3A_343 = vector.broadcast %select_n3A_328 : i32 to vector<16xi32>
    %add3A_344 = arith.addi %rem3A_330, %add3A_343 : vector<16xi32>
    %select_n3A_345 = arith.select %and3A_342, %add3A_344, %rem3A_330 : vector<16xi1>, vector<16xi32>
    %add3A_346 = arith.constant 14 : i32
    %add3A_347 = vector.broadcast %add3A_346 : i32 to vector<16xi32>
    %add3A_348 = arith.addi %iota3A, %add3A_347 : vector<16xi32>
    %jit3A_349 = arith.constant 16 : i32
    %eq3A_350 = arith.constant 0 : i32
    %eq3A_351 = arith.cmpi eq, %jit3A_349, %eq3A_350 : i32
    %jit3A_352 = arith.constant 1 : i32
    %select_n3A_353 = arith.select %eq3A_351, %jit3A_352, %jit3A_349 : i32
    %rem3A_354 = vector.broadcast %select_n3A_353 : i32 to vector<16xi32>
    %rem3A_355 = arith.remsi %add3A_348, %rem3A_354 : vector<16xi32>
    %ne3A_356 = arith.constant 0 : i32
    %ne3A_357 = vector.broadcast %ne3A_356 : i32 to vector<16xi32>
    %ne3A_358 = arith.cmpi ne, %rem3A_355, %ne3A_357 : vector<16xi32>
    %lt3A_359 = arith.constant 0 : i32
    %lt3A_360 = vector.broadcast %lt3A_359 : i32 to vector<16xi32>
    %lt3A_361 = arith.cmpi slt, %rem3A_355, %lt3A_360 : vector<16xi32>
    %lt3A_362 = arith.constant 0 : i32
    %lt3A_363 = arith.cmpi slt, %select_n3A_353, %lt3A_362 : i32
    %ne3A_364 = vector.broadcast %lt3A_363 : i1 to vector<16xi1>
    %ne3A_365 = vector.broadcast %ne3A_364 : vector<16xi1> to vector<16xi1>
    %ne3A_366 = arith.xori %lt3A_361, %ne3A_365 : vector<16xi1>
    %and3A_367 = arith.andi %ne3A_366, %ne3A_358 : vector<16xi1>
    %add3A_368 = vector.broadcast %select_n3A_353 : i32 to vector<16xi32>
    %add3A_369 = arith.addi %rem3A_355, %add3A_368 : vector<16xi32>
    %select_n3A_370 = arith.select %and3A_367, %add3A_369, %rem3A_355 : vector<16xi1>, vector<16xi32>
    %add3A_371 = arith.constant 15 : i32
    %add3A_372 = vector.broadcast %add3A_371 : i32 to vector<16xi32>
    %add3A_373 = arith.addi %iota3A, %add3A_372 : vector<16xi32>
    %jit3A_374 = arith.constant 16 : i32
    %eq3A_375 = arith.constant 0 : i32
    %eq3A_376 = arith.cmpi eq, %jit3A_374, %eq3A_375 : i32
    %jit3A_377 = arith.constant 1 : i32
    %select_n3A_378 = arith.select %eq3A_376, %jit3A_377, %jit3A_374 : i32
    %rem3A_379 = vector.broadcast %select_n3A_378 : i32 to vector<16xi32>
    %rem3A_380 = arith.remsi %add3A_373, %rem3A_379 : vector<16xi32>
    %ne3A_381 = arith.constant 0 : i32
    %ne3A_382 = vector.broadcast %ne3A_381 : i32 to vector<16xi32>
    %ne3A_383 = arith.cmpi ne, %rem3A_380, %ne3A_382 : vector<16xi32>
    %lt3A_384 = arith.constant 0 : i32
    %lt3A_385 = vector.broadcast %lt3A_384 : i32 to vector<16xi32>
    %lt3A_386 = arith.cmpi slt, %rem3A_380, %lt3A_385 : vector<16xi32>
    %lt3A_387 = arith.constant 0 : i32
    %lt3A_388 = arith.cmpi slt, %select_n3A_378, %lt3A_387 : i32
    %ne3A_389 = vector.broadcast %lt3A_388 : i1 to vector<16xi1>
    %ne3A_390 = vector.broadcast %ne3A_389 : vector<16xi1> to vector<16xi1>
    %ne3A_391 = arith.xori %lt3A_386, %ne3A_390 : vector<16xi1>
    %and3A_392 = arith.andi %ne3A_391, %ne3A_383 : vector<16xi1>
    %add3A_393 = vector.broadcast %select_n3A_378 : i32 to vector<16xi32>
    %add3A_394 = arith.addi %rem3A_380, %add3A_393 : vector<16xi32>
    %select_n3A_395 = arith.select %and3A_392, %add3A_394, %rem3A_380 : vector<16xi1>, vector<16xi32>
    %jit3A_396 = arith.constant 8 : i32
    %div3A = vector.broadcast %jit3A_396 : i32 to vector<16xi32>
    %div3A_397 = arith.divsi %select_n3A_20, %div3A : vector<16xi32>
    %sign3A = arith.constant 0 : i32
    %sign3A_398 = vector.broadcast %sign3A : i32 to vector<16xi32>
    %sign3A_399 = arith.cmpi sgt, %select_n3A_20, %sign3A_398 : vector<16xi32>
    %sign3A_400 = arith.extui %sign3A_399 : vector<16xi1> to vector<16xi32>
    %sign3A_401 = arith.constant 0 : i32
    %sign3A_402 = vector.broadcast %sign3A_401 : i32 to vector<16xi32>
    %sign3A_403 = arith.cmpi slt, %select_n3A_20, %sign3A_402 : vector<16xi32>
    %sign3A_404 = arith.extui %sign3A_403 : vector<16xi1> to vector<16xi32>
    %sign3A_405 = arith.subi %sign3A_400, %sign3A_404 : vector<16xi32>
    %sign3A_406 = arith.constant 0 : i32
    %sign3A_407 = arith.cmpi sgt, %jit3A_396, %sign3A_406 : i32
    %sign3A_408 = arith.extui %sign3A_407 : i1 to i32
    %sign3A_409 = arith.constant 0 : i32
    %sign3A_410 = arith.cmpi slt, %jit3A_396, %sign3A_409 : i32
    %sign3A_411 = arith.extui %sign3A_410 : i1 to i32
    %sign3A_412 = arith.subi %sign3A_408, %sign3A_411 : i32
    %ne3A_413 = vector.broadcast %sign3A_412 : i32 to vector<16xi32>
    %ne3A_414 = arith.cmpi ne, %sign3A_405, %ne3A_413 : vector<16xi32>
    %rem3A_415 = vector.broadcast %jit3A_396 : i32 to vector<16xi32>
    %rem3A_416 = arith.remsi %select_n3A_20, %rem3A_415 : vector<16xi32>
    %ne3A_417 = arith.constant 0 : i32
    %ne3A_418 = vector.broadcast %ne3A_417 : i32 to vector<16xi32>
    %ne3A_419 = arith.cmpi ne, %rem3A_416, %ne3A_418 : vector<16xi32>
    %and3A_420 = arith.andi %ne3A_414, %ne3A_419 : vector<16xi1>
    %sub3A = arith.constant 1 : i32
    %sub3A_421 = vector.broadcast %sub3A : i32 to vector<16xi32>
    %sub3A_422 = arith.subi %div3A_397, %sub3A_421 : vector<16xi32>
    %select_n3A_423 = arith.select %and3A_420, %sub3A_422, %div3A_397 : vector<16xi1>, vector<16xi32>
    %mul3A_424 = arith.constant 4096 : i32
    %mul3A_425 = vector.broadcast %mul3A_424 : i32 to vector<16xi32>
    %mul3A_426 = arith.muli %select_n3A_423, %mul3A_425 : vector<16xi32>
    %jit3A_427 = arith.constant 8 : i32
    %eq3A_428 = arith.constant 0 : i32
    %eq3A_429 = arith.cmpi eq, %jit3A_427, %eq3A_428 : i32
    %jit3A_430 = arith.constant 1 : i32
    %select_n3A_431 = arith.select %eq3A_429, %jit3A_430, %jit3A_427 : i32
    %rem3A_432 = vector.broadcast %select_n3A_431 : i32 to vector<16xi32>
    %rem3A_433 = arith.remsi %select_n3A_20, %rem3A_432 : vector<16xi32>
    %ne3A_434 = arith.constant 0 : i32
    %ne3A_435 = vector.broadcast %ne3A_434 : i32 to vector<16xi32>
    %ne3A_436 = arith.cmpi ne, %rem3A_433, %ne3A_435 : vector<16xi32>
    %lt3A_437 = arith.constant 0 : i32
    %lt3A_438 = vector.broadcast %lt3A_437 : i32 to vector<16xi32>
    %lt3A_439 = arith.cmpi slt, %rem3A_433, %lt3A_438 : vector<16xi32>
    %lt3A_440 = arith.constant 0 : i32
    %lt3A_441 = arith.cmpi slt, %select_n3A_431, %lt3A_440 : i32
    %ne3A_442 = vector.broadcast %lt3A_441 : i1 to vector<16xi1>
    %ne3A_443 = vector.broadcast %ne3A_442 : vector<16xi1> to vector<16xi1>
    %ne3A_444 = arith.xori %lt3A_439, %ne3A_443 : vector<16xi1>
    %and3A_445 = arith.andi %ne3A_444, %ne3A_436 : vector<16xi1>
    %add3A_446 = vector.broadcast %select_n3A_431 : i32 to vector<16xi32>
    %add3A_447 = arith.addi %rem3A_433, %add3A_446 : vector<16xi32>
    %select_n3A_448 = arith.select %and3A_445, %add3A_447, %rem3A_433 : vector<16xi1>, vector<16xi32>
    %mul3A_449 = arith.constant 128 : i32
    %mul3A_450 = vector.broadcast %mul3A_449 : i32 to vector<16xi32>
    %mul3A_451 = arith.muli %select_n3A_448, %mul3A_450 : vector<16xi32>
    %add3A_452 = arith.addi %mul3A_426, %mul3A_451 : vector<16xi32>
    %add3A_453 = arith.addi %add3A_452, %iota3A : vector<16xi32>
    %jit3A_454 = arith.constant 8 : i32
    %div3A_455 = vector.broadcast %jit3A_454 : i32 to vector<16xi32>
    %div3A_456 = arith.divsi %select_n3A_45, %div3A_455 : vector<16xi32>
    %sign3A_457 = arith.constant 0 : i32
    %sign3A_458 = vector.broadcast %sign3A_457 : i32 to vector<16xi32>
    %sign3A_459 = arith.cmpi sgt, %select_n3A_45, %sign3A_458 : vector<16xi32>
    %sign3A_460 = arith.extui %sign3A_459 : vector<16xi1> to vector<16xi32>
    %sign3A_461 = arith.constant 0 : i32
    %sign3A_462 = vector.broadcast %sign3A_461 : i32 to vector<16xi32>
    %sign3A_463 = arith.cmpi slt, %select_n3A_45, %sign3A_462 : vector<16xi32>
    %sign3A_464 = arith.extui %sign3A_463 : vector<16xi1> to vector<16xi32>
    %sign3A_465 = arith.subi %sign3A_460, %sign3A_464 : vector<16xi32>
    %sign3A_466 = arith.constant 0 : i32
    %sign3A_467 = arith.cmpi sgt, %jit3A_454, %sign3A_466 : i32
    %sign3A_468 = arith.extui %sign3A_467 : i1 to i32
    %sign3A_469 = arith.constant 0 : i32
    %sign3A_470 = arith.cmpi slt, %jit3A_454, %sign3A_469 : i32
    %sign3A_471 = arith.extui %sign3A_470 : i1 to i32
    %sign3A_472 = arith.subi %sign3A_468, %sign3A_471 : i32
    %ne3A_473 = vector.broadcast %sign3A_472 : i32 to vector<16xi32>
    %ne3A_474 = arith.cmpi ne, %sign3A_465, %ne3A_473 : vector<16xi32>
    %rem3A_475 = vector.broadcast %jit3A_454 : i32 to vector<16xi32>
    %rem3A_476 = arith.remsi %select_n3A_45, %rem3A_475 : vector<16xi32>
    %ne3A_477 = arith.constant 0 : i32
    %ne3A_478 = vector.broadcast %ne3A_477 : i32 to vector<16xi32>
    %ne3A_479 = arith.cmpi ne, %rem3A_476, %ne3A_478 : vector<16xi32>
    %and3A_480 = arith.andi %ne3A_474, %ne3A_479 : vector<16xi1>
    %sub3A_481 = arith.constant 1 : i32
    %sub3A_482 = vector.broadcast %sub3A_481 : i32 to vector<16xi32>
    %sub3A_483 = arith.subi %div3A_456, %sub3A_482 : vector<16xi32>
    %select_n3A_484 = arith.select %and3A_480, %sub3A_483, %div3A_456 : vector<16xi1>, vector<16xi32>
    %mul3A_485 = arith.constant 4096 : i32
    %mul3A_486 = vector.broadcast %mul3A_485 : i32 to vector<16xi32>
    %mul3A_487 = arith.muli %select_n3A_484, %mul3A_486 : vector<16xi32>
    %jit3A_488 = arith.constant 8 : i32
    %eq3A_489 = arith.constant 0 : i32
    %eq3A_490 = arith.cmpi eq, %jit3A_488, %eq3A_489 : i32
    %jit3A_491 = arith.constant 1 : i32
    %select_n3A_492 = arith.select %eq3A_490, %jit3A_491, %jit3A_488 : i32
    %rem3A_493 = vector.broadcast %select_n3A_492 : i32 to vector<16xi32>
    %rem3A_494 = arith.remsi %select_n3A_45, %rem3A_493 : vector<16xi32>
    %ne3A_495 = arith.constant 0 : i32
    %ne3A_496 = vector.broadcast %ne3A_495 : i32 to vector<16xi32>
    %ne3A_497 = arith.cmpi ne, %rem3A_494, %ne3A_496 : vector<16xi32>
    %lt3A_498 = arith.constant 0 : i32
    %lt3A_499 = vector.broadcast %lt3A_498 : i32 to vector<16xi32>
    %lt3A_500 = arith.cmpi slt, %rem3A_494, %lt3A_499 : vector<16xi32>
    %lt3A_501 = arith.constant 0 : i32
    %lt3A_502 = arith.cmpi slt, %select_n3A_492, %lt3A_501 : i32
    %ne3A_503 = vector.broadcast %lt3A_502 : i1 to vector<16xi1>
    %ne3A_504 = vector.broadcast %ne3A_503 : vector<16xi1> to vector<16xi1>
    %ne3A_505 = arith.xori %lt3A_500, %ne3A_504 : vector<16xi1>
    %and3A_506 = arith.andi %ne3A_505, %ne3A_497 : vector<16xi1>
    %add3A_507 = vector.broadcast %select_n3A_492 : i32 to vector<16xi32>
    %add3A_508 = arith.addi %rem3A_494, %add3A_507 : vector<16xi32>
    %select_n3A_509 = arith.select %and3A_506, %add3A_508, %rem3A_494 : vector<16xi1>, vector<16xi32>
    %mul3A_510 = arith.constant 128 : i32
    %mul3A_511 = vector.broadcast %mul3A_510 : i32 to vector<16xi32>
    %mul3A_512 = arith.muli %select_n3A_509, %mul3A_511 : vector<16xi32>
    %add3A_513 = arith.addi %mul3A_487, %mul3A_512 : vector<16xi32>
    %add3A_514 = arith.addi %add3A_513, %iota3A : vector<16xi32>
    %jit3A_515 = arith.constant 8 : i32
    %div3A_516 = vector.broadcast %jit3A_515 : i32 to vector<16xi32>
    %div3A_517 = arith.divsi %select_n3A_70, %div3A_516 : vector<16xi32>
    %sign3A_518 = arith.constant 0 : i32
    %sign3A_519 = vector.broadcast %sign3A_518 : i32 to vector<16xi32>
    %sign3A_520 = arith.cmpi sgt, %select_n3A_70, %sign3A_519 : vector<16xi32>
    %sign3A_521 = arith.extui %sign3A_520 : vector<16xi1> to vector<16xi32>
    %sign3A_522 = arith.constant 0 : i32
    %sign3A_523 = vector.broadcast %sign3A_522 : i32 to vector<16xi32>
    %sign3A_524 = arith.cmpi slt, %select_n3A_70, %sign3A_523 : vector<16xi32>
    %sign3A_525 = arith.extui %sign3A_524 : vector<16xi1> to vector<16xi32>
    %sign3A_526 = arith.subi %sign3A_521, %sign3A_525 : vector<16xi32>
    %sign3A_527 = arith.constant 0 : i32
    %sign3A_528 = arith.cmpi sgt, %jit3A_515, %sign3A_527 : i32
    %sign3A_529 = arith.extui %sign3A_528 : i1 to i32
    %sign3A_530 = arith.constant 0 : i32
    %sign3A_531 = arith.cmpi slt, %jit3A_515, %sign3A_530 : i32
    %sign3A_532 = arith.extui %sign3A_531 : i1 to i32
    %sign3A_533 = arith.subi %sign3A_529, %sign3A_532 : i32
    %ne3A_534 = vector.broadcast %sign3A_533 : i32 to vector<16xi32>
    %ne3A_535 = arith.cmpi ne, %sign3A_526, %ne3A_534 : vector<16xi32>
    %rem3A_536 = vector.broadcast %jit3A_515 : i32 to vector<16xi32>
    %rem3A_537 = arith.remsi %select_n3A_70, %rem3A_536 : vector<16xi32>
    %ne3A_538 = arith.constant 0 : i32
    %ne3A_539 = vector.broadcast %ne3A_538 : i32 to vector<16xi32>
    %ne3A_540 = arith.cmpi ne, %rem3A_537, %ne3A_539 : vector<16xi32>
    %and3A_541 = arith.andi %ne3A_535, %ne3A_540 : vector<16xi1>
    %sub3A_542 = arith.constant 1 : i32
    %sub3A_543 = vector.broadcast %sub3A_542 : i32 to vector<16xi32>
    %sub3A_544 = arith.subi %div3A_517, %sub3A_543 : vector<16xi32>
    %select_n3A_545 = arith.select %and3A_541, %sub3A_544, %div3A_517 : vector<16xi1>, vector<16xi32>
    %mul3A_546 = arith.constant 4096 : i32
    %mul3A_547 = vector.broadcast %mul3A_546 : i32 to vector<16xi32>
    %mul3A_548 = arith.muli %select_n3A_545, %mul3A_547 : vector<16xi32>
    %jit3A_549 = arith.constant 8 : i32
    %eq3A_550 = arith.constant 0 : i32
    %eq3A_551 = arith.cmpi eq, %jit3A_549, %eq3A_550 : i32
    %jit3A_552 = arith.constant 1 : i32
    %select_n3A_553 = arith.select %eq3A_551, %jit3A_552, %jit3A_549 : i32
    %rem3A_554 = vector.broadcast %select_n3A_553 : i32 to vector<16xi32>
    %rem3A_555 = arith.remsi %select_n3A_70, %rem3A_554 : vector<16xi32>
    %ne3A_556 = arith.constant 0 : i32
    %ne3A_557 = vector.broadcast %ne3A_556 : i32 to vector<16xi32>
    %ne3A_558 = arith.cmpi ne, %rem3A_555, %ne3A_557 : vector<16xi32>
    %lt3A_559 = arith.constant 0 : i32
    %lt3A_560 = vector.broadcast %lt3A_559 : i32 to vector<16xi32>
    %lt3A_561 = arith.cmpi slt, %rem3A_555, %lt3A_560 : vector<16xi32>
    %lt3A_562 = arith.constant 0 : i32
    %lt3A_563 = arith.cmpi slt, %select_n3A_553, %lt3A_562 : i32
    %ne3A_564 = vector.broadcast %lt3A_563 : i1 to vector<16xi1>
    %ne3A_565 = vector.broadcast %ne3A_564 : vector<16xi1> to vector<16xi1>
    %ne3A_566 = arith.xori %lt3A_561, %ne3A_565 : vector<16xi1>
    %and3A_567 = arith.andi %ne3A_566, %ne3A_558 : vector<16xi1>
    %add3A_568 = vector.broadcast %select_n3A_553 : i32 to vector<16xi32>
    %add3A_569 = arith.addi %rem3A_555, %add3A_568 : vector<16xi32>
    %select_n3A_570 = arith.select %and3A_567, %add3A_569, %rem3A_555 : vector<16xi1>, vector<16xi32>
    %mul3A_571 = arith.constant 128 : i32
    %mul3A_572 = vector.broadcast %mul3A_571 : i32 to vector<16xi32>
    %mul3A_573 = arith.muli %select_n3A_570, %mul3A_572 : vector<16xi32>
    %add3A_574 = arith.addi %mul3A_548, %mul3A_573 : vector<16xi32>
    %add3A_575 = arith.addi %add3A_574, %iota3A : vector<16xi32>
    %jit3A_576 = arith.constant 8 : i32
    %div3A_577 = vector.broadcast %jit3A_576 : i32 to vector<16xi32>
    %div3A_578 = arith.divsi %select_n3A_95, %div3A_577 : vector<16xi32>
    %sign3A_579 = arith.constant 0 : i32
    %sign3A_580 = vector.broadcast %sign3A_579 : i32 to vector<16xi32>
    %sign3A_581 = arith.cmpi sgt, %select_n3A_95, %sign3A_580 : vector<16xi32>
    %sign3A_582 = arith.extui %sign3A_581 : vector<16xi1> to vector<16xi32>
    %sign3A_583 = arith.constant 0 : i32
    %sign3A_584 = vector.broadcast %sign3A_583 : i32 to vector<16xi32>
    %sign3A_585 = arith.cmpi slt, %select_n3A_95, %sign3A_584 : vector<16xi32>
    %sign3A_586 = arith.extui %sign3A_585 : vector<16xi1> to vector<16xi32>
    %sign3A_587 = arith.subi %sign3A_582, %sign3A_586 : vector<16xi32>
    %sign3A_588 = arith.constant 0 : i32
    %sign3A_589 = arith.cmpi sgt, %jit3A_576, %sign3A_588 : i32
    %sign3A_590 = arith.extui %sign3A_589 : i1 to i32
    %sign3A_591 = arith.constant 0 : i32
    %sign3A_592 = arith.cmpi slt, %jit3A_576, %sign3A_591 : i32
    %sign3A_593 = arith.extui %sign3A_592 : i1 to i32
    %sign3A_594 = arith.subi %sign3A_590, %sign3A_593 : i32
    %ne3A_595 = vector.broadcast %sign3A_594 : i32 to vector<16xi32>
    %ne3A_596 = arith.cmpi ne, %sign3A_587, %ne3A_595 : vector<16xi32>
    %rem3A_597 = vector.broadcast %jit3A_576 : i32 to vector<16xi32>
    %rem3A_598 = arith.remsi %select_n3A_95, %rem3A_597 : vector<16xi32>
    %ne3A_599 = arith.constant 0 : i32
    %ne3A_600 = vector.broadcast %ne3A_599 : i32 to vector<16xi32>
    %ne3A_601 = arith.cmpi ne, %rem3A_598, %ne3A_600 : vector<16xi32>
    %and3A_602 = arith.andi %ne3A_596, %ne3A_601 : vector<16xi1>
    %sub3A_603 = arith.constant 1 : i32
    %sub3A_604 = vector.broadcast %sub3A_603 : i32 to vector<16xi32>
    %sub3A_605 = arith.subi %div3A_578, %sub3A_604 : vector<16xi32>
    %select_n3A_606 = arith.select %and3A_602, %sub3A_605, %div3A_578 : vector<16xi1>, vector<16xi32>
    %mul3A_607 = arith.constant 4096 : i32
    %mul3A_608 = vector.broadcast %mul3A_607 : i32 to vector<16xi32>
    %mul3A_609 = arith.muli %select_n3A_606, %mul3A_608 : vector<16xi32>
    %jit3A_610 = arith.constant 8 : i32
    %eq3A_611 = arith.constant 0 : i32
    %eq3A_612 = arith.cmpi eq, %jit3A_610, %eq3A_611 : i32
    %jit3A_613 = arith.constant 1 : i32
    %select_n3A_614 = arith.select %eq3A_612, %jit3A_613, %jit3A_610 : i32
    %rem3A_615 = vector.broadcast %select_n3A_614 : i32 to vector<16xi32>
    %rem3A_616 = arith.remsi %select_n3A_95, %rem3A_615 : vector<16xi32>
    %ne3A_617 = arith.constant 0 : i32
    %ne3A_618 = vector.broadcast %ne3A_617 : i32 to vector<16xi32>
    %ne3A_619 = arith.cmpi ne, %rem3A_616, %ne3A_618 : vector<16xi32>
    %lt3A_620 = arith.constant 0 : i32
    %lt3A_621 = vector.broadcast %lt3A_620 : i32 to vector<16xi32>
    %lt3A_622 = arith.cmpi slt, %rem3A_616, %lt3A_621 : vector<16xi32>
    %lt3A_623 = arith.constant 0 : i32
    %lt3A_624 = arith.cmpi slt, %select_n3A_614, %lt3A_623 : i32
    %ne3A_625 = vector.broadcast %lt3A_624 : i1 to vector<16xi1>
    %ne3A_626 = vector.broadcast %ne3A_625 : vector<16xi1> to vector<16xi1>
    %ne3A_627 = arith.xori %lt3A_622, %ne3A_626 : vector<16xi1>
    %and3A_628 = arith.andi %ne3A_627, %ne3A_619 : vector<16xi1>
    %add3A_629 = vector.broadcast %select_n3A_614 : i32 to vector<16xi32>
    %add3A_630 = arith.addi %rem3A_616, %add3A_629 : vector<16xi32>
    %select_n3A_631 = arith.select %and3A_628, %add3A_630, %rem3A_616 : vector<16xi1>, vector<16xi32>
    %mul3A_632 = arith.constant 128 : i32
    %mul3A_633 = vector.broadcast %mul3A_632 : i32 to vector<16xi32>
    %mul3A_634 = arith.muli %select_n3A_631, %mul3A_633 : vector<16xi32>
    %add3A_635 = arith.addi %mul3A_609, %mul3A_634 : vector<16xi32>
    %add3A_636 = arith.addi %add3A_635, %iota3A : vector<16xi32>
    %jit3A_637 = arith.constant 8 : i32
    %div3A_638 = vector.broadcast %jit3A_637 : i32 to vector<16xi32>
    %div3A_639 = arith.divsi %select_n3A_120, %div3A_638 : vector<16xi32>
    %sign3A_640 = arith.constant 0 : i32
    %sign3A_641 = vector.broadcast %sign3A_640 : i32 to vector<16xi32>
    %sign3A_642 = arith.cmpi sgt, %select_n3A_120, %sign3A_641 : vector<16xi32>
    %sign3A_643 = arith.extui %sign3A_642 : vector<16xi1> to vector<16xi32>
    %sign3A_644 = arith.constant 0 : i32
    %sign3A_645 = vector.broadcast %sign3A_644 : i32 to vector<16xi32>
    %sign3A_646 = arith.cmpi slt, %select_n3A_120, %sign3A_645 : vector<16xi32>
    %sign3A_647 = arith.extui %sign3A_646 : vector<16xi1> to vector<16xi32>
    %sign3A_648 = arith.subi %sign3A_643, %sign3A_647 : vector<16xi32>
    %sign3A_649 = arith.constant 0 : i32
    %sign3A_650 = arith.cmpi sgt, %jit3A_637, %sign3A_649 : i32
    %sign3A_651 = arith.extui %sign3A_650 : i1 to i32
    %sign3A_652 = arith.constant 0 : i32
    %sign3A_653 = arith.cmpi slt, %jit3A_637, %sign3A_652 : i32
    %sign3A_654 = arith.extui %sign3A_653 : i1 to i32
    %sign3A_655 = arith.subi %sign3A_651, %sign3A_654 : i32
    %ne3A_656 = vector.broadcast %sign3A_655 : i32 to vector<16xi32>
    %ne3A_657 = arith.cmpi ne, %sign3A_648, %ne3A_656 : vector<16xi32>
    %rem3A_658 = vector.broadcast %jit3A_637 : i32 to vector<16xi32>
    %rem3A_659 = arith.remsi %select_n3A_120, %rem3A_658 : vector<16xi32>
    %ne3A_660 = arith.constant 0 : i32
    %ne3A_661 = vector.broadcast %ne3A_660 : i32 to vector<16xi32>
    %ne3A_662 = arith.cmpi ne, %rem3A_659, %ne3A_661 : vector<16xi32>
    %and3A_663 = arith.andi %ne3A_657, %ne3A_662 : vector<16xi1>
    %sub3A_664 = arith.constant 1 : i32
    %sub3A_665 = vector.broadcast %sub3A_664 : i32 to vector<16xi32>
    %sub3A_666 = arith.subi %div3A_639, %sub3A_665 : vector<16xi32>
    %select_n3A_667 = arith.select %and3A_663, %sub3A_666, %div3A_639 : vector<16xi1>, vector<16xi32>
    %mul3A_668 = arith.constant 4096 : i32
    %mul3A_669 = vector.broadcast %mul3A_668 : i32 to vector<16xi32>
    %mul3A_670 = arith.muli %select_n3A_667, %mul3A_669 : vector<16xi32>
    %jit3A_671 = arith.constant 8 : i32
    %eq3A_672 = arith.constant 0 : i32
    %eq3A_673 = arith.cmpi eq, %jit3A_671, %eq3A_672 : i32
    %jit3A_674 = arith.constant 1 : i32
    %select_n3A_675 = arith.select %eq3A_673, %jit3A_674, %jit3A_671 : i32
    %rem3A_676 = vector.broadcast %select_n3A_675 : i32 to vector<16xi32>
    %rem3A_677 = arith.remsi %select_n3A_120, %rem3A_676 : vector<16xi32>
    %ne3A_678 = arith.constant 0 : i32
    %ne3A_679 = vector.broadcast %ne3A_678 : i32 to vector<16xi32>
    %ne3A_680 = arith.cmpi ne, %rem3A_677, %ne3A_679 : vector<16xi32>
    %lt3A_681 = arith.constant 0 : i32
    %lt3A_682 = vector.broadcast %lt3A_681 : i32 to vector<16xi32>
    %lt3A_683 = arith.cmpi slt, %rem3A_677, %lt3A_682 : vector<16xi32>
    %lt3A_684 = arith.constant 0 : i32
    %lt3A_685 = arith.cmpi slt, %select_n3A_675, %lt3A_684 : i32
    %ne3A_686 = vector.broadcast %lt3A_685 : i1 to vector<16xi1>
    %ne3A_687 = vector.broadcast %ne3A_686 : vector<16xi1> to vector<16xi1>
    %ne3A_688 = arith.xori %lt3A_683, %ne3A_687 : vector<16xi1>
    %and3A_689 = arith.andi %ne3A_688, %ne3A_680 : vector<16xi1>
    %add3A_690 = vector.broadcast %select_n3A_675 : i32 to vector<16xi32>
    %add3A_691 = arith.addi %rem3A_677, %add3A_690 : vector<16xi32>
    %select_n3A_692 = arith.select %and3A_689, %add3A_691, %rem3A_677 : vector<16xi1>, vector<16xi32>
    %mul3A_693 = arith.constant 128 : i32
    %mul3A_694 = vector.broadcast %mul3A_693 : i32 to vector<16xi32>
    %mul3A_695 = arith.muli %select_n3A_692, %mul3A_694 : vector<16xi32>
    %add3A_696 = arith.addi %mul3A_670, %mul3A_695 : vector<16xi32>
    %add3A_697 = arith.addi %add3A_696, %iota3A : vector<16xi32>
    %jit3A_698 = arith.constant 8 : i32
    %div3A_699 = vector.broadcast %jit3A_698 : i32 to vector<16xi32>
    %div3A_700 = arith.divsi %select_n3A_145, %div3A_699 : vector<16xi32>
    %sign3A_701 = arith.constant 0 : i32
    %sign3A_702 = vector.broadcast %sign3A_701 : i32 to vector<16xi32>
    %sign3A_703 = arith.cmpi sgt, %select_n3A_145, %sign3A_702 : vector<16xi32>
    %sign3A_704 = arith.extui %sign3A_703 : vector<16xi1> to vector<16xi32>
    %sign3A_705 = arith.constant 0 : i32
    %sign3A_706 = vector.broadcast %sign3A_705 : i32 to vector<16xi32>
    %sign3A_707 = arith.cmpi slt, %select_n3A_145, %sign3A_706 : vector<16xi32>
    %sign3A_708 = arith.extui %sign3A_707 : vector<16xi1> to vector<16xi32>
    %sign3A_709 = arith.subi %sign3A_704, %sign3A_708 : vector<16xi32>
    %sign3A_710 = arith.constant 0 : i32
    %sign3A_711 = arith.cmpi sgt, %jit3A_698, %sign3A_710 : i32
    %sign3A_712 = arith.extui %sign3A_711 : i1 to i32
    %sign3A_713 = arith.constant 0 : i32
    %sign3A_714 = arith.cmpi slt, %jit3A_698, %sign3A_713 : i32
    %sign3A_715 = arith.extui %sign3A_714 : i1 to i32
    %sign3A_716 = arith.subi %sign3A_712, %sign3A_715 : i32
    %ne3A_717 = vector.broadcast %sign3A_716 : i32 to vector<16xi32>
    %ne3A_718 = arith.cmpi ne, %sign3A_709, %ne3A_717 : vector<16xi32>
    %rem3A_719 = vector.broadcast %jit3A_698 : i32 to vector<16xi32>
    %rem3A_720 = arith.remsi %select_n3A_145, %rem3A_719 : vector<16xi32>
    %ne3A_721 = arith.constant 0 : i32
    %ne3A_722 = vector.broadcast %ne3A_721 : i32 to vector<16xi32>
    %ne3A_723 = arith.cmpi ne, %rem3A_720, %ne3A_722 : vector<16xi32>
    %and3A_724 = arith.andi %ne3A_718, %ne3A_723 : vector<16xi1>
    %sub3A_725 = arith.constant 1 : i32
    %sub3A_726 = vector.broadcast %sub3A_725 : i32 to vector<16xi32>
    %sub3A_727 = arith.subi %div3A_700, %sub3A_726 : vector<16xi32>
    %select_n3A_728 = arith.select %and3A_724, %sub3A_727, %div3A_700 : vector<16xi1>, vector<16xi32>
    %mul3A_729 = arith.constant 4096 : i32
    %mul3A_730 = vector.broadcast %mul3A_729 : i32 to vector<16xi32>
    %mul3A_731 = arith.muli %select_n3A_728, %mul3A_730 : vector<16xi32>
    %jit3A_732 = arith.constant 8 : i32
    %eq3A_733 = arith.constant 0 : i32
    %eq3A_734 = arith.cmpi eq, %jit3A_732, %eq3A_733 : i32
    %jit3A_735 = arith.constant 1 : i32
    %select_n3A_736 = arith.select %eq3A_734, %jit3A_735, %jit3A_732 : i32
    %rem3A_737 = vector.broadcast %select_n3A_736 : i32 to vector<16xi32>
    %rem3A_738 = arith.remsi %select_n3A_145, %rem3A_737 : vector<16xi32>
    %ne3A_739 = arith.constant 0 : i32
    %ne3A_740 = vector.broadcast %ne3A_739 : i32 to vector<16xi32>
    %ne3A_741 = arith.cmpi ne, %rem3A_738, %ne3A_740 : vector<16xi32>
    %lt3A_742 = arith.constant 0 : i32
    %lt3A_743 = vector.broadcast %lt3A_742 : i32 to vector<16xi32>
    %lt3A_744 = arith.cmpi slt, %rem3A_738, %lt3A_743 : vector<16xi32>
    %lt3A_745 = arith.constant 0 : i32
    %lt3A_746 = arith.cmpi slt, %select_n3A_736, %lt3A_745 : i32
    %ne3A_747 = vector.broadcast %lt3A_746 : i1 to vector<16xi1>
    %ne3A_748 = vector.broadcast %ne3A_747 : vector<16xi1> to vector<16xi1>
    %ne3A_749 = arith.xori %lt3A_744, %ne3A_748 : vector<16xi1>
    %and3A_750 = arith.andi %ne3A_749, %ne3A_741 : vector<16xi1>
    %add3A_751 = vector.broadcast %select_n3A_736 : i32 to vector<16xi32>
    %add3A_752 = arith.addi %rem3A_738, %add3A_751 : vector<16xi32>
    %select_n3A_753 = arith.select %and3A_750, %add3A_752, %rem3A_738 : vector<16xi1>, vector<16xi32>
    %mul3A_754 = arith.constant 128 : i32
    %mul3A_755 = vector.broadcast %mul3A_754 : i32 to vector<16xi32>
    %mul3A_756 = arith.muli %select_n3A_753, %mul3A_755 : vector<16xi32>
    %add3A_757 = arith.addi %mul3A_731, %mul3A_756 : vector<16xi32>
    %add3A_758 = arith.addi %add3A_757, %iota3A : vector<16xi32>
    %jit3A_759 = arith.constant 8 : i32
    %div3A_760 = vector.broadcast %jit3A_759 : i32 to vector<16xi32>
    %div3A_761 = arith.divsi %select_n3A_170, %div3A_760 : vector<16xi32>
    %sign3A_762 = arith.constant 0 : i32
    %sign3A_763 = vector.broadcast %sign3A_762 : i32 to vector<16xi32>
    %sign3A_764 = arith.cmpi sgt, %select_n3A_170, %sign3A_763 : vector<16xi32>
    %sign3A_765 = arith.extui %sign3A_764 : vector<16xi1> to vector<16xi32>
    %sign3A_766 = arith.constant 0 : i32
    %sign3A_767 = vector.broadcast %sign3A_766 : i32 to vector<16xi32>
    %sign3A_768 = arith.cmpi slt, %select_n3A_170, %sign3A_767 : vector<16xi32>
    %sign3A_769 = arith.extui %sign3A_768 : vector<16xi1> to vector<16xi32>
    %sign3A_770 = arith.subi %sign3A_765, %sign3A_769 : vector<16xi32>
    %sign3A_771 = arith.constant 0 : i32
    %sign3A_772 = arith.cmpi sgt, %jit3A_759, %sign3A_771 : i32
    %sign3A_773 = arith.extui %sign3A_772 : i1 to i32
    %sign3A_774 = arith.constant 0 : i32
    %sign3A_775 = arith.cmpi slt, %jit3A_759, %sign3A_774 : i32
    %sign3A_776 = arith.extui %sign3A_775 : i1 to i32
    %sign3A_777 = arith.subi %sign3A_773, %sign3A_776 : i32
    %ne3A_778 = vector.broadcast %sign3A_777 : i32 to vector<16xi32>
    %ne3A_779 = arith.cmpi ne, %sign3A_770, %ne3A_778 : vector<16xi32>
    %rem3A_780 = vector.broadcast %jit3A_759 : i32 to vector<16xi32>
    %rem3A_781 = arith.remsi %select_n3A_170, %rem3A_780 : vector<16xi32>
    %ne3A_782 = arith.constant 0 : i32
    %ne3A_783 = vector.broadcast %ne3A_782 : i32 to vector<16xi32>
    %ne3A_784 = arith.cmpi ne, %rem3A_781, %ne3A_783 : vector<16xi32>
    %and3A_785 = arith.andi %ne3A_779, %ne3A_784 : vector<16xi1>
    %sub3A_786 = arith.constant 1 : i32
    %sub3A_787 = vector.broadcast %sub3A_786 : i32 to vector<16xi32>
    %sub3A_788 = arith.subi %div3A_761, %sub3A_787 : vector<16xi32>
    %select_n3A_789 = arith.select %and3A_785, %sub3A_788, %div3A_761 : vector<16xi1>, vector<16xi32>
    %mul3A_790 = arith.constant 4096 : i32
    %mul3A_791 = vector.broadcast %mul3A_790 : i32 to vector<16xi32>
    %mul3A_792 = arith.muli %select_n3A_789, %mul3A_791 : vector<16xi32>
    %jit3A_793 = arith.constant 8 : i32
    %eq3A_794 = arith.constant 0 : i32
    %eq3A_795 = arith.cmpi eq, %jit3A_793, %eq3A_794 : i32
    %jit3A_796 = arith.constant 1 : i32
    %select_n3A_797 = arith.select %eq3A_795, %jit3A_796, %jit3A_793 : i32
    %rem3A_798 = vector.broadcast %select_n3A_797 : i32 to vector<16xi32>
    %rem3A_799 = arith.remsi %select_n3A_170, %rem3A_798 : vector<16xi32>
    %ne3A_800 = arith.constant 0 : i32
    %ne3A_801 = vector.broadcast %ne3A_800 : i32 to vector<16xi32>
    %ne3A_802 = arith.cmpi ne, %rem3A_799, %ne3A_801 : vector<16xi32>
    %lt3A_803 = arith.constant 0 : i32
    %lt3A_804 = vector.broadcast %lt3A_803 : i32 to vector<16xi32>
    %lt3A_805 = arith.cmpi slt, %rem3A_799, %lt3A_804 : vector<16xi32>
    %lt3A_806 = arith.constant 0 : i32
    %lt3A_807 = arith.cmpi slt, %select_n3A_797, %lt3A_806 : i32
    %ne3A_808 = vector.broadcast %lt3A_807 : i1 to vector<16xi1>
    %ne3A_809 = vector.broadcast %ne3A_808 : vector<16xi1> to vector<16xi1>
    %ne3A_810 = arith.xori %lt3A_805, %ne3A_809 : vector<16xi1>
    %and3A_811 = arith.andi %ne3A_810, %ne3A_802 : vector<16xi1>
    %add3A_812 = vector.broadcast %select_n3A_797 : i32 to vector<16xi32>
    %add3A_813 = arith.addi %rem3A_799, %add3A_812 : vector<16xi32>
    %select_n3A_814 = arith.select %and3A_811, %add3A_813, %rem3A_799 : vector<16xi1>, vector<16xi32>
    %mul3A_815 = arith.constant 128 : i32
    %mul3A_816 = vector.broadcast %mul3A_815 : i32 to vector<16xi32>
    %mul3A_817 = arith.muli %select_n3A_814, %mul3A_816 : vector<16xi32>
    %add3A_818 = arith.addi %mul3A_792, %mul3A_817 : vector<16xi32>
    %add3A_819 = arith.addi %add3A_818, %iota3A : vector<16xi32>
    %jit3A_820 = arith.constant 8 : i32
    %div3A_821 = vector.broadcast %jit3A_820 : i32 to vector<16xi32>
    %div3A_822 = arith.divsi %select_n3A_195, %div3A_821 : vector<16xi32>
    %sign3A_823 = arith.constant 0 : i32
    %sign3A_824 = vector.broadcast %sign3A_823 : i32 to vector<16xi32>
    %sign3A_825 = arith.cmpi sgt, %select_n3A_195, %sign3A_824 : vector<16xi32>
    %sign3A_826 = arith.extui %sign3A_825 : vector<16xi1> to vector<16xi32>
    %sign3A_827 = arith.constant 0 : i32
    %sign3A_828 = vector.broadcast %sign3A_827 : i32 to vector<16xi32>
    %sign3A_829 = arith.cmpi slt, %select_n3A_195, %sign3A_828 : vector<16xi32>
    %sign3A_830 = arith.extui %sign3A_829 : vector<16xi1> to vector<16xi32>
    %sign3A_831 = arith.subi %sign3A_826, %sign3A_830 : vector<16xi32>
    %sign3A_832 = arith.constant 0 : i32
    %sign3A_833 = arith.cmpi sgt, %jit3A_820, %sign3A_832 : i32
    %sign3A_834 = arith.extui %sign3A_833 : i1 to i32
    %sign3A_835 = arith.constant 0 : i32
    %sign3A_836 = arith.cmpi slt, %jit3A_820, %sign3A_835 : i32
    %sign3A_837 = arith.extui %sign3A_836 : i1 to i32
    %sign3A_838 = arith.subi %sign3A_834, %sign3A_837 : i32
    %ne3A_839 = vector.broadcast %sign3A_838 : i32 to vector<16xi32>
    %ne3A_840 = arith.cmpi ne, %sign3A_831, %ne3A_839 : vector<16xi32>
    %rem3A_841 = vector.broadcast %jit3A_820 : i32 to vector<16xi32>
    %rem3A_842 = arith.remsi %select_n3A_195, %rem3A_841 : vector<16xi32>
    %ne3A_843 = arith.constant 0 : i32
    %ne3A_844 = vector.broadcast %ne3A_843 : i32 to vector<16xi32>
    %ne3A_845 = arith.cmpi ne, %rem3A_842, %ne3A_844 : vector<16xi32>
    %and3A_846 = arith.andi %ne3A_840, %ne3A_845 : vector<16xi1>
    %sub3A_847 = arith.constant 1 : i32
    %sub3A_848 = vector.broadcast %sub3A_847 : i32 to vector<16xi32>
    %sub3A_849 = arith.subi %div3A_822, %sub3A_848 : vector<16xi32>
    %select_n3A_850 = arith.select %and3A_846, %sub3A_849, %div3A_822 : vector<16xi1>, vector<16xi32>
    %mul3A_851 = arith.constant 4096 : i32
    %mul3A_852 = vector.broadcast %mul3A_851 : i32 to vector<16xi32>
    %mul3A_853 = arith.muli %select_n3A_850, %mul3A_852 : vector<16xi32>
    %jit3A_854 = arith.constant 8 : i32
    %eq3A_855 = arith.constant 0 : i32
    %eq3A_856 = arith.cmpi eq, %jit3A_854, %eq3A_855 : i32
    %jit3A_857 = arith.constant 1 : i32
    %select_n3A_858 = arith.select %eq3A_856, %jit3A_857, %jit3A_854 : i32
    %rem3A_859 = vector.broadcast %select_n3A_858 : i32 to vector<16xi32>
    %rem3A_860 = arith.remsi %select_n3A_195, %rem3A_859 : vector<16xi32>
    %ne3A_861 = arith.constant 0 : i32
    %ne3A_862 = vector.broadcast %ne3A_861 : i32 to vector<16xi32>
    %ne3A_863 = arith.cmpi ne, %rem3A_860, %ne3A_862 : vector<16xi32>
    %lt3A_864 = arith.constant 0 : i32
    %lt3A_865 = vector.broadcast %lt3A_864 : i32 to vector<16xi32>
    %lt3A_866 = arith.cmpi slt, %rem3A_860, %lt3A_865 : vector<16xi32>
    %lt3A_867 = arith.constant 0 : i32
    %lt3A_868 = arith.cmpi slt, %select_n3A_858, %lt3A_867 : i32
    %ne3A_869 = vector.broadcast %lt3A_868 : i1 to vector<16xi1>
    %ne3A_870 = vector.broadcast %ne3A_869 : vector<16xi1> to vector<16xi1>
    %ne3A_871 = arith.xori %lt3A_866, %ne3A_870 : vector<16xi1>
    %and3A_872 = arith.andi %ne3A_871, %ne3A_863 : vector<16xi1>
    %add3A_873 = vector.broadcast %select_n3A_858 : i32 to vector<16xi32>
    %add3A_874 = arith.addi %rem3A_860, %add3A_873 : vector<16xi32>
    %select_n3A_875 = arith.select %and3A_872, %add3A_874, %rem3A_860 : vector<16xi1>, vector<16xi32>
    %mul3A_876 = arith.constant 128 : i32
    %mul3A_877 = vector.broadcast %mul3A_876 : i32 to vector<16xi32>
    %mul3A_878 = arith.muli %select_n3A_875, %mul3A_877 : vector<16xi32>
    %add3A_879 = arith.addi %mul3A_853, %mul3A_878 : vector<16xi32>
    %add3A_880 = arith.addi %add3A_879, %iota3A : vector<16xi32>
    %jit3A_881 = arith.constant 8 : i32
    %div3A_882 = vector.broadcast %jit3A_881 : i32 to vector<16xi32>
    %div3A_883 = arith.divsi %select_n3A_220, %div3A_882 : vector<16xi32>
    %sign3A_884 = arith.constant 0 : i32
    %sign3A_885 = vector.broadcast %sign3A_884 : i32 to vector<16xi32>
    %sign3A_886 = arith.cmpi sgt, %select_n3A_220, %sign3A_885 : vector<16xi32>
    %sign3A_887 = arith.extui %sign3A_886 : vector<16xi1> to vector<16xi32>
    %sign3A_888 = arith.constant 0 : i32
    %sign3A_889 = vector.broadcast %sign3A_888 : i32 to vector<16xi32>
    %sign3A_890 = arith.cmpi slt, %select_n3A_220, %sign3A_889 : vector<16xi32>
    %sign3A_891 = arith.extui %sign3A_890 : vector<16xi1> to vector<16xi32>
    %sign3A_892 = arith.subi %sign3A_887, %sign3A_891 : vector<16xi32>
    %sign3A_893 = arith.constant 0 : i32
    %sign3A_894 = arith.cmpi sgt, %jit3A_881, %sign3A_893 : i32
    %sign3A_895 = arith.extui %sign3A_894 : i1 to i32
    %sign3A_896 = arith.constant 0 : i32
    %sign3A_897 = arith.cmpi slt, %jit3A_881, %sign3A_896 : i32
    %sign3A_898 = arith.extui %sign3A_897 : i1 to i32
    %sign3A_899 = arith.subi %sign3A_895, %sign3A_898 : i32
    %ne3A_900 = vector.broadcast %sign3A_899 : i32 to vector<16xi32>
    %ne3A_901 = arith.cmpi ne, %sign3A_892, %ne3A_900 : vector<16xi32>
    %rem3A_902 = vector.broadcast %jit3A_881 : i32 to vector<16xi32>
    %rem3A_903 = arith.remsi %select_n3A_220, %rem3A_902 : vector<16xi32>
    %ne3A_904 = arith.constant 0 : i32
    %ne3A_905 = vector.broadcast %ne3A_904 : i32 to vector<16xi32>
    %ne3A_906 = arith.cmpi ne, %rem3A_903, %ne3A_905 : vector<16xi32>
    %and3A_907 = arith.andi %ne3A_901, %ne3A_906 : vector<16xi1>
    %sub3A_908 = arith.constant 1 : i32
    %sub3A_909 = vector.broadcast %sub3A_908 : i32 to vector<16xi32>
    %sub3A_910 = arith.subi %div3A_883, %sub3A_909 : vector<16xi32>
    %select_n3A_911 = arith.select %and3A_907, %sub3A_910, %div3A_883 : vector<16xi1>, vector<16xi32>
    %mul3A_912 = arith.constant 4096 : i32
    %mul3A_913 = vector.broadcast %mul3A_912 : i32 to vector<16xi32>
    %mul3A_914 = arith.muli %select_n3A_911, %mul3A_913 : vector<16xi32>
    %jit3A_915 = arith.constant 8 : i32
    %eq3A_916 = arith.constant 0 : i32
    %eq3A_917 = arith.cmpi eq, %jit3A_915, %eq3A_916 : i32
    %jit3A_918 = arith.constant 1 : i32
    %select_n3A_919 = arith.select %eq3A_917, %jit3A_918, %jit3A_915 : i32
    %rem3A_920 = vector.broadcast %select_n3A_919 : i32 to vector<16xi32>
    %rem3A_921 = arith.remsi %select_n3A_220, %rem3A_920 : vector<16xi32>
    %ne3A_922 = arith.constant 0 : i32
    %ne3A_923 = vector.broadcast %ne3A_922 : i32 to vector<16xi32>
    %ne3A_924 = arith.cmpi ne, %rem3A_921, %ne3A_923 : vector<16xi32>
    %lt3A_925 = arith.constant 0 : i32
    %lt3A_926 = vector.broadcast %lt3A_925 : i32 to vector<16xi32>
    %lt3A_927 = arith.cmpi slt, %rem3A_921, %lt3A_926 : vector<16xi32>
    %lt3A_928 = arith.constant 0 : i32
    %lt3A_929 = arith.cmpi slt, %select_n3A_919, %lt3A_928 : i32
    %ne3A_930 = vector.broadcast %lt3A_929 : i1 to vector<16xi1>
    %ne3A_931 = vector.broadcast %ne3A_930 : vector<16xi1> to vector<16xi1>
    %ne3A_932 = arith.xori %lt3A_927, %ne3A_931 : vector<16xi1>
    %and3A_933 = arith.andi %ne3A_932, %ne3A_924 : vector<16xi1>
    %add3A_934 = vector.broadcast %select_n3A_919 : i32 to vector<16xi32>
    %add3A_935 = arith.addi %rem3A_921, %add3A_934 : vector<16xi32>
    %select_n3A_936 = arith.select %and3A_933, %add3A_935, %rem3A_921 : vector<16xi1>, vector<16xi32>
    %mul3A_937 = arith.constant 128 : i32
    %mul3A_938 = vector.broadcast %mul3A_937 : i32 to vector<16xi32>
    %mul3A_939 = arith.muli %select_n3A_936, %mul3A_938 : vector<16xi32>
    %add3A_940 = arith.addi %mul3A_914, %mul3A_939 : vector<16xi32>
    %add3A_941 = arith.addi %add3A_940, %iota3A : vector<16xi32>
    %jit3A_942 = arith.constant 8 : i32
    %div3A_943 = vector.broadcast %jit3A_942 : i32 to vector<16xi32>
    %div3A_944 = arith.divsi %select_n3A_245, %div3A_943 : vector<16xi32>
    %sign3A_945 = arith.constant 0 : i32
    %sign3A_946 = vector.broadcast %sign3A_945 : i32 to vector<16xi32>
    %sign3A_947 = arith.cmpi sgt, %select_n3A_245, %sign3A_946 : vector<16xi32>
    %sign3A_948 = arith.extui %sign3A_947 : vector<16xi1> to vector<16xi32>
    %sign3A_949 = arith.constant 0 : i32
    %sign3A_950 = vector.broadcast %sign3A_949 : i32 to vector<16xi32>
    %sign3A_951 = arith.cmpi slt, %select_n3A_245, %sign3A_950 : vector<16xi32>
    %sign3A_952 = arith.extui %sign3A_951 : vector<16xi1> to vector<16xi32>
    %sign3A_953 = arith.subi %sign3A_948, %sign3A_952 : vector<16xi32>
    %sign3A_954 = arith.constant 0 : i32
    %sign3A_955 = arith.cmpi sgt, %jit3A_942, %sign3A_954 : i32
    %sign3A_956 = arith.extui %sign3A_955 : i1 to i32
    %sign3A_957 = arith.constant 0 : i32
    %sign3A_958 = arith.cmpi slt, %jit3A_942, %sign3A_957 : i32
    %sign3A_959 = arith.extui %sign3A_958 : i1 to i32
    %sign3A_960 = arith.subi %sign3A_956, %sign3A_959 : i32
    %ne3A_961 = vector.broadcast %sign3A_960 : i32 to vector<16xi32>
    %ne3A_962 = arith.cmpi ne, %sign3A_953, %ne3A_961 : vector<16xi32>
    %rem3A_963 = vector.broadcast %jit3A_942 : i32 to vector<16xi32>
    %rem3A_964 = arith.remsi %select_n3A_245, %rem3A_963 : vector<16xi32>
    %ne3A_965 = arith.constant 0 : i32
    %ne3A_966 = vector.broadcast %ne3A_965 : i32 to vector<16xi32>
    %ne3A_967 = arith.cmpi ne, %rem3A_964, %ne3A_966 : vector<16xi32>
    %and3A_968 = arith.andi %ne3A_962, %ne3A_967 : vector<16xi1>
    %sub3A_969 = arith.constant 1 : i32
    %sub3A_970 = vector.broadcast %sub3A_969 : i32 to vector<16xi32>
    %sub3A_971 = arith.subi %div3A_944, %sub3A_970 : vector<16xi32>
    %select_n3A_972 = arith.select %and3A_968, %sub3A_971, %div3A_944 : vector<16xi1>, vector<16xi32>
    %mul3A_973 = arith.constant 4096 : i32
    %mul3A_974 = vector.broadcast %mul3A_973 : i32 to vector<16xi32>
    %mul3A_975 = arith.muli %select_n3A_972, %mul3A_974 : vector<16xi32>
    %jit3A_976 = arith.constant 8 : i32
    %eq3A_977 = arith.constant 0 : i32
    %eq3A_978 = arith.cmpi eq, %jit3A_976, %eq3A_977 : i32
    %jit3A_979 = arith.constant 1 : i32
    %select_n3A_980 = arith.select %eq3A_978, %jit3A_979, %jit3A_976 : i32
    %rem3A_981 = vector.broadcast %select_n3A_980 : i32 to vector<16xi32>
    %rem3A_982 = arith.remsi %select_n3A_245, %rem3A_981 : vector<16xi32>
    %ne3A_983 = arith.constant 0 : i32
    %ne3A_984 = vector.broadcast %ne3A_983 : i32 to vector<16xi32>
    %ne3A_985 = arith.cmpi ne, %rem3A_982, %ne3A_984 : vector<16xi32>
    %lt3A_986 = arith.constant 0 : i32
    %lt3A_987 = vector.broadcast %lt3A_986 : i32 to vector<16xi32>
    %lt3A_988 = arith.cmpi slt, %rem3A_982, %lt3A_987 : vector<16xi32>
    %lt3A_989 = arith.constant 0 : i32
    %lt3A_990 = arith.cmpi slt, %select_n3A_980, %lt3A_989 : i32
    %ne3A_991 = vector.broadcast %lt3A_990 : i1 to vector<16xi1>
    %ne3A_992 = vector.broadcast %ne3A_991 : vector<16xi1> to vector<16xi1>
    %ne3A_993 = arith.xori %lt3A_988, %ne3A_992 : vector<16xi1>
    %and3A_994 = arith.andi %ne3A_993, %ne3A_985 : vector<16xi1>
    %add3A_995 = vector.broadcast %select_n3A_980 : i32 to vector<16xi32>
    %add3A_996 = arith.addi %rem3A_982, %add3A_995 : vector<16xi32>
    %select_n3A_997 = arith.select %and3A_994, %add3A_996, %rem3A_982 : vector<16xi1>, vector<16xi32>
    %mul3A_998 = arith.constant 128 : i32
    %mul3A_999 = vector.broadcast %mul3A_998 : i32 to vector<16xi32>
    %mul3A_1000 = arith.muli %select_n3A_997, %mul3A_999 : vector<16xi32>
    %add3A_1001 = arith.addi %mul3A_975, %mul3A_1000 : vector<16xi32>
    %add3A_1002 = arith.addi %add3A_1001, %iota3A : vector<16xi32>
    %jit3A_1003 = arith.constant 8 : i32
    %div3A_1004 = vector.broadcast %jit3A_1003 : i32 to vector<16xi32>
    %div3A_1005 = arith.divsi %select_n3A_270, %div3A_1004 : vector<16xi32>
    %sign3A_1006 = arith.constant 0 : i32
    %sign3A_1007 = vector.broadcast %sign3A_1006 : i32 to vector<16xi32>
    %sign3A_1008 = arith.cmpi sgt, %select_n3A_270, %sign3A_1007 : vector<16xi32>
    %sign3A_1009 = arith.extui %sign3A_1008 : vector<16xi1> to vector<16xi32>
    %sign3A_1010 = arith.constant 0 : i32
    %sign3A_1011 = vector.broadcast %sign3A_1010 : i32 to vector<16xi32>
    %sign3A_1012 = arith.cmpi slt, %select_n3A_270, %sign3A_1011 : vector<16xi32>
    %sign3A_1013 = arith.extui %sign3A_1012 : vector<16xi1> to vector<16xi32>
    %sign3A_1014 = arith.subi %sign3A_1009, %sign3A_1013 : vector<16xi32>
    %sign3A_1015 = arith.constant 0 : i32
    %sign3A_1016 = arith.cmpi sgt, %jit3A_1003, %sign3A_1015 : i32
    %sign3A_1017 = arith.extui %sign3A_1016 : i1 to i32
    %sign3A_1018 = arith.constant 0 : i32
    %sign3A_1019 = arith.cmpi slt, %jit3A_1003, %sign3A_1018 : i32
    %sign3A_1020 = arith.extui %sign3A_1019 : i1 to i32
    %sign3A_1021 = arith.subi %sign3A_1017, %sign3A_1020 : i32
    %ne3A_1022 = vector.broadcast %sign3A_1021 : i32 to vector<16xi32>
    %ne3A_1023 = arith.cmpi ne, %sign3A_1014, %ne3A_1022 : vector<16xi32>
    %rem3A_1024 = vector.broadcast %jit3A_1003 : i32 to vector<16xi32>
    %rem3A_1025 = arith.remsi %select_n3A_270, %rem3A_1024 : vector<16xi32>
    %ne3A_1026 = arith.constant 0 : i32
    %ne3A_1027 = vector.broadcast %ne3A_1026 : i32 to vector<16xi32>
    %ne3A_1028 = arith.cmpi ne, %rem3A_1025, %ne3A_1027 : vector<16xi32>
    %and3A_1029 = arith.andi %ne3A_1023, %ne3A_1028 : vector<16xi1>
    %sub3A_1030 = arith.constant 1 : i32
    %sub3A_1031 = vector.broadcast %sub3A_1030 : i32 to vector<16xi32>
    %sub3A_1032 = arith.subi %div3A_1005, %sub3A_1031 : vector<16xi32>
    %select_n3A_1033 = arith.select %and3A_1029, %sub3A_1032, %div3A_1005 : vector<16xi1>, vector<16xi32>
    %mul3A_1034 = arith.constant 4096 : i32
    %mul3A_1035 = vector.broadcast %mul3A_1034 : i32 to vector<16xi32>
    %mul3A_1036 = arith.muli %select_n3A_1033, %mul3A_1035 : vector<16xi32>
    %jit3A_1037 = arith.constant 8 : i32
    %eq3A_1038 = arith.constant 0 : i32
    %eq3A_1039 = arith.cmpi eq, %jit3A_1037, %eq3A_1038 : i32
    %jit3A_1040 = arith.constant 1 : i32
    %select_n3A_1041 = arith.select %eq3A_1039, %jit3A_1040, %jit3A_1037 : i32
    %rem3A_1042 = vector.broadcast %select_n3A_1041 : i32 to vector<16xi32>
    %rem3A_1043 = arith.remsi %select_n3A_270, %rem3A_1042 : vector<16xi32>
    %ne3A_1044 = arith.constant 0 : i32
    %ne3A_1045 = vector.broadcast %ne3A_1044 : i32 to vector<16xi32>
    %ne3A_1046 = arith.cmpi ne, %rem3A_1043, %ne3A_1045 : vector<16xi32>
    %lt3A_1047 = arith.constant 0 : i32
    %lt3A_1048 = vector.broadcast %lt3A_1047 : i32 to vector<16xi32>
    %lt3A_1049 = arith.cmpi slt, %rem3A_1043, %lt3A_1048 : vector<16xi32>
    %lt3A_1050 = arith.constant 0 : i32
    %lt3A_1051 = arith.cmpi slt, %select_n3A_1041, %lt3A_1050 : i32
    %ne3A_1052 = vector.broadcast %lt3A_1051 : i1 to vector<16xi1>
    %ne3A_1053 = vector.broadcast %ne3A_1052 : vector<16xi1> to vector<16xi1>
    %ne3A_1054 = arith.xori %lt3A_1049, %ne3A_1053 : vector<16xi1>
    %and3A_1055 = arith.andi %ne3A_1054, %ne3A_1046 : vector<16xi1>
    %add3A_1056 = vector.broadcast %select_n3A_1041 : i32 to vector<16xi32>
    %add3A_1057 = arith.addi %rem3A_1043, %add3A_1056 : vector<16xi32>
    %select_n3A_1058 = arith.select %and3A_1055, %add3A_1057, %rem3A_1043 : vector<16xi1>, vector<16xi32>
    %mul3A_1059 = arith.constant 128 : i32
    %mul3A_1060 = vector.broadcast %mul3A_1059 : i32 to vector<16xi32>
    %mul3A_1061 = arith.muli %select_n3A_1058, %mul3A_1060 : vector<16xi32>
    %add3A_1062 = arith.addi %mul3A_1036, %mul3A_1061 : vector<16xi32>
    %add3A_1063 = arith.addi %add3A_1062, %iota3A : vector<16xi32>
    %jit3A_1064 = arith.constant 8 : i32
    %div3A_1065 = vector.broadcast %jit3A_1064 : i32 to vector<16xi32>
    %div3A_1066 = arith.divsi %select_n3A_295, %div3A_1065 : vector<16xi32>
    %sign3A_1067 = arith.constant 0 : i32
    %sign3A_1068 = vector.broadcast %sign3A_1067 : i32 to vector<16xi32>
    %sign3A_1069 = arith.cmpi sgt, %select_n3A_295, %sign3A_1068 : vector<16xi32>
    %sign3A_1070 = arith.extui %sign3A_1069 : vector<16xi1> to vector<16xi32>
    %sign3A_1071 = arith.constant 0 : i32
    %sign3A_1072 = vector.broadcast %sign3A_1071 : i32 to vector<16xi32>
    %sign3A_1073 = arith.cmpi slt, %select_n3A_295, %sign3A_1072 : vector<16xi32>
    %sign3A_1074 = arith.extui %sign3A_1073 : vector<16xi1> to vector<16xi32>
    %sign3A_1075 = arith.subi %sign3A_1070, %sign3A_1074 : vector<16xi32>
    %sign3A_1076 = arith.constant 0 : i32
    %sign3A_1077 = arith.cmpi sgt, %jit3A_1064, %sign3A_1076 : i32
    %sign3A_1078 = arith.extui %sign3A_1077 : i1 to i32
    %sign3A_1079 = arith.constant 0 : i32
    %sign3A_1080 = arith.cmpi slt, %jit3A_1064, %sign3A_1079 : i32
    %sign3A_1081 = arith.extui %sign3A_1080 : i1 to i32
    %sign3A_1082 = arith.subi %sign3A_1078, %sign3A_1081 : i32
    %ne3A_1083 = vector.broadcast %sign3A_1082 : i32 to vector<16xi32>
    %ne3A_1084 = arith.cmpi ne, %sign3A_1075, %ne3A_1083 : vector<16xi32>
    %rem3A_1085 = vector.broadcast %jit3A_1064 : i32 to vector<16xi32>
    %rem3A_1086 = arith.remsi %select_n3A_295, %rem3A_1085 : vector<16xi32>
    %ne3A_1087 = arith.constant 0 : i32
    %ne3A_1088 = vector.broadcast %ne3A_1087 : i32 to vector<16xi32>
    %ne3A_1089 = arith.cmpi ne, %rem3A_1086, %ne3A_1088 : vector<16xi32>
    %and3A_1090 = arith.andi %ne3A_1084, %ne3A_1089 : vector<16xi1>
    %sub3A_1091 = arith.constant 1 : i32
    %sub3A_1092 = vector.broadcast %sub3A_1091 : i32 to vector<16xi32>
    %sub3A_1093 = arith.subi %div3A_1066, %sub3A_1092 : vector<16xi32>
    %select_n3A_1094 = arith.select %and3A_1090, %sub3A_1093, %div3A_1066 : vector<16xi1>, vector<16xi32>
    %mul3A_1095 = arith.constant 4096 : i32
    %mul3A_1096 = vector.broadcast %mul3A_1095 : i32 to vector<16xi32>
    %mul3A_1097 = arith.muli %select_n3A_1094, %mul3A_1096 : vector<16xi32>
    %jit3A_1098 = arith.constant 8 : i32
    %eq3A_1099 = arith.constant 0 : i32
    %eq3A_1100 = arith.cmpi eq, %jit3A_1098, %eq3A_1099 : i32
    %jit3A_1101 = arith.constant 1 : i32
    %select_n3A_1102 = arith.select %eq3A_1100, %jit3A_1101, %jit3A_1098 : i32
    %rem3A_1103 = vector.broadcast %select_n3A_1102 : i32 to vector<16xi32>
    %rem3A_1104 = arith.remsi %select_n3A_295, %rem3A_1103 : vector<16xi32>
    %ne3A_1105 = arith.constant 0 : i32
    %ne3A_1106 = vector.broadcast %ne3A_1105 : i32 to vector<16xi32>
    %ne3A_1107 = arith.cmpi ne, %rem3A_1104, %ne3A_1106 : vector<16xi32>
    %lt3A_1108 = arith.constant 0 : i32
    %lt3A_1109 = vector.broadcast %lt3A_1108 : i32 to vector<16xi32>
    %lt3A_1110 = arith.cmpi slt, %rem3A_1104, %lt3A_1109 : vector<16xi32>
    %lt3A_1111 = arith.constant 0 : i32
    %lt3A_1112 = arith.cmpi slt, %select_n3A_1102, %lt3A_1111 : i32
    %ne3A_1113 = vector.broadcast %lt3A_1112 : i1 to vector<16xi1>
    %ne3A_1114 = vector.broadcast %ne3A_1113 : vector<16xi1> to vector<16xi1>
    %ne3A_1115 = arith.xori %lt3A_1110, %ne3A_1114 : vector<16xi1>
    %and3A_1116 = arith.andi %ne3A_1115, %ne3A_1107 : vector<16xi1>
    %add3A_1117 = vector.broadcast %select_n3A_1102 : i32 to vector<16xi32>
    %add3A_1118 = arith.addi %rem3A_1104, %add3A_1117 : vector<16xi32>
    %select_n3A_1119 = arith.select %and3A_1116, %add3A_1118, %rem3A_1104 : vector<16xi1>, vector<16xi32>
    %mul3A_1120 = arith.constant 128 : i32
    %mul3A_1121 = vector.broadcast %mul3A_1120 : i32 to vector<16xi32>
    %mul3A_1122 = arith.muli %select_n3A_1119, %mul3A_1121 : vector<16xi32>
    %add3A_1123 = arith.addi %mul3A_1097, %mul3A_1122 : vector<16xi32>
    %add3A_1124 = arith.addi %add3A_1123, %iota3A : vector<16xi32>
    %jit3A_1125 = arith.constant 8 : i32
    %div3A_1126 = vector.broadcast %jit3A_1125 : i32 to vector<16xi32>
    %div3A_1127 = arith.divsi %select_n3A_320, %div3A_1126 : vector<16xi32>
    %sign3A_1128 = arith.constant 0 : i32
    %sign3A_1129 = vector.broadcast %sign3A_1128 : i32 to vector<16xi32>
    %sign3A_1130 = arith.cmpi sgt, %select_n3A_320, %sign3A_1129 : vector<16xi32>
    %sign3A_1131 = arith.extui %sign3A_1130 : vector<16xi1> to vector<16xi32>
    %sign3A_1132 = arith.constant 0 : i32
    %sign3A_1133 = vector.broadcast %sign3A_1132 : i32 to vector<16xi32>
    %sign3A_1134 = arith.cmpi slt, %select_n3A_320, %sign3A_1133 : vector<16xi32>
    %sign3A_1135 = arith.extui %sign3A_1134 : vector<16xi1> to vector<16xi32>
    %sign3A_1136 = arith.subi %sign3A_1131, %sign3A_1135 : vector<16xi32>
    %sign3A_1137 = arith.constant 0 : i32
    %sign3A_1138 = arith.cmpi sgt, %jit3A_1125, %sign3A_1137 : i32
    %sign3A_1139 = arith.extui %sign3A_1138 : i1 to i32
    %sign3A_1140 = arith.constant 0 : i32
    %sign3A_1141 = arith.cmpi slt, %jit3A_1125, %sign3A_1140 : i32
    %sign3A_1142 = arith.extui %sign3A_1141 : i1 to i32
    %sign3A_1143 = arith.subi %sign3A_1139, %sign3A_1142 : i32
    %ne3A_1144 = vector.broadcast %sign3A_1143 : i32 to vector<16xi32>
    %ne3A_1145 = arith.cmpi ne, %sign3A_1136, %ne3A_1144 : vector<16xi32>
    %rem3A_1146 = vector.broadcast %jit3A_1125 : i32 to vector<16xi32>
    %rem3A_1147 = arith.remsi %select_n3A_320, %rem3A_1146 : vector<16xi32>
    %ne3A_1148 = arith.constant 0 : i32
    %ne3A_1149 = vector.broadcast %ne3A_1148 : i32 to vector<16xi32>
    %ne3A_1150 = arith.cmpi ne, %rem3A_1147, %ne3A_1149 : vector<16xi32>
    %and3A_1151 = arith.andi %ne3A_1145, %ne3A_1150 : vector<16xi1>
    %sub3A_1152 = arith.constant 1 : i32
    %sub3A_1153 = vector.broadcast %sub3A_1152 : i32 to vector<16xi32>
    %sub3A_1154 = arith.subi %div3A_1127, %sub3A_1153 : vector<16xi32>
    %select_n3A_1155 = arith.select %and3A_1151, %sub3A_1154, %div3A_1127 : vector<16xi1>, vector<16xi32>
    %mul3A_1156 = arith.constant 4096 : i32
    %mul3A_1157 = vector.broadcast %mul3A_1156 : i32 to vector<16xi32>
    %mul3A_1158 = arith.muli %select_n3A_1155, %mul3A_1157 : vector<16xi32>
    %jit3A_1159 = arith.constant 8 : i32
    %eq3A_1160 = arith.constant 0 : i32
    %eq3A_1161 = arith.cmpi eq, %jit3A_1159, %eq3A_1160 : i32
    %jit3A_1162 = arith.constant 1 : i32
    %select_n3A_1163 = arith.select %eq3A_1161, %jit3A_1162, %jit3A_1159 : i32
    %rem3A_1164 = vector.broadcast %select_n3A_1163 : i32 to vector<16xi32>
    %rem3A_1165 = arith.remsi %select_n3A_320, %rem3A_1164 : vector<16xi32>
    %ne3A_1166 = arith.constant 0 : i32
    %ne3A_1167 = vector.broadcast %ne3A_1166 : i32 to vector<16xi32>
    %ne3A_1168 = arith.cmpi ne, %rem3A_1165, %ne3A_1167 : vector<16xi32>
    %lt3A_1169 = arith.constant 0 : i32
    %lt3A_1170 = vector.broadcast %lt3A_1169 : i32 to vector<16xi32>
    %lt3A_1171 = arith.cmpi slt, %rem3A_1165, %lt3A_1170 : vector<16xi32>
    %lt3A_1172 = arith.constant 0 : i32
    %lt3A_1173 = arith.cmpi slt, %select_n3A_1163, %lt3A_1172 : i32
    %ne3A_1174 = vector.broadcast %lt3A_1173 : i1 to vector<16xi1>
    %ne3A_1175 = vector.broadcast %ne3A_1174 : vector<16xi1> to vector<16xi1>
    %ne3A_1176 = arith.xori %lt3A_1171, %ne3A_1175 : vector<16xi1>
    %and3A_1177 = arith.andi %ne3A_1176, %ne3A_1168 : vector<16xi1>
    %add3A_1178 = vector.broadcast %select_n3A_1163 : i32 to vector<16xi32>
    %add3A_1179 = arith.addi %rem3A_1165, %add3A_1178 : vector<16xi32>
    %select_n3A_1180 = arith.select %and3A_1177, %add3A_1179, %rem3A_1165 : vector<16xi1>, vector<16xi32>
    %mul3A_1181 = arith.constant 128 : i32
    %mul3A_1182 = vector.broadcast %mul3A_1181 : i32 to vector<16xi32>
    %mul3A_1183 = arith.muli %select_n3A_1180, %mul3A_1182 : vector<16xi32>
    %add3A_1184 = arith.addi %mul3A_1158, %mul3A_1183 : vector<16xi32>
    %add3A_1185 = arith.addi %add3A_1184, %iota3A : vector<16xi32>
    %jit3A_1186 = arith.constant 8 : i32
    %div3A_1187 = vector.broadcast %jit3A_1186 : i32 to vector<16xi32>
    %div3A_1188 = arith.divsi %select_n3A_345, %div3A_1187 : vector<16xi32>
    %sign3A_1189 = arith.constant 0 : i32
    %sign3A_1190 = vector.broadcast %sign3A_1189 : i32 to vector<16xi32>
    %sign3A_1191 = arith.cmpi sgt, %select_n3A_345, %sign3A_1190 : vector<16xi32>
    %sign3A_1192 = arith.extui %sign3A_1191 : vector<16xi1> to vector<16xi32>
    %sign3A_1193 = arith.constant 0 : i32
    %sign3A_1194 = vector.broadcast %sign3A_1193 : i32 to vector<16xi32>
    %sign3A_1195 = arith.cmpi slt, %select_n3A_345, %sign3A_1194 : vector<16xi32>
    %sign3A_1196 = arith.extui %sign3A_1195 : vector<16xi1> to vector<16xi32>
    %sign3A_1197 = arith.subi %sign3A_1192, %sign3A_1196 : vector<16xi32>
    %sign3A_1198 = arith.constant 0 : i32
    %sign3A_1199 = arith.cmpi sgt, %jit3A_1186, %sign3A_1198 : i32
    %sign3A_1200 = arith.extui %sign3A_1199 : i1 to i32
    %sign3A_1201 = arith.constant 0 : i32
    %sign3A_1202 = arith.cmpi slt, %jit3A_1186, %sign3A_1201 : i32
    %sign3A_1203 = arith.extui %sign3A_1202 : i1 to i32
    %sign3A_1204 = arith.subi %sign3A_1200, %sign3A_1203 : i32
    %ne3A_1205 = vector.broadcast %sign3A_1204 : i32 to vector<16xi32>
    %ne3A_1206 = arith.cmpi ne, %sign3A_1197, %ne3A_1205 : vector<16xi32>
    %rem3A_1207 = vector.broadcast %jit3A_1186 : i32 to vector<16xi32>
    %rem3A_1208 = arith.remsi %select_n3A_345, %rem3A_1207 : vector<16xi32>
    %ne3A_1209 = arith.constant 0 : i32
    %ne3A_1210 = vector.broadcast %ne3A_1209 : i32 to vector<16xi32>
    %ne3A_1211 = arith.cmpi ne, %rem3A_1208, %ne3A_1210 : vector<16xi32>
    %and3A_1212 = arith.andi %ne3A_1206, %ne3A_1211 : vector<16xi1>
    %sub3A_1213 = arith.constant 1 : i32
    %sub3A_1214 = vector.broadcast %sub3A_1213 : i32 to vector<16xi32>
    %sub3A_1215 = arith.subi %div3A_1188, %sub3A_1214 : vector<16xi32>
    %select_n3A_1216 = arith.select %and3A_1212, %sub3A_1215, %div3A_1188 : vector<16xi1>, vector<16xi32>
    %mul3A_1217 = arith.constant 4096 : i32
    %mul3A_1218 = vector.broadcast %mul3A_1217 : i32 to vector<16xi32>
    %mul3A_1219 = arith.muli %select_n3A_1216, %mul3A_1218 : vector<16xi32>
    %jit3A_1220 = arith.constant 8 : i32
    %eq3A_1221 = arith.constant 0 : i32
    %eq3A_1222 = arith.cmpi eq, %jit3A_1220, %eq3A_1221 : i32
    %jit3A_1223 = arith.constant 1 : i32
    %select_n3A_1224 = arith.select %eq3A_1222, %jit3A_1223, %jit3A_1220 : i32
    %rem3A_1225 = vector.broadcast %select_n3A_1224 : i32 to vector<16xi32>
    %rem3A_1226 = arith.remsi %select_n3A_345, %rem3A_1225 : vector<16xi32>
    %ne3A_1227 = arith.constant 0 : i32
    %ne3A_1228 = vector.broadcast %ne3A_1227 : i32 to vector<16xi32>
    %ne3A_1229 = arith.cmpi ne, %rem3A_1226, %ne3A_1228 : vector<16xi32>
    %lt3A_1230 = arith.constant 0 : i32
    %lt3A_1231 = vector.broadcast %lt3A_1230 : i32 to vector<16xi32>
    %lt3A_1232 = arith.cmpi slt, %rem3A_1226, %lt3A_1231 : vector<16xi32>
    %lt3A_1233 = arith.constant 0 : i32
    %lt3A_1234 = arith.cmpi slt, %select_n3A_1224, %lt3A_1233 : i32
    %ne3A_1235 = vector.broadcast %lt3A_1234 : i1 to vector<16xi1>
    %ne3A_1236 = vector.broadcast %ne3A_1235 : vector<16xi1> to vector<16xi1>
    %ne3A_1237 = arith.xori %lt3A_1232, %ne3A_1236 : vector<16xi1>
    %and3A_1238 = arith.andi %ne3A_1237, %ne3A_1229 : vector<16xi1>
    %add3A_1239 = vector.broadcast %select_n3A_1224 : i32 to vector<16xi32>
    %add3A_1240 = arith.addi %rem3A_1226, %add3A_1239 : vector<16xi32>
    %select_n3A_1241 = arith.select %and3A_1238, %add3A_1240, %rem3A_1226 : vector<16xi1>, vector<16xi32>
    %mul3A_1242 = arith.constant 128 : i32
    %mul3A_1243 = vector.broadcast %mul3A_1242 : i32 to vector<16xi32>
    %mul3A_1244 = arith.muli %select_n3A_1241, %mul3A_1243 : vector<16xi32>
    %add3A_1245 = arith.addi %mul3A_1219, %mul3A_1244 : vector<16xi32>
    %add3A_1246 = arith.addi %add3A_1245, %iota3A : vector<16xi32>
    %jit3A_1247 = arith.constant 8 : i32
    %div3A_1248 = vector.broadcast %jit3A_1247 : i32 to vector<16xi32>
    %div3A_1249 = arith.divsi %select_n3A_370, %div3A_1248 : vector<16xi32>
    %sign3A_1250 = arith.constant 0 : i32
    %sign3A_1251 = vector.broadcast %sign3A_1250 : i32 to vector<16xi32>
    %sign3A_1252 = arith.cmpi sgt, %select_n3A_370, %sign3A_1251 : vector<16xi32>
    %sign3A_1253 = arith.extui %sign3A_1252 : vector<16xi1> to vector<16xi32>
    %sign3A_1254 = arith.constant 0 : i32
    %sign3A_1255 = vector.broadcast %sign3A_1254 : i32 to vector<16xi32>
    %sign3A_1256 = arith.cmpi slt, %select_n3A_370, %sign3A_1255 : vector<16xi32>
    %sign3A_1257 = arith.extui %sign3A_1256 : vector<16xi1> to vector<16xi32>
    %sign3A_1258 = arith.subi %sign3A_1253, %sign3A_1257 : vector<16xi32>
    %sign3A_1259 = arith.constant 0 : i32
    %sign3A_1260 = arith.cmpi sgt, %jit3A_1247, %sign3A_1259 : i32
    %sign3A_1261 = arith.extui %sign3A_1260 : i1 to i32
    %sign3A_1262 = arith.constant 0 : i32
    %sign3A_1263 = arith.cmpi slt, %jit3A_1247, %sign3A_1262 : i32
    %sign3A_1264 = arith.extui %sign3A_1263 : i1 to i32
    %sign3A_1265 = arith.subi %sign3A_1261, %sign3A_1264 : i32
    %ne3A_1266 = vector.broadcast %sign3A_1265 : i32 to vector<16xi32>
    %ne3A_1267 = arith.cmpi ne, %sign3A_1258, %ne3A_1266 : vector<16xi32>
    %rem3A_1268 = vector.broadcast %jit3A_1247 : i32 to vector<16xi32>
    %rem3A_1269 = arith.remsi %select_n3A_370, %rem3A_1268 : vector<16xi32>
    %ne3A_1270 = arith.constant 0 : i32
    %ne3A_1271 = vector.broadcast %ne3A_1270 : i32 to vector<16xi32>
    %ne3A_1272 = arith.cmpi ne, %rem3A_1269, %ne3A_1271 : vector<16xi32>
    %and3A_1273 = arith.andi %ne3A_1267, %ne3A_1272 : vector<16xi1>
    %sub3A_1274 = arith.constant 1 : i32
    %sub3A_1275 = vector.broadcast %sub3A_1274 : i32 to vector<16xi32>
    %sub3A_1276 = arith.subi %div3A_1249, %sub3A_1275 : vector<16xi32>
    %select_n3A_1277 = arith.select %and3A_1273, %sub3A_1276, %div3A_1249 : vector<16xi1>, vector<16xi32>
    %mul3A_1278 = arith.constant 4096 : i32
    %mul3A_1279 = vector.broadcast %mul3A_1278 : i32 to vector<16xi32>
    %mul3A_1280 = arith.muli %select_n3A_1277, %mul3A_1279 : vector<16xi32>
    %jit3A_1281 = arith.constant 8 : i32
    %eq3A_1282 = arith.constant 0 : i32
    %eq3A_1283 = arith.cmpi eq, %jit3A_1281, %eq3A_1282 : i32
    %jit3A_1284 = arith.constant 1 : i32
    %select_n3A_1285 = arith.select %eq3A_1283, %jit3A_1284, %jit3A_1281 : i32
    %rem3A_1286 = vector.broadcast %select_n3A_1285 : i32 to vector<16xi32>
    %rem3A_1287 = arith.remsi %select_n3A_370, %rem3A_1286 : vector<16xi32>
    %ne3A_1288 = arith.constant 0 : i32
    %ne3A_1289 = vector.broadcast %ne3A_1288 : i32 to vector<16xi32>
    %ne3A_1290 = arith.cmpi ne, %rem3A_1287, %ne3A_1289 : vector<16xi32>
    %lt3A_1291 = arith.constant 0 : i32
    %lt3A_1292 = vector.broadcast %lt3A_1291 : i32 to vector<16xi32>
    %lt3A_1293 = arith.cmpi slt, %rem3A_1287, %lt3A_1292 : vector<16xi32>
    %lt3A_1294 = arith.constant 0 : i32
    %lt3A_1295 = arith.cmpi slt, %select_n3A_1285, %lt3A_1294 : i32
    %ne3A_1296 = vector.broadcast %lt3A_1295 : i1 to vector<16xi1>
    %ne3A_1297 = vector.broadcast %ne3A_1296 : vector<16xi1> to vector<16xi1>
    %ne3A_1298 = arith.xori %lt3A_1293, %ne3A_1297 : vector<16xi1>
    %and3A_1299 = arith.andi %ne3A_1298, %ne3A_1290 : vector<16xi1>
    %add3A_1300 = vector.broadcast %select_n3A_1285 : i32 to vector<16xi32>
    %add3A_1301 = arith.addi %rem3A_1287, %add3A_1300 : vector<16xi32>
    %select_n3A_1302 = arith.select %and3A_1299, %add3A_1301, %rem3A_1287 : vector<16xi1>, vector<16xi32>
    %mul3A_1303 = arith.constant 128 : i32
    %mul3A_1304 = vector.broadcast %mul3A_1303 : i32 to vector<16xi32>
    %mul3A_1305 = arith.muli %select_n3A_1302, %mul3A_1304 : vector<16xi32>
    %add3A_1306 = arith.addi %mul3A_1280, %mul3A_1305 : vector<16xi32>
    %add3A_1307 = arith.addi %add3A_1306, %iota3A : vector<16xi32>
    %jit3A_1308 = arith.constant 8 : i32
    %div3A_1309 = vector.broadcast %jit3A_1308 : i32 to vector<16xi32>
    %div3A_1310 = arith.divsi %select_n3A_395, %div3A_1309 : vector<16xi32>
    %sign3A_1311 = arith.constant 0 : i32
    %sign3A_1312 = vector.broadcast %sign3A_1311 : i32 to vector<16xi32>
    %sign3A_1313 = arith.cmpi sgt, %select_n3A_395, %sign3A_1312 : vector<16xi32>
    %sign3A_1314 = arith.extui %sign3A_1313 : vector<16xi1> to vector<16xi32>
    %sign3A_1315 = arith.constant 0 : i32
    %sign3A_1316 = vector.broadcast %sign3A_1315 : i32 to vector<16xi32>
    %sign3A_1317 = arith.cmpi slt, %select_n3A_395, %sign3A_1316 : vector<16xi32>
    %sign3A_1318 = arith.extui %sign3A_1317 : vector<16xi1> to vector<16xi32>
    %sign3A_1319 = arith.subi %sign3A_1314, %sign3A_1318 : vector<16xi32>
    %sign3A_1320 = arith.constant 0 : i32
    %sign3A_1321 = arith.cmpi sgt, %jit3A_1308, %sign3A_1320 : i32
    %sign3A_1322 = arith.extui %sign3A_1321 : i1 to i32
    %sign3A_1323 = arith.constant 0 : i32
    %sign3A_1324 = arith.cmpi slt, %jit3A_1308, %sign3A_1323 : i32
    %sign3A_1325 = arith.extui %sign3A_1324 : i1 to i32
    %sign3A_1326 = arith.subi %sign3A_1322, %sign3A_1325 : i32
    %ne3A_1327 = vector.broadcast %sign3A_1326 : i32 to vector<16xi32>
    %ne3A_1328 = arith.cmpi ne, %sign3A_1319, %ne3A_1327 : vector<16xi32>
    %rem3A_1329 = vector.broadcast %jit3A_1308 : i32 to vector<16xi32>
    %rem3A_1330 = arith.remsi %select_n3A_395, %rem3A_1329 : vector<16xi32>
    %ne3A_1331 = arith.constant 0 : i32
    %ne3A_1332 = vector.broadcast %ne3A_1331 : i32 to vector<16xi32>
    %ne3A_1333 = arith.cmpi ne, %rem3A_1330, %ne3A_1332 : vector<16xi32>
    %and3A_1334 = arith.andi %ne3A_1328, %ne3A_1333 : vector<16xi1>
    %sub3A_1335 = arith.constant 1 : i32
    %sub3A_1336 = vector.broadcast %sub3A_1335 : i32 to vector<16xi32>
    %sub3A_1337 = arith.subi %div3A_1310, %sub3A_1336 : vector<16xi32>
    %select_n3A_1338 = arith.select %and3A_1334, %sub3A_1337, %div3A_1310 : vector<16xi1>, vector<16xi32>
    %mul3A_1339 = arith.constant 4096 : i32
    %mul3A_1340 = vector.broadcast %mul3A_1339 : i32 to vector<16xi32>
    %mul3A_1341 = arith.muli %select_n3A_1338, %mul3A_1340 : vector<16xi32>
    %jit3A_1342 = arith.constant 8 : i32
    %eq3A_1343 = arith.constant 0 : i32
    %eq3A_1344 = arith.cmpi eq, %jit3A_1342, %eq3A_1343 : i32
    %jit3A_1345 = arith.constant 1 : i32
    %select_n3A_1346 = arith.select %eq3A_1344, %jit3A_1345, %jit3A_1342 : i32
    %rem3A_1347 = vector.broadcast %select_n3A_1346 : i32 to vector<16xi32>
    %rem3A_1348 = arith.remsi %select_n3A_395, %rem3A_1347 : vector<16xi32>
    %ne3A_1349 = arith.constant 0 : i32
    %ne3A_1350 = vector.broadcast %ne3A_1349 : i32 to vector<16xi32>
    %ne3A_1351 = arith.cmpi ne, %rem3A_1348, %ne3A_1350 : vector<16xi32>
    %lt3A_1352 = arith.constant 0 : i32
    %lt3A_1353 = vector.broadcast %lt3A_1352 : i32 to vector<16xi32>
    %lt3A_1354 = arith.cmpi slt, %rem3A_1348, %lt3A_1353 : vector<16xi32>
    %lt3A_1355 = arith.constant 0 : i32
    %lt3A_1356 = arith.cmpi slt, %select_n3A_1346, %lt3A_1355 : i32
    %ne3A_1357 = vector.broadcast %lt3A_1356 : i1 to vector<16xi1>
    %ne3A_1358 = vector.broadcast %ne3A_1357 : vector<16xi1> to vector<16xi1>
    %ne3A_1359 = arith.xori %lt3A_1354, %ne3A_1358 : vector<16xi1>
    %and3A_1360 = arith.andi %ne3A_1359, %ne3A_1351 : vector<16xi1>
    %add3A_1361 = vector.broadcast %select_n3A_1346 : i32 to vector<16xi32>
    %add3A_1362 = arith.addi %rem3A_1348, %add3A_1361 : vector<16xi32>
    %select_n3A_1363 = arith.select %and3A_1360, %add3A_1362, %rem3A_1348 : vector<16xi1>, vector<16xi32>
    %mul3A_1364 = arith.constant 128 : i32
    %mul3A_1365 = vector.broadcast %mul3A_1364 : i32 to vector<16xi32>
    %mul3A_1366 = arith.muli %select_n3A_1363, %mul3A_1365 : vector<16xi32>
    %add3A_1367 = arith.addi %mul3A_1341, %mul3A_1366 : vector<16xi32>
    %add3A_1368 = arith.addi %add3A_1367, %iota3A : vector<16xi32>
    %add3A_1369 = arith.constant 0 : i32
    %add3A_1370 = arith.addi %mul3A_2, %add3A_1369 : i32
    %jit3A_1371 = arith.constant 8 : i32
    %div3A_1372 = arith.divsi %add3A_1370, %jit3A_1371 : i32
    %sign3A_1373 = arith.constant 0 : i32
    %sign3A_1374 = arith.cmpi sgt, %add3A_1370, %sign3A_1373 : i32
    %sign3A_1375 = arith.extui %sign3A_1374 : i1 to i32
    %sign3A_1376 = arith.constant 0 : i32
    %sign3A_1377 = arith.cmpi slt, %add3A_1370, %sign3A_1376 : i32
    %sign3A_1378 = arith.extui %sign3A_1377 : i1 to i32
    %sign3A_1379 = arith.subi %sign3A_1375, %sign3A_1378 : i32
    %sign3A_1380 = arith.constant 0 : i32
    %sign3A_1381 = arith.cmpi sgt, %jit3A_1371, %sign3A_1380 : i32
    %sign3A_1382 = arith.extui %sign3A_1381 : i1 to i32
    %sign3A_1383 = arith.constant 0 : i32
    %sign3A_1384 = arith.cmpi slt, %jit3A_1371, %sign3A_1383 : i32
    %sign3A_1385 = arith.extui %sign3A_1384 : i1 to i32
    %sign3A_1386 = arith.subi %sign3A_1382, %sign3A_1385 : i32
    %ne3A_1387 = arith.cmpi ne, %sign3A_1379, %sign3A_1386 : i32
    %rem3A_1388 = arith.remsi %add3A_1370, %jit3A_1371 : i32
    %ne3A_1389 = arith.constant 0 : i32
    %ne3A_1390 = arith.cmpi ne, %rem3A_1388, %ne3A_1389 : i32
    %and3A_1391 = arith.andi %ne3A_1387, %ne3A_1390 : i1
    %sub3A_1392 = arith.constant 1 : i32
    %sub3A_1393 = arith.subi %div3A_1372, %sub3A_1392 : i32
    %select_n3A_1394 = arith.select %and3A_1391, %sub3A_1393, %div3A_1372 : i32
    %jit3A_1395 = arith.constant 8 : i32
    %eq3A_1396 = arith.constant 0 : i32
    %eq3A_1397 = arith.cmpi eq, %jit3A_1395, %eq3A_1396 : i32
    %jit3A_1398 = arith.constant 1 : i32
    %select_n3A_1399 = arith.select %eq3A_1397, %jit3A_1398, %jit3A_1395 : i32
    %rem3A_1400 = arith.remsi %add3A_1370, %select_n3A_1399 : i32
    %ne3A_1401 = arith.constant 0 : i32
    %ne3A_1402 = arith.cmpi ne, %rem3A_1400, %ne3A_1401 : i32
    %lt3A_1403 = arith.constant 0 : i32
    %lt3A_1404 = arith.cmpi slt, %rem3A_1400, %lt3A_1403 : i32
    %lt3A_1405 = arith.constant 0 : i32
    %lt3A_1406 = arith.cmpi slt, %select_n3A_1399, %lt3A_1405 : i32
    %ne3A_1407 = arith.xori %lt3A_1404, %lt3A_1406 : i1
    %and3A_1408 = arith.andi %ne3A_1407, %ne3A_1402 : i1
    %add3A_1409 = arith.addi %rem3A_1400, %select_n3A_1399 : i32
    %select_n3A_1410 = arith.select %and3A_1408, %add3A_1409, %rem3A_1400 : i32
    %jit3A_1411 = arith.constant 8 : i32
    %div3A_1412 = arith.divsi %select_n3A_1394, %jit3A_1411 : i32
    %sign3A_1413 = arith.constant 0 : i32
    %sign3A_1414 = arith.cmpi sgt, %select_n3A_1394, %sign3A_1413 : i32
    %sign3A_1415 = arith.extui %sign3A_1414 : i1 to i32
    %sign3A_1416 = arith.constant 0 : i32
    %sign3A_1417 = arith.cmpi slt, %select_n3A_1394, %sign3A_1416 : i32
    %sign3A_1418 = arith.extui %sign3A_1417 : i1 to i32
    %sign3A_1419 = arith.subi %sign3A_1415, %sign3A_1418 : i32
    %sign3A_1420 = arith.constant 0 : i32
    %sign3A_1421 = arith.cmpi sgt, %jit3A_1411, %sign3A_1420 : i32
    %sign3A_1422 = arith.extui %sign3A_1421 : i1 to i32
    %sign3A_1423 = arith.constant 0 : i32
    %sign3A_1424 = arith.cmpi slt, %jit3A_1411, %sign3A_1423 : i32
    %sign3A_1425 = arith.extui %sign3A_1424 : i1 to i32
    %sign3A_1426 = arith.subi %sign3A_1422, %sign3A_1425 : i32
    %ne3A_1427 = arith.cmpi ne, %sign3A_1419, %sign3A_1426 : i32
    %rem3A_1428 = arith.remsi %select_n3A_1394, %jit3A_1411 : i32
    %ne3A_1429 = arith.constant 0 : i32
    %ne3A_1430 = arith.cmpi ne, %rem3A_1428, %ne3A_1429 : i32
    %and3A_1431 = arith.andi %ne3A_1427, %ne3A_1430 : i1
    %sub3A_1432 = arith.constant 1 : i32
    %sub3A_1433 = arith.subi %div3A_1412, %sub3A_1432 : i32
    %select_n3A_1434 = arith.select %and3A_1431, %sub3A_1433, %div3A_1412 : i32
    %mul3A_1435 = arith.constant 4 : i32
    %mul3A_1436 = arith.muli %select_n3A_1410, %mul3A_1435 : i32
    %jit3A_1437 = arith.constant 8 : i32
    %eq3A_1438 = arith.constant 0 : i32
    %eq3A_1439 = arith.cmpi eq, %jit3A_1437, %eq3A_1438 : i32
    %jit3A_1440 = arith.constant 1 : i32
    %select_n3A_1441 = arith.select %eq3A_1439, %jit3A_1440, %jit3A_1437 : i32
    %rem3A_1442 = arith.remsi %select_n3A_1394, %select_n3A_1441 : i32
    %ne3A_1443 = arith.constant 0 : i32
    %ne3A_1444 = arith.cmpi ne, %rem3A_1442, %ne3A_1443 : i32
    %lt3A_1445 = arith.constant 0 : i32
    %lt3A_1446 = arith.cmpi slt, %rem3A_1442, %lt3A_1445 : i32
    %lt3A_1447 = arith.constant 0 : i32
    %lt3A_1448 = arith.cmpi slt, %select_n3A_1441, %lt3A_1447 : i32
    %ne3A_1449 = arith.xori %lt3A_1446, %lt3A_1448 : i1
    %and3A_1450 = arith.andi %ne3A_1449, %ne3A_1444 : i1
    %add3A_1451 = arith.addi %rem3A_1442, %select_n3A_1441 : i32
    %select_n3A_1452 = arith.select %and3A_1450, %add3A_1451, %rem3A_1442 : i32
    %mul3A_1453 = arith.constant 128 : i32
    %mul3A_1454 = arith.muli %select_n3A_1452, %mul3A_1453 : i32
    %dma_start3A = tpu.memref_slice %arg2[%select_n3A_1434, %mul3A_1436, %mul3A_1454] : memref<25x32x1024xi32, #tpu.memory_space<hbm>> -> memref<1x4x128xi32, #tpu.memory_space<hbm>>
    %dma_start3A_1455 = tpu.memref_squeeze %dma_start3A : memref<1x4x128xi32, #tpu.memory_space<hbm>> -> memref<4x128xi32, #tpu.memory_space<hbm>>
    %dma_start3A_1456 = tpu.memref_slice %arg2[%select_n3A_1434, %mul3A_1436, %mul3A_1454] : memref<25x32x1024xi32, #tpu.memory_space<hbm>> -> memref<1x4x128xi32, #tpu.memory_space<hbm>>
    %dma_start3A_1457 = tpu.memref_squeeze %dma_start3A_1456 : memref<1x4x128xi32, #tpu.memory_space<hbm>> -> memref<4x128xi32, #tpu.memory_space<hbm>>
    tpu.enqueue_dma source(%dma_start3A_1457 : memref<4x128xi32, #tpu.memory_space<hbm>>) target(%arg5 : memref<4x128xi32, #tpu.memory_space<vmem>>) target_semaphore(%arg15 : memref<!tpu.dma_semaphore, #tpu.memory_space<semaphore_mem>>)
    %dma_wait3A = arith.constant 0 : i32
    %dma_wait3A_1458 = arith.constant 0 : i32
    %dma_wait3A_1459 = arith.constant 0 : i32
    %dma_wait3A_1460 = tpu.memref_slice %arg2[%dma_wait3A, %dma_wait3A_1458, %dma_wait3A_1459] : memref<25x32x1024xi32, #tpu.memory_space<hbm>> -> memref<1x4x128xi32, #tpu.memory_space<hbm>>
    %dma_wait3A_1461 = tpu.memref_squeeze %dma_wait3A_1460 : memref<1x4x128xi32, #tpu.memory_space<hbm>> -> memref<4x128xi32, #tpu.memory_space<hbm>>
    %dma_wait3A_1462 = arith.constant 0 : i32
    %dma_wait3A_1463 = arith.constant 0 : i32
    %dma_wait3A_1464 = tpu.memref_slice %arg2[%dma_wait3A, %dma_wait3A_1462, %dma_wait3A_1463] : memref<25x32x1024xi32, #tpu.memory_space<hbm>> -> memref<1x4x128xi32, #tpu.memory_space<hbm>>
    %dma_wait3A_1465 = tpu.memref_squeeze %dma_wait3A_1464 : memref<1x4x128xi32, #tpu.memory_space<hbm>> -> memref<4x128xi32, #tpu.memory_space<hbm>>
    tpu.wait_dma2 semaphore(%arg15 : memref<!tpu.dma_semaphore, #tpu.memory_space<semaphore_mem>>) src(%dma_wait3A_1465 : memref<4x128xi32, #tpu.memory_space<hbm>>) dst(%arg5 : memref<4x128xi32, #tpu.memory_space<vmem>>)
    %dma_start3A_1466 = arith.constant 0 : i32
    %dma_start3A_1467 = arith.constant 0 : i32
    %dma_start3A_1468 = arith.constant 0 : i32
    %dma_start3A_1469 = tpu.memref_slice %arg7[%dma_start3A_1467, %dma_start3A_1468] : memref<512x32xf32, #tpu.memory_space<vmem>> -> memref<128x32xf32, #tpu.memory_space<vmem>>
    %dma_start3A_1470 = arith.constant 0 : i32
    %dma_start3A_1471 = tpu.memref_slice %arg5[%dma_start3A_1466, %dma_start3A_1470] : memref<4x128xi32, #tpu.memory_space<vmem>> -> memref<1x128xi32, #tpu.memory_space<vmem>>
    %dma_start3A_1472 = tpu.memref_squeeze %dma_start3A_1471 : memref<1x128xi32, #tpu.memory_space<vmem>> -> memref<128xi32, #tpu.memory_space<vmem>>
    %dma_start3A_1473 = arith.constant 0 : i32
    %dma_start3A_1474 = arith.constant 0 : i32
    %dma_start3A_1475 = tpu.memref_slice %arg3[%dma_start3A_1473, %dma_start3A_1474] : memref<1000000x32xf32, #tpu.memory_space<hbm>> -> memref<1000000x32xf32, #tpu.memory_space<hbm>>
    tpu.enqueue_indirect_dma source(%dma_start3A_1475 : memref<1000000x32xf32, #tpu.memory_space<hbm>>) target(%dma_start3A_1469 : memref<128x32xf32, #tpu.memory_space<vmem>>) offsets(%dma_start3A_1472 : memref<128xi32, #tpu.memory_space<vmem>>) semaphore(%arg11 : memref<!tpu.dma_semaphore, #tpu.memory_space<semaphore_mem>>)
    %dma_start3A_1476 = arith.constant 1 : i32
    %dma_start3A_1477 = arith.constant 128 : i32
    %dma_start3A_1478 = arith.constant 0 : i32
    %dma_start3A_1479 = tpu.memref_slice %arg7[%dma_start3A_1477, %dma_start3A_1478] : memref<512x32xf32, #tpu.memory_space<vmem>> -> memref<128x32xf32, #tpu.memory_space<vmem>>
    %dma_start3A_1480 = arith.constant 0 : i32
    %dma_start3A_1481 = tpu.memref_slice %arg5[%dma_start3A_1476, %dma_start3A_1480] : memref<4x128xi32, #tpu.memory_space<vmem>> -> memref<1x128xi32, #tpu.memory_space<vmem>>
    %dma_start3A_1482 = tpu.memref_squeeze %dma_start3A_1481 : memref<1x128xi32, #tpu.memory_space<vmem>> -> memref<128xi32, #tpu.memory_space<vmem>>
    %dma_start3A_1483 = arith.constant 0 : i32
    %dma_start3A_1484 = arith.constant 0 : i32
    %dma_start3A_1485 = tpu.memref_slice %arg3[%dma_start3A_1483, %dma_start3A_1484] : memref<1000000x32xf32, #tpu.memory_space<hbm>> -> memref<1000000x32xf32, #tpu.memory_space<hbm>>
    tpu.enqueue_indirect_dma source(%dma_start3A_1485 : memref<1000000x32xf32, #tpu.memory_space<hbm>>) target(%dma_start3A_1479 : memref<128x32xf32, #tpu.memory_space<vmem>>) offsets(%dma_start3A_1482 : memref<128xi32, #tpu.memory_space<vmem>>) semaphore(%arg11 : memref<!tpu.dma_semaphore, #tpu.memory_space<semaphore_mem>>)
    %dma_start3A_1486 = arith.constant 2 : i32
    %dma_start3A_1487 = arith.constant 256 : i32
    %dma_start3A_1488 = arith.constant 0 : i32
    %dma_start3A_1489 = tpu.memref_slice %arg7[%dma_start3A_1487, %dma_start3A_1488] : memref<512x32xf32, #tpu.memory_space<vmem>> -> memref<128x32xf32, #tpu.memory_space<vmem>>
    %dma_start3A_1490 = arith.constant 0 : i32
    %dma_start3A_1491 = tpu.memref_slice %arg5[%dma_start3A_1486, %dma_start3A_1490] : memref<4x128xi32, #tpu.memory_space<vmem>> -> memref<1x128xi32, #tpu.memory_space<vmem>>
    %dma_start3A_1492 = tpu.memref_squeeze %dma_start3A_1491 : memref<1x128xi32, #tpu.memory_space<vmem>> -> memref<128xi32, #tpu.memory_space<vmem>>
    %dma_start3A_1493 = arith.constant 0 : i32
    %dma_start3A_1494 = arith.constant 0 : i32
    %dma_start3A_1495 = tpu.memref_slice %arg3[%dma_start3A_1493, %dma_start3A_1494] : memref<1000000x32xf32, #tpu.memory_space<hbm>> -> memref<1000000x32xf32, #tpu.memory_space<hbm>>
    tpu.enqueue_indirect_dma source(%dma_start3A_1495 : memref<1000000x32xf32, #tpu.memory_space<hbm>>) target(%dma_start3A_1489 : memref<128x32xf32, #tpu.memory_space<vmem>>) offsets(%dma_start3A_1492 : memref<128xi32, #tpu.memory_space<vmem>>) semaphore(%arg11 : memref<!tpu.dma_semaphore, #tpu.memory_space<semaphore_mem>>)
    %dma_start3A_1496 = arith.constant 3 : i32
    %dma_start3A_1497 = arith.constant 384 : i32
    %dma_start3A_1498 = arith.constant 0 : i32
    %dma_start3A_1499 = tpu.memref_slice %arg7[%dma_start3A_1497, %dma_start3A_1498] : memref<512x32xf32, #tpu.memory_space<vmem>> -> memref<128x32xf32, #tpu.memory_space<vmem>>
    %dma_start3A_1500 = arith.constant 0 : i32
    %dma_start3A_1501 = tpu.memref_slice %arg5[%dma_start3A_1496, %dma_start3A_1500] : memref<4x128xi32, #tpu.memory_space<vmem>> -> memref<1x128xi32, #tpu.memory_space<vmem>>
    %dma_start3A_1502 = tpu.memref_squeeze %dma_start3A_1501 : memref<1x128xi32, #tpu.memory_space<vmem>> -> memref<128xi32, #tpu.memory_space<vmem>>
    %dma_start3A_1503 = arith.constant 0 : i32
    %dma_start3A_1504 = arith.constant 0 : i32
    %dma_start3A_1505 = tpu.memref_slice %arg3[%dma_start3A_1503, %dma_start3A_1504] : memref<1000000x32xf32, #tpu.memory_space<hbm>> -> memref<1000000x32xf32, #tpu.memory_space<hbm>>
    tpu.enqueue_indirect_dma source(%dma_start3A_1505 : memref<1000000x32xf32, #tpu.memory_space<hbm>>) target(%dma_start3A_1499 : memref<128x32xf32, #tpu.memory_space<vmem>>) offsets(%dma_start3A_1502 : memref<128xi32, #tpu.memory_space<vmem>>) semaphore(%arg11 : memref<!tpu.dma_semaphore, #tpu.memory_space<semaphore_mem>>)
    %add3A_1506 = arith.constant 1 : i32
    %add3A_1507 = arith.addi %mul3A_2, %add3A_1506 : i32
    %jit3A_1508 = arith.constant 8 : i32
    %div3A_1509 = arith.divsi %add3A_1507, %jit3A_1508 : i32
    %sign3A_1510 = arith.constant 0 : i32
    %sign3A_1511 = arith.cmpi sgt, %add3A_1507, %sign3A_1510 : i32
    %sign3A_1512 = arith.extui %sign3A_1511 : i1 to i32
    %sign3A_1513 = arith.constant 0 : i32
    %sign3A_1514 = arith.cmpi slt, %add3A_1507, %sign3A_1513 : i32
    %sign3A_1515 = arith.extui %sign3A_1514 : i1 to i32
    %sign3A_1516 = arith.subi %sign3A_1512, %sign3A_1515 : i32
    %sign3A_1517 = arith.constant 0 : i32
    %sign3A_1518 = arith.cmpi sgt, %jit3A_1508, %sign3A_1517 : i32
    %sign3A_1519 = arith.extui %sign3A_1518 : i1 to i32
    %sign3A_1520 = arith.constant 0 : i32
    %sign3A_1521 = arith.cmpi slt, %jit3A_1508, %sign3A_1520 : i32
    %sign3A_1522 = arith.extui %sign3A_1521 : i1 to i32
    %sign3A_1523 = arith.subi %sign3A_1519, %sign3A_1522 : i32
    %ne3A_1524 = arith.cmpi ne, %sign3A_1516, %sign3A_1523 : i32
    %rem3A_1525 = arith.remsi %add3A_1507, %jit3A_1508 : i32
    %ne3A_1526 = arith.constant 0 : i32
    %ne3A_1527 = arith.cmpi ne, %rem3A_1525, %ne3A_1526 : i32
    %and3A_1528 = arith.andi %ne3A_1524, %ne3A_1527 : i1
    %sub3A_1529 = arith.constant 1 : i32
    %sub3A_1530 = arith.subi %div3A_1509, %sub3A_1529 : i32
    %select_n3A_1531 = arith.select %and3A_1528, %sub3A_1530, %div3A_1509 : i32
    %jit3A_1532 = arith.constant 8 : i32
    %eq3A_1533 = arith.constant 0 : i32
    %eq3A_1534 = arith.cmpi eq, %jit3A_1532, %eq3A_1533 : i32
    %jit3A_1535 = arith.constant 1 : i32
    %select_n3A_1536 = arith.select %eq3A_1534, %jit3A_1535, %jit3A_1532 : i32
    %rem3A_1537 = arith.remsi %add3A_1507, %select_n3A_1536 : i32
    %ne3A_1538 = arith.constant 0 : i32
    %ne3A_1539 = arith.cmpi ne, %rem3A_1537, %ne3A_1538 : i32
    %lt3A_1540 = arith.constant 0 : i32
    %lt3A_1541 = arith.cmpi slt, %rem3A_1537, %lt3A_1540 : i32
    %lt3A_1542 = arith.constant 0 : i32
    %lt3A_1543 = arith.cmpi slt, %select_n3A_1536, %lt3A_1542 : i32
    %ne3A_1544 = arith.xori %lt3A_1541, %lt3A_1543 : i1
    %and3A_1545 = arith.andi %ne3A_1544, %ne3A_1539 : i1
    %add3A_1546 = arith.addi %rem3A_1537, %select_n3A_1536 : i32
    %select_n3A_1547 = arith.select %and3A_1545, %add3A_1546, %rem3A_1537 : i32
    %jit3A_1548 = arith.constant 8 : i32
    %div3A_1549 = arith.divsi %select_n3A_1531, %jit3A_1548 : i32
    %sign3A_1550 = arith.constant 0 : i32
    %sign3A_1551 = arith.cmpi sgt, %select_n3A_1531, %sign3A_1550 : i32
    %sign3A_1552 = arith.extui %sign3A_1551 : i1 to i32
    %sign3A_1553 = arith.constant 0 : i32
    %sign3A_1554 = arith.cmpi slt, %select_n3A_1531, %sign3A_1553 : i32
    %sign3A_1555 = arith.extui %sign3A_1554 : i1 to i32
    %sign3A_1556 = arith.subi %sign3A_1552, %sign3A_1555 : i32
    %sign3A_1557 = arith.constant 0 : i32
    %sign3A_1558 = arith.cmpi sgt, %jit3A_1548, %sign3A_1557 : i32
    %sign3A_1559 = arith.extui %sign3A_1558 : i1 to i32
    %sign3A_1560 = arith.constant 0 : i32
    %sign3A_1561 = arith.cmpi slt, %jit3A_1548, %sign3A_1560 : i32
    %sign3A_1562 = arith.extui %sign3A_1561 : i1 to i32
    %sign3A_1563 = arith.subi %sign3A_1559, %sign3A_1562 : i32
    %ne3A_1564 = arith.cmpi ne, %sign3A_1556, %sign3A_1563 : i32
    %rem3A_1565 = arith.remsi %select_n3A_1531, %jit3A_1548 : i32
    %ne3A_1566 = arith.constant 0 : i32
    %ne3A_1567 = arith.cmpi ne, %rem3A_1565, %ne3A_1566 : i32
    %and3A_1568 = arith.andi %ne3A_1564, %ne3A_1567 : i1
    %sub3A_1569 = arith.constant 1 : i32
    %sub3A_1570 = arith.subi %div3A_1549, %sub3A_1569 : i32
    %select_n3A_1571 = arith.select %and3A_1568, %sub3A_1570, %div3A_1549 : i32
    %mul3A_1572 = arith.constant 4 : i32
    %mul3A_1573 = arith.muli %select_n3A_1547, %mul3A_1572 : i32
    %jit3A_1574 = arith.constant 8 : i32
    %eq3A_1575 = arith.constant 0 : i32
    %eq3A_1576 = arith.cmpi eq, %jit3A_1574, %eq3A_1575 : i32
    %jit3A_1577 = arith.constant 1 : i32
    %select_n3A_1578 = arith.select %eq3A_1576, %jit3A_1577, %jit3A_1574 : i32
    %rem3A_1579 = arith.remsi %select_n3A_1531, %select_n3A_1578 : i32
    %ne3A_1580 = arith.constant 0 : i32
    %ne3A_1581 = arith.cmpi ne, %rem3A_1579, %ne3A_1580 : i32
    %lt3A_1582 = arith.constant 0 : i32
    %lt3A_1583 = arith.cmpi slt, %rem3A_1579, %lt3A_1582 : i32
    %lt3A_1584 = arith.constant 0 : i32
    %lt3A_1585 = arith.cmpi slt, %select_n3A_1578, %lt3A_1584 : i32
    %ne3A_1586 = arith.xori %lt3A_1583, %lt3A_1585 : i1
    %and3A_1587 = arith.andi %ne3A_1586, %ne3A_1581 : i1
    %add3A_1588 = arith.addi %rem3A_1579, %select_n3A_1578 : i32
    %select_n3A_1589 = arith.select %and3A_1587, %add3A_1588, %rem3A_1579 : i32
    %mul3A_1590 = arith.constant 128 : i32
    %mul3A_1591 = arith.muli %select_n3A_1589, %mul3A_1590 : i32
    %dma_start3A_1592 = tpu.memref_slice %arg2[%select_n3A_1571, %mul3A_1573, %mul3A_1591] : memref<25x32x1024xi32, #tpu.memory_space<hbm>> -> memref<1x4x128xi32, #tpu.memory_space<hbm>>
    %dma_start3A_1593 = tpu.memref_squeeze %dma_start3A_1592 : memref<1x4x128xi32, #tpu.memory_space<hbm>> -> memref<4x128xi32, #tpu.memory_space<hbm>>
    %dma_start3A_1594 = tpu.memref_slice %arg2[%select_n3A_1571, %mul3A_1573, %mul3A_1591] : memref<25x32x1024xi32, #tpu.memory_space<hbm>> -> memref<1x4x128xi32, #tpu.memory_space<hbm>>
    %dma_start3A_1595 = tpu.memref_squeeze %dma_start3A_1594 : memref<1x4x128xi32, #tpu.memory_space<hbm>> -> memref<4x128xi32, #tpu.memory_space<hbm>>
    tpu.enqueue_dma source(%dma_start3A_1595 : memref<4x128xi32, #tpu.memory_space<hbm>>) target(%arg6 : memref<4x128xi32, #tpu.memory_space<vmem>>) target_semaphore(%arg16 : memref<!tpu.dma_semaphore, #tpu.memory_space<semaphore_mem>>)
    %scan3A = arith.constant 0 : i32
    %scan3A_1596 = arith.constant 0 : i32
    %scan3A_1597 = arith.constant 25 : i32
    %scan3A_1598 = arith.addi %scan3A_1596, %scan3A_1597 : i32
    %scan3A_1599 = arith.constant 1 : i32
    %scan3A_1600 = scf.for %scan3A_1666 = %scan3A_1596 to %scan3A_1598 step %scan3A_1599 iter_args(%scan3A_1667 = %scan3A) -> (i32)  : i32 {
      %mul3A_1668 = arith.constant 2 : i32
      %mul3A_1669 = arith.muli %scan3A_1666, %mul3A_1668 : i32
      %add3A_1670 = arith.constant 0 : i32
      %add3A_1671 = arith.addi %mul3A_1669, %add3A_1670 : i32
      %add3A_1672 = arith.addi %mul3A_2, %add3A_1671 : i32
      %jit3A_1673 = arith.constant 8 : i32
      %div3A_1674 = arith.divsi %add3A_1672, %jit3A_1673 : i32
      %sign3A_1675 = arith.constant 0 : i32
      %sign3A_1676 = arith.cmpi sgt, %add3A_1672, %sign3A_1675 : i32
      %sign3A_1677 = arith.extui %sign3A_1676 : i1 to i32
      %sign3A_1678 = arith.constant 0 : i32
      %sign3A_1679 = arith.cmpi slt, %add3A_1672, %sign3A_1678 : i32
      %sign3A_1680 = arith.extui %sign3A_1679 : i1 to i32
      %sign3A_1681 = arith.subi %sign3A_1677, %sign3A_1680 : i32
      %sign3A_1682 = arith.constant 0 : i32
      %sign3A_1683 = arith.cmpi sgt, %jit3A_1673, %sign3A_1682 : i32
      %sign3A_1684 = arith.extui %sign3A_1683 : i1 to i32
      %sign3A_1685 = arith.constant 0 : i32
      %sign3A_1686 = arith.cmpi slt, %jit3A_1673, %sign3A_1685 : i32
      %sign3A_1687 = arith.extui %sign3A_1686 : i1 to i32
      %sign3A_1688 = arith.subi %sign3A_1684, %sign3A_1687 : i32
      %ne3A_1689 = arith.cmpi ne, %sign3A_1681, %sign3A_1688 : i32
      %rem3A_1690 = arith.remsi %add3A_1672, %jit3A_1673 : i32
      %ne3A_1691 = arith.constant 0 : i32
      %ne3A_1692 = arith.cmpi ne, %rem3A_1690, %ne3A_1691 : i32
      %and3A_1693 = arith.andi %ne3A_1689, %ne3A_1692 : i1
      %sub3A_1694 = arith.constant 1 : i32
      %sub3A_1695 = arith.subi %div3A_1674, %sub3A_1694 : i32
      %select_n3A_1696 = arith.select %and3A_1693, %sub3A_1695, %div3A_1674 : i32
      %jit3A_1697 = arith.constant 8 : i32
      %eq3A_1698 = arith.constant 0 : i32
      %eq3A_1699 = arith.cmpi eq, %jit3A_1697, %eq3A_1698 : i32
      %jit3A_1700 = arith.constant 1 : i32
      %select_n3A_1701 = arith.select %eq3A_1699, %jit3A_1700, %jit3A_1697 : i32
      %rem3A_1702 = arith.remsi %add3A_1672, %select_n3A_1701 : i32
      %ne3A_1703 = arith.constant 0 : i32
      %ne3A_1704 = arith.cmpi ne, %rem3A_1702, %ne3A_1703 : i32
      %lt3A_1705 = arith.constant 0 : i32
      %lt3A_1706 = arith.cmpi slt, %rem3A_1702, %lt3A_1705 : i32
      %lt3A_1707 = arith.constant 0 : i32
      %lt3A_1708 = arith.cmpi slt, %select_n3A_1701, %lt3A_1707 : i32
      %ne3A_1709 = arith.xori %lt3A_1706, %lt3A_1708 : i1
      %and3A_1710 = arith.andi %ne3A_1709, %ne3A_1704 : i1
      %add3A_1711 = arith.addi %rem3A_1702, %select_n3A_1701 : i32
      %select_n3A_1712 = arith.select %and3A_1710, %add3A_1711, %rem3A_1702 : i32
      %dma_wait3A_1713 = arith.constant 0 : i32
      %dma_wait3A_1714 = arith.constant 0 : i32
      %dma_wait3A_1715 = arith.constant 0 : i32
      %dma_wait3A_1716 = tpu.memref_slice %arg7[%dma_wait3A_1714, %dma_wait3A_1715] : memref<512x32xf32, #tpu.memory_space<vmem>> -> memref<128x32xf32, #tpu.memory_space<vmem>>
      %dma_wait3A_1717 = arith.constant 0 : i32
      %dma_wait3A_1718 = tpu.memref_slice %arg5[%dma_wait3A_1713, %dma_wait3A_1717] : memref<4x128xi32, #tpu.memory_space<vmem>> -> memref<1x128xi32, #tpu.memory_space<vmem>>
      %dma_wait3A_1719 = tpu.memref_squeeze %dma_wait3A_1718 : memref<1x128xi32, #tpu.memory_space<vmem>> -> memref<128xi32, #tpu.memory_space<vmem>>
      %dma_wait3A_1720 = arith.constant 0 : i32
      %dma_wait3A_1721 = arith.constant 0 : i32
      %dma_wait3A_1722 = tpu.memref_slice %arg3[%dma_wait3A_1720, %dma_wait3A_1721] : memref<1000000x32xf32, #tpu.memory_space<hbm>> -> memref<1000000x32xf32, #tpu.memory_space<hbm>>
      tpu.wait_indirect_dma semaphore(%arg11 : memref<!tpu.dma_semaphore, #tpu.memory_space<semaphore_mem>>) src(%dma_wait3A_1722 : memref<1000000x32xf32, #tpu.memory_space<hbm>>) dst(%dma_wait3A_1716 : memref<128x32xf32, #tpu.memory_space<vmem>>)
      %dma_wait3A_1723 = arith.constant 1 : i32
      %dma_wait3A_1724 = arith.constant 128 : i32
      %dma_wait3A_1725 = arith.constant 0 : i32
      %dma_wait3A_1726 = tpu.memref_slice %arg7[%dma_wait3A_1724, %dma_wait3A_1725] : memref<512x32xf32, #tpu.memory_space<vmem>> -> memref<128x32xf32, #tpu.memory_space<vmem>>
      %dma_wait3A_1727 = arith.constant 0 : i32
      %dma_wait3A_1728 = tpu.memref_slice %arg5[%dma_wait3A_1723, %dma_wait3A_1727] : memref<4x128xi32, #tpu.memory_space<vmem>> -> memref<1x128xi32, #tpu.memory_space<vmem>>
      %dma_wait3A_1729 = tpu.memref_squeeze %dma_wait3A_1728 : memref<1x128xi32, #tpu.memory_space<vmem>> -> memref<128xi32, #tpu.memory_space<vmem>>
      %dma_wait3A_1730 = arith.constant 0 : i32
      %dma_wait3A_1731 = arith.constant 0 : i32
      %dma_wait3A_1732 = tpu.memref_slice %arg3[%dma_wait3A_1730, %dma_wait3A_1731] : memref<1000000x32xf32, #tpu.memory_space<hbm>> -> memref<1000000x32xf32, #tpu.memory_space<hbm>>
      tpu.wait_indirect_dma semaphore(%arg11 : memref<!tpu.dma_semaphore, #tpu.memory_space<semaphore_mem>>) src(%dma_wait3A_1732 : memref<1000000x32xf32, #tpu.memory_space<hbm>>) dst(%dma_wait3A_1726 : memref<128x32xf32, #tpu.memory_space<vmem>>)
      %dma_wait3A_1733 = arith.constant 2 : i32
      %dma_wait3A_1734 = arith.constant 256 : i32
      %dma_wait3A_1735 = arith.constant 0 : i32
      %dma_wait3A_1736 = tpu.memref_slice %arg7[%dma_wait3A_1734, %dma_wait3A_1735] : memref<512x32xf32, #tpu.memory_space<vmem>> -> memref<128x32xf32, #tpu.memory_space<vmem>>
      %dma_wait3A_1737 = arith.constant 0 : i32
      %dma_wait3A_1738 = tpu.memref_slice %arg5[%dma_wait3A_1733, %dma_wait3A_1737] : memref<4x128xi32, #tpu.memory_space<vmem>> -> memref<1x128xi32, #tpu.memory_space<vmem>>
      %dma_wait3A_1739 = tpu.memref_squeeze %dma_wait3A_1738 : memref<1x128xi32, #tpu.memory_space<vmem>> -> memref<128xi32, #tpu.memory_space<vmem>>
      %dma_wait3A_1740 = arith.constant 0 : i32
      %dma_wait3A_1741 = arith.constant 0 : i32
      %dma_wait3A_1742 = tpu.memref_slice %arg3[%dma_wait3A_1740, %dma_wait3A_1741] : memref<1000000x32xf32, #tpu.memory_space<hbm>> -> memref<1000000x32xf32, #tpu.memory_space<hbm>>
      tpu.wait_indirect_dma semaphore(%arg11 : memref<!tpu.dma_semaphore, #tpu.memory_space<semaphore_mem>>) src(%dma_wait3A_1742 : memref<1000000x32xf32, #tpu.memory_space<hbm>>) dst(%dma_wait3A_1736 : memref<128x32xf32, #tpu.memory_space<vmem>>)
      %dma_wait3A_1743 = arith.constant 3 : i32
      %dma_wait3A_1744 = arith.constant 384 : i32
      %dma_wait3A_1745 = arith.constant 0 : i32
      %dma_wait3A_1746 = tpu.memref_slice %arg7[%dma_wait3A_1744, %dma_wait3A_1745] : memref<512x32xf32, #tpu.memory_space<vmem>> -> memref<128x32xf32, #tpu.memory_space<vmem>>
      %dma_wait3A_1747 = arith.constant 0 : i32
      %dma_wait3A_1748 = tpu.memref_slice %arg5[%dma_wait3A_1743, %dma_wait3A_1747] : memref<4x128xi32, #tpu.memory_space<vmem>> -> memref<1x128xi32, #tpu.memory_space<vmem>>
      %dma_wait3A_1749 = tpu.memref_squeeze %dma_wait3A_1748 : memref<1x128xi32, #tpu.memory_space<vmem>> -> memref<128xi32, #tpu.memory_space<vmem>>
      %dma_wait3A_1750 = arith.constant 0 : i32
      %dma_wait3A_1751 = arith.constant 0 : i32
      %dma_wait3A_1752 = tpu.memref_slice %arg3[%dma_wait3A_1750, %dma_wait3A_1751] : memref<1000000x32xf32, #tpu.memory_space<hbm>> -> memref<1000000x32xf32, #tpu.memory_space<hbm>>
      tpu.wait_indirect_dma semaphore(%arg11 : memref<!tpu.dma_semaphore, #tpu.memory_space<semaphore_mem>>) src(%dma_wait3A_1752 : memref<1000000x32xf32, #tpu.memory_space<hbm>>) dst(%dma_wait3A_1746 : memref<128x32xf32, #tpu.memory_space<vmem>>)
      %add3A_1753 = arith.constant 1 : i32
      %add3A_1754 = arith.addi %add3A_1671, %add3A_1753 : i32
      %lt3A_1755 = arith.constant 50 : i32
      %lt3A_1756 = arith.cmpi slt, %add3A_1754, %lt3A_1755 : i32
      %convert_element_type3A = arith.extui %lt3A_1756 : i1 to i32
      %cond3A = arith.constant 0 : i32
      %cond3A_1757 = arith.cmpi ne, %convert_element_type3A, %cond3A : i32
      scf.if %cond3A_1757 {
        %dma_wait3A_1954 = arith.constant 0 : i32
        %dma_wait3A_1955 = arith.constant 0 : i32
        %dma_wait3A_1956 = arith.constant 0 : i32
        %dma_wait3A_1957 = tpu.memref_slice %arg2[%dma_wait3A_1954, %dma_wait3A_1955, %dma_wait3A_1956] : memref<25x32x1024xi32, #tpu.memory_space<hbm>> -> memref<1x4x128xi32, #tpu.memory_space<hbm>>
        %dma_wait3A_1958 = tpu.memref_squeeze %dma_wait3A_1957 : memref<1x4x128xi32, #tpu.memory_space<hbm>> -> memref<4x128xi32, #tpu.memory_space<hbm>>
        %dma_wait3A_1959 = arith.constant 0 : i32
        %dma_wait3A_1960 = arith.constant 0 : i32
        %dma_wait3A_1961 = tpu.memref_slice %arg2[%dma_wait3A_1954, %dma_wait3A_1959, %dma_wait3A_1960] : memref<25x32x1024xi32, #tpu.memory_space<hbm>> -> memref<1x4x128xi32, #tpu.memory_space<hbm>>
        %dma_wait3A_1962 = tpu.memref_squeeze %dma_wait3A_1961 : memref<1x4x128xi32, #tpu.memory_space<hbm>> -> memref<4x128xi32, #tpu.memory_space<hbm>>
        tpu.wait_dma2 semaphore(%arg16 : memref<!tpu.dma_semaphore, #tpu.memory_space<semaphore_mem>>) src(%dma_wait3A_1962 : memref<4x128xi32, #tpu.memory_space<hbm>>) dst(%arg6 : memref<4x128xi32, #tpu.memory_space<vmem>>)
        %dma_start3A_1963 = arith.constant 0 : i32
        %dma_start3A_1964 = arith.constant 0 : i32
        %dma_start3A_1965 = arith.constant 0 : i32
        %dma_start3A_1966 = tpu.memref_slice %arg8[%dma_start3A_1964, %dma_start3A_1965] : memref<512x32xf32, #tpu.memory_space<vmem>> -> memref<128x32xf32, #tpu.memory_space<vmem>>
        %dma_start3A_1967 = arith.constant 0 : i32
        %dma_start3A_1968 = tpu.memref_slice %arg6[%dma_start3A_1963, %dma_start3A_1967] : memref<4x128xi32, #tpu.memory_space<vmem>> -> memref<1x128xi32, #tpu.memory_space<vmem>>
        %dma_start3A_1969 = tpu.memref_squeeze %dma_start3A_1968 : memref<1x128xi32, #tpu.memory_space<vmem>> -> memref<128xi32, #tpu.memory_space<vmem>>
        %dma_start3A_1970 = arith.constant 0 : i32
        %dma_start3A_1971 = arith.constant 0 : i32
        %dma_start3A_1972 = tpu.memref_slice %arg3[%dma_start3A_1970, %dma_start3A_1971] : memref<1000000x32xf32, #tpu.memory_space<hbm>> -> memref<1000000x32xf32, #tpu.memory_space<hbm>>
        tpu.enqueue_indirect_dma source(%dma_start3A_1972 : memref<1000000x32xf32, #tpu.memory_space<hbm>>) target(%dma_start3A_1966 : memref<128x32xf32, #tpu.memory_space<vmem>>) offsets(%dma_start3A_1969 : memref<128xi32, #tpu.memory_space<vmem>>) semaphore(%arg12 : memref<!tpu.dma_semaphore, #tpu.memory_space<semaphore_mem>>)
        %dma_start3A_1973 = arith.constant 1 : i32
        %dma_start3A_1974 = arith.constant 128 : i32
        %dma_start3A_1975 = arith.constant 0 : i32
        %dma_start3A_1976 = tpu.memref_slice %arg8[%dma_start3A_1974, %dma_start3A_1975] : memref<512x32xf32, #tpu.memory_space<vmem>> -> memref<128x32xf32, #tpu.memory_space<vmem>>
        %dma_start3A_1977 = arith.constant 0 : i32
        %dma_start3A_1978 = tpu.memref_slice %arg6[%dma_start3A_1973, %dma_start3A_1977] : memref<4x128xi32, #tpu.memory_space<vmem>> -> memref<1x128xi32, #tpu.memory_space<vmem>>
        %dma_start3A_1979 = tpu.memref_squeeze %dma_start3A_1978 : memref<1x128xi32, #tpu.memory_space<vmem>> -> memref<128xi32, #tpu.memory_space<vmem>>
        %dma_start3A_1980 = arith.constant 0 : i32
        %dma_start3A_1981 = arith.constant 0 : i32
        %dma_start3A_1982 = tpu.memref_slice %arg3[%dma_start3A_1980, %dma_start3A_1981] : memref<1000000x32xf32, #tpu.memory_space<hbm>> -> memref<1000000x32xf32, #tpu.memory_space<hbm>>
        tpu.enqueue_indirect_dma source(%dma_start3A_1982 : memref<1000000x32xf32, #tpu.memory_space<hbm>>) target(%dma_start3A_1976 : memref<128x32xf32, #tpu.memory_space<vmem>>) offsets(%dma_start3A_1979 : memref<128xi32, #tpu.memory_space<vmem>>) semaphore(%arg12 : memref<!tpu.dma_semaphore, #tpu.memory_space<semaphore_mem>>)
        %dma_start3A_1983 = arith.constant 2 : i32
        %dma_start3A_1984 = arith.constant 256 : i32
        %dma_start3A_1985 = arith.constant 0 : i32
        %dma_start3A_1986 = tpu.memref_slice %arg8[%dma_start3A_1984, %dma_start3A_1985] : memref<512x32xf32, #tpu.memory_space<vmem>> -> memref<128x32xf32, #tpu.memory_space<vmem>>
        %dma_start3A_1987 = arith.constant 0 : i32
        %dma_start3A_1988 = tpu.memref_slice %arg6[%dma_start3A_1983, %dma_start3A_1987] : memref<4x128xi32, #tpu.memory_space<vmem>> -> memref<1x128xi32, #tpu.memory_space<vmem>>
        %dma_start3A_1989 = tpu.memref_squeeze %dma_start3A_1988 : memref<1x128xi32, #tpu.memory_space<vmem>> -> memref<128xi32, #tpu.memory_space<vmem>>
        %dma_start3A_1990 = arith.constant 0 : i32
        %dma_start3A_1991 = arith.constant 0 : i32
        %dma_start3A_1992 = tpu.memref_slice %arg3[%dma_start3A_1990, %dma_start3A_1991] : memref<1000000x32xf32, #tpu.memory_space<hbm>> -> memref<1000000x32xf32, #tpu.memory_space<hbm>>
        tpu.enqueue_indirect_dma source(%dma_start3A_1992 : memref<1000000x32xf32, #tpu.memory_space<hbm>>) target(%dma_start3A_1986 : memref<128x32xf32, #tpu.memory_space<vmem>>) offsets(%dma_start3A_1989 : memref<128xi32, #tpu.memory_space<vmem>>) semaphore(%arg12 : memref<!tpu.dma_semaphore, #tpu.memory_space<semaphore_mem>>)
        %dma_start3A_1993 = arith.constant 3 : i32
        %dma_start3A_1994 = arith.constant 384 : i32
        %dma_start3A_1995 = arith.constant 0 : i32
        %dma_start3A_1996 = tpu.memref_slice %arg8[%dma_start3A_1994, %dma_start3A_1995] : memref<512x32xf32, #tpu.memory_space<vmem>> -> memref<128x32xf32, #tpu.memory_space<vmem>>
        %dma_start3A_1997 = arith.constant 0 : i32
        %dma_start3A_1998 = tpu.memref_slice %arg6[%dma_start3A_1993, %dma_start3A_1997] : memref<4x128xi32, #tpu.memory_space<vmem>> -> memref<1x128xi32, #tpu.memory_space<vmem>>
        %dma_start3A_1999 = tpu.memref_squeeze %dma_start3A_1998 : memref<1x128xi32, #tpu.memory_space<vmem>> -> memref<128xi32, #tpu.memory_space<vmem>>
        %dma_start3A_2000 = arith.constant 0 : i32
        %dma_start3A_2001 = arith.constant 0 : i32
        %dma_start3A_2002 = tpu.memref_slice %arg3[%dma_start3A_2000, %dma_start3A_2001] : memref<1000000x32xf32, #tpu.memory_space<hbm>> -> memref<1000000x32xf32, #tpu.memory_space<hbm>>
        tpu.enqueue_indirect_dma source(%dma_start3A_2002 : memref<1000000x32xf32, #tpu.memory_space<hbm>>) target(%dma_start3A_1996 : memref<128x32xf32, #tpu.memory_space<vmem>>) offsets(%dma_start3A_1999 : memref<128xi32, #tpu.memory_space<vmem>>) semaphore(%arg12 : memref<!tpu.dma_semaphore, #tpu.memory_space<semaphore_mem>>)
      } else {
      }
      %add3A_1758 = arith.constant 2 : i32
      %add3A_1759 = arith.addi %add3A_1671, %add3A_1758 : i32
      %lt3A_1760 = arith.constant 50 : i32
      %lt3A_1761 = arith.cmpi slt, %add3A_1759, %lt3A_1760 : i32
      %convert_element_type3A_1762 = arith.extui %lt3A_1761 : i1 to i32
      %cond3A_1763 = arith.constant 0 : i32
      %cond3A_1764 = arith.cmpi ne, %convert_element_type3A_1762, %cond3A_1763 : i32
      scf.if %cond3A_1764 {
        %add3A_1954 = arith.constant 2 : i32
        %add3A_1955 = arith.addi %add3A_1671, %add3A_1954 : i32
        %add3A_1956 = arith.addi %mul3A_2, %add3A_1955 : i32
        %jit3A_1957 = arith.constant 8 : i32
        %div3A_1958 = arith.divsi %add3A_1956, %jit3A_1957 : i32
        %sign3A_1959 = arith.constant 0 : i32
        %sign3A_1960 = arith.cmpi sgt, %add3A_1956, %sign3A_1959 : i32
        %sign3A_1961 = arith.extui %sign3A_1960 : i1 to i32
        %sign3A_1962 = arith.constant 0 : i32
        %sign3A_1963 = arith.cmpi slt, %add3A_1956, %sign3A_1962 : i32
        %sign3A_1964 = arith.extui %sign3A_1963 : i1 to i32
        %sign3A_1965 = arith.subi %sign3A_1961, %sign3A_1964 : i32
        %sign3A_1966 = arith.constant 0 : i32
        %sign3A_1967 = arith.cmpi sgt, %jit3A_1957, %sign3A_1966 : i32
        %sign3A_1968 = arith.extui %sign3A_1967 : i1 to i32
        %sign3A_1969 = arith.constant 0 : i32
        %sign3A_1970 = arith.cmpi slt, %jit3A_1957, %sign3A_1969 : i32
        %sign3A_1971 = arith.extui %sign3A_1970 : i1 to i32
        %sign3A_1972 = arith.subi %sign3A_1968, %sign3A_1971 : i32
        %ne3A_1973 = arith.cmpi ne, %sign3A_1965, %sign3A_1972 : i32
        %rem3A_1974 = arith.remsi %add3A_1956, %jit3A_1957 : i32
        %ne3A_1975 = arith.constant 0 : i32
        %ne3A_1976 = arith.cmpi ne, %rem3A_1974, %ne3A_1975 : i32
        %and3A_1977 = arith.andi %ne3A_1973, %ne3A_1976 : i1
        %sub3A_1978 = arith.constant 1 : i32
        %sub3A_1979 = arith.subi %div3A_1958, %sub3A_1978 : i32
        %select_n3A_1980 = arith.select %and3A_1977, %sub3A_1979, %div3A_1958 : i32
        %jit3A_1981 = arith.constant 8 : i32
        %eq3A_1982 = arith.constant 0 : i32
        %eq3A_1983 = arith.cmpi eq, %jit3A_1981, %eq3A_1982 : i32
        %jit3A_1984 = arith.constant 1 : i32
        %select_n3A_1985 = arith.select %eq3A_1983, %jit3A_1984, %jit3A_1981 : i32
        %rem3A_1986 = arith.remsi %add3A_1956, %select_n3A_1985 : i32
        %ne3A_1987 = arith.constant 0 : i32
        %ne3A_1988 = arith.cmpi ne, %rem3A_1986, %ne3A_1987 : i32
        %lt3A_1989 = arith.constant 0 : i32
        %lt3A_1990 = arith.cmpi slt, %rem3A_1986, %lt3A_1989 : i32
        %lt3A_1991 = arith.constant 0 : i32
        %lt3A_1992 = arith.cmpi slt, %select_n3A_1985, %lt3A_1991 : i32
        %ne3A_1993 = arith.xori %lt3A_1990, %lt3A_1992 : i1
        %and3A_1994 = arith.andi %ne3A_1993, %ne3A_1988 : i1
        %add3A_1995 = arith.addi %rem3A_1986, %select_n3A_1985 : i32
        %select_n3A_1996 = arith.select %and3A_1994, %add3A_1995, %rem3A_1986 : i32
        %jit3A_1997 = arith.constant 8 : i32
        %div3A_1998 = arith.divsi %select_n3A_1980, %jit3A_1997 : i32
        %sign3A_1999 = arith.constant 0 : i32
        %sign3A_2000 = arith.cmpi sgt, %select_n3A_1980, %sign3A_1999 : i32
        %sign3A_2001 = arith.extui %sign3A_2000 : i1 to i32
        %sign3A_2002 = arith.constant 0 : i32
        %sign3A_2003 = arith.cmpi slt, %select_n3A_1980, %sign3A_2002 : i32
        %sign3A_2004 = arith.extui %sign3A_2003 : i1 to i32
        %sign3A_2005 = arith.subi %sign3A_2001, %sign3A_2004 : i32
        %sign3A_2006 = arith.constant 0 : i32
        %sign3A_2007 = arith.cmpi sgt, %jit3A_1997, %sign3A_2006 : i32
        %sign3A_2008 = arith.extui %sign3A_2007 : i1 to i32
        %sign3A_2009 = arith.constant 0 : i32
        %sign3A_2010 = arith.cmpi slt, %jit3A_1997, %sign3A_2009 : i32
        %sign3A_2011 = arith.extui %sign3A_2010 : i1 to i32
        %sign3A_2012 = arith.subi %sign3A_2008, %sign3A_2011 : i32
        %ne3A_2013 = arith.cmpi ne, %sign3A_2005, %sign3A_2012 : i32
        %rem3A_2014 = arith.remsi %select_n3A_1980, %jit3A_1997 : i32
        %ne3A_2015 = arith.constant 0 : i32
        %ne3A_2016 = arith.cmpi ne, %rem3A_2014, %ne3A_2015 : i32
        %and3A_2017 = arith.andi %ne3A_2013, %ne3A_2016 : i1
        %sub3A_2018 = arith.constant 1 : i32
        %sub3A_2019 = arith.subi %div3A_1998, %sub3A_2018 : i32
        %select_n3A_2020 = arith.select %and3A_2017, %sub3A_2019, %div3A_1998 : i32
        %mul3A_2021 = arith.constant 4 : i32
        %mul3A_2022 = arith.muli %select_n3A_1996, %mul3A_2021 : i32
        %jit3A_2023 = arith.constant 8 : i32
        %eq3A_2024 = arith.constant 0 : i32
        %eq3A_2025 = arith.cmpi eq, %jit3A_2023, %eq3A_2024 : i32
        %jit3A_2026 = arith.constant 1 : i32
        %select_n3A_2027 = arith.select %eq3A_2025, %jit3A_2026, %jit3A_2023 : i32
        %rem3A_2028 = arith.remsi %select_n3A_1980, %select_n3A_2027 : i32
        %ne3A_2029 = arith.constant 0 : i32
        %ne3A_2030 = arith.cmpi ne, %rem3A_2028, %ne3A_2029 : i32
        %lt3A_2031 = arith.constant 0 : i32
        %lt3A_2032 = arith.cmpi slt, %rem3A_2028, %lt3A_2031 : i32
        %lt3A_2033 = arith.constant 0 : i32
        %lt3A_2034 = arith.cmpi slt, %select_n3A_2027, %lt3A_2033 : i32
        %ne3A_2035 = arith.xori %lt3A_2032, %lt3A_2034 : i1
        %and3A_2036 = arith.andi %ne3A_2035, %ne3A_2030 : i1
        %add3A_2037 = arith.addi %rem3A_2028, %select_n3A_2027 : i32
        %select_n3A_2038 = arith.select %and3A_2036, %add3A_2037, %rem3A_2028 : i32
        %mul3A_2039 = arith.constant 128 : i32
        %mul3A_2040 = arith.muli %select_n3A_2038, %mul3A_2039 : i32
        %dma_start3A_2041 = tpu.memref_slice %arg2[%select_n3A_2020, %mul3A_2022, %mul3A_2040] : memref<25x32x1024xi32, #tpu.memory_space<hbm>> -> memref<1x4x128xi32, #tpu.memory_space<hbm>>
        %dma_start3A_2042 = tpu.memref_squeeze %dma_start3A_2041 : memref<1x4x128xi32, #tpu.memory_space<hbm>> -> memref<4x128xi32, #tpu.memory_space<hbm>>
        %dma_start3A_2043 = tpu.memref_slice %arg2[%select_n3A_2020, %mul3A_2022, %mul3A_2040] : memref<25x32x1024xi32, #tpu.memory_space<hbm>> -> memref<1x4x128xi32, #tpu.memory_space<hbm>>
        %dma_start3A_2044 = tpu.memref_squeeze %dma_start3A_2043 : memref<1x4x128xi32, #tpu.memory_space<hbm>> -> memref<4x128xi32, #tpu.memory_space<hbm>>
        tpu.enqueue_dma source(%dma_start3A_2044 : memref<4x128xi32, #tpu.memory_space<hbm>>) target(%arg5 : memref<4x128xi32, #tpu.memory_space<vmem>>) target_semaphore(%arg15 : memref<!tpu.dma_semaphore, #tpu.memory_space<semaphore_mem>>)
      } else {
      }
      %ge3A = arith.constant 2 : i32
      %ge3A_1765 = arith.cmpi sge, %add3A_1671, %ge3A : i32
      %convert_element_type3A_1766 = arith.extui %ge3A_1765 : i1 to i32
      %cond3A_1767 = arith.constant 0 : i32
      %cond3A_1768 = arith.cmpi ne, %convert_element_type3A_1766, %cond3A_1767 : i32
      scf.if %cond3A_1768 {
        %dma_wait3A_1954 = arith.constant 0 : i32
        %dma_wait3A_1955 = tpu.memref_slice %arg9[%dma_wait3A_1954] : memref<16384xf32, #tpu.memory_space<vmem>> -> memref<4096xf32, #tpu.memory_space<vmem>>
        %dma_wait3A_1956 = arith.constant 0 : i32
        %dma_wait3A_1957 = tpu.memref_slice %arg4[%dma_wait3A_1956] : memref<26214400xf32, #tpu.memory_space<hbm>> -> memref<4096xf32, #tpu.memory_space<hbm>>
        %dma_wait3A_1958 = arith.constant 0 : i32
        %dma_wait3A_1959 = tpu.memref_slice %arg4[%dma_wait3A_1958] : memref<26214400xf32, #tpu.memory_space<hbm>> -> memref<4096xf32, #tpu.memory_space<hbm>>
        %dma_wait3A_1960 = arith.constant 0 : i32
        %dma_wait3A_1961 = tpu.memref_slice %arg9[%dma_wait3A_1960] : memref<16384xf32, #tpu.memory_space<vmem>> -> memref<4096xf32, #tpu.memory_space<vmem>>
        tpu.wait_dma2 semaphore(%arg13 : memref<!tpu.dma_semaphore, #tpu.memory_space<semaphore_mem>>) src(%dma_wait3A_1961 : memref<4096xf32, #tpu.memory_space<vmem>>) dst(%dma_wait3A_1959 : memref<4096xf32, #tpu.memory_space<hbm>>)
        %dma_wait3A_1962 = arith.constant 0 : i32
        %dma_wait3A_1963 = tpu.memref_slice %arg9[%dma_wait3A_1962] : memref<16384xf32, #tpu.memory_space<vmem>> -> memref<4096xf32, #tpu.memory_space<vmem>>
        %dma_wait3A_1964 = arith.constant 0 : i32
        %dma_wait3A_1965 = tpu.memref_slice %arg4[%dma_wait3A_1964] : memref<26214400xf32, #tpu.memory_space<hbm>> -> memref<4096xf32, #tpu.memory_space<hbm>>
        %dma_wait3A_1966 = arith.constant 0 : i32
        %dma_wait3A_1967 = tpu.memref_slice %arg4[%dma_wait3A_1966] : memref<26214400xf32, #tpu.memory_space<hbm>> -> memref<4096xf32, #tpu.memory_space<hbm>>
        %dma_wait3A_1968 = arith.constant 0 : i32
        %dma_wait3A_1969 = tpu.memref_slice %arg9[%dma_wait3A_1968] : memref<16384xf32, #tpu.memory_space<vmem>> -> memref<4096xf32, #tpu.memory_space<vmem>>
        tpu.wait_dma2 semaphore(%arg13 : memref<!tpu.dma_semaphore, #tpu.memory_space<semaphore_mem>>) src(%dma_wait3A_1969 : memref<4096xf32, #tpu.memory_space<vmem>>) dst(%dma_wait3A_1967 : memref<4096xf32, #tpu.memory_space<hbm>>)
        %dma_wait3A_1970 = arith.constant 0 : i32
        %dma_wait3A_1971 = tpu.memref_slice %arg9[%dma_wait3A_1970] : memref<16384xf32, #tpu.memory_space<vmem>> -> memref<4096xf32, #tpu.memory_space<vmem>>
        %dma_wait3A_1972 = arith.constant 0 : i32
        %dma_wait3A_1973 = tpu.memref_slice %arg4[%dma_wait3A_1972] : memref<26214400xf32, #tpu.memory_space<hbm>> -> memref<4096xf32, #tpu.memory_space<hbm>>
        %dma_wait3A_1974 = arith.constant 0 : i32
        %dma_wait3A_1975 = tpu.memref_slice %arg4[%dma_wait3A_1974] : memref<26214400xf32, #tpu.memory_space<hbm>> -> memref<4096xf32, #tpu.memory_space<hbm>>
        %dma_wait3A_1976 = arith.constant 0 : i32
        %dma_wait3A_1977 = tpu.memref_slice %arg9[%dma_wait3A_1976] : memref<16384xf32, #tpu.memory_space<vmem>> -> memref<4096xf32, #tpu.memory_space<vmem>>
        tpu.wait_dma2 semaphore(%arg13 : memref<!tpu.dma_semaphore, #tpu.memory_space<semaphore_mem>>) src(%dma_wait3A_1977 : memref<4096xf32, #tpu.memory_space<vmem>>) dst(%dma_wait3A_1975 : memref<4096xf32, #tpu.memory_space<hbm>>)
        %dma_wait3A_1978 = arith.constant 0 : i32
        %dma_wait3A_1979 = tpu.memref_slice %arg9[%dma_wait3A_1978] : memref<16384xf32, #tpu.memory_space<vmem>> -> memref<4096xf32, #tpu.memory_space<vmem>>
        %dma_wait3A_1980 = arith.constant 0 : i32
        %dma_wait3A_1981 = tpu.memref_slice %arg4[%dma_wait3A_1980] : memref<26214400xf32, #tpu.memory_space<hbm>> -> memref<4096xf32, #tpu.memory_space<hbm>>
        %dma_wait3A_1982 = arith.constant 0 : i32
        %dma_wait3A_1983 = tpu.memref_slice %arg4[%dma_wait3A_1982] : memref<26214400xf32, #tpu.memory_space<hbm>> -> memref<4096xf32, #tpu.memory_space<hbm>>
        %dma_wait3A_1984 = arith.constant 0 : i32
        %dma_wait3A_1985 = tpu.memref_slice %arg9[%dma_wait3A_1984] : memref<16384xf32, #tpu.memory_space<vmem>> -> memref<4096xf32, #tpu.memory_space<vmem>>
        tpu.wait_dma2 semaphore(%arg13 : memref<!tpu.dma_semaphore, #tpu.memory_space<semaphore_mem>>) src(%dma_wait3A_1985 : memref<4096xf32, #tpu.memory_space<vmem>>) dst(%dma_wait3A_1983 : memref<4096xf32, #tpu.memory_space<hbm>>)
      } else {
      }
      %parallel_loop3A = arith.constant 0 : i32
      %parallel_loop3A_1769 = arith.constant 32 : i32
      %parallel_loop3A_1770 = arith.constant 1 : i32
      scf.for %parallel_loop3A_1954 = %parallel_loop3A to %parallel_loop3A_1769 step %parallel_loop3A_1770  : i32 {
        %parallel_loop3A_1955 = arith.constant 16 : i32
        %parallel_loop3A_1956 = arith.muli %parallel_loop3A_1954, %parallel_loop3A_1955 : i32
        %parallel_loop3A_1957 = vector.broadcast %parallel_loop3A_1956 : i32 to vector<16xi32>
        %parallel_loop3A_1958 = arith.addi %parallel_loop3A_1957, %iota3A : vector<16xi32>
        %parallel_loop3A_1959 = arith.constant 8 : i32
        %parallel_loop3A_1960 = arith.divsi %parallel_loop3A_1954, %parallel_loop3A_1959 : i32
        %parallel_loop3A_1961 = arith.constant 0 : i32
        %parallel_loop3A_1962 = arith.cmpi sgt, %parallel_loop3A_1954, %parallel_loop3A_1961 : i32
        %parallel_loop3A_1963 = arith.extui %parallel_loop3A_1962 : i1 to i32
        %parallel_loop3A_1964 = arith.constant 0 : i32
        %parallel_loop3A_1965 = arith.cmpi slt, %parallel_loop3A_1954, %parallel_loop3A_1964 : i32
        %parallel_loop3A_1966 = arith.extui %parallel_loop3A_1965 : i1 to i32
        %parallel_loop3A_1967 = arith.subi %parallel_loop3A_1963, %parallel_loop3A_1966 : i32
        %parallel_loop3A_1968 = arith.constant 0 : i32
        %parallel_loop3A_1969 = arith.cmpi sgt, %parallel_loop3A_1959, %parallel_loop3A_1968 : i32
        %parallel_loop3A_1970 = arith.extui %parallel_loop3A_1969 : i1 to i32
        %parallel_loop3A_1971 = arith.constant 0 : i32
        %parallel_loop3A_1972 = arith.cmpi slt, %parallel_loop3A_1959, %parallel_loop3A_1971 : i32
        %parallel_loop3A_1973 = arith.extui %parallel_loop3A_1972 : i1 to i32
        %parallel_loop3A_1974 = arith.subi %parallel_loop3A_1970, %parallel_loop3A_1973 : i32
        %parallel_loop3A_1975 = arith.cmpi ne, %parallel_loop3A_1967, %parallel_loop3A_1974 : i32
        %parallel_loop3A_1976 = arith.remsi %parallel_loop3A_1954, %parallel_loop3A_1959 : i32
        %parallel_loop3A_1977 = arith.constant 0 : i32
        %parallel_loop3A_1978 = arith.cmpi ne, %parallel_loop3A_1976, %parallel_loop3A_1977 : i32
        %parallel_loop3A_1979 = arith.andi %parallel_loop3A_1975, %parallel_loop3A_1978 : i1
        %parallel_loop3A_1980 = arith.constant 1 : i32
        %parallel_loop3A_1981 = arith.subi %parallel_loop3A_1960, %parallel_loop3A_1980 : i32
        %parallel_loop3A_1982 = arith.select %parallel_loop3A_1979, %parallel_loop3A_1981, %parallel_loop3A_1960 : i32
        %parallel_loop3A_1983 = arith.constant 1024 : i32
        %parallel_loop3A_1984 = arith.muli %parallel_loop3A_1982, %parallel_loop3A_1983 : i32
        %parallel_loop3A_1985 = arith.constant 8 : i32
        %parallel_loop3A_1986 = arith.constant 0 : i32
        %parallel_loop3A_1987 = arith.cmpi eq, %parallel_loop3A_1985, %parallel_loop3A_1986 : i32
        %parallel_loop3A_1988 = arith.constant 1 : i32
        %parallel_loop3A_1989 = arith.select %parallel_loop3A_1987, %parallel_loop3A_1988, %parallel_loop3A_1985 : i32
        %parallel_loop3A_1990 = arith.remsi %parallel_loop3A_1954, %parallel_loop3A_1989 : i32
        %parallel_loop3A_1991 = arith.constant 0 : i32
        %parallel_loop3A_1992 = arith.cmpi ne, %parallel_loop3A_1990, %parallel_loop3A_1991 : i32
        %parallel_loop3A_1993 = arith.constant 0 : i32
        %parallel_loop3A_1994 = arith.cmpi slt, %parallel_loop3A_1990, %parallel_loop3A_1993 : i32
        %parallel_loop3A_1995 = arith.constant 0 : i32
        %parallel_loop3A_1996 = arith.cmpi slt, %parallel_loop3A_1989, %parallel_loop3A_1995 : i32
        %parallel_loop3A_1997 = arith.xori %parallel_loop3A_1994, %parallel_loop3A_1996 : i1
        %parallel_loop3A_1998 = arith.andi %parallel_loop3A_1997, %parallel_loop3A_1992 : i1
        %parallel_loop3A_1999 = arith.addi %parallel_loop3A_1990, %parallel_loop3A_1989 : i32
        %parallel_loop3A_2000 = arith.select %parallel_loop3A_1998, %parallel_loop3A_1999, %parallel_loop3A_1990 : i32
        %parallel_loop3A_2001 = arith.constant 16 : i32
        %parallel_loop3A_2002 = arith.muli %parallel_loop3A_2000, %parallel_loop3A_2001 : i32
        %parallel_loop3A_2003 = arith.addi %parallel_loop3A_1984, %parallel_loop3A_2002 : i32
        %parallel_loop3A_2004 = arith.constant 0 : i32
        %parallel_loop3A_2005 = vector.broadcast %parallel_loop3A_2004 : i32 to vector<16xi32>
        %parallel_loop3A_2006 = arith.addi %parallel_loop3A_2005, %select_n3A_20 : vector<16xi32>
        %parallel_loop3A_2007 = arith.constant 0 : i32
        %parallel_loop3A_2008 = arith.addi %parallel_loop3A_2003, %parallel_loop3A_2007 : i32
        %parallel_loop3A_2009 = vector.broadcast %parallel_loop3A_2008 : i32 to vector<16xi32>
        %parallel_loop3A_2010 = arith.addi %parallel_loop3A_2009, %add3A_453 : vector<16xi32>
        %parallel_loop3A_2011 = tpu.vector_load_idx %arg7[%parallel_loop3A_1958, %parallel_loop3A_2006] : memref<512x32xf32, #tpu.memory_space<vmem>>[vector<16xi32>, vector<16xi32>], vector<16xf32>,
        tpu.vector_store_idx %arg9[%parallel_loop3A_2010], %parallel_loop3A_2011 : memref<16384xf32, #tpu.memory_space<vmem>>[vector<16xi32>], vector<16xf32>,
        %parallel_loop3A_2012 = arith.constant 0 : i32
        %parallel_loop3A_2013 = vector.broadcast %parallel_loop3A_2012 : i32 to vector<16xi32>
        %parallel_loop3A_2014 = arith.addi %parallel_loop3A_2013, %select_n3A_45 : vector<16xi32>
        %parallel_loop3A_2015 = arith.constant 0 : i32
        %parallel_loop3A_2016 = arith.addi %parallel_loop3A_2003, %parallel_loop3A_2015 : i32
        %parallel_loop3A_2017 = vector.broadcast %parallel_loop3A_2016 : i32 to vector<16xi32>
        %parallel_loop3A_2018 = arith.addi %parallel_loop3A_2017, %add3A_514 : vector<16xi32>
        %parallel_loop3A_2019 = tpu.vector_load_idx %arg7[%parallel_loop3A_1958, %parallel_loop3A_2014] : memref<512x32xf32, #tpu.memory_space<vmem>>[vector<16xi32>, vector<16xi32>], vector<16xf32>,
        tpu.vector_store_idx %arg9[%parallel_loop3A_2018], %parallel_loop3A_2019 : memref<16384xf32, #tpu.memory_space<vmem>>[vector<16xi32>], vector<16xf32>,
        %parallel_loop3A_2020 = arith.constant 0 : i32
        %parallel_loop3A_2021 = vector.broadcast %parallel_loop3A_2020 : i32 to vector<16xi32>
        %parallel_loop3A_2022 = arith.addi %parallel_loop3A_2021, %select_n3A_70 : vector<16xi32>
        %parallel_loop3A_2023 = arith.constant 0 : i32
        %parallel_loop3A_2024 = arith.addi %parallel_loop3A_2003, %parallel_loop3A_2023 : i32
        %parallel_loop3A_2025 = vector.broadcast %parallel_loop3A_2024 : i32 to vector<16xi32>
        %parallel_loop3A_2026 = arith.addi %parallel_loop3A_2025, %add3A_575 : vector<16xi32>
        %parallel_loop3A_2027 = tpu.vector_load_idx %arg7[%parallel_loop3A_1958, %parallel_loop3A_2022] : memref<512x32xf32, #tpu.memory_space<vmem>>[vector<16xi32>, vector<16xi32>], vector<16xf32>,
        tpu.vector_store_idx %arg9[%parallel_loop3A_2026], %parallel_loop3A_2027 : memref<16384xf32, #tpu.memory_space<vmem>>[vector<16xi32>], vector<16xf32>,
        %parallel_loop3A_2028 = arith.constant 0 : i32
        %parallel_loop3A_2029 = vector.broadcast %parallel_loop3A_2028 : i32 to vector<16xi32>
        %parallel_loop3A_2030 = arith.addi %parallel_loop3A_2029, %select_n3A_95 : vector<16xi32>
        %parallel_loop3A_2031 = arith.constant 0 : i32
        %parallel_loop3A_2032 = arith.addi %parallel_loop3A_2003, %parallel_loop3A_2031 : i32
        %parallel_loop3A_2033 = vector.broadcast %parallel_loop3A_2032 : i32 to vector<16xi32>
        %parallel_loop3A_2034 = arith.addi %parallel_loop3A_2033, %add3A_636 : vector<16xi32>
        %parallel_loop3A_2035 = tpu.vector_load_idx %arg7[%parallel_loop3A_1958, %parallel_loop3A_2030] : memref<512x32xf32, #tpu.memory_space<vmem>>[vector<16xi32>, vector<16xi32>], vector<16xf32>,
        tpu.vector_store_idx %arg9[%parallel_loop3A_2034], %parallel_loop3A_2035 : memref<16384xf32, #tpu.memory_space<vmem>>[vector<16xi32>], vector<16xf32>,
        %parallel_loop3A_2036 = arith.constant 0 : i32
        %parallel_loop3A_2037 = vector.broadcast %parallel_loop3A_2036 : i32 to vector<16xi32>
        %parallel_loop3A_2038 = arith.addi %parallel_loop3A_2037, %select_n3A_120 : vector<16xi32>
        %parallel_loop3A_2039 = arith.constant 0 : i32
        %parallel_loop3A_2040 = arith.addi %parallel_loop3A_2003, %parallel_loop3A_2039 : i32
        %parallel_loop3A_2041 = vector.broadcast %parallel_loop3A_2040 : i32 to vector<16xi32>
        %parallel_loop3A_2042 = arith.addi %parallel_loop3A_2041, %add3A_697 : vector<16xi32>
        %parallel_loop3A_2043 = tpu.vector_load_idx %arg7[%parallel_loop3A_1958, %parallel_loop3A_2038] : memref<512x32xf32, #tpu.memory_space<vmem>>[vector<16xi32>, vector<16xi32>], vector<16xf32>,
        tpu.vector_store_idx %arg9[%parallel_loop3A_2042], %parallel_loop3A_2043 : memref<16384xf32, #tpu.memory_space<vmem>>[vector<16xi32>], vector<16xf32>,
        %parallel_loop3A_2044 = arith.constant 0 : i32
        %parallel_loop3A_2045 = vector.broadcast %parallel_loop3A_2044 : i32 to vector<16xi32>
        %parallel_loop3A_2046 = arith.addi %parallel_loop3A_2045, %select_n3A_145 : vector<16xi32>
        %parallel_loop3A_2047 = arith.constant 0 : i32
        %parallel_loop3A_2048 = arith.addi %parallel_loop3A_2003, %parallel_loop3A_2047 : i32
        %parallel_loop3A_2049 = vector.broadcast %parallel_loop3A_2048 : i32 to vector<16xi32>
        %parallel_loop3A_2050 = arith.addi %parallel_loop3A_2049, %add3A_758 : vector<16xi32>
        %parallel_loop3A_2051 = tpu.vector_load_idx %arg7[%parallel_loop3A_1958, %parallel_loop3A_2046] : memref<512x32xf32, #tpu.memory_space<vmem>>[vector<16xi32>, vector<16xi32>], vector<16xf32>,
        tpu.vector_store_idx %arg9[%parallel_loop3A_2050], %parallel_loop3A_2051 : memref<16384xf32, #tpu.memory_space<vmem>>[vector<16xi32>], vector<16xf32>,
        %parallel_loop3A_2052 = arith.constant 0 : i32
        %parallel_loop3A_2053 = vector.broadcast %parallel_loop3A_2052 : i32 to vector<16xi32>
        %parallel_loop3A_2054 = arith.addi %parallel_loop3A_2053, %select_n3A_170 : vector<16xi32>
        %parallel_loop3A_2055 = arith.constant 0 : i32
        %parallel_loop3A_2056 = arith.addi %parallel_loop3A_2003, %parallel_loop3A_2055 : i32
        %parallel_loop3A_2057 = vector.broadcast %parallel_loop3A_2056 : i32 to vector<16xi32>
        %parallel_loop3A_2058 = arith.addi %parallel_loop3A_2057, %add3A_819 : vector<16xi32>
        %parallel_loop3A_2059 = tpu.vector_load_idx %arg7[%parallel_loop3A_1958, %parallel_loop3A_2054] : memref<512x32xf32, #tpu.memory_space<vmem>>[vector<16xi32>, vector<16xi32>], vector<16xf32>,
        tpu.vector_store_idx %arg9[%parallel_loop3A_2058], %parallel_loop3A_2059 : memref<16384xf32, #tpu.memory_space<vmem>>[vector<16xi32>], vector<16xf32>,
        %parallel_loop3A_2060 = arith.constant 0 : i32
        %parallel_loop3A_2061 = vector.broadcast %parallel_loop3A_2060 : i32 to vector<16xi32>
        %parallel_loop3A_2062 = arith.addi %parallel_loop3A_2061, %select_n3A_195 : vector<16xi32>
        %parallel_loop3A_2063 = arith.constant 0 : i32
        %parallel_loop3A_2064 = arith.addi %parallel_loop3A_2003, %parallel_loop3A_2063 : i32
        %parallel_loop3A_2065 = vector.broadcast %parallel_loop3A_2064 : i32 to vector<16xi32>
        %parallel_loop3A_2066 = arith.addi %parallel_loop3A_2065, %add3A_880 : vector<16xi32>
        %parallel_loop3A_2067 = tpu.vector_load_idx %arg7[%parallel_loop3A_1958, %parallel_loop3A_2062] : memref<512x32xf32, #tpu.memory_space<vmem>>[vector<16xi32>, vector<16xi32>], vector<16xf32>,
        tpu.vector_store_idx %arg9[%parallel_loop3A_2066], %parallel_loop3A_2067 : memref<16384xf32, #tpu.memory_space<vmem>>[vector<16xi32>], vector<16xf32>,
        %parallel_loop3A_2068 = arith.constant 0 : i32
        %parallel_loop3A_2069 = vector.broadcast %parallel_loop3A_2068 : i32 to vector<16xi32>
        %parallel_loop3A_2070 = arith.addi %parallel_loop3A_2069, %select_n3A_220 : vector<16xi32>
        %parallel_loop3A_2071 = arith.constant 0 : i32
        %parallel_loop3A_2072 = arith.addi %parallel_loop3A_2003, %parallel_loop3A_2071 : i32
        %parallel_loop3A_2073 = vector.broadcast %parallel_loop3A_2072 : i32 to vector<16xi32>
        %parallel_loop3A_2074 = arith.addi %parallel_loop3A_2073, %add3A_941 : vector<16xi32>
        %parallel_loop3A_2075 = tpu.vector_load_idx %arg7[%parallel_loop3A_1958, %parallel_loop3A_2070] : memref<512x32xf32, #tpu.memory_space<vmem>>[vector<16xi32>, vector<16xi32>], vector<16xf32>,
        tpu.vector_store_idx %arg9[%parallel_loop3A_2074], %parallel_loop3A_2075 : memref<16384xf32, #tpu.memory_space<vmem>>[vector<16xi32>], vector<16xf32>,
        %parallel_loop3A_2076 = arith.constant 0 : i32
        %parallel_loop3A_2077 = vector.broadcast %parallel_loop3A_2076 : i32 to vector<16xi32>
        %parallel_loop3A_2078 = arith.addi %parallel_loop3A_2077, %select_n3A_245 : vector<16xi32>
        %parallel_loop3A_2079 = arith.constant 0 : i32
        %parallel_loop3A_2080 = arith.addi %parallel_loop3A_2003, %parallel_loop3A_2079 : i32
        %parallel_loop3A_2081 = vector.broadcast %parallel_loop3A_2080 : i32 to vector<16xi32>
        %parallel_loop3A_2082 = arith.addi %parallel_loop3A_2081, %add3A_1002 : vector<16xi32>
        %parallel_loop3A_2083 = tpu.vector_load_idx %arg7[%parallel_loop3A_1958, %parallel_loop3A_2078] : memref<512x32xf32, #tpu.memory_space<vmem>>[vector<16xi32>, vector<16xi32>], vector<16xf32>,
        tpu.vector_store_idx %arg9[%parallel_loop3A_2082], %parallel_loop3A_2083 : memref<16384xf32, #tpu.memory_space<vmem>>[vector<16xi32>], vector<16xf32>,
        %parallel_loop3A_2084 = arith.constant 0 : i32
        %parallel_loop3A_2085 = vector.broadcast %parallel_loop3A_2084 : i32 to vector<16xi32>
        %parallel_loop3A_2086 = arith.addi %parallel_loop3A_2085, %select_n3A_270 : vector<16xi32>
        %parallel_loop3A_2087 = arith.constant 0 : i32
        %parallel_loop3A_2088 = arith.addi %parallel_loop3A_2003, %parallel_loop3A_2087 : i32
        %parallel_loop3A_2089 = vector.broadcast %parallel_loop3A_2088 : i32 to vector<16xi32>
        %parallel_loop3A_2090 = arith.addi %parallel_loop3A_2089, %add3A_1063 : vector<16xi32>
        %parallel_loop3A_2091 = tpu.vector_load_idx %arg7[%parallel_loop3A_1958, %parallel_loop3A_2086] : memref<512x32xf32, #tpu.memory_space<vmem>>[vector<16xi32>, vector<16xi32>], vector<16xf32>,
        tpu.vector_store_idx %arg9[%parallel_loop3A_2090], %parallel_loop3A_2091 : memref<16384xf32, #tpu.memory_space<vmem>>[vector<16xi32>], vector<16xf32>,
        %parallel_loop3A_2092 = arith.constant 0 : i32
        %parallel_loop3A_2093 = vector.broadcast %parallel_loop3A_2092 : i32 to vector<16xi32>
        %parallel_loop3A_2094 = arith.addi %parallel_loop3A_2093, %select_n3A_295 : vector<16xi32>
        %parallel_loop3A_2095 = arith.constant 0 : i32
        %parallel_loop3A_2096 = arith.addi %parallel_loop3A_2003, %parallel_loop3A_2095 : i32
        %parallel_loop3A_2097 = vector.broadcast %parallel_loop3A_2096 : i32 to vector<16xi32>
        %parallel_loop3A_2098 = arith.addi %parallel_loop3A_2097, %add3A_1124 : vector<16xi32>
        %parallel_loop3A_2099 = tpu.vector_load_idx %arg7[%parallel_loop3A_1958, %parallel_loop3A_2094] : memref<512x32xf32, #tpu.memory_space<vmem>>[vector<16xi32>, vector<16xi32>], vector<16xf32>,
        tpu.vector_store_idx %arg9[%parallel_loop3A_2098], %parallel_loop3A_2099 : memref<16384xf32, #tpu.memory_space<vmem>>[vector<16xi32>], vector<16xf32>,
        %parallel_loop3A_2100 = arith.constant 0 : i32
        %parallel_loop3A_2101 = vector.broadcast %parallel_loop3A_2100 : i32 to vector<16xi32>
        %parallel_loop3A_2102 = arith.addi %parallel_loop3A_2101, %select_n3A_320 : vector<16xi32>
        %parallel_loop3A_2103 = arith.constant 0 : i32
        %parallel_loop3A_2104 = arith.addi %parallel_loop3A_2003, %parallel_loop3A_2103 : i32
        %parallel_loop3A_2105 = vector.broadcast %parallel_loop3A_2104 : i32 to vector<16xi32>
        %parallel_loop3A_2106 = arith.addi %parallel_loop3A_2105, %add3A_1185 : vector<16xi32>
        %parallel_loop3A_2107 = tpu.vector_load_idx %arg7[%parallel_loop3A_1958, %parallel_loop3A_2102] : memref<512x32xf32, #tpu.memory_space<vmem>>[vector<16xi32>, vector<16xi32>], vector<16xf32>,
        tpu.vector_store_idx %arg9[%parallel_loop3A_2106], %parallel_loop3A_2107 : memref<16384xf32, #tpu.memory_space<vmem>>[vector<16xi32>], vector<16xf32>,
        %parallel_loop3A_2108 = arith.constant 0 : i32
        %parallel_loop3A_2109 = vector.broadcast %parallel_loop3A_2108 : i32 to vector<16xi32>
        %parallel_loop3A_2110 = arith.addi %parallel_loop3A_2109, %select_n3A_345 : vector<16xi32>
        %parallel_loop3A_2111 = arith.constant 0 : i32
        %parallel_loop3A_2112 = arith.addi %parallel_loop3A_2003, %parallel_loop3A_2111 : i32
        %parallel_loop3A_2113 = vector.broadcast %parallel_loop3A_2112 : i32 to vector<16xi32>
        %parallel_loop3A_2114 = arith.addi %parallel_loop3A_2113, %add3A_1246 : vector<16xi32>
        %parallel_loop3A_2115 = tpu.vector_load_idx %arg7[%parallel_loop3A_1958, %parallel_loop3A_2110] : memref<512x32xf32, #tpu.memory_space<vmem>>[vector<16xi32>, vector<16xi32>], vector<16xf32>,
        tpu.vector_store_idx %arg9[%parallel_loop3A_2114], %parallel_loop3A_2115 : memref<16384xf32, #tpu.memory_space<vmem>>[vector<16xi32>], vector<16xf32>,
        %parallel_loop3A_2116 = arith.constant 0 : i32
        %parallel_loop3A_2117 = vector.broadcast %parallel_loop3A_2116 : i32 to vector<16xi32>
        %parallel_loop3A_2118 = arith.addi %parallel_loop3A_2117, %select_n3A_370 : vector<16xi32>
        %parallel_loop3A_2119 = arith.constant 0 : i32
        %parallel_loop3A_2120 = arith.addi %parallel_loop3A_2003, %parallel_loop3A_2119 : i32
        %parallel_loop3A_2121 = vector.broadcast %parallel_loop3A_2120 : i32 to vector<16xi32>
        %parallel_loop3A_2122 = arith.addi %parallel_loop3A_2121, %add3A_1307 : vector<16xi32>
        %parallel_loop3A_2123 = tpu.vector_load_idx %arg7[%parallel_loop3A_1958, %parallel_loop3A_2118] : memref<512x32xf32, #tpu.memory_space<vmem>>[vector<16xi32>, vector<16xi32>], vector<16xf32>,
        tpu.vector_store_idx %arg9[%parallel_loop3A_2122], %parallel_loop3A_2123 : memref<16384xf32, #tpu.memory_space<vmem>>[vector<16xi32>], vector<16xf32>,
        %parallel_loop3A_2124 = arith.constant 0 : i32
        %parallel_loop3A_2125 = vector.broadcast %parallel_loop3A_2124 : i32 to vector<16xi32>
        %parallel_loop3A_2126 = arith.addi %parallel_loop3A_2125, %select_n3A_395 : vector<16xi32>
        %parallel_loop3A_2127 = arith.constant 0 : i32
        %parallel_loop3A_2128 = arith.addi %parallel_loop3A_2003, %parallel_loop3A_2127 : i32
        %parallel_loop3A_2129 = vector.broadcast %parallel_loop3A_2128 : i32 to vector<16xi32>
        %parallel_loop3A_2130 = arith.addi %parallel_loop3A_2129, %add3A_1368 : vector<16xi32>
        %parallel_loop3A_2131 = tpu.vector_load_idx %arg7[%parallel_loop3A_1958, %parallel_loop3A_2126] : memref<512x32xf32, #tpu.memory_space<vmem>>[vector<16xi32>, vector<16xi32>], vector<16xf32>,
        tpu.vector_store_idx %arg9[%parallel_loop3A_2130], %parallel_loop3A_2131 : memref<16384xf32, #tpu.memory_space<vmem>>[vector<16xi32>], vector<16xf32>,
        %parallel_loop3A_2132 = arith.constant 16 : i32
        %parallel_loop3A_2133 = vector.broadcast %parallel_loop3A_2132 : i32 to vector<16xi32>
        %parallel_loop3A_2134 = arith.addi %parallel_loop3A_2133, %select_n3A_20 : vector<16xi32>
        %parallel_loop3A_2135 = arith.constant 8192 : i32
        %parallel_loop3A_2136 = arith.addi %parallel_loop3A_2003, %parallel_loop3A_2135 : i32
        %parallel_loop3A_2137 = vector.broadcast %parallel_loop3A_2136 : i32 to vector<16xi32>
        %parallel_loop3A_2138 = arith.addi %parallel_loop3A_2137, %add3A_453 : vector<16xi32>
        %parallel_loop3A_2139 = tpu.vector_load_idx %arg7[%parallel_loop3A_1958, %parallel_loop3A_2134] : memref<512x32xf32, #tpu.memory_space<vmem>>[vector<16xi32>, vector<16xi32>], vector<16xf32>,
        tpu.vector_store_idx %arg9[%parallel_loop3A_2138], %parallel_loop3A_2139 : memref<16384xf32, #tpu.memory_space<vmem>>[vector<16xi32>], vector<16xf32>,
        %parallel_loop3A_2140 = arith.constant 16 : i32
        %parallel_loop3A_2141 = vector.broadcast %parallel_loop3A_2140 : i32 to vector<16xi32>
        %parallel_loop3A_2142 = arith.addi %parallel_loop3A_2141, %select_n3A_45 : vector<16xi32>
        %parallel_loop3A_2143 = arith.constant 8192 : i32
        %parallel_loop3A_2144 = arith.addi %parallel_loop3A_2003, %parallel_loop3A_2143 : i32
        %parallel_loop3A_2145 = vector.broadcast %parallel_loop3A_2144 : i32 to vector<16xi32>
        %parallel_loop3A_2146 = arith.addi %parallel_loop3A_2145, %add3A_514 : vector<16xi32>
        %parallel_loop3A_2147 = tpu.vector_load_idx %arg7[%parallel_loop3A_1958, %parallel_loop3A_2142] : memref<512x32xf32, #tpu.memory_space<vmem>>[vector<16xi32>, vector<16xi32>], vector<16xf32>,
        tpu.vector_store_idx %arg9[%parallel_loop3A_2146], %parallel_loop3A_2147 : memref<16384xf32, #tpu.memory_space<vmem>>[vector<16xi32>], vector<16xf32>,
        %parallel_loop3A_2148 = arith.constant 16 : i32
        %parallel_loop3A_2149 = vector.broadcast %parallel_loop3A_2148 : i32 to vector<16xi32>
        %parallel_loop3A_2150 = arith.addi %parallel_loop3A_2149, %select_n3A_70 : vector<16xi32>
        %parallel_loop3A_2151 = arith.constant 8192 : i32
        %parallel_loop3A_2152 = arith.addi %parallel_loop3A_2003, %parallel_loop3A_2151 : i32
        %parallel_loop3A_2153 = vector.broadcast %parallel_loop3A_2152 : i32 to vector<16xi32>
        %parallel_loop3A_2154 = arith.addi %parallel_loop3A_2153, %add3A_575 : vector<16xi32>
        %parallel_loop3A_2155 = tpu.vector_load_idx %arg7[%parallel_loop3A_1958, %parallel_loop3A_2150] : memref<512x32xf32, #tpu.memory_space<vmem>>[vector<16xi32>, vector<16xi32>], vector<16xf32>,
        tpu.vector_store_idx %arg9[%parallel_loop3A_2154], %parallel_loop3A_2155 : memref<16384xf32, #tpu.memory_space<vmem>>[vector<16xi32>], vector<16xf32>,
        %parallel_loop3A_2156 = arith.constant 16 : i32
        %parallel_loop3A_2157 = vector.broadcast %parallel_loop3A_2156 : i32 to vector<16xi32>
        %parallel_loop3A_2158 = arith.addi %parallel_loop3A_2157, %select_n3A_95 : vector<16xi32>
        %parallel_loop3A_2159 = arith.constant 8192 : i32
        %parallel_loop3A_2160 = arith.addi %parallel_loop3A_2003, %parallel_loop3A_2159 : i32
        %parallel_loop3A_2161 = vector.broadcast %parallel_loop3A_2160 : i32 to vector<16xi32>
        %parallel_loop3A_2162 = arith.addi %parallel_loop3A_2161, %add3A_636 : vector<16xi32>
        %parallel_loop3A_2163 = tpu.vector_load_idx %arg7[%parallel_loop3A_1958, %parallel_loop3A_2158] : memref<512x32xf32, #tpu.memory_space<vmem>>[vector<16xi32>, vector<16xi32>], vector<16xf32>,
        tpu.vector_store_idx %arg9[%parallel_loop3A_2162], %parallel_loop3A_2163 : memref<16384xf32, #tpu.memory_space<vmem>>[vector<16xi32>], vector<16xf32>,
        %parallel_loop3A_2164 = arith.constant 16 : i32
        %parallel_loop3A_2165 = vector.broadcast %parallel_loop3A_2164 : i32 to vector<16xi32>
        %parallel_loop3A_2166 = arith.addi %parallel_loop3A_2165, %select_n3A_120 : vector<16xi32>
        %parallel_loop3A_2167 = arith.constant 8192 : i32
        %parallel_loop3A_2168 = arith.addi %parallel_loop3A_2003, %parallel_loop3A_2167 : i32
        %parallel_loop3A_2169 = vector.broadcast %parallel_loop3A_2168 : i32 to vector<16xi32>
        %parallel_loop3A_2170 = arith.addi %parallel_loop3A_2169, %add3A_697 : vector<16xi32>
        %parallel_loop3A_2171 = tpu.vector_load_idx %arg7[%parallel_loop3A_1958, %parallel_loop3A_2166] : memref<512x32xf32, #tpu.memory_space<vmem>>[vector<16xi32>, vector<16xi32>], vector<16xf32>,
        tpu.vector_store_idx %arg9[%parallel_loop3A_2170], %parallel_loop3A_2171 : memref<16384xf32, #tpu.memory_space<vmem>>[vector<16xi32>], vector<16xf32>,
        %parallel_loop3A_2172 = arith.constant 16 : i32
        %parallel_loop3A_2173 = vector.broadcast %parallel_loop3A_2172 : i32 to vector<16xi32>
        %parallel_loop3A_2174 = arith.addi %parallel_loop3A_2173, %select_n3A_145 : vector<16xi32>
        %parallel_loop3A_2175 = arith.constant 8192 : i32
        %parallel_loop3A_2176 = arith.addi %parallel_loop3A_2003, %parallel_loop3A_2175 : i32
        %parallel_loop3A_2177 = vector.broadcast %parallel_loop3A_2176 : i32 to vector<16xi32>
        %parallel_loop3A_2178 = arith.addi %parallel_loop3A_2177, %add3A_758 : vector<16xi32>
        %parallel_loop3A_2179 = tpu.vector_load_idx %arg7[%parallel_loop3A_1958, %parallel_loop3A_2174] : memref<512x32xf32, #tpu.memory_space<vmem>>[vector<16xi32>, vector<16xi32>], vector<16xf32>,
        tpu.vector_store_idx %arg9[%parallel_loop3A_2178], %parallel_loop3A_2179 : memref<16384xf32, #tpu.memory_space<vmem>>[vector<16xi32>], vector<16xf32>,
        %parallel_loop3A_2180 = arith.constant 16 : i32
        %parallel_loop3A_2181 = vector.broadcast %parallel_loop3A_2180 : i32 to vector<16xi32>
        %parallel_loop3A_2182 = arith.addi %parallel_loop3A_2181, %select_n3A_170 : vector<16xi32>
        %parallel_loop3A_2183 = arith.constant 8192 : i32
        %parallel_loop3A_2184 = arith.addi %parallel_loop3A_2003, %parallel_loop3A_2183 : i32
        %parallel_loop3A_2185 = vector.broadcast %parallel_loop3A_2184 : i32 to vector<16xi32>
        %parallel_loop3A_2186 = arith.addi %parallel_loop3A_2185, %add3A_819 : vector<16xi32>
        %parallel_loop3A_2187 = tpu.vector_load_idx %arg7[%parallel_loop3A_1958, %parallel_loop3A_2182] : memref<512x32xf32, #tpu.memory_space<vmem>>[vector<16xi32>, vector<16xi32>], vector<16xf32>,
        tpu.vector_store_idx %arg9[%parallel_loop3A_2186], %parallel_loop3A_2187 : memref<16384xf32, #tpu.memory_space<vmem>>[vector<16xi32>], vector<16xf32>,
        %parallel_loop3A_2188 = arith.constant 16 : i32
        %parallel_loop3A_2189 = vector.broadcast %parallel_loop3A_2188 : i32 to vector<16xi32>
        %parallel_loop3A_2190 = arith.addi %parallel_loop3A_2189, %select_n3A_195 : vector<16xi32>
        %parallel_loop3A_2191 = arith.constant 8192 : i32
        %parallel_loop3A_2192 = arith.addi %parallel_loop3A_2003, %parallel_loop3A_2191 : i32
        %parallel_loop3A_2193 = vector.broadcast %parallel_loop3A_2192 : i32 to vector<16xi32>
        %parallel_loop3A_2194 = arith.addi %parallel_loop3A_2193, %add3A_880 : vector<16xi32>
        %parallel_loop3A_2195 = tpu.vector_load_idx %arg7[%parallel_loop3A_1958, %parallel_loop3A_2190] : memref<512x32xf32, #tpu.memory_space<vmem>>[vector<16xi32>, vector<16xi32>], vector<16xf32>,
        tpu.vector_store_idx %arg9[%parallel_loop3A_2194], %parallel_loop3A_2195 : memref<16384xf32, #tpu.memory_space<vmem>>[vector<16xi32>], vector<16xf32>,
        %parallel_loop3A_2196 = arith.constant 16 : i32
        %parallel_loop3A_2197 = vector.broadcast %parallel_loop3A_2196 : i32 to vector<16xi32>
        %parallel_loop3A_2198 = arith.addi %parallel_loop3A_2197, %select_n3A_220 : vector<16xi32>
        %parallel_loop3A_2199 = arith.constant 8192 : i32
        %parallel_loop3A_2200 = arith.addi %parallel_loop3A_2003, %parallel_loop3A_2199 : i32
        %parallel_loop3A_2201 = vector.broadcast %parallel_loop3A_2200 : i32 to vector<16xi32>
        %parallel_loop3A_2202 = arith.addi %parallel_loop3A_2201, %add3A_941 : vector<16xi32>
        %parallel_loop3A_2203 = tpu.vector_load_idx %arg7[%parallel_loop3A_1958, %parallel_loop3A_2198] : memref<512x32xf32, #tpu.memory_space<vmem>>[vector<16xi32>, vector<16xi32>], vector<16xf32>,
        tpu.vector_store_idx %arg9[%parallel_loop3A_2202], %parallel_loop3A_2203 : memref<16384xf32, #tpu.memory_space<vmem>>[vector<16xi32>], vector<16xf32>,
        %parallel_loop3A_2204 = arith.constant 16 : i32
        %parallel_loop3A_2205 = vector.broadcast %parallel_loop3A_2204 : i32 to vector<16xi32>
        %parallel_loop3A_2206 = arith.addi %parallel_loop3A_2205, %select_n3A_245 : vector<16xi32>
        %parallel_loop3A_2207 = arith.constant 8192 : i32
        %parallel_loop3A_2208 = arith.addi %parallel_loop3A_2003, %parallel_loop3A_2207 : i32
        %parallel_loop3A_2209 = vector.broadcast %parallel_loop3A_2208 : i32 to vector<16xi32>
        %parallel_loop3A_2210 = arith.addi %parallel_loop3A_2209, %add3A_1002 : vector<16xi32>
        %parallel_loop3A_2211 = tpu.vector_load_idx %arg7[%parallel_loop3A_1958, %parallel_loop3A_2206] : memref<512x32xf32, #tpu.memory_space<vmem>>[vector<16xi32>, vector<16xi32>], vector<16xf32>,
        tpu.vector_store_idx %arg9[%parallel_loop3A_2210], %parallel_loop3A_2211 : memref<16384xf32, #tpu.memory_space<vmem>>[vector<16xi32>], vector<16xf32>,
        %parallel_loop3A_2212 = arith.constant 16 : i32
        %parallel_loop3A_2213 = vector.broadcast %parallel_loop3A_2212 : i32 to vector<16xi32>
        %parallel_loop3A_2214 = arith.addi %parallel_loop3A_2213, %select_n3A_270 : vector<16xi32>
        %parallel_loop3A_2215 = arith.constant 8192 : i32
        %parallel_loop3A_2216 = arith.addi %parallel_loop3A_2003, %parallel_loop3A_2215 : i32
        %parallel_loop3A_2217 = vector.broadcast %parallel_loop3A_2216 : i32 to vector<16xi32>
        %parallel_loop3A_2218 = arith.addi %parallel_loop3A_2217, %add3A_1063 : vector<16xi32>
        %parallel_loop3A_2219 = tpu.vector_load_idx %arg7[%parallel_loop3A_1958, %parallel_loop3A_2214] : memref<512x32xf32, #tpu.memory_space<vmem>>[vector<16xi32>, vector<16xi32>], vector<16xf32>,
        tpu.vector_store_idx %arg9[%parallel_loop3A_2218], %parallel_loop3A_2219 : memref<16384xf32, #tpu.memory_space<vmem>>[vector<16xi32>], vector<16xf32>,
        %parallel_loop3A_2220 = arith.constant 16 : i32
        %parallel_loop3A_2221 = vector.broadcast %parallel_loop3A_2220 : i32 to vector<16xi32>
        %parallel_loop3A_2222 = arith.addi %parallel_loop3A_2221, %select_n3A_295 : vector<16xi32>
        %parallel_loop3A_2223 = arith.constant 8192 : i32
        %parallel_loop3A_2224 = arith.addi %parallel_loop3A_2003, %parallel_loop3A_2223 : i32
        %parallel_loop3A_2225 = vector.broadcast %parallel_loop3A_2224 : i32 to vector<16xi32>
        %parallel_loop3A_2226 = arith.addi %parallel_loop3A_2225, %add3A_1124 : vector<16xi32>
        %parallel_loop3A_2227 = tpu.vector_load_idx %arg7[%parallel_loop3A_1958, %parallel_loop3A_2222] : memref<512x32xf32, #tpu.memory_space<vmem>>[vector<16xi32>, vector<16xi32>], vector<16xf32>,
        tpu.vector_store_idx %arg9[%parallel_loop3A_2226], %parallel_loop3A_2227 : memref<16384xf32, #tpu.memory_space<vmem>>[vector<16xi32>], vector<16xf32>,
        %parallel_loop3A_2228 = arith.constant 16 : i32
        %parallel_loop3A_2229 = vector.broadcast %parallel_loop3A_2228 : i32 to vector<16xi32>
        %parallel_loop3A_2230 = arith.addi %parallel_loop3A_2229, %select_n3A_320 : vector<16xi32>
        %parallel_loop3A_2231 = arith.constant 8192 : i32
        %parallel_loop3A_2232 = arith.addi %parallel_loop3A_2003, %parallel_loop3A_2231 : i32
        %parallel_loop3A_2233 = vector.broadcast %parallel_loop3A_2232 : i32 to vector<16xi32>
        %parallel_loop3A_2234 = arith.addi %parallel_loop3A_2233, %add3A_1185 : vector<16xi32>
        %parallel_loop3A_2235 = tpu.vector_load_idx %arg7[%parallel_loop3A_1958, %parallel_loop3A_2230] : memref<512x32xf32, #tpu.memory_space<vmem>>[vector<16xi32>, vector<16xi32>], vector<16xf32>,
        tpu.vector_store_idx %arg9[%parallel_loop3A_2234], %parallel_loop3A_2235 : memref<16384xf32, #tpu.memory_space<vmem>>[vector<16xi32>], vector<16xf32>,
        %parallel_loop3A_2236 = arith.constant 16 : i32
        %parallel_loop3A_2237 = vector.broadcast %parallel_loop3A_2236 : i32 to vector<16xi32>
        %parallel_loop3A_2238 = arith.addi %parallel_loop3A_2237, %select_n3A_345 : vector<16xi32>
        %parallel_loop3A_2239 = arith.constant 8192 : i32
        %parallel_loop3A_2240 = arith.addi %parallel_loop3A_2003, %parallel_loop3A_2239 : i32
        %parallel_loop3A_2241 = vector.broadcast %parallel_loop3A_2240 : i32 to vector<16xi32>
        %parallel_loop3A_2242 = arith.addi %parallel_loop3A_2241, %add3A_1246 : vector<16xi32>
        %parallel_loop3A_2243 = tpu.vector_load_idx %arg7[%parallel_loop3A_1958, %parallel_loop3A_2238] : memref<512x32xf32, #tpu.memory_space<vmem>>[vector<16xi32>, vector<16xi32>], vector<16xf32>,
        tpu.vector_store_idx %arg9[%parallel_loop3A_2242], %parallel_loop3A_2243 : memref<16384xf32, #tpu.memory_space<vmem>>[vector<16xi32>], vector<16xf32>,
        %parallel_loop3A_2244 = arith.constant 16 : i32
        %parallel_loop3A_2245 = vector.broadcast %parallel_loop3A_2244 : i32 to vector<16xi32>
        %parallel_loop3A_2246 = arith.addi %parallel_loop3A_2245, %select_n3A_370 : vector<16xi32>
        %parallel_loop3A_2247 = arith.constant 8192 : i32
        %parallel_loop3A_2248 = arith.addi %parallel_loop3A_2003, %parallel_loop3A_2247 : i32
        %parallel_loop3A_2249 = vector.broadcast %parallel_loop3A_2248 : i32 to vector<16xi32>
        %parallel_loop3A_2250 = arith.addi %parallel_loop3A_2249, %add3A_1307 : vector<16xi32>
        %parallel_loop3A_2251 = tpu.vector_load_idx %arg7[%parallel_loop3A_1958, %parallel_loop3A_2246] : memref<512x32xf32, #tpu.memory_space<vmem>>[vector<16xi32>, vector<16xi32>], vector<16xf32>,
        tpu.vector_store_idx %arg9[%parallel_loop3A_2250], %parallel_loop3A_2251 : memref<16384xf32, #tpu.memory_space<vmem>>[vector<16xi32>], vector<16xf32>,
        %parallel_loop3A_2252 = arith.constant 16 : i32
        %parallel_loop3A_2253 = vector.broadcast %parallel_loop3A_2252 : i32 to vector<16xi32>
        %parallel_loop3A_2254 = arith.addi %parallel_loop3A_2253, %select_n3A_395 : vector<16xi32>
        %parallel_loop3A_2255 = arith.constant 8192 : i32
        %parallel_loop3A_2256 = arith.addi %parallel_loop3A_2003, %parallel_loop3A_2255 : i32
        %parallel_loop3A_2257 = vector.broadcast %parallel_loop3A_2256 : i32 to vector<16xi32>
        %parallel_loop3A_2258 = arith.addi %parallel_loop3A_2257, %add3A_1368 : vector<16xi32>
        %parallel_loop3A_2259 = tpu.vector_load_idx %arg7[%parallel_loop3A_1958, %parallel_loop3A_2254] : memref<512x32xf32, #tpu.memory_space<vmem>>[vector<16xi32>, vector<16xi32>], vector<16xf32>,
        tpu.vector_store_idx %arg9[%parallel_loop3A_2258], %parallel_loop3A_2259 : memref<16384xf32, #tpu.memory_space<vmem>>[vector<16xi32>], vector<16xf32>,
      } {sc.loop_unroll_factor = 4 : i64, sc.parallel_access}
      %mul3A_1771 = arith.constant 131072 : i32
      %mul3A_1772 = arith.muli %select_n3A_1696, %mul3A_1771 : i32
      %mul3A_1773 = arith.constant 4096 : i32
      %mul3A_1774 = arith.muli %select_n3A_1712, %mul3A_1773 : i32
      %add3A_1775 = arith.addi %mul3A_1772, %mul3A_1774 : i32
      %multiple_of3A = tpu.assume_multiple %add3A_1775, 8 : i32
      %add3A_1776 = arith.constant 0 : i32
      %add3A_1777 = arith.addi %multiple_of3A, %add3A_1776 : i32
      %dma_start3A_1778 = arith.constant 0 : i32
      %dma_start3A_1779 = tpu.memref_slice %arg9[%dma_start3A_1778] : memref<16384xf32, #tpu.memory_space<vmem>> -> memref<4096xf32, #tpu.memory_space<vmem>>
      %dma_start3A_1780 = tpu.memref_slice %arg4[%add3A_1777] : memref<26214400xf32, #tpu.memory_space<hbm>> -> memref<4096xf32, #tpu.memory_space<hbm>>
      %dma_start3A_1781 = tpu.memref_slice %arg4[%add3A_1777] : memref<26214400xf32, #tpu.memory_space<hbm>> -> memref<4096xf32, #tpu.memory_space<hbm>>
      %dma_start3A_1782 = arith.constant 0 : i32
      %dma_start3A_1783 = tpu.memref_slice %arg9[%dma_start3A_1782] : memref<16384xf32, #tpu.memory_space<vmem>> -> memref<4096xf32, #tpu.memory_space<vmem>>
      tpu.enqueue_dma source(%dma_start3A_1783 : memref<4096xf32, #tpu.memory_space<vmem>>) target(%dma_start3A_1781 : memref<4096xf32, #tpu.memory_space<hbm>>) target_semaphore(%arg13 : memref<!tpu.dma_semaphore, #tpu.memory_space<semaphore_mem>>)
      %add3A_1784 = arith.constant 32768 : i32
      %add3A_1785 = arith.addi %multiple_of3A, %add3A_1784 : i32
      %dma_start3A_1786 = arith.constant 4096 : i32
      %dma_start3A_1787 = tpu.memref_slice %arg9[%dma_start3A_1786] : memref<16384xf32, #tpu.memory_space<vmem>> -> memref<4096xf32, #tpu.memory_space<vmem>>
      %dma_start3A_1788 = tpu.memref_slice %arg4[%add3A_1785] : memref<26214400xf32, #tpu.memory_space<hbm>> -> memref<4096xf32, #tpu.memory_space<hbm>>
      %dma_start3A_1789 = tpu.memref_slice %arg4[%add3A_1785] : memref<26214400xf32, #tpu.memory_space<hbm>> -> memref<4096xf32, #tpu.memory_space<hbm>>
      %dma_start3A_1790 = arith.constant 4096 : i32
      %dma_start3A_1791 = tpu.memref_slice %arg9[%dma_start3A_1790] : memref<16384xf32, #tpu.memory_space<vmem>> -> memref<4096xf32, #tpu.memory_space<vmem>>
      tpu.enqueue_dma source(%dma_start3A_1791 : memref<4096xf32, #tpu.memory_space<vmem>>) target(%dma_start3A_1789 : memref<4096xf32, #tpu.memory_space<hbm>>) target_semaphore(%arg13 : memref<!tpu.dma_semaphore, #tpu.memory_space<semaphore_mem>>)
      %add3A_1792 = arith.constant 65536 : i32
      %add3A_1793 = arith.addi %multiple_of3A, %add3A_1792 : i32
      %dma_start3A_1794 = arith.constant 8192 : i32
      %dma_start3A_1795 = tpu.memref_slice %arg9[%dma_start3A_1794] : memref<16384xf32, #tpu.memory_space<vmem>> -> memref<4096xf32, #tpu.memory_space<vmem>>
      %dma_start3A_1796 = tpu.memref_slice %arg4[%add3A_1793] : memref<26214400xf32, #tpu.memory_space<hbm>> -> memref<4096xf32, #tpu.memory_space<hbm>>
      %dma_start3A_1797 = tpu.memref_slice %arg4[%add3A_1793] : memref<26214400xf32, #tpu.memory_space<hbm>> -> memref<4096xf32, #tpu.memory_space<hbm>>
      %dma_start3A_1798 = arith.constant 8192 : i32
      %dma_start3A_1799 = tpu.memref_slice %arg9[%dma_start3A_1798] : memref<16384xf32, #tpu.memory_space<vmem>> -> memref<4096xf32, #tpu.memory_space<vmem>>
      tpu.enqueue_dma source(%dma_start3A_1799 : memref<4096xf32, #tpu.memory_space<vmem>>) target(%dma_start3A_1797 : memref<4096xf32, #tpu.memory_space<hbm>>) target_semaphore(%arg13 : memref<!tpu.dma_semaphore, #tpu.memory_space<semaphore_mem>>)
      %add3A_1800 = arith.constant 98304 : i32
      %add3A_1801 = arith.addi %multiple_of3A, %add3A_1800 : i32
      %dma_start3A_1802 = arith.constant 12288 : i32
      %dma_start3A_1803 = tpu.memref_slice %arg9[%dma_start3A_1802] : memref<16384xf32, #tpu.memory_space<vmem>> -> memref<4096xf32, #tpu.memory_space<vmem>>
      %dma_start3A_1804 = tpu.memref_slice %arg4[%add3A_1801] : memref<26214400xf32, #tpu.memory_space<hbm>> -> memref<4096xf32, #tpu.memory_space<hbm>>
      %dma_start3A_1805 = tpu.memref_slice %arg4[%add3A_1801] : memref<26214400xf32, #tpu.memory_space<hbm>> -> memref<4096xf32, #tpu.memory_space<hbm>>
      %dma_start3A_1806 = arith.constant 12288 : i32
      %dma_start3A_1807 = tpu.memref_slice %arg9[%dma_start3A_1806] : memref<16384xf32, #tpu.memory_space<vmem>> -> memref<4096xf32, #tpu.memory_space<vmem>>
      tpu.enqueue_dma source(%dma_start3A_1807 : memref<4096xf32, #tpu.memory_space<vmem>>) target(%dma_start3A_1805 : memref<4096xf32, #tpu.memory_space<hbm>>) target_semaphore(%arg13 : memref<!tpu.dma_semaphore, #tpu.memory_space<semaphore_mem>>)
      %mul3A_1808 = arith.constant 2 : i32
      %mul3A_1809 = arith.muli %scan3A_1666, %mul3A_1808 : i32
      %add3A_1810 = arith.constant 1 : i32
      %add3A_1811 = arith.addi %mul3A_1809, %add3A_1810 : i32
      %add3A_1812 = arith.addi %mul3A_2, %add3A_1811 : i32
      %jit3A_1813 = arith.constant 8 : i32
      %div3A_1814 = arith.divsi %add3A_1812, %jit3A_1813 : i32
      %sign3A_1815 = arith.constant 0 : i32
      %sign3A_1816 = arith.cmpi sgt, %add3A_1812, %sign3A_1815 : i32
      %sign3A_1817 = arith.extui %sign3A_1816 : i1 to i32
      %sign3A_1818 = arith.constant 0 : i32
      %sign3A_1819 = arith.cmpi slt, %add3A_1812, %sign3A_1818 : i32
      %sign3A_1820 = arith.extui %sign3A_1819 : i1 to i32
      %sign3A_1821 = arith.subi %sign3A_1817, %sign3A_1820 : i32
      %sign3A_1822 = arith.constant 0 : i32
      %sign3A_1823 = arith.cmpi sgt, %jit3A_1813, %sign3A_1822 : i32
      %sign3A_1824 = arith.extui %sign3A_1823 : i1 to i32
      %sign3A_1825 = arith.constant 0 : i32
      %sign3A_1826 = arith.cmpi slt, %jit3A_1813, %sign3A_1825 : i32
      %sign3A_1827 = arith.extui %sign3A_1826 : i1 to i32
      %sign3A_1828 = arith.subi %sign3A_1824, %sign3A_1827 : i32
      %ne3A_1829 = arith.cmpi ne, %sign3A_1821, %sign3A_1828 : i32
      %rem3A_1830 = arith.remsi %add3A_1812, %jit3A_1813 : i32
      %ne3A_1831 = arith.constant 0 : i32
      %ne3A_1832 = arith.cmpi ne, %rem3A_1830, %ne3A_1831 : i32
      %and3A_1833 = arith.andi %ne3A_1829, %ne3A_1832 : i1
      %sub3A_1834 = arith.constant 1 : i32
      %sub3A_1835 = arith.subi %div3A_1814, %sub3A_1834 : i32
      %select_n3A_1836 = arith.select %and3A_1833, %sub3A_1835, %div3A_1814 : i32
      %jit3A_1837 = arith.constant 8 : i32
      %eq3A_1838 = arith.constant 0 : i32
      %eq3A_1839 = arith.cmpi eq, %jit3A_1837, %eq3A_1838 : i32
      %jit3A_1840 = arith.constant 1 : i32
      %select_n3A_1841 = arith.select %eq3A_1839, %jit3A_1840, %jit3A_1837 : i32
      %rem3A_1842 = arith.remsi %add3A_1812, %select_n3A_1841 : i32
      %ne3A_1843 = arith.constant 0 : i32
      %ne3A_1844 = arith.cmpi ne, %rem3A_1842, %ne3A_1843 : i32
      %lt3A_1845 = arith.constant 0 : i32
      %lt3A_1846 = arith.cmpi slt, %rem3A_1842, %lt3A_1845 : i32
      %lt3A_1847 = arith.constant 0 : i32
      %lt3A_1848 = arith.cmpi slt, %select_n3A_1841, %lt3A_1847 : i32
      %ne3A_1849 = arith.xori %lt3A_1846, %lt3A_1848 : i1
      %and3A_1850 = arith.andi %ne3A_1849, %ne3A_1844 : i1
      %add3A_1851 = arith.addi %rem3A_1842, %select_n3A_1841 : i32
      %select_n3A_1852 = arith.select %and3A_1850, %add3A_1851, %rem3A_1842 : i32
      %dma_wait3A_1853 = arith.constant 0 : i32
      %dma_wait3A_1854 = arith.constant 0 : i32
      %dma_wait3A_1855 = arith.constant 0 : i32
      %dma_wait3A_1856 = tpu.memref_slice %arg8[%dma_wait3A_1854, %dma_wait3A_1855] : memref<512x32xf32, #tpu.memory_space<vmem>> -> memref<128x32xf32, #tpu.memory_space<vmem>>
      %dma_wait3A_1857 = arith.constant 0 : i32
      %dma_wait3A_1858 = tpu.memref_slice %arg6[%dma_wait3A_1853, %dma_wait3A_1857] : memref<4x128xi32, #tpu.memory_space<vmem>> -> memref<1x128xi32, #tpu.memory_space<vmem>>
      %dma_wait3A_1859 = tpu.memref_squeeze %dma_wait3A_1858 : memref<1x128xi32, #tpu.memory_space<vmem>> -> memref<128xi32, #tpu.memory_space<vmem>>
      %dma_wait3A_1860 = arith.constant 0 : i32
      %dma_wait3A_1861 = arith.constant 0 : i32
      %dma_wait3A_1862 = tpu.memref_slice %arg3[%dma_wait3A_1860, %dma_wait3A_1861] : memref<1000000x32xf32, #tpu.memory_space<hbm>> -> memref<1000000x32xf32, #tpu.memory_space<hbm>>
      tpu.wait_indirect_dma semaphore(%arg12 : memref<!tpu.dma_semaphore, #tpu.memory_space<semaphore_mem>>) src(%dma_wait3A_1862 : memref<1000000x32xf32, #tpu.memory_space<hbm>>) dst(%dma_wait3A_1856 : memref<128x32xf32, #tpu.memory_space<vmem>>)
      %dma_wait3A_1863 = arith.constant 1 : i32
      %dma_wait3A_1864 = arith.constant 128 : i32
      %dma_wait3A_1865 = arith.constant 0 : i32
      %dma_wait3A_1866 = tpu.memref_slice %arg8[%dma_wait3A_1864, %dma_wait3A_1865] : memref<512x32xf32, #tpu.memory_space<vmem>> -> memref<128x32xf32, #tpu.memory_space<vmem>>
      %dma_wait3A_1867 = arith.constant 0 : i32
      %dma_wait3A_1868 = tpu.memref_slice %arg6[%dma_wait3A_1863, %dma_wait3A_1867] : memref<4x128xi32, #tpu.memory_space<vmem>> -> memref<1x128xi32, #tpu.memory_space<vmem>>
      %dma_wait3A_1869 = tpu.memref_squeeze %dma_wait3A_1868 : memref<1x128xi32, #tpu.memory_space<vmem>> -> memref<128xi32, #tpu.memory_space<vmem>>
      %dma_wait3A_1870 = arith.constant 0 : i32
      %dma_wait3A_1871 = arith.constant 0 : i32
      %dma_wait3A_1872 = tpu.memref_slice %arg3[%dma_wait3A_1870, %dma_wait3A_1871] : memref<1000000x32xf32, #tpu.memory_space<hbm>> -> memref<1000000x32xf32, #tpu.memory_space<hbm>>
      tpu.wait_indirect_dma semaphore(%arg12 : memref<!tpu.dma_semaphore, #tpu.memory_space<semaphore_mem>>) src(%dma_wait3A_1872 : memref<1000000x32xf32, #tpu.memory_space<hbm>>) dst(%dma_wait3A_1866 : memref<128x32xf32, #tpu.memory_space<vmem>>)
      %dma_wait3A_1873 = arith.constant 2 : i32
      %dma_wait3A_1874 = arith.constant 256 : i32
      %dma_wait3A_1875 = arith.constant 0 : i32
      %dma_wait3A_1876 = tpu.memref_slice %arg8[%dma_wait3A_1874, %dma_wait3A_1875] : memref<512x32xf32, #tpu.memory_space<vmem>> -> memref<128x32xf32, #tpu.memory_space<vmem>>
      %dma_wait3A_1877 = arith.constant 0 : i32
      %dma_wait3A_1878 = tpu.memref_slice %arg6[%dma_wait3A_1873, %dma_wait3A_1877] : memref<4x128xi32, #tpu.memory_space<vmem>> -> memref<1x128xi32, #tpu.memory_space<vmem>>
      %dma_wait3A_1879 = tpu.memref_squeeze %dma_wait3A_1878 : memref<1x128xi32, #tpu.memory_space<vmem>> -> memref<128xi32, #tpu.memory_space<vmem>>
      %dma_wait3A_1880 = arith.constant 0 : i32
      %dma_wait3A_1881 = arith.constant 0 : i32
      %dma_wait3A_1882 = tpu.memref_slice %arg3[%dma_wait3A_1880, %dma_wait3A_1881] : memref<1000000x32xf32, #tpu.memory_space<hbm>> -> memref<1000000x32xf32, #tpu.memory_space<hbm>>
      tpu.wait_indirect_dma semaphore(%arg12 : memref<!tpu.dma_semaphore, #tpu.memory_space<semaphore_mem>>) src(%dma_wait3A_1882 : memref<1000000x32xf32, #tpu.memory_space<hbm>>) dst(%dma_wait3A_1876 : memref<128x32xf32, #tpu.memory_space<vmem>>)
      %dma_wait3A_1883 = arith.constant 3 : i32
      %dma_wait3A_1884 = arith.constant 384 : i32
      %dma_wait3A_1885 = arith.constant 0 : i32
      %dma_wait3A_1886 = tpu.memref_slice %arg8[%dma_wait3A_1884, %dma_wait3A_1885] : memref<512x32xf32, #tpu.memory_space<vmem>> -> memref<128x32xf32, #tpu.memory_space<vmem>>
      %dma_wait3A_1887 = arith.constant 0 : i32
      %dma_wait3A_1888 = tpu.memref_slice %arg6[%dma_wait3A_1883, %dma_wait3A_1887] : memref<4x128xi32, #tpu.memory_space<vmem>> -> memref<1x128xi32, #tpu.memory_space<vmem>>
      %dma_wait3A_1889 = tpu.memref_squeeze %dma_wait3A_1888 : memref<1x128xi32, #tpu.memory_space<vmem>> -> memref<128xi32, #tpu.memory_space<vmem>>
      %dma_wait3A_1890 = arith.constant 0 : i32
      %dma_wait3A_1891 = arith.constant 0 : i32
      %dma_wait3A_1892 = tpu.memref_slice %arg3[%dma_wait3A_1890, %dma_wait3A_1891] : memref<1000000x32xf32, #tpu.memory_space<hbm>> -> memref<1000000x32xf32, #tpu.memory_space<hbm>>
      tpu.wait_indirect_dma semaphore(%arg12 : memref<!tpu.dma_semaphore, #tpu.memory_space<semaphore_mem>>) src(%dma_wait3A_1892 : memref<1000000x32xf32, #tpu.memory_space<hbm>>) dst(%dma_wait3A_1886 : memref<128x32xf32, #tpu.memory_space<vmem>>)
      %add3A_1893 = arith.constant 1 : i32
      %add3A_1894 = arith.addi %add3A_1811, %add3A_1893 : i32
      %lt3A_1895 = arith.constant 50 : i32
      %lt3A_1896 = arith.cmpi slt, %add3A_1894, %lt3A_1895 : i32
      %convert_element_type3A_1897 = arith.extui %lt3A_1896 : i1 to i32
      %cond3A_1898 = arith.constant 0 : i32
      %cond3A_1899 = arith.cmpi ne, %convert_element_type3A_1897, %cond3A_1898 : i32
      scf.if %cond3A_1899 {
        %dma_wait3A_1954 = arith.constant 0 : i32
        %dma_wait3A_1955 = arith.constant 0 : i32
        %dma_wait3A_1956 = arith.constant 0 : i32
        %dma_wait3A_1957 = tpu.memref_slice %arg2[%dma_wait3A_1954, %dma_wait3A_1955, %dma_wait3A_1956] : memref<25x32x1024xi32, #tpu.memory_space<hbm>> -> memref<1x4x128xi32, #tpu.memory_space<hbm>>
        %dma_wait3A_1958 = tpu.memref_squeeze %dma_wait3A_1957 : memref<1x4x128xi32, #tpu.memory_space<hbm>> -> memref<4x128xi32, #tpu.memory_space<hbm>>
        %dma_wait3A_1959 = arith.constant 0 : i32
        %dma_wait3A_1960 = arith.constant 0 : i32
        %dma_wait3A_1961 = tpu.memref_slice %arg2[%dma_wait3A_1954, %dma_wait3A_1959, %dma_wait3A_1960] : memref<25x32x1024xi32, #tpu.memory_space<hbm>> -> memref<1x4x128xi32, #tpu.memory_space<hbm>>
        %dma_wait3A_1962 = tpu.memref_squeeze %dma_wait3A_1961 : memref<1x4x128xi32, #tpu.memory_space<hbm>> -> memref<4x128xi32, #tpu.memory_space<hbm>>
        tpu.wait_dma2 semaphore(%arg15 : memref<!tpu.dma_semaphore, #tpu.memory_space<semaphore_mem>>) src(%dma_wait3A_1962 : memref<4x128xi32, #tpu.memory_space<hbm>>) dst(%arg5 : memref<4x128xi32, #tpu.memory_space<vmem>>)
        %dma_start3A_1963 = arith.constant 0 : i32
        %dma_start3A_1964 = arith.constant 0 : i32
        %dma_start3A_1965 = arith.constant 0 : i32
        %dma_start3A_1966 = tpu.memref_slice %arg7[%dma_start3A_1964, %dma_start3A_1965] : memref<512x32xf32, #tpu.memory_space<vmem>> -> memref<128x32xf32, #tpu.memory_space<vmem>>
        %dma_start3A_1967 = arith.constant 0 : i32
        %dma_start3A_1968 = tpu.memref_slice %arg5[%dma_start3A_1963, %dma_start3A_1967] : memref<4x128xi32, #tpu.memory_space<vmem>> -> memref<1x128xi32, #tpu.memory_space<vmem>>
        %dma_start3A_1969 = tpu.memref_squeeze %dma_start3A_1968 : memref<1x128xi32, #tpu.memory_space<vmem>> -> memref<128xi32, #tpu.memory_space<vmem>>
        %dma_start3A_1970 = arith.constant 0 : i32
        %dma_start3A_1971 = arith.constant 0 : i32
        %dma_start3A_1972 = tpu.memref_slice %arg3[%dma_start3A_1970, %dma_start3A_1971] : memref<1000000x32xf32, #tpu.memory_space<hbm>> -> memref<1000000x32xf32, #tpu.memory_space<hbm>>
        tpu.enqueue_indirect_dma source(%dma_start3A_1972 : memref<1000000x32xf32, #tpu.memory_space<hbm>>) target(%dma_start3A_1966 : memref<128x32xf32, #tpu.memory_space<vmem>>) offsets(%dma_start3A_1969 : memref<128xi32, #tpu.memory_space<vmem>>) semaphore(%arg11 : memref<!tpu.dma_semaphore, #tpu.memory_space<semaphore_mem>>)
        %dma_start3A_1973 = arith.constant 1 : i32
        %dma_start3A_1974 = arith.constant 128 : i32
        %dma_start3A_1975 = arith.constant 0 : i32
        %dma_start3A_1976 = tpu.memref_slice %arg7[%dma_start3A_1974, %dma_start3A_1975] : memref<512x32xf32, #tpu.memory_space<vmem>> -> memref<128x32xf32, #tpu.memory_space<vmem>>
        %dma_start3A_1977 = arith.constant 0 : i32
        %dma_start3A_1978 = tpu.memref_slice %arg5[%dma_start3A_1973, %dma_start3A_1977] : memref<4x128xi32, #tpu.memory_space<vmem>> -> memref<1x128xi32, #tpu.memory_space<vmem>>
        %dma_start3A_1979 = tpu.memref_squeeze %dma_start3A_1978 : memref<1x128xi32, #tpu.memory_space<vmem>> -> memref<128xi32, #tpu.memory_space<vmem>>
        %dma_start3A_1980 = arith.constant 0 : i32
        %dma_start3A_1981 = arith.constant 0 : i32
        %dma_start3A_1982 = tpu.memref_slice %arg3[%dma_start3A_1980, %dma_start3A_1981] : memref<1000000x32xf32, #tpu.memory_space<hbm>> -> memref<1000000x32xf32, #tpu.memory_space<hbm>>
        tpu.enqueue_indirect_dma source(%dma_start3A_1982 : memref<1000000x32xf32, #tpu.memory_space<hbm>>) target(%dma_start3A_1976 : memref<128x32xf32, #tpu.memory_space<vmem>>) offsets(%dma_start3A_1979 : memref<128xi32, #tpu.memory_space<vmem>>) semaphore(%arg11 : memref<!tpu.dma_semaphore, #tpu.memory_space<semaphore_mem>>)
        %dma_start3A_1983 = arith.constant 2 : i32
        %dma_start3A_1984 = arith.constant 256 : i32
        %dma_start3A_1985 = arith.constant 0 : i32
        %dma_start3A_1986 = tpu.memref_slice %arg7[%dma_start3A_1984, %dma_start3A_1985] : memref<512x32xf32, #tpu.memory_space<vmem>> -> memref<128x32xf32, #tpu.memory_space<vmem>>
        %dma_start3A_1987 = arith.constant 0 : i32
        %dma_start3A_1988 = tpu.memref_slice %arg5[%dma_start3A_1983, %dma_start3A_1987] : memref<4x128xi32, #tpu.memory_space<vmem>> -> memref<1x128xi32, #tpu.memory_space<vmem>>
        %dma_start3A_1989 = tpu.memref_squeeze %dma_start3A_1988 : memref<1x128xi32, #tpu.memory_space<vmem>> -> memref<128xi32, #tpu.memory_space<vmem>>
        %dma_start3A_1990 = arith.constant 0 : i32
        %dma_start3A_1991 = arith.constant 0 : i32
        %dma_start3A_1992 = tpu.memref_slice %arg3[%dma_start3A_1990, %dma_start3A_1991] : memref<1000000x32xf32, #tpu.memory_space<hbm>> -> memref<1000000x32xf32, #tpu.memory_space<hbm>>
        tpu.enqueue_indirect_dma source(%dma_start3A_1992 : memref<1000000x32xf32, #tpu.memory_space<hbm>>) target(%dma_start3A_1986 : memref<128x32xf32, #tpu.memory_space<vmem>>) offsets(%dma_start3A_1989 : memref<128xi32, #tpu.memory_space<vmem>>) semaphore(%arg11 : memref<!tpu.dma_semaphore, #tpu.memory_space<semaphore_mem>>)
        %dma_start3A_1993 = arith.constant 3 : i32
        %dma_start3A_1994 = arith.constant 384 : i32
        %dma_start3A_1995 = arith.constant 0 : i32
        %dma_start3A_1996 = tpu.memref_slice %arg7[%dma_start3A_1994, %dma_start3A_1995] : memref<512x32xf32, #tpu.memory_space<vmem>> -> memref<128x32xf32, #tpu.memory_space<vmem>>
        %dma_start3A_1997 = arith.constant 0 : i32
        %dma_start3A_1998 = tpu.memref_slice %arg5[%dma_start3A_1993, %dma_start3A_1997] : memref<4x128xi32, #tpu.memory_space<vmem>> -> memref<1x128xi32, #tpu.memory_space<vmem>>
        %dma_start3A_1999 = tpu.memref_squeeze %dma_start3A_1998 : memref<1x128xi32, #tpu.memory_space<vmem>> -> memref<128xi32, #tpu.memory_space<vmem>>
        %dma_start3A_2000 = arith.constant 0 : i32
        %dma_start3A_2001 = arith.constant 0 : i32
        %dma_start3A_2002 = tpu.memref_slice %arg3[%dma_start3A_2000, %dma_start3A_2001] : memref<1000000x32xf32, #tpu.memory_space<hbm>> -> memref<1000000x32xf32, #tpu.memory_space<hbm>>
        tpu.enqueue_indirect_dma source(%dma_start3A_2002 : memref<1000000x32xf32, #tpu.memory_space<hbm>>) target(%dma_start3A_1996 : memref<128x32xf32, #tpu.memory_space<vmem>>) offsets(%dma_start3A_1999 : memref<128xi32, #tpu.memory_space<vmem>>) semaphore(%arg11 : memref<!tpu.dma_semaphore, #tpu.memory_space<semaphore_mem>>)
      } else {
      }
      %add3A_1900 = arith.constant 2 : i32
      %add3A_1901 = arith.addi %add3A_1811, %add3A_1900 : i32
      %lt3A_1902 = arith.constant 50 : i32
      %lt3A_1903 = arith.cmpi slt, %add3A_1901, %lt3A_1902 : i32
      %convert_element_type3A_1904 = arith.extui %lt3A_1903 : i1 to i32
      %cond3A_1905 = arith.constant 0 : i32
      %cond3A_1906 = arith.cmpi ne, %convert_element_type3A_1904, %cond3A_1905 : i32
      scf.if %cond3A_1906 {
        %add3A_1954 = arith.constant 2 : i32
        %add3A_1955 = arith.addi %add3A_1811, %add3A_1954 : i32
        %add3A_1956 = arith.addi %mul3A_2, %add3A_1955 : i32
        %jit3A_1957 = arith.constant 8 : i32
        %div3A_1958 = arith.divsi %add3A_1956, %jit3A_1957 : i32
        %sign3A_1959 = arith.constant 0 : i32
        %sign3A_1960 = arith.cmpi sgt, %add3A_1956, %sign3A_1959 : i32
        %sign3A_1961 = arith.extui %sign3A_1960 : i1 to i32
        %sign3A_1962 = arith.constant 0 : i32
        %sign3A_1963 = arith.cmpi slt, %add3A_1956, %sign3A_1962 : i32
        %sign3A_1964 = arith.extui %sign3A_1963 : i1 to i32
        %sign3A_1965 = arith.subi %sign3A_1961, %sign3A_1964 : i32
        %sign3A_1966 = arith.constant 0 : i32
        %sign3A_1967 = arith.cmpi sgt, %jit3A_1957, %sign3A_1966 : i32
        %sign3A_1968 = arith.extui %sign3A_1967 : i1 to i32
        %sign3A_1969 = arith.constant 0 : i32
        %sign3A_1970 = arith.cmpi slt, %jit3A_1957, %sign3A_1969 : i32
        %sign3A_1971 = arith.extui %sign3A_1970 : i1 to i32
        %sign3A_1972 = arith.subi %sign3A_1968, %sign3A_1971 : i32
        %ne3A_1973 = arith.cmpi ne, %sign3A_1965, %sign3A_1972 : i32
        %rem3A_1974 = arith.remsi %add3A_1956, %jit3A_1957 : i32
        %ne3A_1975 = arith.constant 0 : i32
        %ne3A_1976 = arith.cmpi ne, %rem3A_1974, %ne3A_1975 : i32
        %and3A_1977 = arith.andi %ne3A_1973, %ne3A_1976 : i1
        %sub3A_1978 = arith.constant 1 : i32
        %sub3A_1979 = arith.subi %div3A_1958, %sub3A_1978 : i32
        %select_n3A_1980 = arith.select %and3A_1977, %sub3A_1979, %div3A_1958 : i32
        %jit3A_1981 = arith.constant 8 : i32
        %eq3A_1982 = arith.constant 0 : i32
        %eq3A_1983 = arith.cmpi eq, %jit3A_1981, %eq3A_1982 : i32
        %jit3A_1984 = arith.constant 1 : i32
        %select_n3A_1985 = arith.select %eq3A_1983, %jit3A_1984, %jit3A_1981 : i32
        %rem3A_1986 = arith.remsi %add3A_1956, %select_n3A_1985 : i32
        %ne3A_1987 = arith.constant 0 : i32
        %ne3A_1988 = arith.cmpi ne, %rem3A_1986, %ne3A_1987 : i32
        %lt3A_1989 = arith.constant 0 : i32
        %lt3A_1990 = arith.cmpi slt, %rem3A_1986, %lt3A_1989 : i32
        %lt3A_1991 = arith.constant 0 : i32
        %lt3A_1992 = arith.cmpi slt, %select_n3A_1985, %lt3A_1991 : i32
        %ne3A_1993 = arith.xori %lt3A_1990, %lt3A_1992 : i1
        %and3A_1994 = arith.andi %ne3A_1993, %ne3A_1988 : i1
        %add3A_1995 = arith.addi %rem3A_1986, %select_n3A_1985 : i32
        %select_n3A_1996 = arith.select %and3A_1994, %add3A_1995, %rem3A_1986 : i32
        %jit3A_1997 = arith.constant 8 : i32
        %div3A_1998 = arith.divsi %select_n3A_1980, %jit3A_1997 : i32
        %sign3A_1999 = arith.constant 0 : i32
        %sign3A_2000 = arith.cmpi sgt, %select_n3A_1980, %sign3A_1999 : i32
        %sign3A_2001 = arith.extui %sign3A_2000 : i1 to i32
        %sign3A_2002 = arith.constant 0 : i32
        %sign3A_2003 = arith.cmpi slt, %select_n3A_1980, %sign3A_2002 : i32
        %sign3A_2004 = arith.extui %sign3A_2003 : i1 to i32
        %sign3A_2005 = arith.subi %sign3A_2001, %sign3A_2004 : i32
        %sign3A_2006 = arith.constant 0 : i32
        %sign3A_2007 = arith.cmpi sgt, %jit3A_1997, %sign3A_2006 : i32
        %sign3A_2008 = arith.extui %sign3A_2007 : i1 to i32
        %sign3A_2009 = arith.constant 0 : i32
        %sign3A_2010 = arith.cmpi slt, %jit3A_1997, %sign3A_2009 : i32
        %sign3A_2011 = arith.extui %sign3A_2010 : i1 to i32
        %sign3A_2012 = arith.subi %sign3A_2008, %sign3A_2011 : i32
        %ne3A_2013 = arith.cmpi ne, %sign3A_2005, %sign3A_2012 : i32
        %rem3A_2014 = arith.remsi %select_n3A_1980, %jit3A_1997 : i32
        %ne3A_2015 = arith.constant 0 : i32
        %ne3A_2016 = arith.cmpi ne, %rem3A_2014, %ne3A_2015 : i32
        %and3A_2017 = arith.andi %ne3A_2013, %ne3A_2016 : i1
        %sub3A_2018 = arith.constant 1 : i32
        %sub3A_2019 = arith.subi %div3A_1998, %sub3A_2018 : i32
        %select_n3A_2020 = arith.select %and3A_2017, %sub3A_2019, %div3A_1998 : i32
        %mul3A_2021 = arith.constant 4 : i32
        %mul3A_2022 = arith.muli %select_n3A_1996, %mul3A_2021 : i32
        %jit3A_2023 = arith.constant 8 : i32
        %eq3A_2024 = arith.constant 0 : i32
        %eq3A_2025 = arith.cmpi eq, %jit3A_2023, %eq3A_2024 : i32
        %jit3A_2026 = arith.constant 1 : i32
        %select_n3A_2027 = arith.select %eq3A_2025, %jit3A_2026, %jit3A_2023 : i32
        %rem3A_2028 = arith.remsi %select_n3A_1980, %select_n3A_2027 : i32
        %ne3A_2029 = arith.constant 0 : i32
        %ne3A_2030 = arith.cmpi ne, %rem3A_2028, %ne3A_2029 : i32
        %lt3A_2031 = arith.constant 0 : i32
        %lt3A_2032 = arith.cmpi slt, %rem3A_2028, %lt3A_2031 : i32
        %lt3A_2033 = arith.constant 0 : i32
        %lt3A_2034 = arith.cmpi slt, %select_n3A_2027, %lt3A_2033 : i32
        %ne3A_2035 = arith.xori %lt3A_2032, %lt3A_2034 : i1
        %and3A_2036 = arith.andi %ne3A_2035, %ne3A_2030 : i1
        %add3A_2037 = arith.addi %rem3A_2028, %select_n3A_2027 : i32
        %select_n3A_2038 = arith.select %and3A_2036, %add3A_2037, %rem3A_2028 : i32
        %mul3A_2039 = arith.constant 128 : i32
        %mul3A_2040 = arith.muli %select_n3A_2038, %mul3A_2039 : i32
        %dma_start3A_2041 = tpu.memref_slice %arg2[%select_n3A_2020, %mul3A_2022, %mul3A_2040] : memref<25x32x1024xi32, #tpu.memory_space<hbm>> -> memref<1x4x128xi32, #tpu.memory_space<hbm>>
        %dma_start3A_2042 = tpu.memref_squeeze %dma_start3A_2041 : memref<1x4x128xi32, #tpu.memory_space<hbm>> -> memref<4x128xi32, #tpu.memory_space<hbm>>
        %dma_start3A_2043 = tpu.memref_slice %arg2[%select_n3A_2020, %mul3A_2022, %mul3A_2040] : memref<25x32x1024xi32, #tpu.memory_space<hbm>> -> memref<1x4x128xi32, #tpu.memory_space<hbm>>
        %dma_start3A_2044 = tpu.memref_squeeze %dma_start3A_2043 : memref<1x4x128xi32, #tpu.memory_space<hbm>> -> memref<4x128xi32, #tpu.memory_space<hbm>>
        tpu.enqueue_dma source(%dma_start3A_2044 : memref<4x128xi32, #tpu.memory_space<hbm>>) target(%arg6 : memref<4x128xi32, #tpu.memory_space<vmem>>) target_semaphore(%arg16 : memref<!tpu.dma_semaphore, #tpu.memory_space<semaphore_mem>>)
      } else {
      }
      %ge3A_1907 = arith.constant 2 : i32
      %ge3A_1908 = arith.cmpi sge, %add3A_1811, %ge3A_1907 : i32
      %convert_element_type3A_1909 = arith.extui %ge3A_1908 : i1 to i32
      %cond3A_1910 = arith.constant 0 : i32
      %cond3A_1911 = arith.cmpi ne, %convert_element_type3A_1909, %cond3A_1910 : i32
      scf.if %cond3A_1911 {
        %dma_wait3A_1954 = arith.constant 0 : i32
        %dma_wait3A_1955 = tpu.memref_slice %arg10[%dma_wait3A_1954] : memref<16384xf32, #tpu.memory_space<vmem>> -> memref<4096xf32, #tpu.memory_space<vmem>>
        %dma_wait3A_1956 = arith.constant 0 : i32
        %dma_wait3A_1957 = tpu.memref_slice %arg4[%dma_wait3A_1956] : memref<26214400xf32, #tpu.memory_space<hbm>> -> memref<4096xf32, #tpu.memory_space<hbm>>
        %dma_wait3A_1958 = arith.constant 0 : i32
        %dma_wait3A_1959 = tpu.memref_slice %arg4[%dma_wait3A_1958] : memref<26214400xf32, #tpu.memory_space<hbm>> -> memref<4096xf32, #tpu.memory_space<hbm>>
        %dma_wait3A_1960 = arith.constant 0 : i32
        %dma_wait3A_1961 = tpu.memref_slice %arg10[%dma_wait3A_1960] : memref<16384xf32, #tpu.memory_space<vmem>> -> memref<4096xf32, #tpu.memory_space<vmem>>
        tpu.wait_dma2 semaphore(%arg14 : memref<!tpu.dma_semaphore, #tpu.memory_space<semaphore_mem>>) src(%dma_wait3A_1961 : memref<4096xf32, #tpu.memory_space<vmem>>) dst(%dma_wait3A_1959 : memref<4096xf32, #tpu.memory_space<hbm>>)
        %dma_wait3A_1962 = arith.constant 0 : i32
        %dma_wait3A_1963 = tpu.memref_slice %arg10[%dma_wait3A_1962] : memref<16384xf32, #tpu.memory_space<vmem>> -> memref<4096xf32, #tpu.memory_space<vmem>>
        %dma_wait3A_1964 = arith.constant 0 : i32
        %dma_wait3A_1965 = tpu.memref_slice %arg4[%dma_wait3A_1964] : memref<26214400xf32, #tpu.memory_space<hbm>> -> memref<4096xf32, #tpu.memory_space<hbm>>
        %dma_wait3A_1966 = arith.constant 0 : i32
        %dma_wait3A_1967 = tpu.memref_slice %arg4[%dma_wait3A_1966] : memref<26214400xf32, #tpu.memory_space<hbm>> -> memref<4096xf32, #tpu.memory_space<hbm>>
        %dma_wait3A_1968 = arith.constant 0 : i32
        %dma_wait3A_1969 = tpu.memref_slice %arg10[%dma_wait3A_1968] : memref<16384xf32, #tpu.memory_space<vmem>> -> memref<4096xf32, #tpu.memory_space<vmem>>
        tpu.wait_dma2 semaphore(%arg14 : memref<!tpu.dma_semaphore, #tpu.memory_space<semaphore_mem>>) src(%dma_wait3A_1969 : memref<4096xf32, #tpu.memory_space<vmem>>) dst(%dma_wait3A_1967 : memref<4096xf32, #tpu.memory_space<hbm>>)
        %dma_wait3A_1970 = arith.constant 0 : i32
        %dma_wait3A_1971 = tpu.memref_slice %arg10[%dma_wait3A_1970] : memref<16384xf32, #tpu.memory_space<vmem>> -> memref<4096xf32, #tpu.memory_space<vmem>>
        %dma_wait3A_1972 = arith.constant 0 : i32
        %dma_wait3A_1973 = tpu.memref_slice %arg4[%dma_wait3A_1972] : memref<26214400xf32, #tpu.memory_space<hbm>> -> memref<4096xf32, #tpu.memory_space<hbm>>
        %dma_wait3A_1974 = arith.constant 0 : i32
        %dma_wait3A_1975 = tpu.memref_slice %arg4[%dma_wait3A_1974] : memref<26214400xf32, #tpu.memory_space<hbm>> -> memref<4096xf32, #tpu.memory_space<hbm>>
        %dma_wait3A_1976 = arith.constant 0 : i32
        %dma_wait3A_1977 = tpu.memref_slice %arg10[%dma_wait3A_1976] : memref<16384xf32, #tpu.memory_space<vmem>> -> memref<4096xf32, #tpu.memory_space<vmem>>
        tpu.wait_dma2 semaphore(%arg14 : memref<!tpu.dma_semaphore, #tpu.memory_space<semaphore_mem>>) src(%dma_wait3A_1977 : memref<4096xf32, #tpu.memory_space<vmem>>) dst(%dma_wait3A_1975 : memref<4096xf32, #tpu.memory_space<hbm>>)
        %dma_wait3A_1978 = arith.constant 0 : i32
        %dma_wait3A_1979 = tpu.memref_slice %arg10[%dma_wait3A_1978] : memref<16384xf32, #tpu.memory_space<vmem>> -> memref<4096xf32, #tpu.memory_space<vmem>>
        %dma_wait3A_1980 = arith.constant 0 : i32
        %dma_wait3A_1981 = tpu.memref_slice %arg4[%dma_wait3A_1980] : memref<26214400xf32, #tpu.memory_space<hbm>> -> memref<4096xf32, #tpu.memory_space<hbm>>
        %dma_wait3A_1982 = arith.constant 0 : i32
        %dma_wait3A_1983 = tpu.memref_slice %arg4[%dma_wait3A_1982] : memref<26214400xf32, #tpu.memory_space<hbm>> -> memref<4096xf32, #tpu.memory_space<hbm>>
        %dma_wait3A_1984 = arith.constant 0 : i32
        %dma_wait3A_1985 = tpu.memref_slice %arg10[%dma_wait3A_1984] : memref<16384xf32, #tpu.memory_space<vmem>> -> memref<4096xf32, #tpu.memory_space<vmem>>
        tpu.wait_dma2 semaphore(%arg14 : memref<!tpu.dma_semaphore, #tpu.memory_space<semaphore_mem>>) src(%dma_wait3A_1985 : memref<4096xf32, #tpu.memory_space<vmem>>) dst(%dma_wait3A_1983 : memref<4096xf32, #tpu.memory_space<hbm>>)
      } else {
      }
      %parallel_loop3A_1912 = arith.constant 0 : i32
      %parallel_loop3A_1913 = arith.constant 32 : i32
      %parallel_loop3A_1914 = arith.constant 1 : i32
      scf.for %parallel_loop3A_1954 = %parallel_loop3A_1912 to %parallel_loop3A_1913 step %parallel_loop3A_1914  : i32 {
        %parallel_loop3A_1955 = arith.constant 16 : i32
        %parallel_loop3A_1956 = arith.muli %parallel_loop3A_1954, %parallel_loop3A_1955 : i32
        %parallel_loop3A_1957 = vector.broadcast %parallel_loop3A_1956 : i32 to vector<16xi32>
        %parallel_loop3A_1958 = arith.addi %parallel_loop3A_1957, %iota3A : vector<16xi32>
        %parallel_loop3A_1959 = arith.constant 8 : i32
        %parallel_loop3A_1960 = arith.divsi %parallel_loop3A_1954, %parallel_loop3A_1959 : i32
        %parallel_loop3A_1961 = arith.constant 0 : i32
        %parallel_loop3A_1962 = arith.cmpi sgt, %parallel_loop3A_1954, %parallel_loop3A_1961 : i32
        %parallel_loop3A_1963 = arith.extui %parallel_loop3A_1962 : i1 to i32
        %parallel_loop3A_1964 = arith.constant 0 : i32
        %parallel_loop3A_1965 = arith.cmpi slt, %parallel_loop3A_1954, %parallel_loop3A_1964 : i32
        %parallel_loop3A_1966 = arith.extui %parallel_loop3A_1965 : i1 to i32
        %parallel_loop3A_1967 = arith.subi %parallel_loop3A_1963, %parallel_loop3A_1966 : i32
        %parallel_loop3A_1968 = arith.constant 0 : i32
        %parallel_loop3A_1969 = arith.cmpi sgt, %parallel_loop3A_1959, %parallel_loop3A_1968 : i32
        %parallel_loop3A_1970 = arith.extui %parallel_loop3A_1969 : i1 to i32
        %parallel_loop3A_1971 = arith.constant 0 : i32
        %parallel_loop3A_1972 = arith.cmpi slt, %parallel_loop3A_1959, %parallel_loop3A_1971 : i32
        %parallel_loop3A_1973 = arith.extui %parallel_loop3A_1972 : i1 to i32
        %parallel_loop3A_1974 = arith.subi %parallel_loop3A_1970, %parallel_loop3A_1973 : i32
        %parallel_loop3A_1975 = arith.cmpi ne, %parallel_loop3A_1967, %parallel_loop3A_1974 : i32
        %parallel_loop3A_1976 = arith.remsi %parallel_loop3A_1954, %parallel_loop3A_1959 : i32
        %parallel_loop3A_1977 = arith.constant 0 : i32
        %parallel_loop3A_1978 = arith.cmpi ne, %parallel_loop3A_1976, %parallel_loop3A_1977 : i32
        %parallel_loop3A_1979 = arith.andi %parallel_loop3A_1975, %parallel_loop3A_1978 : i1
        %parallel_loop3A_1980 = arith.constant 1 : i32
        %parallel_loop3A_1981 = arith.subi %parallel_loop3A_1960, %parallel_loop3A_1980 : i32
        %parallel_loop3A_1982 = arith.select %parallel_loop3A_1979, %parallel_loop3A_1981, %parallel_loop3A_1960 : i32
        %parallel_loop3A_1983 = arith.constant 1024 : i32
        %parallel_loop3A_1984 = arith.muli %parallel_loop3A_1982, %parallel_loop3A_1983 : i32
        %parallel_loop3A_1985 = arith.constant 8 : i32
        %parallel_loop3A_1986 = arith.constant 0 : i32
        %parallel_loop3A_1987 = arith.cmpi eq, %parallel_loop3A_1985, %parallel_loop3A_1986 : i32
        %parallel_loop3A_1988 = arith.constant 1 : i32
        %parallel_loop3A_1989 = arith.select %parallel_loop3A_1987, %parallel_loop3A_1988, %parallel_loop3A_1985 : i32
        %parallel_loop3A_1990 = arith.remsi %parallel_loop3A_1954, %parallel_loop3A_1989 : i32
        %parallel_loop3A_1991 = arith.constant 0 : i32
        %parallel_loop3A_1992 = arith.cmpi ne, %parallel_loop3A_1990, %parallel_loop3A_1991 : i32
        %parallel_loop3A_1993 = arith.constant 0 : i32
        %parallel_loop3A_1994 = arith.cmpi slt, %parallel_loop3A_1990, %parallel_loop3A_1993 : i32
        %parallel_loop3A_1995 = arith.constant 0 : i32
        %parallel_loop3A_1996 = arith.cmpi slt, %parallel_loop3A_1989, %parallel_loop3A_1995 : i32
        %parallel_loop3A_1997 = arith.xori %parallel_loop3A_1994, %parallel_loop3A_1996 : i1
        %parallel_loop3A_1998 = arith.andi %parallel_loop3A_1997, %parallel_loop3A_1992 : i1
        %parallel_loop3A_1999 = arith.addi %parallel_loop3A_1990, %parallel_loop3A_1989 : i32
        %parallel_loop3A_2000 = arith.select %parallel_loop3A_1998, %parallel_loop3A_1999, %parallel_loop3A_1990 : i32
        %parallel_loop3A_2001 = arith.constant 16 : i32
        %parallel_loop3A_2002 = arith.muli %parallel_loop3A_2000, %parallel_loop3A_2001 : i32
        %parallel_loop3A_2003 = arith.addi %parallel_loop3A_1984, %parallel_loop3A_2002 : i32
        %parallel_loop3A_2004 = arith.constant 0 : i32
        %parallel_loop3A_2005 = vector.broadcast %parallel_loop3A_2004 : i32 to vector<16xi32>
        %parallel_loop3A_2006 = arith.addi %parallel_loop3A_2005, %select_n3A_20 : vector<16xi32>
        %parallel_loop3A_2007 = arith.constant 0 : i32
        %parallel_loop3A_2008 = arith.addi %parallel_loop3A_2003, %parallel_loop3A_2007 : i32
        %parallel_loop3A_2009 = vector.broadcast %parallel_loop3A_2008 : i32 to vector<16xi32>
        %parallel_loop3A_2010 = arith.addi %parallel_loop3A_2009, %add3A_453 : vector<16xi32>
        %parallel_loop3A_2011 = tpu.vector_load_idx %arg8[%parallel_loop3A_1958, %parallel_loop3A_2006] : memref<512x32xf32, #tpu.memory_space<vmem>>[vector<16xi32>, vector<16xi32>], vector<16xf32>,
        tpu.vector_store_idx %arg10[%parallel_loop3A_2010], %parallel_loop3A_2011 : memref<16384xf32, #tpu.memory_space<vmem>>[vector<16xi32>], vector<16xf32>,
        %parallel_loop3A_2012 = arith.constant 0 : i32
        %parallel_loop3A_2013 = vector.broadcast %parallel_loop3A_2012 : i32 to vector<16xi32>
        %parallel_loop3A_2014 = arith.addi %parallel_loop3A_2013, %select_n3A_45 : vector<16xi32>
        %parallel_loop3A_2015 = arith.constant 0 : i32
        %parallel_loop3A_2016 = arith.addi %parallel_loop3A_2003, %parallel_loop3A_2015 : i32
        %parallel_loop3A_2017 = vector.broadcast %parallel_loop3A_2016 : i32 to vector<16xi32>
        %parallel_loop3A_2018 = arith.addi %parallel_loop3A_2017, %add3A_514 : vector<16xi32>
        %parallel_loop3A_2019 = tpu.vector_load_idx %arg8[%parallel_loop3A_1958, %parallel_loop3A_2014] : memref<512x32xf32, #tpu.memory_space<vmem>>[vector<16xi32>, vector<16xi32>], vector<16xf32>,
        tpu.vector_store_idx %arg10[%parallel_loop3A_2018], %parallel_loop3A_2019 : memref<16384xf32, #tpu.memory_space<vmem>>[vector<16xi32>], vector<16xf32>,
        %parallel_loop3A_2020 = arith.constant 0 : i32
        %parallel_loop3A_2021 = vector.broadcast %parallel_loop3A_2020 : i32 to vector<16xi32>
        %parallel_loop3A_2022 = arith.addi %parallel_loop3A_2021, %select_n3A_70 : vector<16xi32>
        %parallel_loop3A_2023 = arith.constant 0 : i32
        %parallel_loop3A_2024 = arith.addi %parallel_loop3A_2003, %parallel_loop3A_2023 : i32
        %parallel_loop3A_2025 = vector.broadcast %parallel_loop3A_2024 : i32 to vector<16xi32>
        %parallel_loop3A_2026 = arith.addi %parallel_loop3A_2025, %add3A_575 : vector<16xi32>
        %parallel_loop3A_2027 = tpu.vector_load_idx %arg8[%parallel_loop3A_1958, %parallel_loop3A_2022] : memref<512x32xf32, #tpu.memory_space<vmem>>[vector<16xi32>, vector<16xi32>], vector<16xf32>,
        tpu.vector_store_idx %arg10[%parallel_loop3A_2026], %parallel_loop3A_2027 : memref<16384xf32, #tpu.memory_space<vmem>>[vector<16xi32>], vector<16xf32>,
        %parallel_loop3A_2028 = arith.constant 0 : i32
        %parallel_loop3A_2029 = vector.broadcast %parallel_loop3A_2028 : i32 to vector<16xi32>
        %parallel_loop3A_2030 = arith.addi %parallel_loop3A_2029, %select_n3A_95 : vector<16xi32>
        %parallel_loop3A_2031 = arith.constant 0 : i32
        %parallel_loop3A_2032 = arith.addi %parallel_loop3A_2003, %parallel_loop3A_2031 : i32
        %parallel_loop3A_2033 = vector.broadcast %parallel_loop3A_2032 : i32 to vector<16xi32>
        %parallel_loop3A_2034 = arith.addi %parallel_loop3A_2033, %add3A_636 : vector<16xi32>
        %parallel_loop3A_2035 = tpu.vector_load_idx %arg8[%parallel_loop3A_1958, %parallel_loop3A_2030] : memref<512x32xf32, #tpu.memory_space<vmem>>[vector<16xi32>, vector<16xi32>], vector<16xf32>,
        tpu.vector_store_idx %arg10[%parallel_loop3A_2034], %parallel_loop3A_2035 : memref<16384xf32, #tpu.memory_space<vmem>>[vector<16xi32>], vector<16xf32>,
        %parallel_loop3A_2036 = arith.constant 0 : i32
        %parallel_loop3A_2037 = vector.broadcast %parallel_loop3A_2036 : i32 to vector<16xi32>
        %parallel_loop3A_2038 = arith.addi %parallel_loop3A_2037, %select_n3A_120 : vector<16xi32>
        %parallel_loop3A_2039 = arith.constant 0 : i32
        %parallel_loop3A_2040 = arith.addi %parallel_loop3A_2003, %parallel_loop3A_2039 : i32
        %parallel_loop3A_2041 = vector.broadcast %parallel_loop3A_2040 : i32 to vector<16xi32>
        %parallel_loop3A_2042 = arith.addi %parallel_loop3A_2041, %add3A_697 : vector<16xi32>
        %parallel_loop3A_2043 = tpu.vector_load_idx %arg8[%parallel_loop3A_1958, %parallel_loop3A_2038] : memref<512x32xf32, #tpu.memory_space<vmem>>[vector<16xi32>, vector<16xi32>], vector<16xf32>,
        tpu.vector_store_idx %arg10[%parallel_loop3A_2042], %parallel_loop3A_2043 : memref<16384xf32, #tpu.memory_space<vmem>>[vector<16xi32>], vector<16xf32>,
        %parallel_loop3A_2044 = arith.constant 0 : i32
        %parallel_loop3A_2045 = vector.broadcast %parallel_loop3A_2044 : i32 to vector<16xi32>
        %parallel_loop3A_2046 = arith.addi %parallel_loop3A_2045, %select_n3A_145 : vector<16xi32>
        %parallel_loop3A_2047 = arith.constant 0 : i32
        %parallel_loop3A_2048 = arith.addi %parallel_loop3A_2003, %parallel_loop3A_2047 : i32
        %parallel_loop3A_2049 = vector.broadcast %parallel_loop3A_2048 : i32 to vector<16xi32>
        %parallel_loop3A_2050 = arith.addi %parallel_loop3A_2049, %add3A_758 : vector<16xi32>
        %parallel_loop3A_2051 = tpu.vector_load_idx %arg8[%parallel_loop3A_1958, %parallel_loop3A_2046] : memref<512x32xf32, #tpu.memory_space<vmem>>[vector<16xi32>, vector<16xi32>], vector<16xf32>,
        tpu.vector_store_idx %arg10[%parallel_loop3A_2050], %parallel_loop3A_2051 : memref<16384xf32, #tpu.memory_space<vmem>>[vector<16xi32>], vector<16xf32>,
        %parallel_loop3A_2052 = arith.constant 0 : i32
        %parallel_loop3A_2053 = vector.broadcast %parallel_loop3A_2052 : i32 to vector<16xi32>
        %parallel_loop3A_2054 = arith.addi %parallel_loop3A_2053, %select_n3A_170 : vector<16xi32>
        %parallel_loop3A_2055 = arith.constant 0 : i32
        %parallel_loop3A_2056 = arith.addi %parallel_loop3A_2003, %parallel_loop3A_2055 : i32
        %parallel_loop3A_2057 = vector.broadcast %parallel_loop3A_2056 : i32 to vector<16xi32>
        %parallel_loop3A_2058 = arith.addi %parallel_loop3A_2057, %add3A_819 : vector<16xi32>
        %parallel_loop3A_2059 = tpu.vector_load_idx %arg8[%parallel_loop3A_1958, %parallel_loop3A_2054] : memref<512x32xf32, #tpu.memory_space<vmem>>[vector<16xi32>, vector<16xi32>], vector<16xf32>,
        tpu.vector_store_idx %arg10[%parallel_loop3A_2058], %parallel_loop3A_2059 : memref<16384xf32, #tpu.memory_space<vmem>>[vector<16xi32>], vector<16xf32>,
        %parallel_loop3A_2060 = arith.constant 0 : i32
        %parallel_loop3A_2061 = vector.broadcast %parallel_loop3A_2060 : i32 to vector<16xi32>
        %parallel_loop3A_2062 = arith.addi %parallel_loop3A_2061, %select_n3A_195 : vector<16xi32>
        %parallel_loop3A_2063 = arith.constant 0 : i32
        %parallel_loop3A_2064 = arith.addi %parallel_loop3A_2003, %parallel_loop3A_2063 : i32
        %parallel_loop3A_2065 = vector.broadcast %parallel_loop3A_2064 : i32 to vector<16xi32>
        %parallel_loop3A_2066 = arith.addi %parallel_loop3A_2065, %add3A_880 : vector<16xi32>
        %parallel_loop3A_2067 = tpu.vector_load_idx %arg8[%parallel_loop3A_1958, %parallel_loop3A_2062] : memref<512x32xf32, #tpu.memory_space<vmem>>[vector<16xi32>, vector<16xi32>], vector<16xf32>,
        tpu.vector_store_idx %arg10[%parallel_loop3A_2066], %parallel_loop3A_2067 : memref<16384xf32, #tpu.memory_space<vmem>>[vector<16xi32>], vector<16xf32>,
        %parallel_loop3A_2068 = arith.constant 0 : i32
        %parallel_loop3A_2069 = vector.broadcast %parallel_loop3A_2068 : i32 to vector<16xi32>
        %parallel_loop3A_2070 = arith.addi %parallel_loop3A_2069, %select_n3A_220 : vector<16xi32>
        %parallel_loop3A_2071 = arith.constant 0 : i32
        %parallel_loop3A_2072 = arith.addi %parallel_loop3A_2003, %parallel_loop3A_2071 : i32
        %parallel_loop3A_2073 = vector.broadcast %parallel_loop3A_2072 : i32 to vector<16xi32>
        %parallel_loop3A_2074 = arith.addi %parallel_loop3A_2073, %add3A_941 : vector<16xi32>
        %parallel_loop3A_2075 = tpu.vector_load_idx %arg8[%parallel_loop3A_1958, %parallel_loop3A_2070] : memref<512x32xf32, #tpu.memory_space<vmem>>[vector<16xi32>, vector<16xi32>], vector<16xf32>,
        tpu.vector_store_idx %arg10[%parallel_loop3A_2074], %parallel_loop3A_2075 : memref<16384xf32, #tpu.memory_space<vmem>>[vector<16xi32>], vector<16xf32>,
        %parallel_loop3A_2076 = arith.constant 0 : i32
        %parallel_loop3A_2077 = vector.broadcast %parallel_loop3A_2076 : i32 to vector<16xi32>
        %parallel_loop3A_2078 = arith.addi %parallel_loop3A_2077, %select_n3A_245 : vector<16xi32>
        %parallel_loop3A_2079 = arith.constant 0 : i32
        %parallel_loop3A_2080 = arith.addi %parallel_loop3A_2003, %parallel_loop3A_2079 : i32
        %parallel_loop3A_2081 = vector.broadcast %parallel_loop3A_2080 : i32 to vector<16xi32>
        %parallel_loop3A_2082 = arith.addi %parallel_loop3A_2081, %add3A_1002 : vector<16xi32>
        %parallel_loop3A_2083 = tpu.vector_load_idx %arg8[%parallel_loop3A_1958, %parallel_loop3A_2078] : memref<512x32xf32, #tpu.memory_space<vmem>>[vector<16xi32>, vector<16xi32>], vector<16xf32>,
        tpu.vector_store_idx %arg10[%parallel_loop3A_2082], %parallel_loop3A_2083 : memref<16384xf32, #tpu.memory_space<vmem>>[vector<16xi32>], vector<16xf32>,
        %parallel_loop3A_2084 = arith.constant 0 : i32
        %parallel_loop3A_2085 = vector.broadcast %parallel_loop3A_2084 : i32 to vector<16xi32>
        %parallel_loop3A_2086 = arith.addi %parallel_loop3A_2085, %select_n3A_270 : vector<16xi32>
        %parallel_loop3A_2087 = arith.constant 0 : i32
        %parallel_loop3A_2088 = arith.addi %parallel_loop3A_2003, %parallel_loop3A_2087 : i32
        %parallel_loop3A_2089 = vector.broadcast %parallel_loop3A_2088 : i32 to vector<16xi32>
        %parallel_loop3A_2090 = arith.addi %parallel_loop3A_2089, %add3A_1063 : vector<16xi32>
        %parallel_loop3A_2091 = tpu.vector_load_idx %arg8[%parallel_loop3A_1958, %parallel_loop3A_2086] : memref<512x32xf32, #tpu.memory_space<vmem>>[vector<16xi32>, vector<16xi32>], vector<16xf32>,
        tpu.vector_store_idx %arg10[%parallel_loop3A_2090], %parallel_loop3A_2091 : memref<16384xf32, #tpu.memory_space<vmem>>[vector<16xi32>], vector<16xf32>,
        %parallel_loop3A_2092 = arith.constant 0 : i32
        %parallel_loop3A_2093 = vector.broadcast %parallel_loop3A_2092 : i32 to vector<16xi32>
        %parallel_loop3A_2094 = arith.addi %parallel_loop3A_2093, %select_n3A_295 : vector<16xi32>
        %parallel_loop3A_2095 = arith.constant 0 : i32
        %parallel_loop3A_2096 = arith.addi %parallel_loop3A_2003, %parallel_loop3A_2095 : i32
        %parallel_loop3A_2097 = vector.broadcast %parallel_loop3A_2096 : i32 to vector<16xi32>
        %parallel_loop3A_2098 = arith.addi %parallel_loop3A_2097, %add3A_1124 : vector<16xi32>
        %parallel_loop3A_2099 = tpu.vector_load_idx %arg8[%parallel_loop3A_1958, %parallel_loop3A_2094] : memref<512x32xf32, #tpu.memory_space<vmem>>[vector<16xi32>, vector<16xi32>], vector<16xf32>,
        tpu.vector_store_idx %arg10[%parallel_loop3A_2098], %parallel_loop3A_2099 : memref<16384xf32, #tpu.memory_space<vmem>>[vector<16xi32>], vector<16xf32>,
        %parallel_loop3A_2100 = arith.constant 0 : i32
        %parallel_loop3A_2101 = vector.broadcast %parallel_loop3A_2100 : i32 to vector<16xi32>
        %parallel_loop3A_2102 = arith.addi %parallel_loop3A_2101, %select_n3A_320 : vector<16xi32>
        %parallel_loop3A_2103 = arith.constant 0 : i32
        %parallel_loop3A_2104 = arith.addi %parallel_loop3A_2003, %parallel_loop3A_2103 : i32
        %parallel_loop3A_2105 = vector.broadcast %parallel_loop3A_2104 : i32 to vector<16xi32>
        %parallel_loop3A_2106 = arith.addi %parallel_loop3A_2105, %add3A_1185 : vector<16xi32>
        %parallel_loop3A_2107 = tpu.vector_load_idx %arg8[%parallel_loop3A_1958, %parallel_loop3A_2102] : memref<512x32xf32, #tpu.memory_space<vmem>>[vector<16xi32>, vector<16xi32>], vector<16xf32>,
        tpu.vector_store_idx %arg10[%parallel_loop3A_2106], %parallel_loop3A_2107 : memref<16384xf32, #tpu.memory_space<vmem>>[vector<16xi32>], vector<16xf32>,
        %parallel_loop3A_2108 = arith.constant 0 : i32
        %parallel_loop3A_2109 = vector.broadcast %parallel_loop3A_2108 : i32 to vector<16xi32>
        %parallel_loop3A_2110 = arith.addi %parallel_loop3A_2109, %select_n3A_345 : vector<16xi32>
        %parallel_loop3A_2111 = arith.constant 0 : i32
        %parallel_loop3A_2112 = arith.addi %parallel_loop3A_2003, %parallel_loop3A_2111 : i32
        %parallel_loop3A_2113 = vector.broadcast %parallel_loop3A_2112 : i32 to vector<16xi32>
        %parallel_loop3A_2114 = arith.addi %parallel_loop3A_2113, %add3A_1246 : vector<16xi32>
        %parallel_loop3A_2115 = tpu.vector_load_idx %arg8[%parallel_loop3A_1958, %parallel_loop3A_2110] : memref<512x32xf32, #tpu.memory_space<vmem>>[vector<16xi32>, vector<16xi32>], vector<16xf32>,
        tpu.vector_store_idx %arg10[%parallel_loop3A_2114], %parallel_loop3A_2115 : memref<16384xf32, #tpu.memory_space<vmem>>[vector<16xi32>], vector<16xf32>,
        %parallel_loop3A_2116 = arith.constant 0 : i32
        %parallel_loop3A_2117 = vector.broadcast %parallel_loop3A_2116 : i32 to vector<16xi32>
        %parallel_loop3A_2118 = arith.addi %parallel_loop3A_2117, %select_n3A_370 : vector<16xi32>
        %parallel_loop3A_2119 = arith.constant 0 : i32
        %parallel_loop3A_2120 = arith.addi %parallel_loop3A_2003, %parallel_loop3A_2119 : i32
        %parallel_loop3A_2121 = vector.broadcast %parallel_loop3A_2120 : i32 to vector<16xi32>
        %parallel_loop3A_2122 = arith.addi %parallel_loop3A_2121, %add3A_1307 : vector<16xi32>
        %parallel_loop3A_2123 = tpu.vector_load_idx %arg8[%parallel_loop3A_1958, %parallel_loop3A_2118] : memref<512x32xf32, #tpu.memory_space<vmem>>[vector<16xi32>, vector<16xi32>], vector<16xf32>,
        tpu.vector_store_idx %arg10[%parallel_loop3A_2122], %parallel_loop3A_2123 : memref<16384xf32, #tpu.memory_space<vmem>>[vector<16xi32>], vector<16xf32>,
        %parallel_loop3A_2124 = arith.constant 0 : i32
        %parallel_loop3A_2125 = vector.broadcast %parallel_loop3A_2124 : i32 to vector<16xi32>
        %parallel_loop3A_2126 = arith.addi %parallel_loop3A_2125, %select_n3A_395 : vector<16xi32>
        %parallel_loop3A_2127 = arith.constant 0 : i32
        %parallel_loop3A_2128 = arith.addi %parallel_loop3A_2003, %parallel_loop3A_2127 : i32
        %parallel_loop3A_2129 = vector.broadcast %parallel_loop3A_2128 : i32 to vector<16xi32>
        %parallel_loop3A_2130 = arith.addi %parallel_loop3A_2129, %add3A_1368 : vector<16xi32>
        %parallel_loop3A_2131 = tpu.vector_load_idx %arg8[%parallel_loop3A_1958, %parallel_loop3A_2126] : memref<512x32xf32, #tpu.memory_space<vmem>>[vector<16xi32>, vector<16xi32>], vector<16xf32>,
        tpu.vector_store_idx %arg10[%parallel_loop3A_2130], %parallel_loop3A_2131 : memref<16384xf32, #tpu.memory_space<vmem>>[vector<16xi32>], vector<16xf32>,
        %parallel_loop3A_2132 = arith.constant 16 : i32
        %parallel_loop3A_2133 = vector.broadcast %parallel_loop3A_2132 : i32 to vector<16xi32>
        %parallel_loop3A_2134 = arith.addi %parallel_loop3A_2133, %select_n3A_20 : vector<16xi32>
        %parallel_loop3A_2135 = arith.constant 8192 : i32
        %parallel_loop3A_2136 = arith.addi %parallel_loop3A_2003, %parallel_loop3A_2135 : i32
        %parallel_loop3A_2137 = vector.broadcast %parallel_loop3A_2136 : i32 to vector<16xi32>
        %parallel_loop3A_2138 = arith.addi %parallel_loop3A_2137, %add3A_453 : vector<16xi32>
        %parallel_loop3A_2139 = tpu.vector_load_idx %arg8[%parallel_loop3A_1958, %parallel_loop3A_2134] : memref<512x32xf32, #tpu.memory_space<vmem>>[vector<16xi32>, vector<16xi32>], vector<16xf32>,
        tpu.vector_store_idx %arg10[%parallel_loop3A_2138], %parallel_loop3A_2139 : memref<16384xf32, #tpu.memory_space<vmem>>[vector<16xi32>], vector<16xf32>,
        %parallel_loop3A_2140 = arith.constant 16 : i32
        %parallel_loop3A_2141 = vector.broadcast %parallel_loop3A_2140 : i32 to vector<16xi32>
        %parallel_loop3A_2142 = arith.addi %parallel_loop3A_2141, %select_n3A_45 : vector<16xi32>
        %parallel_loop3A_2143 = arith.constant 8192 : i32
        %parallel_loop3A_2144 = arith.addi %parallel_loop3A_2003, %parallel_loop3A_2143 : i32
        %parallel_loop3A_2145 = vector.broadcast %parallel_loop3A_2144 : i32 to vector<16xi32>
        %parallel_loop3A_2146 = arith.addi %parallel_loop3A_2145, %add3A_514 : vector<16xi32>
        %parallel_loop3A_2147 = tpu.vector_load_idx %arg8[%parallel_loop3A_1958, %parallel_loop3A_2142] : memref<512x32xf32, #tpu.memory_space<vmem>>[vector<16xi32>, vector<16xi32>], vector<16xf32>,
        tpu.vector_store_idx %arg10[%parallel_loop3A_2146], %parallel_loop3A_2147 : memref<16384xf32, #tpu.memory_space<vmem>>[vector<16xi32>], vector<16xf32>,
        %parallel_loop3A_2148 = arith.constant 16 : i32
        %parallel_loop3A_2149 = vector.broadcast %parallel_loop3A_2148 : i32 to vector<16xi32>
        %parallel_loop3A_2150 = arith.addi %parallel_loop3A_2149, %select_n3A_70 : vector<16xi32>
        %parallel_loop3A_2151 = arith.constant 8192 : i32
        %parallel_loop3A_2152 = arith.addi %parallel_loop3A_2003, %parallel_loop3A_2151 : i32
        %parallel_loop3A_2153 = vector.broadcast %parallel_loop3A_2152 : i32 to vector<16xi32>
        %parallel_loop3A_2154 = arith.addi %parallel_loop3A_2153, %add3A_575 : vector<16xi32>
        %parallel_loop3A_2155 = tpu.vector_load_idx %arg8[%parallel_loop3A_1958, %parallel_loop3A_2150] : memref<512x32xf32, #tpu.memory_space<vmem>>[vector<16xi32>, vector<16xi32>], vector<16xf32>,
        tpu.vector_store_idx %arg10[%parallel_loop3A_2154], %parallel_loop3A_2155 : memref<16384xf32, #tpu.memory_space<vmem>>[vector<16xi32>], vector<16xf32>,
        %parallel_loop3A_2156 = arith.constant 16 : i32
        %parallel_loop3A_2157 = vector.broadcast %parallel_loop3A_2156 : i32 to vector<16xi32>
        %parallel_loop3A_2158 = arith.addi %parallel_loop3A_2157, %select_n3A_95 : vector<16xi32>
        %parallel_loop3A_2159 = arith.constant 8192 : i32
        %parallel_loop3A_2160 = arith.addi %parallel_loop3A_2003, %parallel_loop3A_2159 : i32
        %parallel_loop3A_2161 = vector.broadcast %parallel_loop3A_2160 : i32 to vector<16xi32>
        %parallel_loop3A_2162 = arith.addi %parallel_loop3A_2161, %add3A_636 : vector<16xi32>
        %parallel_loop3A_2163 = tpu.vector_load_idx %arg8[%parallel_loop3A_1958, %parallel_loop3A_2158] : memref<512x32xf32, #tpu.memory_space<vmem>>[vector<16xi32>, vector<16xi32>], vector<16xf32>,
        tpu.vector_store_idx %arg10[%parallel_loop3A_2162], %parallel_loop3A_2163 : memref<16384xf32, #tpu.memory_space<vmem>>[vector<16xi32>], vector<16xf32>,
        %parallel_loop3A_2164 = arith.constant 16 : i32
        %parallel_loop3A_2165 = vector.broadcast %parallel_loop3A_2164 : i32 to vector<16xi32>
        %parallel_loop3A_2166 = arith.addi %parallel_loop3A_2165, %select_n3A_120 : vector<16xi32>
        %parallel_loop3A_2167 = arith.constant 8192 : i32
        %parallel_loop3A_2168 = arith.addi %parallel_loop3A_2003, %parallel_loop3A_2167 : i32
        %parallel_loop3A_2169 = vector.broadcast %parallel_loop3A_2168 : i32 to vector<16xi32>
        %parallel_loop3A_2170 = arith.addi %parallel_loop3A_2169, %add3A_697 : vector<16xi32>
        %parallel_loop3A_2171 = tpu.vector_load_idx %arg8[%parallel_loop3A_1958, %parallel_loop3A_2166] : memref<512x32xf32, #tpu.memory_space<vmem>>[vector<16xi32>, vector<16xi32>], vector<16xf32>,
        tpu.vector_store_idx %arg10[%parallel_loop3A_2170], %parallel_loop3A_2171 : memref<16384xf32, #tpu.memory_space<vmem>>[vector<16xi32>], vector<16xf32>,
        %parallel_loop3A_2172 = arith.constant 16 : i32
        %parallel_loop3A_2173 = vector.broadcast %parallel_loop3A_2172 : i32 to vector<16xi32>
        %parallel_loop3A_2174 = arith.addi %parallel_loop3A_2173, %select_n3A_145 : vector<16xi32>
        %parallel_loop3A_2175 = arith.constant 8192 : i32
        %parallel_loop3A_2176 = arith.addi %parallel_loop3A_2003, %parallel_loop3A_2175 : i32
        %parallel_loop3A_2177 = vector.broadcast %parallel_loop3A_2176 : i32 to vector<16xi32>
        %parallel_loop3A_2178 = arith.addi %parallel_loop3A_2177, %add3A_758 : vector<16xi32>
        %parallel_loop3A_2179 = tpu.vector_load_idx %arg8[%parallel_loop3A_1958, %parallel_loop3A_2174] : memref<512x32xf32, #tpu.memory_space<vmem>>[vector<16xi32>, vector<16xi32>], vector<16xf32>,
        tpu.vector_store_idx %arg10[%parallel_loop3A_2178], %parallel_loop3A_2179 : memref<16384xf32, #tpu.memory_space<vmem>>[vector<16xi32>], vector<16xf32>,
        %parallel_loop3A_2180 = arith.constant 16 : i32
        %parallel_loop3A_2181 = vector.broadcast %parallel_loop3A_2180 : i32 to vector<16xi32>
        %parallel_loop3A_2182 = arith.addi %parallel_loop3A_2181, %select_n3A_170 : vector<16xi32>
        %parallel_loop3A_2183 = arith.constant 8192 : i32
        %parallel_loop3A_2184 = arith.addi %parallel_loop3A_2003, %parallel_loop3A_2183 : i32
        %parallel_loop3A_2185 = vector.broadcast %parallel_loop3A_2184 : i32 to vector<16xi32>
        %parallel_loop3A_2186 = arith.addi %parallel_loop3A_2185, %add3A_819 : vector<16xi32>
        %parallel_loop3A_2187 = tpu.vector_load_idx %arg8[%parallel_loop3A_1958, %parallel_loop3A_2182] : memref<512x32xf32, #tpu.memory_space<vmem>>[vector<16xi32>, vector<16xi32>], vector<16xf32>,
        tpu.vector_store_idx %arg10[%parallel_loop3A_2186], %parallel_loop3A_2187 : memref<16384xf32, #tpu.memory_space<vmem>>[vector<16xi32>], vector<16xf32>,
        %parallel_loop3A_2188 = arith.constant 16 : i32
        %parallel_loop3A_2189 = vector.broadcast %parallel_loop3A_2188 : i32 to vector<16xi32>
        %parallel_loop3A_2190 = arith.addi %parallel_loop3A_2189, %select_n3A_195 : vector<16xi32>
        %parallel_loop3A_2191 = arith.constant 8192 : i32
        %parallel_loop3A_2192 = arith.addi %parallel_loop3A_2003, %parallel_loop3A_2191 : i32
        %parallel_loop3A_2193 = vector.broadcast %parallel_loop3A_2192 : i32 to vector<16xi32>
        %parallel_loop3A_2194 = arith.addi %parallel_loop3A_2193, %add3A_880 : vector<16xi32>
        %parallel_loop3A_2195 = tpu.vector_load_idx %arg8[%parallel_loop3A_1958, %parallel_loop3A_2190] : memref<512x32xf32, #tpu.memory_space<vmem>>[vector<16xi32>, vector<16xi32>], vector<16xf32>,
        tpu.vector_store_idx %arg10[%parallel_loop3A_2194], %parallel_loop3A_2195 : memref<16384xf32, #tpu.memory_space<vmem>>[vector<16xi32>], vector<16xf32>,
        %parallel_loop3A_2196 = arith.constant 16 : i32
        %parallel_loop3A_2197 = vector.broadcast %parallel_loop3A_2196 : i32 to vector<16xi32>
        %parallel_loop3A_2198 = arith.addi %parallel_loop3A_2197, %select_n3A_220 : vector<16xi32>
        %parallel_loop3A_2199 = arith.constant 8192 : i32
        %parallel_loop3A_2200 = arith.addi %parallel_loop3A_2003, %parallel_loop3A_2199 : i32
        %parallel_loop3A_2201 = vector.broadcast %parallel_loop3A_2200 : i32 to vector<16xi32>
        %parallel_loop3A_2202 = arith.addi %parallel_loop3A_2201, %add3A_941 : vector<16xi32>
        %parallel_loop3A_2203 = tpu.vector_load_idx %arg8[%parallel_loop3A_1958, %parallel_loop3A_2198] : memref<512x32xf32, #tpu.memory_space<vmem>>[vector<16xi32>, vector<16xi32>], vector<16xf32>,
        tpu.vector_store_idx %arg10[%parallel_loop3A_2202], %parallel_loop3A_2203 : memref<16384xf32, #tpu.memory_space<vmem>>[vector<16xi32>], vector<16xf32>,
        %parallel_loop3A_2204 = arith.constant 16 : i32
        %parallel_loop3A_2205 = vector.broadcast %parallel_loop3A_2204 : i32 to vector<16xi32>
        %parallel_loop3A_2206 = arith.addi %parallel_loop3A_2205, %select_n3A_245 : vector<16xi32>
        %parallel_loop3A_2207 = arith.constant 8192 : i32
        %parallel_loop3A_2208 = arith.addi %parallel_loop3A_2003, %parallel_loop3A_2207 : i32
        %parallel_loop3A_2209 = vector.broadcast %parallel_loop3A_2208 : i32 to vector<16xi32>
        %parallel_loop3A_2210 = arith.addi %parallel_loop3A_2209, %add3A_1002 : vector<16xi32>
        %parallel_loop3A_2211 = tpu.vector_load_idx %arg8[%parallel_loop3A_1958, %parallel_loop3A_2206] : memref<512x32xf32, #tpu.memory_space<vmem>>[vector<16xi32>, vector<16xi32>], vector<16xf32>,
        tpu.vector_store_idx %arg10[%parallel_loop3A_2210], %parallel_loop3A_2211 : memref<16384xf32, #tpu.memory_space<vmem>>[vector<16xi32>], vector<16xf32>,
        %parallel_loop3A_2212 = arith.constant 16 : i32
        %parallel_loop3A_2213 = vector.broadcast %parallel_loop3A_2212 : i32 to vector<16xi32>
        %parallel_loop3A_2214 = arith.addi %parallel_loop3A_2213, %select_n3A_270 : vector<16xi32>
        %parallel_loop3A_2215 = arith.constant 8192 : i32
        %parallel_loop3A_2216 = arith.addi %parallel_loop3A_2003, %parallel_loop3A_2215 : i32
        %parallel_loop3A_2217 = vector.broadcast %parallel_loop3A_2216 : i32 to vector<16xi32>
        %parallel_loop3A_2218 = arith.addi %parallel_loop3A_2217, %add3A_1063 : vector<16xi32>
        %parallel_loop3A_2219 = tpu.vector_load_idx %arg8[%parallel_loop3A_1958, %parallel_loop3A_2214] : memref<512x32xf32, #tpu.memory_space<vmem>>[vector<16xi32>, vector<16xi32>], vector<16xf32>,
        tpu.vector_store_idx %arg10[%parallel_loop3A_2218], %parallel_loop3A_2219 : memref<16384xf32, #tpu.memory_space<vmem>>[vector<16xi32>], vector<16xf32>,
        %parallel_loop3A_2220 = arith.constant 16 : i32
        %parallel_loop3A_2221 = vector.broadcast %parallel_loop3A_2220 : i32 to vector<16xi32>
        %parallel_loop3A_2222 = arith.addi %parallel_loop3A_2221, %select_n3A_295 : vector<16xi32>
        %parallel_loop3A_2223 = arith.constant 8192 : i32
        %parallel_loop3A_2224 = arith.addi %parallel_loop3A_2003, %parallel_loop3A_2223 : i32
        %parallel_loop3A_2225 = vector.broadcast %parallel_loop3A_2224 : i32 to vector<16xi32>
        %parallel_loop3A_2226 = arith.addi %parallel_loop3A_2225, %add3A_1124 : vector<16xi32>
        %parallel_loop3A_2227 = tpu.vector_load_idx %arg8[%parallel_loop3A_1958, %parallel_loop3A_2222] : memref<512x32xf32, #tpu.memory_space<vmem>>[vector<16xi32>, vector<16xi32>], vector<16xf32>,
        tpu.vector_store_idx %arg10[%parallel_loop3A_2226], %parallel_loop3A_2227 : memref<16384xf32, #tpu.memory_space<vmem>>[vector<16xi32>], vector<16xf32>,
        %parallel_loop3A_2228 = arith.constant 16 : i32
        %parallel_loop3A_2229 = vector.broadcast %parallel_loop3A_2228 : i32 to vector<16xi32>
        %parallel_loop3A_2230 = arith.addi %parallel_loop3A_2229, %select_n3A_320 : vector<16xi32>
        %parallel_loop3A_2231 = arith.constant 8192 : i32
        %parallel_loop3A_2232 = arith.addi %parallel_loop3A_2003, %parallel_loop3A_2231 : i32
        %parallel_loop3A_2233 = vector.broadcast %parallel_loop3A_2232 : i32 to vector<16xi32>
        %parallel_loop3A_2234 = arith.addi %parallel_loop3A_2233, %add3A_1185 : vector<16xi32>
        %parallel_loop3A_2235 = tpu.vector_load_idx %arg8[%parallel_loop3A_1958, %parallel_loop3A_2230] : memref<512x32xf32, #tpu.memory_space<vmem>>[vector<16xi32>, vector<16xi32>], vector<16xf32>,
        tpu.vector_store_idx %arg10[%parallel_loop3A_2234], %parallel_loop3A_2235 : memref<16384xf32, #tpu.memory_space<vmem>>[vector<16xi32>], vector<16xf32>,
        %parallel_loop3A_2236 = arith.constant 16 : i32
        %parallel_loop3A_2237 = vector.broadcast %parallel_loop3A_2236 : i32 to vector<16xi32>
        %parallel_loop3A_2238 = arith.addi %parallel_loop3A_2237, %select_n3A_345 : vector<16xi32>
        %parallel_loop3A_2239 = arith.constant 8192 : i32
        %parallel_loop3A_2240 = arith.addi %parallel_loop3A_2003, %parallel_loop3A_2239 : i32
        %parallel_loop3A_2241 = vector.broadcast %parallel_loop3A_2240 : i32 to vector<16xi32>
        %parallel_loop3A_2242 = arith.addi %parallel_loop3A_2241, %add3A_1246 : vector<16xi32>
        %parallel_loop3A_2243 = tpu.vector_load_idx %arg8[%parallel_loop3A_1958, %parallel_loop3A_2238] : memref<512x32xf32, #tpu.memory_space<vmem>>[vector<16xi32>, vector<16xi32>], vector<16xf32>,
        tpu.vector_store_idx %arg10[%parallel_loop3A_2242], %parallel_loop3A_2243 : memref<16384xf32, #tpu.memory_space<vmem>>[vector<16xi32>], vector<16xf32>,
        %parallel_loop3A_2244 = arith.constant 16 : i32
        %parallel_loop3A_2245 = vector.broadcast %parallel_loop3A_2244 : i32 to vector<16xi32>
        %parallel_loop3A_2246 = arith.addi %parallel_loop3A_2245, %select_n3A_370 : vector<16xi32>
        %parallel_loop3A_2247 = arith.constant 8192 : i32
        %parallel_loop3A_2248 = arith.addi %parallel_loop3A_2003, %parallel_loop3A_2247 : i32
        %parallel_loop3A_2249 = vector.broadcast %parallel_loop3A_2248 : i32 to vector<16xi32>
        %parallel_loop3A_2250 = arith.addi %parallel_loop3A_2249, %add3A_1307 : vector<16xi32>
        %parallel_loop3A_2251 = tpu.vector_load_idx %arg8[%parallel_loop3A_1958, %parallel_loop3A_2246] : memref<512x32xf32, #tpu.memory_space<vmem>>[vector<16xi32>, vector<16xi32>], vector<16xf32>,
        tpu.vector_store_idx %arg10[%parallel_loop3A_2250], %parallel_loop3A_2251 : memref<16384xf32, #tpu.memory_space<vmem>>[vector<16xi32>], vector<16xf32>,
        %parallel_loop3A_2252 = arith.constant 16 : i32
        %parallel_loop3A_2253 = vector.broadcast %parallel_loop3A_2252 : i32 to vector<16xi32>
        %parallel_loop3A_2254 = arith.addi %parallel_loop3A_2253, %select_n3A_395 : vector<16xi32>
        %parallel_loop3A_2255 = arith.constant 8192 : i32
        %parallel_loop3A_2256 = arith.addi %parallel_loop3A_2003, %parallel_loop3A_2255 : i32
        %parallel_loop3A_2257 = vector.broadcast %parallel_loop3A_2256 : i32 to vector<16xi32>
        %parallel_loop3A_2258 = arith.addi %parallel_loop3A_2257, %add3A_1368 : vector<16xi32>
        %parallel_loop3A_2259 = tpu.vector_load_idx %arg8[%parallel_loop3A_1958, %parallel_loop3A_2254] : memref<512x32xf32, #tpu.memory_space<vmem>>[vector<16xi32>, vector<16xi32>], vector<16xf32>,
        tpu.vector_store_idx %arg10[%parallel_loop3A_2258], %parallel_loop3A_2259 : memref<16384xf32, #tpu.memory_space<vmem>>[vector<16xi32>], vector<16xf32>,
      } {sc.loop_unroll_factor = 4 : i64, sc.parallel_access}
      %mul3A_1915 = arith.constant 131072 : i32
      %mul3A_1916 = arith.muli %select_n3A_1836, %mul3A_1915 : i32
      %mul3A_1917 = arith.constant 4096 : i32
      %mul3A_1918 = arith.muli %select_n3A_1852, %mul3A_1917 : i32
      %add3A_1919 = arith.addi %mul3A_1916, %mul3A_1918 : i32
      %multiple_of3A_1920 = tpu.assume_multiple %add3A_1919, 8 : i32
      %add3A_1921 = arith.constant 0 : i32
      %add3A_1922 = arith.addi %multiple_of3A_1920, %add3A_1921 : i32
      %dma_start3A_1923 = arith.constant 0 : i32
      %dma_start3A_1924 = tpu.memref_slice %arg10[%dma_start3A_1923] : memref<16384xf32, #tpu.memory_space<vmem>> -> memref<4096xf32, #tpu.memory_space<vmem>>
      %dma_start3A_1925 = tpu.memref_slice %arg4[%add3A_1922] : memref<26214400xf32, #tpu.memory_space<hbm>> -> memref<4096xf32, #tpu.memory_space<hbm>>
      %dma_start3A_1926 = tpu.memref_slice %arg4[%add3A_1922] : memref<26214400xf32, #tpu.memory_space<hbm>> -> memref<4096xf32, #tpu.memory_space<hbm>>
      %dma_start3A_1927 = arith.constant 0 : i32
      %dma_start3A_1928 = tpu.memref_slice %arg10[%dma_start3A_1927] : memref<16384xf32, #tpu.memory_space<vmem>> -> memref<4096xf32, #tpu.memory_space<vmem>>
      tpu.enqueue_dma source(%dma_start3A_1928 : memref<4096xf32, #tpu.memory_space<vmem>>) target(%dma_start3A_1926 : memref<4096xf32, #tpu.memory_space<hbm>>) target_semaphore(%arg14 : memref<!tpu.dma_semaphore, #tpu.memory_space<semaphore_mem>>)
      %add3A_1929 = arith.constant 32768 : i32
      %add3A_1930 = arith.addi %multiple_of3A_1920, %add3A_1929 : i32
      %dma_start3A_1931 = arith.constant 4096 : i32
      %dma_start3A_1932 = tpu.memref_slice %arg10[%dma_start3A_1931] : memref<16384xf32, #tpu.memory_space<vmem>> -> memref<4096xf32, #tpu.memory_space<vmem>>
      %dma_start3A_1933 = tpu.memref_slice %arg4[%add3A_1930] : memref<26214400xf32, #tpu.memory_space<hbm>> -> memref<4096xf32, #tpu.memory_space<hbm>>
      %dma_start3A_1934 = tpu.memref_slice %arg4[%add3A_1930] : memref<26214400xf32, #tpu.memory_space<hbm>> -> memref<4096xf32, #tpu.memory_space<hbm>>
      %dma_start3A_1935 = arith.constant 4096 : i32
      %dma_start3A_1936 = tpu.memref_slice %arg10[%dma_start3A_1935] : memref<16384xf32, #tpu.memory_space<vmem>> -> memref<4096xf32, #tpu.memory_space<vmem>>
      tpu.enqueue_dma source(%dma_start3A_1936 : memref<4096xf32, #tpu.memory_space<vmem>>) target(%dma_start3A_1934 : memref<4096xf32, #tpu.memory_space<hbm>>) target_semaphore(%arg14 : memref<!tpu.dma_semaphore, #tpu.memory_space<semaphore_mem>>)
      %add3A_1937 = arith.constant 65536 : i32
      %add3A_1938 = arith.addi %multiple_of3A_1920, %add3A_1937 : i32
      %dma_start3A_1939 = arith.constant 8192 : i32
      %dma_start3A_1940 = tpu.memref_slice %arg10[%dma_start3A_1939] : memref<16384xf32, #tpu.memory_space<vmem>> -> memref<4096xf32, #tpu.memory_space<vmem>>
      %dma_start3A_1941 = tpu.memref_slice %arg4[%add3A_1938] : memref<26214400xf32, #tpu.memory_space<hbm>> -> memref<4096xf32, #tpu.memory_space<hbm>>
      %dma_start3A_1942 = tpu.memref_slice %arg4[%add3A_1938] : memref<26214400xf32, #tpu.memory_space<hbm>> -> memref<4096xf32, #tpu.memory_space<hbm>>
      %dma_start3A_1943 = arith.constant 8192 : i32
      %dma_start3A_1944 = tpu.memref_slice %arg10[%dma_start3A_1943] : memref<16384xf32, #tpu.memory_space<vmem>> -> memref<4096xf32, #tpu.memory_space<vmem>>
      tpu.enqueue_dma source(%dma_start3A_1944 : memref<4096xf32, #tpu.memory_space<vmem>>) target(%dma_start3A_1942 : memref<4096xf32, #tpu.memory_space<hbm>>) target_semaphore(%arg14 : memref<!tpu.dma_semaphore, #tpu.memory_space<semaphore_mem>>)
      %add3A_1945 = arith.constant 98304 : i32
      %add3A_1946 = arith.addi %multiple_of3A_1920, %add3A_1945 : i32
      %dma_start3A_1947 = arith.constant 12288 : i32
      %dma_start3A_1948 = tpu.memref_slice %arg10[%dma_start3A_1947] : memref<16384xf32, #tpu.memory_space<vmem>> -> memref<4096xf32, #tpu.memory_space<vmem>>
      %dma_start3A_1949 = tpu.memref_slice %arg4[%add3A_1946] : memref<26214400xf32, #tpu.memory_space<hbm>> -> memref<4096xf32, #tpu.memory_space<hbm>>
      %dma_start3A_1950 = tpu.memref_slice %arg4[%add3A_1946] : memref<26214400xf32, #tpu.memory_space<hbm>> -> memref<4096xf32, #tpu.memory_space<hbm>>
      %dma_start3A_1951 = arith.constant 12288 : i32
      %dma_start3A_1952 = tpu.memref_slice %arg10[%dma_start3A_1951] : memref<16384xf32, #tpu.memory_space<vmem>> -> memref<4096xf32, #tpu.memory_space<vmem>>
      tpu.enqueue_dma source(%dma_start3A_1952 : memref<4096xf32, #tpu.memory_space<vmem>>) target(%dma_start3A_1950 : memref<4096xf32, #tpu.memory_space<hbm>>) target_semaphore(%arg14 : memref<!tpu.dma_semaphore, #tpu.memory_space<semaphore_mem>>)
      %scan3A_1953 = arith.constant 0 : i32
      scf.yield %scan3A_1953 : i32
    }
    %scan3A_1601 = arith.constant 25 : i32
    %dma_wait3A_1602 = arith.constant 0 : i32
    %dma_wait3A_1603 = tpu.memref_slice %arg9[%dma_wait3A_1602] : memref<16384xf32, #tpu.memory_space<vmem>> -> memref<4096xf32, #tpu.memory_space<vmem>>
    %dma_wait3A_1604 = arith.constant 0 : i32
    %dma_wait3A_1605 = tpu.memref_slice %arg4[%dma_wait3A_1604] : memref<26214400xf32, #tpu.memory_space<hbm>> -> memref<4096xf32, #tpu.memory_space<hbm>>
    %dma_wait3A_1606 = arith.constant 0 : i32
    %dma_wait3A_1607 = tpu.memref_slice %arg4[%dma_wait3A_1606] : memref<26214400xf32, #tpu.memory_space<hbm>> -> memref<4096xf32, #tpu.memory_space<hbm>>
    %dma_wait3A_1608 = arith.constant 0 : i32
    %dma_wait3A_1609 = tpu.memref_slice %arg9[%dma_wait3A_1608] : memref<16384xf32, #tpu.memory_space<vmem>> -> memref<4096xf32, #tpu.memory_space<vmem>>
    tpu.wait_dma2 semaphore(%arg13 : memref<!tpu.dma_semaphore, #tpu.memory_space<semaphore_mem>>) src(%dma_wait3A_1609 : memref<4096xf32, #tpu.memory_space<vmem>>) dst(%dma_wait3A_1607 : memref<4096xf32, #tpu.memory_space<hbm>>)
    %dma_wait3A_1610 = arith.constant 0 : i32
    %dma_wait3A_1611 = tpu.memref_slice %arg9[%dma_wait3A_1610] : memref<16384xf32, #tpu.memory_space<vmem>> -> memref<4096xf32, #tpu.memory_space<vmem>>
    %dma_wait3A_1612 = arith.constant 0 : i32
    %dma_wait3A_1613 = tpu.memref_slice %arg4[%dma_wait3A_1612] : memref<26214400xf32, #tpu.memory_space<hbm>> -> memref<4096xf32, #tpu.memory_space<hbm>>
    %dma_wait3A_1614 = arith.constant 0 : i32
    %dma_wait3A_1615 = tpu.memref_slice %arg4[%dma_wait3A_1614] : memref<26214400xf32, #tpu.memory_space<hbm>> -> memref<4096xf32, #tpu.memory_space<hbm>>
    %dma_wait3A_1616 = arith.constant 0 : i32
    %dma_wait3A_1617 = tpu.memref_slice %arg9[%dma_wait3A_1616] : memref<16384xf32, #tpu.memory_space<vmem>> -> memref<4096xf32, #tpu.memory_space<vmem>>
    tpu.wait_dma2 semaphore(%arg13 : memref<!tpu.dma_semaphore, #tpu.memory_space<semaphore_mem>>) src(%dma_wait3A_1617 : memref<4096xf32, #tpu.memory_space<vmem>>) dst(%dma_wait3A_1615 : memref<4096xf32, #tpu.memory_space<hbm>>)
    %dma_wait3A_1618 = arith.constant 0 : i32
    %dma_wait3A_1619 = tpu.memref_slice %arg9[%dma_wait3A_1618] : memref<16384xf32, #tpu.memory_space<vmem>> -> memref<4096xf32, #tpu.memory_space<vmem>>
    %dma_wait3A_1620 = arith.constant 0 : i32
    %dma_wait3A_1621 = tpu.memref_slice %arg4[%dma_wait3A_1620] : memref<26214400xf32, #tpu.memory_space<hbm>> -> memref<4096xf32, #tpu.memory_space<hbm>>
    %dma_wait3A_1622 = arith.constant 0 : i32
    %dma_wait3A_1623 = tpu.memref_slice %arg4[%dma_wait3A_1622] : memref<26214400xf32, #tpu.memory_space<hbm>> -> memref<4096xf32, #tpu.memory_space<hbm>>
    %dma_wait3A_1624 = arith.constant 0 : i32
    %dma_wait3A_1625 = tpu.memref_slice %arg9[%dma_wait3A_1624] : memref<16384xf32, #tpu.memory_space<vmem>> -> memref<4096xf32, #tpu.memory_space<vmem>>
    tpu.wait_dma2 semaphore(%arg13 : memref<!tpu.dma_semaphore, #tpu.memory_space<semaphore_mem>>) src(%dma_wait3A_1625 : memref<4096xf32, #tpu.memory_space<vmem>>) dst(%dma_wait3A_1623 : memref<4096xf32, #tpu.memory_space<hbm>>)
    %dma_wait3A_1626 = arith.constant 0 : i32
    %dma_wait3A_1627 = tpu.memref_slice %arg9[%dma_wait3A_1626] : memref<16384xf32, #tpu.memory_space<vmem>> -> memref<4096xf32, #tpu.memory_space<vmem>>
    %dma_wait3A_1628 = arith.constant 0 : i32
    %dma_wait3A_1629 = tpu.memref_slice %arg4[%dma_wait3A_1628] : memref<26214400xf32, #tpu.memory_space<hbm>> -> memref<4096xf32, #tpu.memory_space<hbm>>
    %dma_wait3A_1630 = arith.constant 0 : i32
    %dma_wait3A_1631 = tpu.memref_slice %arg4[%dma_wait3A_1630] : memref<26214400xf32, #tpu.memory_space<hbm>> -> memref<4096xf32, #tpu.memory_space<hbm>>
    %dma_wait3A_1632 = arith.constant 0 : i32
    %dma_wait3A_1633 = tpu.memref_slice %arg9[%dma_wait3A_1632] : memref<16384xf32, #tpu.memory_space<vmem>> -> memref<4096xf32, #tpu.memory_space<vmem>>
    tpu.wait_dma2 semaphore(%arg13 : memref<!tpu.dma_semaphore, #tpu.memory_space<semaphore_mem>>) src(%dma_wait3A_1633 : memref<4096xf32, #tpu.memory_space<vmem>>) dst(%dma_wait3A_1631 : memref<4096xf32, #tpu.memory_space<hbm>>)
    %dma_wait3A_1634 = arith.constant 0 : i32
    %dma_wait3A_1635 = tpu.memref_slice %arg10[%dma_wait3A_1634] : memref<16384xf32, #tpu.memory_space<vmem>> -> memref<4096xf32, #tpu.memory_space<vmem>>
    %dma_wait3A_1636 = arith.constant 0 : i32
    %dma_wait3A_1637 = tpu.memref_slice %arg4[%dma_wait3A_1636] : memref<26214400xf32, #tpu.memory_space<hbm>> -> memref<4096xf32, #tpu.memory_space<hbm>>
    %dma_wait3A_1638 = arith.constant 0 : i32
    %dma_wait3A_1639 = tpu.memref_slice %arg4[%dma_wait3A_1638] : memref<26214400xf32, #tpu.memory_space<hbm>> -> memref<4096xf32, #tpu.memory_space<hbm>>
    %dma_wait3A_1640 = arith.constant 0 : i32
    %dma_wait3A_1641 = tpu.memref_slice %arg10[%dma_wait3A_1640] : memref<16384xf32, #tpu.memory_space<vmem>> -> memref<4096xf32, #tpu.memory_space<vmem>>
    tpu.wait_dma2 semaphore(%arg14 : memref<!tpu.dma_semaphore, #tpu.memory_space<semaphore_mem>>) src(%dma_wait3A_1641 : memref<4096xf32, #tpu.memory_space<vmem>>) dst(%dma_wait3A_1639 : memref<4096xf32, #tpu.memory_space<hbm>>)
    %dma_wait3A_1642 = arith.constant 0 : i32
    %dma_wait3A_1643 = tpu.memref_slice %arg10[%dma_wait3A_1642] : memref<16384xf32, #tpu.memory_space<vmem>> -> memref<4096xf32, #tpu.memory_space<vmem>>
    %dma_wait3A_1644 = arith.constant 0 : i32
    %dma_wait3A_1645 = tpu.memref_slice %arg4[%dma_wait3A_1644] : memref<26214400xf32, #tpu.memory_space<hbm>> -> memref<4096xf32, #tpu.memory_space<hbm>>
    %dma_wait3A_1646 = arith.constant 0 : i32
    %dma_wait3A_1647 = tpu.memref_slice %arg4[%dma_wait3A_1646] : memref<26214400xf32, #tpu.memory_space<hbm>> -> memref<4096xf32, #tpu.memory_space<hbm>>
    %dma_wait3A_1648 = arith.constant 0 : i32
    %dma_wait3A_1649 = tpu.memref_slice %arg10[%dma_wait3A_1648] : memref<16384xf32, #tpu.memory_space<vmem>> -> memref<4096xf32, #tpu.memory_space<vmem>>
    tpu.wait_dma2 semaphore(%arg14 : memref<!tpu.dma_semaphore, #tpu.memory_space<semaphore_mem>>) src(%dma_wait3A_1649 : memref<4096xf32, #tpu.memory_space<vmem>>) dst(%dma_wait3A_1647 : memref<4096xf32, #tpu.memory_space<hbm>>)
    %dma_wait3A_1650 = arith.constant 0 : i32
    %dma_wait3A_1651 = tpu.memref_slice %arg10[%dma_wait3A_1650] : memref<16384xf32, #tpu.memory_space<vmem>> -> memref<4096xf32, #tpu.memory_space<vmem>>
    %dma_wait3A_1652 = arith.constant 0 : i32
    %dma_wait3A_1653 = tpu.memref_slice %arg4[%dma_wait3A_1652] : memref<26214400xf32, #tpu.memory_space<hbm>> -> memref<4096xf32, #tpu.memory_space<hbm>>
    %dma_wait3A_1654 = arith.constant 0 : i32
    %dma_wait3A_1655 = tpu.memref_slice %arg4[%dma_wait3A_1654] : memref<26214400xf32, #tpu.memory_space<hbm>> -> memref<4096xf32, #tpu.memory_space<hbm>>
    %dma_wait3A_1656 = arith.constant 0 : i32
    %dma_wait3A_1657 = tpu.memref_slice %arg10[%dma_wait3A_1656] : memref<16384xf32, #tpu.memory_space<vmem>> -> memref<4096xf32, #tpu.memory_space<vmem>>
    tpu.wait_dma2 semaphore(%arg14 : memref<!tpu.dma_semaphore, #tpu.memory_space<semaphore_mem>>) src(%dma_wait3A_1657 : memref<4096xf32, #tpu.memory_space<vmem>>) dst(%dma_wait3A_1655 : memref<4096xf32, #tpu.memory_space<hbm>>)
    %dma_wait3A_1658 = arith.constant 0 : i32
    %dma_wait3A_1659 = tpu.memref_slice %arg10[%dma_wait3A_1658] : memref<16384xf32, #tpu.memory_space<vmem>> -> memref<4096xf32, #tpu.memory_space<vmem>>
    %dma_wait3A_1660 = arith.constant 0 : i32
    %dma_wait3A_1661 = tpu.memref_slice %arg4[%dma_wait3A_1660] : memref<26214400xf32, #tpu.memory_space<hbm>> -> memref<4096xf32, #tpu.memory_space<hbm>>
    %dma_wait3A_1662 = arith.constant 0 : i32
    %dma_wait3A_1663 = tpu.memref_slice %arg4[%dma_wait3A_1662] : memref<26214400xf32, #tpu.memory_space<hbm>> -> memref<4096xf32, #tpu.memory_space<hbm>>
    %dma_wait3A_1664 = arith.constant 0 : i32
    %dma_wait3A_1665 = tpu.memref_slice %arg10[%dma_wait3A_1664] : memref<16384xf32, #tpu.memory_space<vmem>> -> memref<4096xf32, #tpu.memory_space<vmem>>
    tpu.wait_dma2 semaphore(%arg14 : memref<!tpu.dma_semaphore, #tpu.memory_space<semaphore_mem>>) src(%dma_wait3A_1665 : memref<4096xf32, #tpu.memory_space<vmem>>) dst(%dma_wait3A_1663 : memref<4096xf32, #tpu.memory_space<hbm>>)
    return
  }
}

</mosaic_0001>

<sc_bundles>
// kernel: kernel.3.cloned.1.call-start
scs
__scs_entry_jumppad:
0x0: {  	(pc) =	sbr.rel $0x88, $3  }
0x1: {  	(tag) =	ssettag $0x0;
	lr =	simm.s32 $0x1  }
0x2: {  	[smem:$0x3F9F] =	sst lr;
	_ =	strace $0xD0000000  }
0x3: {  	_ = 	snop  }
0x4: {  	_ = 	snop  }
0x5: {  	_ = 	snop  }
0x6: {  	_ = 	snop  }
0x7: {  	_ = 	snop  }
__scs_overlays_trampoline_lowered:
0x8: {  	[smem:$0x3FAE] =	sst s0  }
0x9: {  	[smem:$0x3FAF] =	sst s1  }
0xa: {  	[smem:$0x3FB0] =	sst s2  }
0xb: {  	[smem:$0x3FB1] =	sst s3  }
0xc: {  	[smem:$0x3FB2] =	sst s4  }
0xd: {  	[smem:$0x3FB3] =	sst s5  }
0xe: {  	[smem:$0x3FB4] =	sst s6  }
0xf: {  	[smem:$0x3FB5] =	sst s7  }
0x10: {  	[smem:$0x3FB6] =	sst s8  }
0x11: {  	[smem:$0x3FB7] =	sst s9;
	s0 =	simm.s32 @!p0 $0x0  }
0x12: {  	s1 =	sld [smem:$0x3F9D];
	s0 =	simm.s32 @p0 $0x1  }
0x13: {  	[smem:$0x3FB8] =	sst s0;
	s0 =	simm.s32 @!p1 $0x0  }
0x14: {  	s2 =	sld [smem:$0x3F9C];
	s0 =	simm.s32 @p1 $0x1  }
0x15: {  	[smem:$0x3FB9] =	sst s0;
	s0 =	simm.s32 @!p2 $0x0  }
0x16: {  	s3 =	sld [smem:$0x3FDB];
	s0 =	simm.s32 @p2 $0x1  }
0x17: {  	s4 =	simm.s32 $0x1BF5;
	[smem:$0x3FBB] =	sst s0  }
0x18: {  	s0 =	sld [smem:$0x3F9E];
	_ =	swait.ge [sflag:s4], $0x0  }
0x19: {  	s7 =	sld [smem:$0x3F9F]  }
0x1a: {  	s8 =	sadd.s32 $0xFFFFE003, lr  }
0x1b: {  	s9 =	sadd.s32 $0xFFFFFEF7, lr;
	s5 =	simm.s32 $0xFFFFFFFF;
	p2 =	slt.u32 s8, $0xFFFFF086  }
0x1c: {  	p1 =	slt.u32 s9, $0xF7A;
	s5 =	simm.s32 @!p2 $0x0  }
0x1d: {  	s5 =	simm.s32 @p1 $0x1;
	p0 =	seq.s32 s7, s2  }
0x1e: {  	s7 =	smul.u32 @!p0 $0xF7A, s2;
	p2 =	seq.s32 @!p0 s5, $0x0  }
0x1f: {  	s9 =	smul.u32 $0xF7A, s1;
	s8 =	simm.s32 @!p0 $0x1BF5;
	p2 =	por !p2, p0  }
0x20: {  	[sflag:s8] =	ssyncset.s32 @!p0 $0xFFFFF086;
	s6 =	sadd.s32 @!p0 s3, s7;
	s7 =	simm.s32 @!p0 $0x108  }
0x21: {  	s3 =	sadd.s32 s3, s9;
	s6 =	sadd.s32 @!p0 $0x88, s6;
	s7 =	simm.s32 @p2 $0x1082  }
0x22: {  	[simem:s7], [sflag:s8] =	dma.local @!p0 [hbm:s6], $0xF7A  }
0x23: {  	s9 =	sor.u32 $0xD0000000, s2;
	s6 =	simm.s32 $0x108;
	_ =	swait.ge @!p0 [sflag:s8], $0x0  }
0x24: {  	s3 =	sadd.s32 $0x88, s3;
	s6 =	simm.s32 @!p1 $0x1082;
	[sflag:s4] =	ssyncset.s32 $0xFFFFF086  }
0x25: {  	[simem:s6], [sflag:s4] =	dma.local [hbm:s3], $0xF7A  }
0x26: {  	[smem:$0x3F9F] =	sst s1;
	(tag) =	ssettag s2;
	_ =	strace s9  }
0x27: {  	s1 =	sld [smem:$0x3FAF]  }
0x28: {  	s2 =	sld [smem:$0x3FB0]  }
0x29: {  	s4 =	sld [smem:$0x3FB2]  }
0x2a: {  	p0 =	seq.s32 s5, $0x0;
	s5 =	sld [smem:$0x3FB3]  }
0x2b: {  	s6 =	sld [smem:$0x3FB4]  }
0x2c: {  	s7 =	sld [smem:$0x3FB5]  }
0x2d: {  	s3 =	simm.s32 $0x108;
	s8 =	sld [smem:$0x3FB6]  }
0x2e: {  	s3 =	simm.s32 @!p0 $0x1082;
	s9 =	sld [smem:$0x3FB7]  }
0x2f: {  	lr =	sadd.s32 s0, s3;
	s0 =	sld [smem:$0x3FAE]  }
0x30: {  	s3 =	sld [smem:$0x3FB1]  }
0x31: {  	[smem:$0x3FBA] =	sst s10  }
0x32: {  	s10 =	sld [smem:$0x3FB8];
	_ =	sdelay $0x3  }
0x33: {  	p0 =	seq.s32 s10, $0x1;
	s10 =	sld [smem:$0x3FBA];
	_ =	sdelay $0x3  }
0x34: {  	[smem:$0x3FBA] =	sst s10  }
0x35: {  	s10 =	sld [smem:$0x3FB9];
	_ =	sdelay $0x3  }
0x36: {  	p1 =	seq.s32 s10, $0x1;
	s10 =	sld [smem:$0x3FBA];
	_ =	sdelay $0x3  }
0x37: {  	[smem:$0x3FBA] =	sst s10  }
0x38: {  	s10 =	sld [smem:$0x3FBB]  }
0x39: {  	_ = 	snop;
	(pc) =	sbr.ind lr, $3  }
0x3a: {  	_ = 	snop  }
0x3b: {  	_ = 	snop  }
0x3c: {  	p2 =	seq.s32 s10, $0x1;
	s10 =	sld [smem:$0x3FBA]  }
0x3d: {  	_ =	shalt  }
0x3e: {  	_ =	shalt  }
0x3f: {  	_ =	shalt  }
0x40: {  	_ =	shalt  }
0x41: {  	_ =	shalt  }
0x42: {  	_ =	shalt  }
0x43: {  	_ =	shalt  }
0x44: {  	_ =	shalt  }
0x45: {  	_ =	shalt  }
0x46: {  	_ =	shalt  }
0x47: {  	_ =	shalt  }
0x48: {  	_ =	shalt  }
0x49: {  	_ =	shalt  }
0x4a: {  	_ =	shalt  }
0x4b: {  	_ =	shalt  }
0x4c: {  	_ =	shalt  }
0x4d: {  	_ =	shalt  }
0x4e: {  	_ =	shalt  }
0x4f: {  	_ =	shalt  }
0x50: {  	_ =	shalt  }
0x51: {  	_ =	shalt  }
0x52: {  	_ =	shalt  }
0x53: {  	_ =	shalt  }
0x54: {  	_ =	shalt  }
0x55: {  	_ =	shalt  }
0x56: {  	_ =	shalt  }
0x57: {  	_ =	shalt  }
0x58: {  	_ =	shalt  }
0x59: {  	_ =	shalt  }
0x5a: {  	_ =	shalt  }
0x5b: {  	_ =	shalt  }
0x5c: {  	_ =	shalt  }
0x5d: {  	_ =	shalt  }
0x5e: {  	_ =	shalt  }
0x5f: {  	_ =	shalt  }
0x60: {  	_ =	shalt  }
0x61: {  	_ =	shalt  }
0x62: {  	_ =	shalt  }
0x63: {  	_ =	shalt  }
0x64: {  	_ =	shalt  }
0x65: {  	_ =	shalt  }
0x66: {  	_ =	shalt  }
0x67: {  	_ =	shalt  }
0x68: {  	_ =	shalt  }
0x69: {  	_ =	shalt  }
0x6a: {  	_ =	shalt  }
0x6b: {  	_ =	shalt  }
0x6c: {  	_ =	shalt  }
0x6d: {  	_ =	shalt  }
0x6e: {  	_ =	shalt  }
0x6f: {  	_ =	shalt  }
0x70: {  	_ =	shalt  }
0x71: {  	_ =	shalt  }
0x72: {  	_ =	shalt  }
0x73: {  	_ =	shalt  }
0x74: {  	_ =	shalt  }
0x75: {  	_ =	shalt  }
0x76: {  	_ =	shalt  }
0x77: {  	_ =	shalt  }
0x78: {  	_ =	shalt  }
0x79: {  	_ =	shalt  }
0x7a: {  	_ =	shalt  }
0x7b: {  	_ =	shalt  }
0x7c: {  	_ =	shalt  }
0x7d: {  	_ =	shalt  }
0x7e: {  	_ =	shalt  }
0x7f: {  	_ =	shalt  }
0x80: {  	_ =	shalt  }
0x81: {  	_ =	shalt  }
0x82: {  	_ =	shalt  }
0x83: {  	_ =	shalt  }
0x84: {  	_ =	shalt  }
0x85: {  	_ =	shalt  }
0x86: {  	_ =	shalt  }
0x87: {  	_ =	shalt  }
.Lfunc_end0:
.L_simem_size_0:
called_computation_lowered:
.L_overlay_start_0:
0x88: {  	s2 =	sld [smem:$0x3FD9]  }
0x89: {  	s3 =	sld [smem:$0x3FFE];
	_ =	sdelay $0x1  }
0x8a: {  	s1 =	srdreg.scid  }
0x8b: {  	s0 =	sand.u32 $0x1, s1  }
0x8c: {  	s17 =	sshll.u32 s0, $0xA;
	s2 =	sadd.s32 s3, s2  }
0x8d: {  	s2 =	sadd.s32 s2, s17  }
0x8e: {  	[smem:$0x3FC6] =	sst s2  }
0x8f: {  	_ = 	snop  }
0x90: {  	s2 =	sld [smem:$0x3FC9]  }
0x91: {  	s18 =	sld [smem:$0x3FD0];
	(tm) =	ssettm $0x1  }
0x92: {  	s4 =	sld [smem:$0x3FFB];
	_ =	sdelay $0x3  }
0x93: {  	_ =	strace s4  }
0x94: {  	s4 =	sld [smem:$0x3FFC];
	_ =	sdelay $0x3  }
0x95: {  	_ =	strace s4  }
0x96: {  	s4 =	sld [smem:$0x3FFD];
	_ =	sdelay $0x3  }
0x97: {  	_ =	strace s4  }
0x98: {  	_ =	strace $0x8FFFFFFF  }
0x99: {  	s19 =	sld [smem:$0x3FDB];
	_ =	sdelay $0x1  }
0x9a: {  	s5 =	simm.s32 $_scs_section_size  }
0x9b: {  	s6 =	simm.s32 $_size__tile_overlayer_lowered;
	s7 =	simm.s32 $_tile_overlayer_lowered  }
0x9c: {  	s22 =	simm.s32 $0x1BFF;
	s21 =	sshll.u32 s7, $0x1;
	s4 =	sadd.s32 s5, s19  }
0x9d: {  	s8 =	simm.s32 $0x0;
	s20 =	sshll.u32 s6, $0x1;
	s6 =	sadd.s32 s21, s4  }
0x9e: {  	[timem:s8], [sflag:s22] =	dma.local [hbm:s6], s20  }
0x9f: {  	_ =	swait.ge [sflag:s22], s20  }
0xa0: {  	s5 =	ssub.s32 $0x0, s20;
	[sflag:s22] =	ssyncset.done $0x0  }
0xa1: {  	[sflag:s22] =	ssyncadd.s32 s5;
	_ =	sdelay $0x1  }
0xa2: {  	s23 =	simm.s32 $0x1B8B  }
0xa3: {  	_ =	swait.ge [sflag:s23], $0x1  }
0xa4: {  	[sflag:s23] =	ssyncset.done $0x0  }
0xa5: {  	s25 =	simm.s32 $0x1B8E;
	s24 =	sld [smem:$0x3FFE];
	[sflag:s23] =	ssyncadd.s32 $0xFFFFFFFF  }
0xa6: {  	s26 =	simm.s32 $execute0_lowered;
	[smem:$0x3FD2] =	sst s25  }
0xa7: {  	s6 =	sshll.u32 s26, $0x1;
	_ =	strace $0x80000046;
	[dreg:$0x1] =	wrdreg $0xFFFFFFFF  }
0xa8: {  	s28 =	simm.s32 $_size_execute0_lowered;
	s4 =	sadd.s32 s4, s6;
	[dreg:$0x0] =	wrdreg $0x0  }
0xa9: {  	s6 =	sshll.u32 s28, $0x1;
	[dreg:$0x2] =	wrdreg s4  }
0xaa: {  	[dreg:$0x3] =	wrdreg s6  }
0xab: {  	[dreg:$0x4] =	wrdreg $0xC0  }
0xac: {  	_ =	task [dreg:s8], $0x5FFFF  }
0xad: {  	[dreg:$0x1] =	wrdreg $0xFFFFFFFF  }
0xae: {  	[dreg:$0x0] =	wrdreg $0x60  }
0xaf: {  	[dreg:$0x2] =	wrdreg s2  }
0xb0: {  	[dreg:$0x3] =	wrdreg s24  }
0xb1: {  	[dreg:$0x4] =	wrdreg s18  }
0xb2: {  	[dreg:$0x5] =	wrdreg $0x9  }
0xb3: {  	_ =	task.clear_ibuf [dreg:s8], $0x6FFFF;
	_ =	strace $0x90000046  }
0xb4: {  	s29 =	simm.s32 $0x9;
	_ =	strace $0x80000048  }
0xb5: {  	_ =	swait.ge [sflag:s29], $0x1  }
0xb6: {  	[sflag:s29] =	ssyncadd.s32 $0xFFFFFFFF  }
0xb7: {  	_ =	strace $0x90000048  }
0xb8: {  	_ =	sfence  }
0xb9: {  	s30 =	sld [smem:$0x0];
	_ =	sdelay $0x2  }
0xba: {  	s31 =	sshll.u32 s1, $0xD;
	s1 =	sshrl.u32 s1, $0x2  }
0xbb: {  	s3 =	sand.u32 $0x4000, s31;
	s1 =	sadd.s32 s1, s30  }
0xbc: {  	s0 =	sor.u32 s3, s0;
	s1 =	sshll.u32 s1, $0x11  }
0xbd: {  	s0 =	sor.u32 s1, s0  }
0xbe: {  	s0 =	sadd.s32 $0x8F2B, s0  }
0xbf: {  	[sflag:s0] =	ssyncadd.remote.s32 $0x1  }
0xc0: {  	_ =	sfence.sel $0xFFFF  }
0xc1: {  	[dreg:$0x0] =	wrdreg $0xFFFFFFFF;
	(pc) =	sbr.abs _section_cstart, $3  }
0xc2: {  	[dreg:$0x1] =	wrdreg $0xFFFFFFFF  }
0xc3: {  	_ =	task.clear_ibuf [dreg:s8], $0x2FFFF;
	_ =	strace $0x9FFFFFFF  }
0xc4: {  	(tm) =	ssettm $0x7FFFFFFF  }
0xc5: {  	_ =	shalt  }
tec
execute0_lowered:
.L_overlay_start_1:
0x0: {  	(tag) =	ssettag $0x1  }
0x1: {  	v0 =	vimm.s32 $0x138F  }
0x2: {  	vm14 =	vcmask $0x300;
	vm13 =	vcmask $0x704;
	vm12 =	vcmask $0xB08  }
0x3: {  	vm11 =	vcmask $0xF0C;
	vm10 =	vcmask $0x1310;
	vm9 =	vcmask $0x1714  }
0x4: {  	vm8 =	vcmask $0x1B18;
	vm7 =	vcmask $0x1F1C;
	vm5 =	vcmask $0x2320  }
0x5: {  	vm4 =	vcmask $0x2724;
	v1 =	vimm.s32 $0xF;
	vm2 =	vcmask $0x2B28  }
0x6: {  	vm3 =	vcmask $0x2F2C;
	vm1 =	vcmask $0x3330;
	vm0 =	vcmask $0x3734  }
0x7: {  	v2 =	vimm.s32 $0xFEDCBA9;
	v3 =	vimm.s32 $0x87654321;
	v4 =	vimm.s32 $0x8F  }
0x8: {  	vm6 =	vcmask $0x3B38;
	v50 =	vimm.s32 $0x10FEDCBA;
	v7 =	vimm.s32 $0x10F  }
0x9: {  	v0 =	vsel vm14, $0x0, v0;
	v1 =	vsel vm14, $0x80, v1;
	v2 =	vunpack.c.l.s4.s8 v2  }
0xa: {  	v5 =	vunpack.c.l.s4.s8 v3;
	v4 =	vsel vm14, $0x100, v4;
	v53 =	vsel vm14, $0x180, v7  }
0xb: {  	v7 =	vimm.s32 $0xA9876543;
	v0 =	vsel vm13, $0x81, v0;
	v1 =	vsel vm13, $0x101, v1  }
0xc: {  	v46 =	vsel vm13, $0x181, v4;
	v0 =	vsel vm12, $0x102, v0;
	v1 =	vsel vm12, $0x182, v1  }
0xd: {  	v3 =	vunpack.c.0.s8.s32 v2;
	v0 =	vsel vm11, $0x183, v0;
	v1 =	vsel vm11, $0x203, v1  }
0xe: {  	v2 =	vsel vm12, $0x202, v46;
	v0 =	vsel vm10, $0x204, v0;
	v1 =	vsel vm10, $0x284, v1  }
0xf: {  	v2 =	vsel vm11, $0x283, v2;
	v0 =	vsel vm9, $0x285, v0;
	v1 =	vsel vm9, $0x305, v1  }
0x10: {  	v6 =	vsel vm10, $0x304, v2;
	v0 =	vsel vm8, $0x306, v0;
	v1 =	vsel vm8, $0x386, v1  }
0x11: {  	v48 =	vsel vm9, $0x385, v6;
	v0 =	vsel vm7, $0x387, v0;
	v1 =	vsel vm7, $0x1007, v1  }
0x12: {  	v6 =	vimm.s32 $0x98765432;
	v0 =	vsel vm5, $0x1008, v0;
	v1 =	vsel vm5, $0x1088, v1  }
0x13: {  	v6 =	vunpack.c.l.s4.s8 v6;
	v0 =	vsel vm4, $0x1089, v0;
	v1 =	vsel vm4, $0x1109, v1  }
0x14: {  	v7 =	vunpack.c.l.s4.s8 v7;
	v0 =	vsel vm2, $0x110A, v0;
	v1 =	vsel vm2, $0x118A, v1  }
0x15: {  	v20 =	vunpack.c.0.s8.s32 v6;
	v0 =	vsel vm3, $0x118B, v0;
	v1 =	vsel vm3, $0x120B, v1  }
0x16: {  	v0 =	vsel vm1, $0x120C, v0;
	v47 =	vsel vm1, $0x128C, v1;
	v1 =	vsel vm8, $0x1006, v48  }
0x17: {  	v6 =	vimm.s32 $0x210FEDCB;
	v0 =	vsel vm0, $0x128D, v0;
	v1 =	vsel vm7, $0x1087, v1  }
0x18: {  	v58 =	vsel vm6, $0x130E, v0;
	v0 =	vsel vm0, $0x130D, v47;
	v1 =	vsel vm5, $0x1108, v1  }
0x19: {  	v49 =	vsel vm6, $0x138E, v0;
	v0 =	vunpack.c.l.s4.s8 v50;
	v1 =	vsel vm4, $0x1189, v1  }
0x1a: {  	v6 =	vunpack.c.l.s4.s8 v6;
	v52 =	vsel vm2, $0x120A, v1;
	v1 =	vsel vm13, $0x201, v53  }
0x1b: {  	v55 =	vunpack.c.0.s8.s32 v7;
	v17 =	vunpack.c.0.s8.s32 v0;
	v1 =	vsel vm12, $0x282, v1  }
0x1c: {  	v54 =	vunpack.c.0.s8.s32 v6;
	v0 =	vsel vm3, $0x128B, v52;
	v1 =	vsel vm11, $0x303, v1  }
0x1d: {  	v9 =	vsel vm1, $0x130C, v0;
	v8 =	vcombine.low v20, v17;
	v10 =	vsel vm10, $0x384, v1  }
0x1e: {  	v7 =	vsel vm0, $0x138D, v9;
	v6 =	vsel vm9, $0x1005, v10  }
0x1f: {  	v26 =	vand.u32 $0xF, v8;
	v6 =	vsel vm8, $0x1086, v6;
	v8 =	vcombine.low v55, v54  }
0x20: {  	v10 =	vimm.s32 $0x18F;
	v57 =	vsel vm6, $0xE, v7;
	v9 =	vsel vm7, $0x1107, v6  }
0x21: {  	v7 =	vsel vm5, $0x1188, v9;
	v9 =	vsel vm14, $0x200, v10;
	v27 =	vand.u32 $0xF, v8  }
0x22: {  	v10 =	vimm.s32 $0xBA987654;
	v7 =	vsel vm4, $0x1209, v7;
	v8 =	vsel vm13, $0x281, v9  }
0x23: {  	v9 =	vimm.s32 $0x3210FEDC;
	v10 =	vunpack.c.l.s4.s8 v10;
	v8 =	vsel vm12, $0x302, v8  }
0x24: {  	v7 =	vsel vm2, $0x128A, v7;
	v9 =	vunpack.c.l.s4.s8 v9;
	v8 =	vsel vm11, $0x383, v8  }
0x25: {  	v7 =	vsel vm3, $0x130B, v7;
	v19 =	vunpack.c.0.s8.s32 v10;
	v8 =	vsel vm10, $0x1004, v8  }
0x26: {  	v7 =	vsel vm1, $0x138C, v7;
	v13 =	vunpack.c.0.s8.s32 v9;
	v9 =	vimm.s32 $0x20F  }
0x27: {  	v8 =	vsel vm9, $0x1085, v8;
	v7 =	vsel vm0, $0xD, v7;
	v9 =	vsel vm14, $0x280, v9  }
0x28: {  	v8 =	vsel vm8, $0x1106, v8;
	v10 =	vcombine.low v19, v13;
	v9 =	vsel vm13, $0x301, v9  }
0x29: {  	v28 =	vsel vm6, $0x8E, v7;
	v8 =	vsel vm7, $0x1187, v8;
	v9 =	vsel vm12, $0x382, v9  }
0x2a: {  	v11 =	vsel vm5, $0x1208, v8;
	v31 =	vand.u32 $0xF, v10;
	v9 =	vsel vm11, $0x1003, v9  }
0x2b: {  	v10 =	vimm.s32 $0x43210FED;
	v7 =	vsel vm4, $0x1289, v11;
	v9 =	vsel vm10, $0x1084, v9  }
0x2c: {  	v10 =	vunpack.c.l.s4.s8 v10;
	v11 =	vimm.s32 $0xCBA98765;
	v7 =	vsel vm2, $0x130A, v7  }
0x2d: {  	v9 =	vsel vm9, $0x1105, v9;
	v11 =	vunpack.c.l.s4.s8 v11;
	v7 =	vsel vm3, $0x138B, v7  }
0x2e: {  	v9 =	vsel vm8, $0x1186, v9;
	v21 =	vunpack.c.0.s8.s32 v10;
	v10 =	vimm.s32 $0x28F  }
0x2f: {  	v7 =	vsel vm1, $0xC, v7;
	v9 =	vsel vm7, $0x1207, v9;
	v23 =	vunpack.c.0.s8.s32 v11  }
0x30: {  	v10 =	vsel vm14, $0x300, v10;
	v9 =	vsel vm5, $0x1288, v9;
	v7 =	vsel vm0, $0x8D, v7  }
0x31: {  	v10 =	vsel vm13, $0x381, v10;
	v9 =	vsel vm4, $0x1309, v9;
	v11 =	vcombine.low v23, v21  }
0x32: {  	v12 =	vsel vm12, $0x1002, v10;
	v34 =	vsel vm6, $0x10E, v7;
	v9 =	vsel vm2, $0x138A, v9  }
0x33: {  	v7 =	vsel vm3, $0xB, v9;
	v9 =	vsel vm11, $0x1083, v12;
	v6 =	vand.u32 $0xF, v11  }
0x34: {  	v12 =	vimm.s32 $0xDCBA9876;
	v7 =	vsel vm1, $0x8C, v7;
	v9 =	vsel vm10, $0x1104, v9  }
0x35: {  	v11 =	vsel vm0, $0x10D, v7;
	v7 =	vimm.s32 $0x543210FE;
	v9 =	vsel vm9, $0x1185, v9  }
0x36: {  	v12 =	vunpack.c.l.s4.s8 v12;
	v7 =	vunpack.c.l.s4.s8 v7;
	v9 =	vsel vm8, $0x1206, v9  }
0x37: {  	v16 =	vimm.s32 $0x6543210F;
	v5 =	vunpack.c.0.s8.s32 v5;
	v9 =	vsel vm7, $0x1287, v9  }
0x38: {  	v7 =	vunpack.c.0.s8.s32 v7;
	v15 =	vsel vm5, $0x1308, v9;
	v9 =	vunpack.c.0.s8.s32 v12  }
0x39: {  	v18 =	vimm.s32 $0xEDCBA987;
	v4 =	vcombine.low v5, v3;
	v15 =	vsel vm4, $0x1389, v15  }
0x3a: {  	v36 =	vsel vm6, $0x18E, v11;
	v11 =	vsel vm2, $0xA, v15;
	v15 =	vcombine.low v9, v7  }
0x3b: {  	v16 =	vunpack.c.l.s4.s8 v16;
	v18 =	vunpack.c.l.s4.s8 v18  }
0x3c: {  	v60 =	vand.u32 $0xF, v4;
	v11 =	vsel vm3, $0x8B, v11;
	v4 =	vand.u32 $0xF, v15  }
0x3d: {  	v22 =	vsel vm1, $0x10C, v11;
	v11 =	vunpack.c.0.s8.s32 v16;
	v15 =	vunpack.c.0.s8.s32 v18;
	_ =	sdelay $0x1  }
0x3e: {  	v44 =	vsel vm0, $0x18D, v22;
	v22 =	vcombine.low v15, v11;
	_ =	sdelay $0x1  }
0x3f: {  	v39 =	vand.u32 $0xF, v22;
	v22 =	vimm.s32 $0x100F  }
0x40: {  	v22 =	vsel vm14, $0x1080, v22  }
0x41: {  	v14 =	vimm.s32 $0x30F;
	v22 =	vsel vm13, $0x1101, v22  }
0x42: {  	v14 =	vsel vm14, $0x380, v14;
	v22 =	vsel vm12, $0x1182, v22  }
0x43: {  	v14 =	vsel vm13, $0x1001, v14;
	v22 =	vsel vm11, $0x1203, v22  }
0x44: {  	v14 =	vsel vm12, $0x1082, v14;
	v22 =	vsel vm10, $0x1284, v22  }
0x45: {  	v14 =	vsel vm11, $0x1103, v14;
	v22 =	vsel vm9, $0x1305, v22  }
0x46: {  	v14 =	vsel vm10, $0x1184, v14;
	v22 =	vsel vm8, $0x1386, v22  }
0x47: {  	v3 =	vcombine.low v3, v5;
	v14 =	vsel vm9, $0x1205, v14;
	v22 =	vsel vm7, $0x7, v22  }
0x48: {  	v46 =	vimm.s32 $0x118F;
	v14 =	vsel vm8, $0x1286, v14;
	v22 =	vsel vm5, $0x88, v22  }
0x49: {  	v42 =	vand.u32 $0xF, v3;
	v14 =	vsel vm7, $0x1307, v14;
	v22 =	vsel vm4, $0x109, v22  }
0x4a: {  	v14 =	vsel vm5, $0x1388, v14;
	v5 =	vsel vm2, $0x18A, v22;
	v22 =	vimm.s32 $0x108F  }
0x4b: {  	v24 =	vsel vm4, $0x9, v14;
	v5 =	vsel vm3, $0x20B, v5;
	v22 =	vsel vm14, $0x1100, v22  }
0x4c: {  	v0 =	vcombine.low v54, v55;
	v3 =	vsel vm1, $0x28C, v5;
	v5 =	vsel vm13, $0x1181, v22  }
0x4d: {  	v17 =	vcombine.low v17, v20;
	v22 =	vimm.s32 $0x110F;
	v5 =	vsel vm12, $0x1202, v5  }
0x4e: {  	v3 =	vsel vm0, $0x30D, v3;
	v22 =	vsel vm14, $0x1180, v22;
	v5 =	vsel vm11, $0x1283, v5  }
0x4f: {  	v32 =	vsel vm6, $0x38E, v3;
	v3 =	vsel vm10, $0x1304, v5;
	v5 =	vsel vm13, $0x1201, v22  }
0x50: {  	v35 =	vand.u32 $0xF, v0;
	v3 =	vsel vm9, $0x1385, v3;
	v5 =	vsel vm12, $0x1282, v5  }
0x51: {  	v10 =	vand.u32 $0xF, v17;
	v3 =	vsel vm8, $0x6, v3;
	v5 =	vsel vm11, $0x1303, v5  }
0x52: {  	v17 =	vsel vm14, $0x1200, v46;
	v3 =	vsel vm7, $0x87, v3;
	v5 =	vsel vm10, $0x1384, v5  }
0x53: {  	v17 =	vsel vm13, $0x1281, v17;
	v3 =	vsel vm5, $0x108, v3;
	v5 =	vsel vm9, $0x5, v5  }
0x54: {  	v17 =	vsel vm12, $0x1302, v17;
	v3 =	vsel vm4, $0x189, v3;
	v5 =	vsel vm8, $0x86, v5  }
0x55: {  	v17 =	vsel vm11, $0x1383, v17;
	v3 =	vsel vm2, $0x20A, v3;
	v5 =	vsel vm7, $0x107, v5  }
0x56: {  	v17 =	vsel vm10, $0x4, v17;
	v3 =	vsel vm3, $0x28B, v3;
	v5 =	vsel vm5, $0x188, v5  }
0x57: {  	v17 =	vsel vm9, $0x85, v17;
	v3 =	vsel vm1, $0x30C, v3;
	v5 =	vsel vm4, $0x209, v5  }
0x58: {  	v17 =	vsel vm8, $0x106, v17;
	v3 =	vsel vm0, $0x38D, v3;
	v5 =	vsel vm2, $0x28A, v5  }
0x59: {  	v47 =	vsel vm3, $0x30B, v5;
	v5 =	vsel vm7, $0x187, v17;
	v33 =	vsel vm6, $0x100E, v3  }
0x5a: {  	v1 =	vsel vm1, $0x38C, v47;
	v3 =	vsel vm5, $0x208, v5;
	v5 =	vimm.s32 $0x120F  }
0x5b: {  	v20 =	vmovc v49;
	v48 =	vsel vm0, $0x100D, v1;
	v49 =	vsel vm4, $0x289, v3;
	v3 =	vcombine.low v13, v19  }
0x5c: {  	v52 =	vsel vm14, $0x1280, v5;
	v5 =	vcombine.low v21, v23;
	v1 =	vsel vm2, $0x30A, v49  }
0x5d: {  	v50 =	vsel vm3, $0x38B, v1;
	v38 =	vand.u32 $0xF, v3;
	v1 =	vsel vm13, $0x1301, v52  }
0x5e: {  	v3 =	vimm.s32 $0x128F;
	v0 =	vsel vm1, $0x100C, v50;
	v1 =	vsel vm12, $0x1382, v1  }
0x5f: {  	v3 =	vsel vm14, $0x1300, v3;
	v0 =	vsel vm0, $0x108D, v0;
	v1 =	vsel vm11, $0x3, v1  }
0x60: {  	v54 =	vsel vm13, $0x1381, v3;
	v3 =	vimm.s32 $0x130F;
	v53 =	vsel vm10, $0x84, v1  }
0x61: {  	v23 =	vsel vm6, $0x110E, v0;
	v3 =	vsel vm14, $0x1380, v3;
	v0 =	vsel vm9, $0x105, v53  }
0x62: {  	v45 =	vsel vm2, $0x8A, v24;
	v3 =	vsel vm13, $0x1, v3;
	v0 =	vsel vm8, $0x186, v0  }
0x63: {  	v16 =	vsel vm3, $0x10B, v45;
	v3 =	vsel vm12, $0x82, v3;
	v0 =	vsel vm7, $0x207, v0  }
0x64: {  	v16 =	vsel vm1, $0x18C, v16;
	v3 =	vsel vm11, $0x103, v3;
	v0 =	vsel vm5, $0x288, v0  }
0x65: {  	v46 =	vand.u32 $0xF, v5;
	v3 =	vsel vm10, $0x184, v3;
	v0 =	vsel vm4, $0x309, v0  }
0x66: {  	v5 =	vcombine.low v7, v9;
	v3 =	vsel vm9, $0x205, v3;
	v0 =	vsel vm2, $0x38A, v0  }
0x67: {  	v16 =	vsel vm0, $0x20D, v16;
	v3 =	vsel vm8, $0x286, v3;
	v0 =	vsel vm3, $0x100B, v0  }
0x68: {  	v41 =	vand.u32 $0xF, v5;
	v3 =	vsel vm7, $0x307, v3;
	v0 =	vsel vm1, $0x108C, v0  }
0x69: {  	s25 =	rddreg [dreg:$0x0];
	v56 =	vsel vm5, $0x388, v3;
	v3 =	vimm.s32 $0x1C1B1A19;
	v0 =	vsel vm0, $0x110D, v0  }
0x6a: {  	s2 =	rddreg [dreg:$0x1];
	s4 =	simm.s32 $0x0;
	[tilespmem:$0x1FCC0] =	vst v4;
	v5 =	vimm.s32 $0x101F1E1D;
	v61 =	vunpack.c.0.s8.s32 v3;
	v0 =	vsel vm6, $0x118E, v0  }
0x6b: {  	[smem:$0x7FF] =	sst s4;
	v29 =	vsel vm6, $0x28E, v16;
	v16 =	vimm.s32 $0x14131211;
	v3 =	vunpack.c.0.s8.s32 v5;
	[tilespmem:$0x1FCD0] =	vst v0  }
0x6c: {  	s7 =	rddreg [dreg:$0x2];
	v4 =	vunpack.c.0.s8.s32 v16;
	v17 =	vimm.s32 $0x18171615;
	_ =	strace $0x80000047;
	[tilespmem:$0x1FD00] =	vst v61  }
0x6d: {  	v40 =	vimm.s32 $0x11101F1E;
	v5 =	vunpack.c.0.s8.s32 v17;
	[tilespmem:$0x1FD10] =	vst v3  }
0x6e: {  	v43 =	vimm.s32 $0x15141312;
	v7 =	vunpack.c.0.s8.s32 v40;
	[tilespmem:$0x1FD20] =	vst v4  }
0x6f: {  	v8 =	vunpack.c.0.s8.s32 v43;
	v52 =	vimm.s32 $0x1211101F;
	[tilespmem:$0x1FD30] =	vst v5  }
0x70: {  	v30 =	vlaneseq.u32;
	v53 =	vunpack.c.0.s8.s32 v52;
	[tilespmem:$0x1FD50] =	vst v7  }
0x71: {  	v51 =	vmul.u32 $0x20, v30;
	[tilespmem:$0x1FD60] =	vst v8  }
0x72: {  	v18 =	vimm.s32 $0x38F;
	[tilespmem:$0x1FDD0] =	vst v53  }
0x73: {  	v18 =	vsel vm14, $0x1000, v18;
	[tilespmem:$0x1FE40] =	vst v51  }
0x74: {  	v18 =	vsel vm13, $0x1081, v18;
	v59 =	vcombine.low v11, v15;
	[tilespmem:$0x1FE50] =	vst v38  }
0x75: {  	v18 =	vsel vm12, $0x1102, v18;
	[tilespmem:$0x1FE60] =	vst v46  }
0x76: {  	v62 =	vsel vm6, $0x20E, v44;
	v18 =	vsel vm11, $0x1183, v18;
	v44 =	vand.u32 $0xF, v59;
	[tilespmem:$0x1FE70] =	vst v41  }
0x77: {  	v18 =	vsel vm10, $0x1204, v18;
	v47 =	vor.u32 $0x10, v30;
	[tilespmem:$0x1FE80] =	vst v44  }
0x78: {  	v25 =	vimm.s32 $0xFEDCBA98;
	v18 =	vsel vm9, $0x1285, v18;
	[tilespmem:$0x1FE90] =	vst v47  }
0x79: {  	v25 =	vunpack.c.l.s4.s8 v25;
	v24 =	vimm.s32 $0x76543210;
	v18 =	vsel vm8, $0x1306, v18;
	[tilespmem:$0x1FEC0] =	vst v35  }
0x7a: {  	v24 =	vunpack.c.l.s4.s8 v24;
	v18 =	vsel vm7, $0x1387, v18;
	[tilespmem:$0x1FED0] =	vst v10  }
0x7b: {  	v25 =	vunpack.c.0.s8.s32 v25;
	v18 =	vsel vm5, $0x8, v18;
	[tilespmem:$0x1FEE0] =	vst v42  }
0x7c: {  	v24 =	vunpack.c.0.s8.s32 v24;
	v18 =	vsel vm4, $0x89, v18;
	[tilespmem:$0x1FEF0] =	vst v27  }
0x7d: {  	v25 =	vand.u32 $0xF, v25;
	v14 =	vmov v6;
	v18 =	vsel vm2, $0x10A, v18;
	[tilespmem:$0x1FF00] =	vst v31  }
0x7e: {  	v12 =	vcombine.low v25, v24;
	v18 =	vsel vm3, $0x18B, v18;
	v1 =	vsel vm12, $0x2, v54;
	[tilespmem:$0x1FF10] =	vst v14  }
0x7f: {  	v18 =	vsel vm1, $0x20C, v18;
	v1 =	vsel vm11, $0x83, v1;
	[tilespmem:$0x1FF20] =	vst v39  }
0x80: {  	v18 =	vsel vm0, $0x28D, v18;
	v1 =	vsel vm10, $0x104, v1;
	[tilespmem:$0x1FF30] =	vst v12  }
0x81: {  	v25 =	vsel vm6, $0x30E, v18;
	v1 =	vsel vm9, $0x185, v1;
	[tilespmem:$0x1FF40] =	vst v23  }
0x82: {  	v1 =	vsel vm8, $0x206, v1;
	[tilespmem:$0x1FF50] =	vst v25  }
0x83: {  	v1 =	vsel vm7, $0x287, v1;
	[tilespmem:$0x1FF60] =	vst v29  }
0x84: {  	v1 =	vsel vm5, $0x308, v1;
	[tilespmem:$0x1FF70] =	vst v32  }
0x85: {  	v37 =	vsel vm6, $0x108E, v48;
	v1 =	vsel vm4, $0x389, v1;
	[tilespmem:$0x1FF80] =	vst v33  }
0x86: {  	v1 =	vsel vm2, $0x100A, v1;
	[tilespmem:$0x1FF90] =	vst v37  }
0x87: {  	v1 =	vsel vm3, $0x108B, v1;
	[tilespmem:$0x1FFA0] =	vst v36  }
0x88: {  	v55 =	vsel vm1, $0x110C, v1;
	v1 =	vsel vm4, $0x1009, v56;
	[tilespmem:$0x1FFB0] =	vst v62  }
0x89: {  	v1 =	vsel vm2, $0x108A, v1;
	[tilespmem:$0x1FFC0] =	vst v20  }
0x8a: {  	v1 =	vsel vm3, $0x110B, v1;
	[tilespmem:$0x1FFD0] =	vst v34  }
0x8b: {  	s0 =	srdreg.scid;
	s1 =	stileid.u32;
	v0 =	vsel vm0, $0x118D, v55;
	[tilespmem:$0x1FFE0] =	vst v60;
	v1 =	vsel vm1, $0x118C, v1  }
0x8c: {  	s0 =	sand.u32 $0x1, s0;
	s1 =	sshll.u32 s1, $0x1;
	v0 =	vsel vm6, $0x120E, v0;
	[tilespmem:$0x1FFF0] =	vst v26;
	v63 =	vsel vm0, $0x120D, v1  }
0x8d: {  	s1 =	sor.u32 s0, s1;
	[tilespmem:$0x1FCE0] =	vst v0;
	vm0 =	vcmask $0x1F10;
	v0 =	vsel vm6, $0x128E, v63  }
0x8e: {  	s3 =	smul.u32 $0x6400, s1;
	v56 =	vimm.s32 $0x13121110;
	v2 =	vsel vm0, v3, v61;
	[tilespmem:$0x1FCF0] =	vst v0  }
0x8f: {  	s5 =	sshll.u32 s1, $0xD;
	s6 =	smul.u32 $0x320, s1;
	v1 =	vunpack.c.0.s8.s32 v56;
	v3 =	vimm.s32 $0x1D1C1B1A;
	v4 =	vsel vm0, v5, v4;
	[tilespmem:$0x1FD80] =	vst v2  }
0x90: {  	s5 =	sand.u32 $0x6000, s5;
	s3 =	sand.u32 $0xF8000, s3;
	v45 =	vimm.s32 $0x1E1D1C1B;
	v6 =	vunpack.c.0.s8.s32 v3;
	[tilespmem:$0x1FD90] =	vst v4  }
0x91: {  	s20 =	sand.u32 $0x380, s6;
	s3 =	sor.u32 s5, s3;
	v0 =	vunpack.c.0.s8.s32 v45;
	[tilespmem:$0x1FE10] =	vst v1  }
0x92: {  	s3 =	sor.u32 s20, s3;
	v3 =	vimm.s32 $0x19181716;
	v49 =	vcombine.low v4, v2;
	[tilespmem:$0x1FD40] =	vst v6  }
0x93: {  	s3 =	sshrl.u32 s3, $0x3;
	v3 =	vunpack.c.0.s8.s32 v3;
	[tilespmem:$0x1FDC0] =	vst v0  }
0x94: {  	s15 =	simm.s32 $0x400;
	s16 =	simm.s32 $0x8400;
	s3 =	sadd.s32 s25, s3;
	[tilespmem:$0x1FEA0] =	vst v49  }
0x95: {  	s8 =	simm.s32 $0xC400;
	s22 =	sadd.s32 $0x200, s3;
	v54 =	vimm.s32 $0x1F1E1D1C;
	[dreg:$0x4] =	wrdreg s3;
	v5 =	vsel vm0, v7, v6;
	[tilespmem:$0x1FD70] =	vst v3  }
0x96: {  	s28 =	simm.s32 $0x3;
	s23 =	sadd.s32 $0x1000, s7;
	[dreg:$0x5] =	wrdreg s22;
	v0 =	vunpack.c.0.s8.s32 v54;
	v6 =	vsel vm0, v3, v8;
	v3 =	vimm.s32 $0x16151413;
	[tilespmem:$0x1FDA0] =	vst v5  }
0x97: {  	s24 =	sadd.s32 $0x2000, s7;
	s11 =	smul.u32 $0x32, s1;
	[dreg:$0x6] =	wrdreg s23;
	v61 =	vimm.s32 $0x1B1A1918;
	[tilespmem:$0x1FDB0] =	vst v6;
	v55 =	vunpack.c.0.s8.s32 v3  }
0x98: {  	s26 =	sadd.s32 $0x3000, s7;
	s0 =	ssub.s32 $0x2, s0;
	[dreg:$0x7] =	wrdreg s24;
	[tilespmem:$0x1FE00] =	vst v0;
	v0 =	vunpack.c.0.s8.s32 v61  }
0x99: {  	s21 =	sshrl.u32 s0, $0x1;
	s30 =	sadd.s32 $0x2, s11;
	[dreg:$0x8] =	wrdreg s26;
	v4 =	vcombine.low v6, v5;
	v5 =	vimm.s32 $0x1A191817;
	[tilespmem:$0x1FDE0] =	vst v55  }
0x9a: {  	s0 =	ssub.s32 s0, s21;
	s31 =	sadd.s32 $0x3, s11;
	[dreg:$0x9] =	wrdreg s30;
	v3 =	vimm.s32 $0x17161514;
	v59 =	vunpack.c.0.s8.s32 v5;
	[tilespmem:$0x1FE30] =	vst v0  }
0x9b: {  	s29 =	simm.s32 $0x4;
	s0 =	smax.u32 s0, $0x1;
	[dreg:$0xa] =	wrdreg s31;
	v63 =	vunpack.c.0.s8.s32 v3;
	[tilespmem:$0x1FEB0] =	vst v4  }
0x9c: {  	s1 =	simm.s32 $0x0;
	s5 =	sadd.s32 $0xF42800, s2;
	[dreg:$0xb] =	wrdreg s0;
	[tilespmem:$0x1FDF0] =	vst v59  }
0x9d: {  	v22 =	vmov v26;
	s24 =	simm.s32 $0x1;
	s26 =	simm.s32 $0x4400;
	s22 =	simm.s32 $0x2;
	[tilespmem:$0x1FE20] =	vst v63  }
.LBB2_1:
0x9e: {  	[dreg:$0xc] =	wrdreg s1  }
0x9f: {  	s0 =	rddreg [dreg:$0x4];
	s14 =	simm.s32 $0x80;
	s17 =	simm.s32 $0x5  }
0xa0: {  	[tilespmem:s4], [sflag:$0x5] =	stream.strided.gather [hbm4b:s0+s14], $0x200, s15, s14, $0x38;
	[tilespmem:$0x10400] =	vst v63  }
0xa1: {  	_ =	swait.ge [sflag:s17], $0x200  }
0xa2: {  	[sflag:s17] =	ssyncset.done $0x0  }
0xa3: {  	[sflag:s17] =	ssyncadd.s32 $0xFFFFFE00  }
0xa4: {  	[tilespmem:s15], [sflag:$0x1] =	stream.indirect.gather [hbm4b:s5+s14], $0x20, s4, s14, $0xb8;
	[tilespmem:$0x10400] =	vst v63  }
0xa5: {  	s18 =	simm.s32 $0x1400  }
0xa6: {  	[tilespmem:s18], [sflag:$0x1] =	stream.indirect.gather [hbm4b:s5+s14], $0x20, s14, s14, $0xb8;
	[tilespmem:$0x10400] =	vst v63  }
0xa7: {  	s19 =	simm.s32 $0x2400;
	s2 =	simm.s32 $0x100  }
0xa8: {  	[tilespmem:s19], [sflag:$0x1] =	stream.indirect.gather [hbm4b:s5+s14], $0x20, s2, s14, $0xb8;
	[tilespmem:$0x10400] =	vst v63  }
0xa9: {  	s20 =	simm.s32 $0x180;
	s21 =	simm.s32 $0x3400  }
0xaa: {  	[tilespmem:s21], [sflag:$0x1] =	stream.indirect.gather [hbm4b:s5+s14], $0x20, s20, s14, $0xb8;
	[tilespmem:$0x10400] =	vst v63  }
0xab: {  	s31 =	simm.s32 $0x200;
	s30 =	simm.s32 $0x0;
	s23 =	rddreg [dreg:$0x5]  }
0xac: {  	[tilespmem:s31], [sflag:$0x6] =	stream.strided.gather [hbm4b:s23+s14], $0x200, s15, s14, $0x38;
	[tilespmem:$0x10400] =	vst v63  }
.LBB2_2:
0xad: {  	_ =	swait.ge [sflag:s24], $0x1000  }
0xae: {  	[sflag:s24] =	ssyncset.done $0x0  }
0xaf: {  	[sflag:s24] =	ssyncadd.s32 $0xFFFFF000  }
0xb0: {  	_ =	swait.ge [sflag:s24], $0x1000  }
0xb1: {  	[sflag:s24] =	ssyncset.done $0x0  }
0xb2: {  	[sflag:s24] =	ssyncadd.s32 $0xFFFFF000  }
0xb3: {  	_ =	swait.ge [sflag:s24], $0x1000  }
0xb4: {  	[sflag:s24] =	ssyncset.done $0x0  }
0xb5: {  	[sflag:s24] =	ssyncadd.s32 $0xFFFFF000  }
0xb6: {  	_ =	swait.ge [sflag:s24], $0x1000  }
0xb7: {  	s0 =	simm.s32 $0x6;
	s17 =	simm.s32 $0x80;
	[sflag:s24] =	ssyncset.done $0x0  }
0xb8: {  	s1 =	simm.s32 $0x200;
	s18 =	simm.s32 $0x280;
	[sflag:s24] =	ssyncadd.s32 $0xFFFFF000  }
0xb9: {  	s2 =	simm.s32 $0x5400;
	s19 =	simm.s32 $0x300;
	_ =	swait.ge [sflag:s0], $0x200  }
0xba: {  	s20 =	simm.s32 $0x6400;
	s31 =	sshll.u32 s30, $0x1;
	[sflag:s0] =	ssyncset.done $0x0  }
0xbb: {  	p0 =	seq.s32 s30, $0x18;
	[sflag:s0] =	ssyncadd.s32 $0xFFFFFE00;
	s0 =	rddreg [dreg:$0x9]  }
0xbc: {  	[tilespmem:s26], [sflag:$0x2] =	stream.indirect.gather [hbm4b:s5+s17], $0x20, s1, s17, $0xb8;
	[tilespmem:$0x10400] =	vst v63  }
0xbd: {  	s21 =	simm.s32 $0x380;
	p1 =	seq.s32 @!p0 s30, $0x0;
	s0 =	sadd.s32 @!p0 s31, s0  }
0xbe: {  	s23 =	simm.s32 $0x7400;
	p1 =	por p0, !p1;
	s1 =	sshll.u32 @!p0 s0, $0x6  }
0xbf: {  	[tilespmem:s2], [sflag:$0x2] =	stream.indirect.gather [hbm4b:s5+s17], $0x20, s18, s17, $0xb8;
	[tilespmem:$0x10400] =	vst v63  }
0xc0: {  	s2 =	sshll.u32 @!p0 s0, $0x9;
	s0 =	sshll.u32 @!p0 s0, $0x1;
	s1 =	sand.u32 @!p0 $0xFFFF000, s1  }
0xc1: {  	[tilespmem:s20], [sflag:$0x2] =	stream.indirect.gather [hbm4b:s5+s17], $0x20, s19, s17, $0xb8;
	[tilespmem:$0x10400] =	vst v63  }
.Ltmp0:
0xc2: {  	s2 =	sand.u32 @!p0 $0xC00, s2;
	s0 =	sand.u32 @!p0 $0x70, s0;
	(pc) =	sbr.rel @!p1 .LBB2_3-.Ltmp0, $4  }
0xc3: {  	s3 =	simm.s32 @!p0 $0x0;
	s1 =	sor.u32 @!p0 s2, s1;
	s0 =	sadd.s32 @!p0 s25, s0  }
0xc4: {  	[tilespmem:s23], [sflag:$0x2] =	stream.indirect.gather [hbm4b:s5+s17], $0x20, s21, s17, $0xb8;
	[tilespmem:$0x10400] =	vst v63  }
0xc5: {  	s2 =	simm.s32 @!p0 $0x400;
	s0 =	sadd.s32 @!p0 s1, s0;
	s1 =	simm.s32 @!p0 $0x80  }
0xc6: {  	[tilespmem:s3], [sflag:$0x5] =	stream.strided.gather @!p0 [hbm4b:s0+s1], $0x200, s2, s1, $0x38;
	[tilespmem:$0x10400] =	vst v63  }
0xc7: {  	_ =	swait.ge [sflag:s28], $0x1000  }
0xc8: {  	[sflag:s28] =	ssyncset.done $0x0  }
0xc9: {  	[sflag:s28] =	ssyncadd.s32 $0xFFFFF000  }
0xca: {  	_ =	swait.ge [sflag:s28], $0x1000  }
0xcb: {  	[sflag:s28] =	ssyncset.done $0x0  }
0xcc: {  	[sflag:s28] =	ssyncadd.s32 $0xFFFFF000  }
0xcd: {  	_ =	swait.ge [sflag:s28], $0x1000  }
.Ltmp1:
0xce: {  	[sflag:s28] =	ssyncset.done $0x0;
	(pc) =	sbr.rel .LBB2_5-.Ltmp1, $4  }
0xcf: {  	[sflag:s28] =	ssyncadd.s32 $0xFFFFF000  }
0xd0: {  	_ =	swait.ge [sflag:s28], $0x1000  }
0xd1: {  	[sflag:s28] =	ssyncset.done $0x0  }
0xd2: {  	p1 =	por $0x0, $0x0;
	[sflag:s28] =	ssyncadd.s32 $0xFFFFF000  }
.LBB2_3:
0xd3: {  	p1 =	por @!p0 $0x1, $0x1  }
.LBB2_5:
0xd4: {  	s0 =	simm.s32 $0x30  }
0xd5: {  	s1 =	simm.s32 $0x0;
	v0 =	vmov s0  }
0xd6: {  	v1 =	vmov s1;
	v0 =	vshll.u32 v0, $0x5  }
0xd7: {  	s2 =	simm.s32 $0x10;
	v1 =	vshll.u32 v1, $0x5;
	v55 =	vor.u32 v51, v0  }
0xd8: {  	v0 =	vmov s2;
	v45 =	vor.u32 v51, v1;
	v1 =	vor.u32 v30, v55  }
0xd9: {  	v0 =	vshll.u32 v0, $0x5;
	v3 =	vor.u32 v30, v45  }
0xda: {  	s3 =	simm.s32 $0x0;
	v54 =	vor.u32 v51, v0  }
0xdb: {  	s6 =	sand.u32 $0xC00, s3;
	s0 =	sand.u32 $0x70, s0;
	v0 =	vor.u32 v30, v54  }
0xdc: {  	s1 =	sand.u32 $0x40, s1;
	s3 =	sor.u32 s6, s0  }
0xdd: {  	s1 =	sor.u32 s1, s6;
	v5 =	vor.u32 s3, v58;
	v1 =	vld.idx.msk [tilespmem:v1+s15+$0x0], $0xffff  }
0xde: {  	s23 =	sand.u32 $0x50, s2;
	v7 =	vor.u32 s1, v58;
	v9 =	vor.u32 v60, v55;
	v3 =	vld.idx.msk [tilespmem:v3+s15+$0x0], $0xffff  }
0xdf: {  	s7 =	simm.s32 $0x20;
	s2 =	sor.u32 s6, s23;
	v11 =	vor.u32 v60, v45  }
0xe0: {  	v13 =	vmov s7;
	v15 =	vor.u32 s2, v58;
	v0 =	vld.idx.msk [tilespmem:v0+s15+$0x0], $0xffff  }
0xe1: {  	v13 =	vshll.u32 v13, $0x5;
	v17 =	vor.u32 v60, v54  }
0xe2: {  	v40 =	vor.u32 v51, v13;
	[tilespmem:v5+s16+$0x0] =	vst.idx.msk $0xffff, v1  }
0xe3: {  	v1 =	vor.u32 v30, v40;
	[tilespmem:v7+s16+$0x0] =	vst.idx.msk $0xffff, v3;
	v5 =	vor.u32 s3, v20;
	v3 =	vld.idx.msk [tilespmem:v9+s15+$0x0], $0xffff  }
0xe4: {  	v7 =	vld.idx.msk [tilespmem:v11+s15+$0x0], $0xffff;
	v9 =	vor.u32 s1, v20;
	v11 =	vor.u32 v22, v55  }
0xe5: {  	[tilespmem:v15+s16+$0x0] =	vst.idx.msk $0xffff, v0;
	v0 =	vor.u32 v22, v45  }
0xe6: {  	s25 =	sand.u32 $0x60, s7;
	v15 =	vor.u32 s2, v20;
	v13 =	vld.idx.msk [tilespmem:v17+s15+$0x0], $0xffff  }
0xe7: {  	s0 =	sor.u32 s6, s25;
	v17 =	vor.u32 v22, v54  }
0xe8: {  	v19 =	vor.u32 s0, v58;
	v1 =	vld.idx.msk [tilespmem:v1+s15+$0x0], $0xffff;
	[tilespmem:v5+s16+$0x0] =	vst.idx.msk $0xffff, v3  }
0xe9: {  	v3 =	vor.u32 v60, v40;
	[tilespmem:v9+s16+$0x0] =	vst.idx.msk $0xffff, v7;
	v7 =	vor.u32 s3, v57;
	v5 =	vld.idx.msk [tilespmem:v11+s15+$0x0], $0xffff  }
0xea: {  	v9 =	vor.u32 s1, v57;
	v0 =	vld.idx.msk [tilespmem:v0+s15+$0x0], $0xffff;
	v11 =	vor.u32 v27, v55  }
0xeb: {  	[tilespmem:v15+s16+$0x0] =	vst.idx.msk $0xffff, v13;
	v13 =	vor.u32 v27, v45  }
0xec: {  	v15 =	vld.idx.msk [tilespmem:v17+s15+$0x0], $0xffff;
	v17 =	vor.u32 s2, v57  }
0xed: {  	[tilespmem:v19+s16+$0x0] =	vst.idx.msk $0xffff, v1  }
0xee: {  	v1 =	vor.u32 v27, v54;
	v19 =	vor.u32 s0, v20;
	v3 =	vld.idx.msk [tilespmem:v3+s15+$0x0], $0xffff;
	[tilespmem:v7+s16+$0x0] =	vst.idx.msk $0xffff, v5  }
0xef: {  	v5 =	vor.u32 v22, v40;
	[tilespmem:v9+s16+$0x0] =	vst.idx.msk $0xffff, v0;
	v7 =	vor.u32 s3, v28;
	v0 =	vld.idx.msk [tilespmem:v11+s15+$0x0], $0xffff  }
0xf0: {  	v9 =	vld.idx.msk [tilespmem:v13+s15+$0x0], $0xffff;
	v11 =	vor.u32 s1, v28;
	v13 =	vor.u32 v31, v55  }
0xf1: {  	[tilespmem:v17+s16+$0x0] =	vst.idx.msk $0xffff, v15;
	v15 =	vor.u32 v31, v45;
	_ =	sdelay $0x1  }
0xf2: {  	v17 =	vor.u32 s2, v28;
	v1 =	vld.idx.msk [tilespmem:v1+s15+$0x0], $0xffff;
	[tilespmem:v19+s16+$0x0] =	vst.idx.msk $0xffff, v3  }
0xf3: {  	v19 =	vor.u32 s0, v57;
	v5 =	vld.idx.msk [tilespmem:v5+s15+$0x0], $0xffff;
	[tilespmem:v7+s16+$0x0] =	vst.idx.msk $0xffff, v0  }
0xf4: {  	[tilespmem:v11+s16+$0x0] =	vst.idx.msk $0xffff, v9;
	v9 =	vor.u32 s3, v34;
	v7 =	vld.idx.msk [tilespmem:v13+s15+$0x0], $0xffff  }
0xf5: {  	v3 =	vor.u32 v31, v54;
	v11 =	vld.idx.msk [tilespmem:v15+s15+$0x0], $0xffff;
	v13 =	vor.u32 s1, v34;
	_ =	sdelay $0x1  }
0xf6: {  	[tilespmem:v17+s16+$0x0] =	vst.idx.msk $0xffff, v1  }
0xf7: {  	v0 =	vor.u32 v27, v40;
	[tilespmem:v19+s16+$0x0] =	vst.idx.msk $0xffff, v5  }
0xf8: {  	[tilespmem:v9+s16+$0x0] =	vst.idx.msk $0xffff, v7  }
0xf9: {  	v15 =	vor.u32 v14, v55;
	v3 =	vld.idx.msk [tilespmem:v3+s15+$0x0], $0xffff;
	[tilespmem:v13+s16+$0x0] =	vst.idx.msk $0xffff, v11  }
0xfa: {  	v1 =	vor.u32 v14, v45;
	v17 =	vor.u32 s2, v34;
	v61 =	vld [tilespmem:$0x1FCC0]  }
0xfb: {  	v5 =	vor.u32 v14, v54  }
0xfc: {  	v19 =	vor.u32 s0, v28;
	v0 =	vld.idx.msk [tilespmem:v0+s15+$0x0], $0xffff  }
0xfd: {  	v7 =	vor.u32 v31, v40  }
0xfe: {  	v11 =	vor.u32 s3, v36;
	v9 =	vld.idx.msk [tilespmem:v15+s15+$0x0], $0xffff  }
0xff: {  	v13 =	vor.u32 s1, v36;
	v1 =	vld.idx.msk [tilespmem:v1+s15+$0x0], $0xffff;
	[tilespmem:v17+s16+$0x0] =	vst.idx.msk $0xffff, v3;
	v15 =	vor.u32 v61, v55  }
0x100: {  	v17 =	vor.u32 s2, v36;
	v5 =	vld.idx.msk [tilespmem:v5+s15+$0x0], $0xffff;
	v3 =	vor.u32 v61, v45  }
0x101: {  	[tilespmem:v19+s16+$0x0] =	vst.idx.msk $0xffff, v0;
	v0 =	vor.u32 v61, v54  }
0x102: {  	v19 =	vor.u32 s0, v34;
	v7 =	vld.idx.msk [tilespmem:v7+s15+$0x0], $0xffff  }
0x103: {  	[tilespmem:v11+s16+$0x0] =	vst.idx.msk $0xffff, v9;
	v9 =	vor.u32 v14, v40  }
0x104: {  	[tilespmem:v13+s16+$0x0] =	vst.idx.msk $0xffff, v1;
	v11 =	vor.u32 s3, v62;
	v1 =	vld.idx.msk [tilespmem:v15+s15+$0x0], $0xffff  }
0x105: {  	v13 =	vor.u32 s1, v62;
	[tilespmem:v17+s16+$0x0] =	vst.idx.msk $0xffff, v5;
	v3 =	vld.idx.msk [tilespmem:v3+s15+$0x0], $0xffff;
	v15 =	vor.u32 v39, v55  }
0x106: {  	v5 =	vor.u32 v39, v45;
	v17 =	vor.u32 s2, v62;
	v0 =	vld.idx.msk [tilespmem:v0+s15+$0x0], $0xffff  }
0x107: {  	[tilespmem:v19+s16+$0x0] =	vst.idx.msk $0xffff, v7;
	v7 =	vor.u32 v39, v54  }
0x108: {  	v19 =	vor.u32 s0, v36;
	v9 =	vld.idx.msk [tilespmem:v9+s15+$0x0], $0xffff  }
0x109: {  	[tilespmem:v11+s16+$0x0] =	vst.idx.msk $0xffff, v1;
	v1 =	vor.u32 v61, v40  }
0x10a: {  	[tilespmem:v13+s16+$0x0] =	vst.idx.msk $0xffff, v3;
	v11 =	vor.u32 s3, v29;
	v3 =	vld.idx.msk [tilespmem:v15+s15+$0x0], $0xffff  }
0x10b: {  	v13 =	vor.u32 s1, v29;
	[tilespmem:v17+s16+$0x0] =	vst.idx.msk $0xffff, v0;
	v5 =	vld.idx.msk [tilespmem:v5+s15+$0x0], $0xffff;
	v15 =	vor.u32 v12, v55  }
0x10c: {  	v0 =	vor.u32 v12, v45;
	v17 =	vor.u32 s2, v29;
	v7 =	vld.idx.msk [tilespmem:v7+s15+$0x0], $0xffff  }
0x10d: {  	[tilespmem:v19+s16+$0x0] =	vst.idx.msk $0xffff, v9;
	v9 =	vor.u32 v12, v54  }
0x10e: {  	v19 =	vor.u32 s0, v62;
	v1 =	vld.idx.msk [tilespmem:v1+s15+$0x0], $0xffff  }
0x10f: {  	[tilespmem:v11+s16+$0x0] =	vst.idx.msk $0xffff, v3;
	v3 =	vor.u32 v39, v40  }
0x110: {  	[tilespmem:v13+s16+$0x0] =	vst.idx.msk $0xffff, v5;
	v11 =	vor.u32 s3, v25;
	v5 =	vld.idx.msk [tilespmem:v15+s15+$0x0], $0xffff  }
0x111: {  	v13 =	vor.u32 s1, v25;
	[tilespmem:v17+s16+$0x0] =	vst.idx.msk $0xffff, v7;
	v0 =	vld.idx.msk [tilespmem:v0+s15+$0x0], $0xffff;
	v15 =	vor.u32 v42, v55  }
0x112: {  	v7 =	vor.u32 v42, v45;
	v17 =	vor.u32 s2, v25;
	v9 =	vld.idx.msk [tilespmem:v9+s15+$0x0], $0xffff  }
0x113: {  	[tilespmem:v19+s16+$0x0] =	vst.idx.msk $0xffff, v1;
	v1 =	vor.u32 v42, v54  }
0x114: {  	v19 =	vor.u32 s0, v29;
	v3 =	vld.idx.msk [tilespmem:v3+s15+$0x0], $0xffff  }
0x115: {  	[tilespmem:v11+s16+$0x0] =	vst.idx.msk $0xffff, v5;
	v5 =	vor.u32 v12, v40  }
0x116: {  	[tilespmem:v13+s16+$0x0] =	vst.idx.msk $0xffff, v0;
	v11 =	vor.u32 s3, v32;
	v0 =	vld.idx.msk [tilespmem:v15+s15+$0x0], $0xffff  }
0x117: {  	v13 =	vor.u32 s1, v32;
	[tilespmem:v17+s16+$0x0] =	vst.idx.msk $0xffff, v9;
	v7 =	vld.idx.msk [tilespmem:v7+s15+$0x0], $0xffff;
	v15 =	vor.u32 v10, v55  }
0x118: {  	v9 =	vor.u32 v10, v45;
	v17 =	vor.u32 s2, v32;
	v1 =	vld.idx.msk [tilespmem:v1+s15+$0x0], $0xffff  }
0x119: {  	[tilespmem:v19+s16+$0x0] =	vst.idx.msk $0xffff, v3;
	v3 =	vor.u32 v10, v54  }
0x11a: {  	v19 =	vor.u32 s0, v25;
	v5 =	vld.idx.msk [tilespmem:v5+s15+$0x0], $0xffff  }
0x11b: {  	[tilespmem:v11+s16+$0x0] =	vst.idx.msk $0xffff, v0;
	v0 =	vor.u32 v42, v40  }
0x11c: {  	[tilespmem:v13+s16+$0x0] =	vst.idx.msk $0xffff, v7;
	v11 =	vor.u32 s3, v33;
	v7 =	vld.idx.msk [tilespmem:v15+s15+$0x0], $0xffff  }
0x11d: {  	v13 =	vor.u32 s1, v33;
	v9 =	vld.idx.msk [tilespmem:v9+s15+$0x0], $0xffff;
	v15 =	vor.u32 v35, v55;
	[tilespmem:v17+s16+$0x0] =	vst.idx.msk $0xffff, v1  }
0x11e: {  	v1 =	vor.u32 v35, v45;
	v17 =	vor.u32 s2, v33;
	v3 =	vld.idx.msk [tilespmem:v3+s15+$0x0], $0xffff  }
0x11f: {  	[tilespmem:v19+s16+$0x0] =	vst.idx.msk $0xffff, v5;
	v5 =	vor.u32 v35, v54  }
0x120: {  	v19 =	vor.u32 s0, v32;
	v0 =	vld.idx.msk [tilespmem:v0+s15+$0x0], $0xffff  }
0x121: {  	[tilespmem:v11+s16+$0x0] =	vst.idx.msk $0xffff, v7  }
0x122: {  	v7 =	vor.u32 v10, v40;
	[tilespmem:v13+s16+$0x0] =	vst.idx.msk $0xffff, v9;
	v11 =	vor.u32 s3, v37;
	v9 =	vld.idx.msk [tilespmem:v15+s15+$0x0], $0xffff  }
0x123: {  	v13 =	vor.u32 s1, v37;
	v1 =	vld.idx.msk [tilespmem:v1+s15+$0x0], $0xffff;
	v15 =	vor.u32 v38, v55;
	[tilespmem:v17+s16+$0x0] =	vst.idx.msk $0xffff, v3  }
0x124: {  	v3 =	vor.u32 v38, v45;
	v17 =	vor.u32 s2, v37;
	v5 =	vld.idx.msk [tilespmem:v5+s15+$0x0], $0xffff  }
0x125: {  	[tilespmem:v19+s16+$0x0] =	vst.idx.msk $0xffff, v0;
	v0 =	vor.u32 v38, v54;
	_ =	sdelay $0x1  }
0x126: {  	v19 =	vor.u32 s0, v33;
	v7 =	vld.idx.msk [tilespmem:v7+s15+$0x0], $0xffff;
	[tilespmem:v11+s16+$0x0] =	vst.idx.msk $0xffff, v9  }
0x127: {  	[tilespmem:v13+s16+$0x0] =	vst.idx.msk $0xffff, v1;
	v11 =	vor.u32 s3, v23;
	v1 =	vld.idx.msk [tilespmem:v15+s15+$0x0], $0xffff  }
0x128: {  	v13 =	vor.u32 s1, v23;
	v3 =	vld.idx.msk [tilespmem:v3+s15+$0x0], $0xffff;
	[tilespmem:v17+s16+$0x0] =	vst.idx.msk $0xffff, v5  }
0x129: {  	v17 =	vor.u32 s2, v23;
	v0 =	vld.idx.msk [tilespmem:v0+s15+$0x0], $0xffff;
	_ =	sdelay $0x1  }
0x12a: {  	[tilespmem:v19+s16+$0x0] =	vst.idx.msk $0xffff, v7  }
0x12b: {  	[tilespmem:v11+s16+$0x0] =	vst.idx.msk $0xffff, v1  }
0x12c: {  	[tilespmem:v13+s16+$0x0] =	vst.idx.msk $0xffff, v3  }
0x12d: {  	v9 =	vor.u32 v35, v40;
	v26 =	vld [tilespmem:$0x1FCD0];
	[tilespmem:v17+s16+$0x0] =	vst.idx.msk $0xffff, v0  }
0x12e: {  	v15 =	vor.u32 v46, v55;
	v0 =	vld [tilespmem:$0x1FD80]  }
0x12f: {  	v2 =	vld [tilespmem:$0x1FD90]  }
0x130: {  	v5 =	vor.u32 v46, v45  }
0x131: {  	v7 =	vor.u32 v46, v54  }
0x132: {  	v19 =	vor.u32 s0, v37;
	v9 =	vld.idx.msk [tilespmem:v9+s15+$0x0], $0xffff  }
0x133: {  	v1 =	vor.u32 v38, v40;
	v3 =	vld.idx.msk [tilespmem:v15+s15+$0x0], $0xffff;
	v11 =	vor.u32 s3, v26  }
0x134: {  	v0 =	vcombine.low v0, v2  }
0x135: {  	v5 =	vld.idx.msk [tilespmem:v5+s15+$0x0], $0xffff;
	v13 =	vor.u32 s1, v26  }
0x136: {  	v15 =	vor.u32 v41, v55;
	v7 =	vld.idx.msk [tilespmem:v7+s15+$0x0], $0xffff;
	[tilespmem:$0x1FBB0] =	vst v0  }
0x137: {  	v17 =	vor.u32 v41, v45;
	[tilespmem:v19+s16+$0x0] =	vst.idx.msk $0xffff, v9  }
0x138: {  	v21 =	vor.u32 s2, v26;
	[tilespmem:v11+s16+$0x0] =	vst.idx.msk $0xffff, v3;
	v19 =	vld.idx.msk [tilespmem:v1+s15+$0x0], $0xffff;
	v1 =	vor.u32 v0, v55  }
0x139: {  	[tilespmem:$0x1FB90] =	vst v1  }
0x13a: {  	v1 =	vor.u32 v0, v54;
	[tilespmem:v13+s16+$0x0] =	vst.idx.msk $0xffff, v5  }
0x13b: {  	v3 =	vld.idx.msk [tilespmem:v15+s15+$0x0], $0xffff;
	[tilespmem:$0x1FB70] =	vst v1;
	v1 =	vor.u32 v0, v40  }
0x13c: {  	v13 =	vld.idx.msk [tilespmem:v17+s15+$0x0], $0xffff;
	[tilespmem:$0x1FC30] =	vst v1  }
0x13d: {  	v52 =	vld [tilespmem:$0x1FCE0];
	[tilespmem:v21+s16+$0x0] =	vst.idx.msk $0xffff, v7  }
0x13e: {  	v16 =	vld [tilespmem:$0x1FE00]  }
0x13f: {  	v48 =	vld [tilespmem:$0x1FE30]  }
0x140: {  	v18 =	vld [tilespmem:$0x1FE10]  }
0x141: {  	v24 =	vld [tilespmem:$0x1FE20];
	_ =	sdelay $0x2  }
0x142: {  	v9 =	vor.u32 v41, v54  }
0x143: {  	v63 =	vmov v23;
	v23 =	vor.u32 s0, v23  }
0x144: {  	v5 =	vor.u32 s3, v52;
	v7 =	vsel vm0, v16, v48;
	v21 =	vsel vm0, v24, v18  }
0x145: {  	v43 =	vmov v25;
	v25 =	vor.u32 v46, v40;
	v0 =	vcombine.low v7, v21  }
0x146: {  	v11 =	vor.u32 v44, v55;
	v15 =	vor.u32 s1, v52  }
0x147: {  	v27 =	vld.idx.msk [tilespmem:v9+s15+$0x0], $0xffff;
	[tilespmem:$0x1FBA0] =	vst v0  }
0x148: {  	[tilespmem:v23+s16+$0x0] =	vst.idx.msk $0xffff, v19  }
0x149: {  	v1 =	vor.u32 v0, v55;
	[tilespmem:v5+s16+$0x0] =	vst.idx.msk $0xffff, v3  }
0x14a: {  	v21 =	vld.idx.msk [tilespmem:v25+s15+$0x0], $0xffff;
	[tilespmem:$0x1FB40] =	vst v1  }
0x14b: {  	[tilespmem:v15+s16+$0x0] =	vst.idx.msk $0xffff, v13;
	v3 =	vld.idx.msk [tilespmem:v11+s15+$0x0], $0xffff  }
0x14c: {  	v8 =	vld [tilespmem:$0x1FDC0]  }
0x14d: {  	v11 =	vmov v14;
	v14 =	vld [tilespmem:$0x1FDF0]  }
0x14e: {  	v10 =	vld [tilespmem:$0x1FDD0]  }
0x14f: {  	v12 =	vld [tilespmem:$0x1FDE0]  }
0x150: {  	v17 =	vor.u32 v44, v45;
	v56 =	vld [tilespmem:$0x1FCF0]  }
0x151: {  	v6 =	vmov v29;
	v29 =	vor.u32 s2, v52  }
0x152: {  	v0 =	vor.u32 v0, v54;
	v19 =	vor.u32 v44, v54  }
0x153: {  	v23 =	vor.u32 s0, v26;
	[tilespmem:$0x1FB20] =	vst v0;
	v1 =	vsel vm0, v8, v14  }
0x154: {  	v25 =	vor.u32 v41, v40;
	v0 =	vsel vm0, v12, v10;
	[tilespmem:$0x1FC10] =	vst v1  }
0x155: {  	v5 =	vor.u32 s3, v56;
	v13 =	vld.idx.msk [tilespmem:v17+s15+$0x0], $0xffff;
	[tilespmem:$0x1FC20] =	vst v0  }
0x156: {  	v0 =	vcombine.low v1, v0;
	v1 =	vor.u32 v4, v40;
	[tilespmem:v29+s16+$0x0] =	vst.idx.msk $0xffff, v27  }
0x157: {  	v19 =	vld.idx.msk [tilespmem:v19+s15+$0x0], $0xffff;
	[tilespmem:$0x1FB10] =	vst v1  }
0x158: {  	v9 =	vmov v31;
	v31 =	vor.u32 s1, v56;
	v1 =	vor.u32 v0, v54;
	[tilespmem:v23+s16+$0x0] =	vst.idx.msk $0xffff, v21  }
0x159: {  	v23 =	vld.idx.msk [tilespmem:v25+s15+$0x0], $0xffff;
	[tilespmem:$0x1FAF0] =	vst v1  }
0x15a: {  	v1 =	vor.u32 v0, v45;
	[tilespmem:v5+s16+$0x0] =	vst.idx.msk $0xffff, v3  }
0x15b: {  	[tilespmem:$0x1FAE0] =	vst v1  }
0x15c: {  	[tilespmem:$0x1FBC0] =	vst v0  }
0x15d: {  	[tilespmem:v31+s16+$0x0] =	vst.idx.msk $0xffff, v13  }
0x15e: {  	v2 =	vld [tilespmem:$0x1FD40]  }
0x15f: {  	v42 =	vmov v4;
	v4 =	vld [tilespmem:$0x1FD70];
	_ =	sdelay $0x4  }
0x160: {  	v5 =	vsel vm0, v2, v4;
	v2 =	vld [tilespmem:$0x1FD50]  }
0x161: {  	v50 =	vor.u32 v47, v55;
	v4 =	vld [tilespmem:$0x1FD60]  }
0x162: {  	v27 =	vor.u32 v47, v45  }
0x163: {  	v29 =	vor.u32 s2, v56  }
0x164: {  	v21 =	vor.u32 v47, v54  }
0x165: {  	v25 =	vor.u32 s0, v52;
	[tilespmem:$0x1FBD0] =	vst v5  }
0x166: {  	v1 =	vmov v0;
	v13 =	vld.idx.msk [tilespmem:v50+s15+$0x0], $0xffff;
	v0 =	vsel vm0, v4, v2  }
0x167: {  	v27 =	vld.idx.msk [tilespmem:v27+s15+$0x0], $0xffff;
	[tilespmem:$0x1FBE0] =	vst v0  }
0x168: {  	v1 =	vor.u32 v1, v55;
	[tilespmem:v29+s16+$0x0] =	vst.idx.msk $0xffff, v19  }
0x169: {  	v21 =	vld.idx.msk [tilespmem:v21+s15+$0x0], $0xffff;
	[tilespmem:$0x1FB00] =	vst v1  }
0x16a: {  	[tilespmem:v25+s16+$0x0] =	vst.idx.msk $0xffff, v23  }
0x16b: {  	v3 =	vor.u32 v44, v40;
	v2 =	vld [tilespmem:$0x1FD10]  }
0x16c: {  	s3 =	sor.u32 $0x2000, s3;
	v4 =	vld [tilespmem:$0x1FD20]  }
0x16d: {  	s17 =	sor.u32 $0x2000, s1;
	v15 =	vmov v32;
	v32 =	vor.u32 s3, v58  }
0x16e: {  	s18 =	sor.u32 $0x2000, s2;
	v31 =	vor.u32 v49, v55;
	v29 =	vor.u32 s17, v58  }
0x16f: {  	v53 =	vor.u32 v49, v45;
	v59 =	vor.u32 s18, v58  }
0x170: {  	v23 =	vor.u32 v49, v54;
	v3 =	vld.idx.msk [tilespmem:v3+s15+$0x0], $0xffff  }
0x171: {  	v30 =	vmovc v36;
	v36 =	vor.u32 v47, v40;
	v17 =	vmov v35;
	v1 =	vsel vm0, v4, v2;
	v2 =	vld [tilespmem:$0x1FD00]  }
0x172: {  	v35 =	vor.u32 v42, v45;
	v50 =	vsel vm0, v48, v24;
	v4 =	vld [tilespmem:$0x1FD30];
	[tilespmem:v32+s16+$0x0] =	vst.idx.msk $0xffff, v13;
	v32 =	vor.u32 s0, v56  }
0x173: {  	v7 =	vmov v33;
	v44 =	vcombine.low v5, v0;
	[tilespmem:v29+s16+$0x0] =	vst.idx.msk $0xffff, v27;
	v27 =	vld.idx.msk [tilespmem:v31+s15+$0x0], $0xffff;
	v31 =	vor.u32 s3, v20  }
0x174: {  	v48 =	vor.u32 s18, v20;
	v29 =	vor.u32 v42, v55;
	[tilespmem:v59+s16+$0x0] =	vst.idx.msk $0xffff, v21;
	v21 =	vor.u32 s17, v20;
	v33 =	vld.idx.msk [tilespmem:v53+s15+$0x0], $0xffff  }
0x175: {  	s19 =	sor.u32 $0x2000, s0;
	v5 =	vmovc v45;
	v19 =	vor.u32 v44, v45;
	v45 =	vsel vm0, v14, v12;
	v13 =	vor.u32 s18, v57;
	v23 =	vld.idx.msk [tilespmem:v23+s15+$0x0], $0xffff  }
0x176: {  	v53 =	vor.u32 v42, v54;
	v42 =	vsel vm0, v10, v8;
	v10 =	vmovc v46;
	v46 =	vor.u32 s19, v58  }
0x177: {  	s20 =	simm.s32 $0x70;
	s10 =	simm.s32 $0x50;
	v8 =	vlaneseq.u32;
	v0 =	vsel vm0, v2, v4;
	v2 =	vsel vm0, v18, v16;
	[tilespmem:v32+s16+$0x0] =	vst.idx.msk $0xffff, v3  }
0x178: {  	v18 =	vmovc v37;
	v4 =	vcombine.low v45, v42;
	v37 =	vmov s20;
	v32 =	vmov s10;
	[tilespmem:v31+s16+$0x0] =	vst.idx.msk $0xffff, v27;
	v36 =	vld.idx.msk [tilespmem:v36+s15+$0x0], $0xffff  }
0x179: {  	v59 =	vcombine.low v50, v2;
	[tilespmem:v21+s16+$0x0] =	vst.idx.msk $0xffff, v33;
	v33 =	vor.u32 s17, v57;
	v21 =	vld.idx.msk [tilespmem:v29+s15+$0x0], $0xffff;
	v29 =	vor.u32 s3, v57  }
0x17a: {  	s9 =	simm.s32 $0x40;
	[tilespmem:v48+s16+$0x0] =	vst.idx.msk $0xffff, v23;
	v37 =	vshll.u32 v37, $0x5;
	v31 =	vlaneseq.u32;
	v35 =	vld.idx.msk [tilespmem:v35+s15+$0x0], $0xffff;
	v23 =	vor.u32 v4, v55  }
0x17b: {  	v12 =	vmovc v49;
	v48 =	vor.u32 v4, v5;
	v38 =	vld.idx.msk [tilespmem:v53+s15+$0x0], $0xffff;
	v49 =	vor.u32 v4, v54;
	v53 =	vmov s9  }
0x17c: {  	v14 =	vmovc v41;
	v41 =	vor.u32 v51, v37;
	v37 =	vor.u32 v12, v40;
	v3 =	vshll.u32 v53, $0x5  }
0x17d: {  	v53 =	vor.u32 v51, v3;
	v3 =	vshll.u32 v32, $0x5;
	v32 =	vor.u32 v8, v41;
	[tilespmem:v46+s16+$0x0] =	vst.idx.msk $0xffff, v36  }
0x17e: {  	s12 =	simm.s32 $0x60;
	v39 =	vor.u32 v51, v3;
	[tilespmem:v29+s16+$0x0] =	vst.idx.msk $0xffff, v21;
	v21 =	vor.u32 v8, v53;
	v29 =	vor.u32 s3, v28  }
0x17f: {  	s0 =	simm.s32 $0x200;
	v3 =	vmov s12;
	[tilespmem:v33+s16+$0x0] =	vst.idx.msk $0xffff, v35;
	v35 =	vor.u32 v31, v39;
	v8 =	vcombine.low v42, v45;
	v33 =	vld.idx.msk [tilespmem:v23+s15+$0x0], $0xffff  }
0x180: {  	s7 =	sand.u32 $0x70, s20;
	s13 =	sand.u32 $0xC00, s0;
	v47 =	vor.u32 v59, v5;
	v3 =	vshll.u32 v3, $0x5;
	[tilespmem:v13+s16+$0x0] =	vst.idx.msk $0xffff, v38;
	v13 =	vor.u32 s17, v28;
	v48 =	vld.idx.msk [tilespmem:v48+s15+$0x0], $0xffff  }
0x181: {  	s14 =	sand.u32 $0x40, s9;
	s21 =	sor.u32 s13, s7;
	v38 =	vor.u32 s18, v28;
	v42 =	vor.u32 v51, v3;
	v45 =	vld.idx.msk [tilespmem:v49+s15+$0x0], $0xffff;
	v3 =	vor.u32 v8, v5  }
0x182: {  	s23 =	sand.u32 $0x50, s10;
	v25 =	vor.u32 v44, v55;
	s25 =	sor.u32 s14, s13;
	v27 =	vor.u32 v59, v54;
	v36 =	vor.u32 s21, v58;
	v32 =	vld.idx.msk [tilespmem:v32+s15+$0x0], $0xffff;
	[tilespmem:$0x1FC00] =	vst v3  }
0x183: {  	v24 =	vmovc v44;
	s7 =	sor.u32 s13, s23;
	v16 =	vcombine.low v0, v1;
	v44 =	vor.u32 v59, v55;
	v46 =	vor.u32 s25, v58;
	v21 =	vld.idx.msk [tilespmem:v21+s15+$0x0], $0xffff  }
0x184: {  	v35 =	vld.idx.msk [tilespmem:v35+s15+$0x0], $0xffff;
	[tilespmem:v29+s16+$0x0] =	vst.idx.msk $0xffff, v33;
	v29 =	vor.u32 v60, v41;
	v33 =	vor.u32 s7, v58  }
0x185: {  	v37 =	vld.idx.msk [tilespmem:v37+s15+$0x0], $0xffff;
	[tilespmem:v13+s16+$0x0] =	vst.idx.msk $0xffff, v48;
	v13 =	vor.u32 v60, v53;
	v48 =	vor.u32 s19, v20  }
0x186: {  	[tilespmem:v38+s16+$0x0] =	vst.idx.msk $0xffff, v45;
	v38 =	vor.u32 v60, v39;
	v45 =	vld.idx.msk [tilespmem:v47+s15+$0x0], $0xffff;
	v47 =	vor.u32 s17, v34  }
0x187: {  	[tilespmem:v36+s16+$0x0] =	vst.idx.msk $0xffff, v32;
	v32 =	vor.u32 s18, v34;
	v36 =	vor.u32 v31, v42;
	v27 =	vld.idx.msk [tilespmem:v27+s15+$0x0], $0xffff  }
0x188: {  	v44 =	vld.idx.msk [tilespmem:v44+s15+$0x0], $0xffff;
	[tilespmem:v46+s16+$0x0] =	vst.idx.msk $0xffff, v21;
	v21 =	vor.u32 v16, v5;
	v46 =	vor.u32 s3, v34  }
0x189: {  	[tilespmem:v33+s16+$0x0] =	vst.idx.msk $0xffff, v35;
	v29 =	vld.idx.msk [tilespmem:v29+s15+$0x0], $0xffff;
	v35 =	vor.u32 s21, v20  }
0x18a: {  	s12 =	sand.u32 $0x60, s12;
	v33 =	vor.u32 v16, v54;
	v13 =	vld.idx.msk [tilespmem:v13+s15+$0x0], $0xffff;
	[tilespmem:v48+s16+$0x0] =	vst.idx.msk $0xffff, v37;
	v48 =	vor.u32 s25, v20  }
0x18b: {  	s12 =	sor.u32 s13, s12;
	v37 =	vor.u32 v16, v55;
	v38 =	vld.idx.msk [tilespmem:v38+s15+$0x0], $0xffff;
	[tilespmem:v47+s16+$0x0] =	vst.idx.msk $0xffff, v45;
	v47 =	vor.u32 s7, v20  }
0x18c: {  	v45 =	vor.u32 v22, v41;
	[tilespmem:v32+s16+$0x0] =	vst.idx.msk $0xffff, v27;
	v27 =	vor.u32 s12, v58;
	v36 =	vld.idx.msk [tilespmem:v36+s15+$0x0], $0xffff  }
0x18d: {  	v49 =	vor.u32 s17, v30;
	v32 =	vor.u32 v22, v53;
	[tilespmem:v46+s16+$0x0] =	vst.idx.msk $0xffff, v44;
	v46 =	vld.idx.msk [tilespmem:v21+s15+$0x0], $0xffff  }
0x18e: {  	[tilespmem:v35+s16+$0x0] =	vst.idx.msk $0xffff, v29  }
0x18f: {  	v33 =	vld.idx.msk [tilespmem:v33+s15+$0x0], $0xffff;
	[tilespmem:v48+s16+$0x0] =	vst.idx.msk $0xffff, v13  }
0x190: {  	v44 =	vor.u32 v22, v39;
	v35 =	vor.u32 s18, v30;
	v37 =	vld.idx.msk [tilespmem:v37+s15+$0x0], $0xffff;
	[tilespmem:v47+s16+$0x0] =	vst.idx.msk $0xffff, v38  }
0x191: {  	v29 =	vor.u32 v60, v42;
	v60 =	vor.u32 s3, v30;
	v45 =	vld.idx.msk [tilespmem:v45+s15+$0x0], $0xffff;
	[tilespmem:v27+s16+$0x0] =	vst.idx.msk $0xffff, v36  }
0x192: {  	v47 =	vor.u32 s21, v57;
	v27 =	vld.idx.msk [tilespmem:v32+s15+$0x0], $0xffff;
	[tilespmem:v49+s16+$0x0] =	vst.idx.msk $0xffff, v46  }
0x193: {  	v3 =	vmov v24;
	v38 =	vor.u32 v24, v54;
	v32 =	vor.u32 s25, v57;
	v24 =	vld [tilespmem:$0x1FEF0];
	_ =	sdelay $0x1  }
0x194: {  	[tilespmem:v35+s16+$0x0] =	vst.idx.msk $0xffff, v33  }
0x195: {  	v36 =	vld.idx.msk [tilespmem:v44+s15+$0x0], $0xffff;
	v46 =	vor.u32 s7, v57;
	[tilespmem:v60+s16+$0x0] =	vst.idx.msk $0xffff, v37  }
0x196: {  	v33 =	vor.u32 s12, v20;
	v29 =	vld.idx.msk [tilespmem:v29+s15+$0x0], $0xffff;
	[tilespmem:v47+s16+$0x0] =	vst.idx.msk $0xffff, v45  }
0x197: {  	v48 =	vld.idx.msk [tilespmem:v19+s15+$0x0], $0xffff;
	[tilespmem:v32+s16+$0x0] =	vst.idx.msk $0xffff, v27;
	v44 =	vor.u32 v24, v41  }
0x198: {  	v38 =	vld.idx.msk [tilespmem:v38+s15+$0x0], $0xffff;
	[tilespmem:$0x1FAB0] =	vst v50  }
0x199: {  	v60 =	vor.u32 s17, v62;
	[tilespmem:$0x1FAC0] =	vst v2  }
0x19a: {  	v21 =	vor.u32 v8, v54;
	v45 =	vor.u32 s18, v62;
	[tilespmem:v46+s16+$0x0] =	vst.idx.msk $0xffff, v36;
	v35 =	vor.u32 v24, v53  }
0x19b: {  	v27 =	vor.u32 s3, v62;
	v25 =	vld.idx.msk [tilespmem:v25+s15+$0x0], $0xffff;
	v37 =	vor.u32 v24, v39;
	[tilespmem:v33+s16+$0x0] =	vst.idx.msk $0xffff, v29  }
0x19c: {  	v13 =	vor.u32 v8, v55;
	v36 =	vld.idx.msk [tilespmem:v44+s15+$0x0], $0xffff;
	[tilespmem:$0x1FAD0] =	vst v8;
	v8 =	vor.u32 v8, v40  }
0x19d: {  	[tilespmem:$0x1FC80] =	vst v8  }
0x19e: {  	[tilespmem:v60+s16+$0x0] =	vst.idx.msk $0xffff, v48  }
0x19f: {  	v29 =	vld.idx.msk [tilespmem:v35+s15+$0x0], $0xffff;
	[tilespmem:v45+s16+$0x0] =	vst.idx.msk $0xffff, v38  }
0x1a0: {  	v35 =	vld.idx.msk [tilespmem:v37+s15+$0x0], $0xffff;
	[tilespmem:v27+s16+$0x0] =	vst.idx.msk $0xffff, v25  }
0x1a1: {  	v37 =	vor.u32 v9, v41;
	v45 =	vor.u32 v9, v53;
	v48 =	vor.u32 v9, v39;
	v8 =	vmovc v9;
	v9 =	vld [tilespmem:$0x1FAE0];
	_ =	sdelay $0x2  }
0x1a2: {  	v44 =	vor.u32 s21, v28;
	_ =	sdelay $0x4  }
0x1a3: {  	[tilespmem:v44+s16+$0x0] =	vst.idx.msk $0xffff, v36;
	v49 =	vld.idx.msk [tilespmem:v9+s15+$0x0], $0xffff  }
0x1a4: {  	v9 =	vld [tilespmem:$0x1FAF0];
	_ =	sdelay $0x2  }
0x1a5: {  	v33 =	vor.u32 s25, v28;
	_ =	sdelay $0x4  }
0x1a6: {  	v2 =	vcombine.low v2, v50;
	[tilespmem:v33+s16+$0x0] =	vst.idx.msk $0xffff, v29;
	v50 =	vld.idx.msk [tilespmem:v9+s15+$0x0], $0xffff  }
0x1a7: {  	v47 =	vor.u32 v22, v42;
	v9 =	vld [tilespmem:$0x1FB00];
	_ =	sdelay $0x2  }
0x1a8: {  	v60 =	vor.u32 s7, v28;
	_ =	sdelay $0x1  }
0x1a9: {  	v38 =	vor.u32 s12, v57;
	v47 =	vld.idx.msk [tilespmem:v47+s15+$0x0], $0xffff  }
0x1aa: {  	v27 =	vor.u32 s17, v6  }
0x1ab: {  	v36 =	vor.u32 s18, v6  }
0x1ac: {  	v29 =	vor.u32 s3, v6;
	[tilespmem:v60+s16+$0x0] =	vst.idx.msk $0xffff, v35;
	v19 =	vld.idx.msk [tilespmem:v9+s15+$0x0], $0xffff;
	v9 =	vor.u32 v2, v5  }
0x1ad: {  	[tilespmem:$0x1FC50] =	vst v9  }
0x1ae: {  	[tilespmem:v38+s16+$0x0] =	vst.idx.msk $0xffff, v47  }
0x1af: {  	[tilespmem:v27+s16+$0x0] =	vst.idx.msk $0xffff, v49  }
0x1b0: {  	[tilespmem:v36+s16+$0x0] =	vst.idx.msk $0xffff, v50  }
0x1b1: {  	[tilespmem:v29+s16+$0x0] =	vst.idx.msk $0xffff, v19  }
0x1b2: {  	v23 =	vor.u32 v4, v40;
	v50 =	vmov v4;
	v4 =	vld [tilespmem:$0x1FB10];
	_ =	sdelay $0x2  }
0x1b3: {  	v60 =	vor.u32 s21, v34;
	v33 =	vld.idx.msk [tilespmem:v37+s15+$0x0], $0xffff;
	_ =	sdelay $0x3  }
0x1b4: {  	v44 =	vor.u32 v24, v42;
	v24 =	vmov v11;
	v27 =	vor.u32 v11, v41  }
0x1b5: {  	v36 =	vor.u32 v11, v53;
	v19 =	vor.u32 v11, v39;
	[tilespmem:v60+s16+$0x0] =	vst.idx.msk $0xffff, v33;
	v11 =	vld.idx.msk [tilespmem:v4+s15+$0x0], $0xffff  }
0x1b6: {  	v4 =	vld [tilespmem:$0x1FB20];
	_ =	sdelay $0x2  }
0x1b7: {  	v37 =	vld.idx.msk [tilespmem:v45+s15+$0x0], $0xffff;
	v38 =	vor.u32 s25, v34;
	_ =	sdelay $0x2  }
0x1b8: {  	v45 =	vld.idx.msk [tilespmem:v48+s15+$0x0], $0xffff  }
0x1b9: {  	v44 =	vld.idx.msk [tilespmem:v44+s15+$0x0], $0xffff  }
0x1ba: {  	[tilespmem:v38+s16+$0x0] =	vst.idx.msk $0xffff, v37;
	v60 =	vld.idx.msk [tilespmem:v4+s15+$0x0], $0xffff  }
0x1bb: {  	v31 =	vor.u32 v2, v55;
	v25 =	vor.u32 v2, v54;
	v49 =	vor.u32 v2, v40;
	[tilespmem:$0x1FB30] =	vst v2;
	v2 =	vld [tilespmem:$0x1FB40];
	_ =	sdelay $0x1  }
0x1bc: {  	v46 =	vor.u32 s7, v34;
	_ =	sdelay $0x2  }
0x1bd: {  	v47 =	vor.u32 s12, v28;
	_ =	sdelay $0x1  }
0x1be: {  	v29 =	vor.u32 s19, v57;
	[tilespmem:v46+s16+$0x0] =	vst.idx.msk $0xffff, v45  }
0x1bf: {  	v33 =	vor.u32 s18, v43;
	v9 =	vld.idx.msk [tilespmem:v2+s15+$0x0], $0xffff;
	[tilespmem:$0x1FB50] =	vst v1  }
0x1c0: {  	v37 =	vor.u32 s3, v43;
	[tilespmem:$0x1FB60] =	vst v0  }
0x1c1: {  	v38 =	vor.u32 s21, v30;
	v27 =	vld.idx.msk [tilespmem:v27+s15+$0x0], $0xffff;
	[tilespmem:v47+s16+$0x0] =	vst.idx.msk $0xffff, v44  }
0x1c2: {  	v2 =	vld [tilespmem:$0x1FDA0]  }
0x1c3: {  	v4 =	vld [tilespmem:$0x1FDB0];
	[tilespmem:v29+s16+$0x0] =	vst.idx.msk $0xffff, v11  }
0x1c4: {  	[tilespmem:v33+s16+$0x0] =	vst.idx.msk $0xffff, v60  }
0x1c5: {  	[tilespmem:v37+s16+$0x0] =	vst.idx.msk $0xffff, v9  }
0x1c6: {  	[tilespmem:v38+s16+$0x0] =	vst.idx.msk $0xffff, v27  }
0x1c7: {  	v35 =	vor.u32 v8, v42;
	v8 =	vcombine.low v1, v0;
	v0 =	vld [tilespmem:$0x1FB70];
	_ =	sdelay $0x2  }
0x1c8: {  	v45 =	vld.idx.msk [tilespmem:v36+s15+$0x0], $0xffff;
	v44 =	vor.u32 s25, v30;
	_ =	sdelay $0x1  }
0x1c9: {  	v19 =	vld.idx.msk [tilespmem:v19+s15+$0x0], $0xffff  }
0x1ca: {  	v29 =	vor.u32 s7, v30;
	v35 =	vld.idx.msk [tilespmem:v35+s15+$0x0], $0xffff  }
0x1cb: {  	v60 =	vor.u32 s12, v34;
	v23 =	vld.idx.msk [tilespmem:v23+s15+$0x0], $0xffff  }
0x1cc: {  	v37 =	vor.u32 s19, v28;
	[tilespmem:v44+s16+$0x0] =	vst.idx.msk $0xffff, v45;
	v1 =	vld.idx.msk [tilespmem:v0+s15+$0x0], $0xffff  }
0x1cd: {  	v0 =	vld [tilespmem:$0x1FB90]  }
0x1ce: {  	v11 =	vor.u32 v61, v41;
	[tilespmem:$0x1FB80] =	vst v16  }
0x1cf: {  	v33 =	vor.u32 v61, v53;
	[tilespmem:v29+s16+$0x0] =	vst.idx.msk $0xffff, v19  }
0x1d0: {  	[tilespmem:v60+s16+$0x0] =	vst.idx.msk $0xffff, v35  }
0x1d1: {  	v9 =	vor.u32 v61, v39;
	[tilespmem:v37+s16+$0x0] =	vst.idx.msk $0xffff, v23  }
0x1d2: {  	v27 =	vor.u32 v24, v42;
	v38 =	vor.u32 s18, v15;
	v36 =	vcombine.low v2, v4;
	v4 =	vld [tilespmem:$0x1FF20]  }
0x1d3: {  	v11 =	vld.idx.msk [tilespmem:v11+s15+$0x0], $0xffff;
	v29 =	vor.u32 s21, v62  }
0x1d4: {  	v33 =	vld.idx.msk [tilespmem:v33+s15+$0x0], $0xffff;
	v60 =	vor.u32 s25, v62  }
0x1d5: {  	v32 =	vor.u32 v59, v40;
	v48 =	vor.u32 s3, v15;
	v0 =	vld.idx.msk [tilespmem:v0+s15+$0x0], $0xffff  }
0x1d6: {  	v19 =	vor.u32 v36, v54;
	v37 =	vor.u32 s7, v62;
	v9 =	vld.idx.msk [tilespmem:v9+s15+$0x0], $0xffff  }
0x1d7: {  	v27 =	vld.idx.msk [tilespmem:v27+s15+$0x0], $0xffff;
	[tilespmem:v38+s16+$0x0] =	vst.idx.msk $0xffff, v1;
	v38 =	vor.u32 s12, v30;
	v23 =	vor.u32 v4, v41  }
0x1d8: {  	[tilespmem:v29+s16+$0x0] =	vst.idx.msk $0xffff, v11  }
0x1d9: {  	v35 =	vor.u32 v36, v55;
	[tilespmem:v60+s16+$0x0] =	vst.idx.msk $0xffff, v33  }
0x1da: {  	v32 =	vld.idx.msk [tilespmem:v32+s15+$0x0], $0xffff;
	v1 =	vor.u32 v4, v53;
	[tilespmem:v48+s16+$0x0] =	vst.idx.msk $0xffff, v0;
	v48 =	vor.u32 s19, v34  }
0x1db: {  	v19 =	vld.idx.msk [tilespmem:v19+s15+$0x0], $0xffff;
	[tilespmem:v37+s16+$0x0] =	vst.idx.msk $0xffff, v9  }
0x1dc: {  	v45 =	vor.u32 v4, v39;
	[tilespmem:v38+s16+$0x0] =	vst.idx.msk $0xffff, v27;
	v9 =	vld.idx.msk [tilespmem:v23+s15+$0x0], $0xffff  }
0x1dd: {  	v44 =	vor.u32 v16, v40;
	v11 =	vor.u32 v61, v42;
	v29 =	vor.u32 s18, v7;
	v16 =	vld [tilespmem:$0x1FBA0]  }
0x1de: {  	v60 =	vor.u32 s3, v7;
	v35 =	vld.idx.msk [tilespmem:v35+s15+$0x0], $0xffff  }
0x1df: {  	v23 =	vor.u32 s21, v6;
	v1 =	vld.idx.msk [tilespmem:v1+s15+$0x0], $0xffff;
	[tilespmem:v48+s16+$0x0] =	vst.idx.msk $0xffff, v32  }
0x1e0: {  	v61 =	vor.u32 s25, v6;
	v2 =	vld [tilespmem:$0x1FF30]  }
0x1e1: {  	v38 =	vld.idx.msk [tilespmem:v45+s15+$0x0], $0xffff;
	v45 =	vor.u32 s7, v6  }
0x1e2: {  	v47 =	vor.u32 s12, v62;
	v27 =	vor.u32 v16, v5;
	[tilespmem:v29+s16+$0x0] =	vst.idx.msk $0xffff, v19;
	v29 =	vld.idx.msk [tilespmem:v11+s15+$0x0], $0xffff  }
0x1e3: {  	v46 =	vor.u32 s19, v30;
	[tilespmem:v60+s16+$0x0] =	vst.idx.msk $0xffff, v35;
	v44 =	vld.idx.msk [tilespmem:v44+s15+$0x0], $0xffff  }
0x1e4: {  	[tilespmem:v23+s16+$0x0] =	vst.idx.msk $0xffff, v9  }
0x1e5: {  	[tilespmem:v61+s16+$0x0] =	vst.idx.msk $0xffff, v1;
	v32 =	vor.u32 v2, v41  }
0x1e6: {  	[tilespmem:v45+s16+$0x0] =	vst.idx.msk $0xffff, v38;
	v21 =	vld.idx.msk [tilespmem:v21+s15+$0x0], $0xffff;
	v19 =	vor.u32 v2, v53  }
0x1e7: {  	v35 =	vor.u32 v2, v39;
	v27 =	vld.idx.msk [tilespmem:v27+s15+$0x0], $0xffff;
	[tilespmem:v47+s16+$0x0] =	vst.idx.msk $0xffff, v29  }
0x1e8: {  	v23 =	vor.u32 s18, v18;
	v24 =	vld [tilespmem:$0x1FBB0];
	[tilespmem:v46+s16+$0x0] =	vst.idx.msk $0xffff, v44  }
0x1e9: {  	v48 =	vor.u32 s17, v43;
	v9 =	vor.u32 v4, v42;
	v4 =	vld [tilespmem:$0x1FEE0]  }
0x1ea: {  	v1 =	vor.u32 v3, v40;
	v60 =	vor.u32 s21, v43;
	v32 =	vld.idx.msk [tilespmem:v32+s15+$0x0], $0xffff  }
0x1eb: {  	v45 =	vor.u32 s25, v43;
	v19 =	vld.idx.msk [tilespmem:v19+s15+$0x0], $0xffff  }
0x1ec: {  	v46 =	vor.u32 s7, v43;
	v35 =	vld.idx.msk [tilespmem:v35+s15+$0x0], $0xffff  }
0x1ed: {  	[tilespmem:v23+s16+$0x0] =	vst.idx.msk $0xffff, v21  }
0x1ee: {  	v9 =	vld.idx.msk [tilespmem:v9+s15+$0x0], $0xffff;
	v23 =	vor.u32 s12, v6;
	[tilespmem:v48+s16+$0x0] =	vst.idx.msk $0xffff, v27  }
0x1ef: {  	v1 =	vld.idx.msk [tilespmem:v1+s15+$0x0], $0xffff;
	v48 =	vor.u32 s19, v62;
	v29 =	vor.u32 v24, v5;
	[tilespmem:v60+s16+$0x0] =	vst.idx.msk $0xffff, v32  }
0x1f0: {  	v25 =	vld.idx.msk [tilespmem:v25+s15+$0x0], $0xffff;
	[tilespmem:v45+s16+$0x0] =	vst.idx.msk $0xffff, v19  }
0x1f1: {  	v44 =	vor.u32 v4, v41;
	v47 =	vld [tilespmem:$0x1FBC0];
	[tilespmem:v46+s16+$0x0] =	vst.idx.msk $0xffff, v35  }
0x1f2: {  	v21 =	vor.u32 v4, v53;
	v32 =	vor.u32 v2, v42;
	v2 =	vld [tilespmem:$0x1FBD0]  }
0x1f3: {  	v61 =	vmov v3;
	v27 =	vor.u32 v4, v39;
	v3 =	vld [tilespmem:$0x1FBE0];
	[tilespmem:v23+s16+$0x0] =	vst.idx.msk $0xffff, v9  }
0x1f4: {  	v60 =	vor.u32 s18, v63;
	v29 =	vld.idx.msk [tilespmem:v29+s15+$0x0], $0xffff;
	[tilespmem:v48+s16+$0x0] =	vst.idx.msk $0xffff, v1  }
0x1f5: {  	v45 =	vor.u32 s17, v15;
	v48 =	vld [tilespmem:$0x1FED0]  }
0x1f6: {  	v62 =	vor.u32 s21, v15;
	v35 =	vld.idx.msk [tilespmem:v44+s15+$0x0], $0xffff  }
0x1f7: {  	v33 =	vor.u32 v8, v54;
	v21 =	vld.idx.msk [tilespmem:v21+s15+$0x0], $0xffff;
	v23 =	vor.u32 s25, v15  }
0x1f8: {  	v37 =	vor.u32 s7, v15;
	v9 =	vor.u32 v36, v5;
	v27 =	vld.idx.msk [tilespmem:v27+s15+$0x0], $0xffff  }
0x1f9: {  	[tilespmem:v60+s16+$0x0] =	vst.idx.msk $0xffff, v25;
	v19 =	vor.u32 v47, v40  }
0x1fa: {  	[tilespmem:v45+s16+$0x0] =	vst.idx.msk $0xffff, v29;
	v1 =	vor.u32 v48, v41  }
0x1fb: {  	v32 =	vld.idx.msk [tilespmem:v32+s15+$0x0], $0xffff;
	v60 =	vor.u32 s12, v43;
	[tilespmem:v62+s16+$0x0] =	vst.idx.msk $0xffff, v35;
	v25 =	vor.u32 v48, v53  }
0x1fc: {  	v33 =	vld.idx.msk [tilespmem:v33+s15+$0x0], $0xffff;
	v62 =	vor.u32 s18, v26;
	[tilespmem:v23+s16+$0x0] =	vst.idx.msk $0xffff, v21  }
0x1fd: {  	v46 =	vor.u32 s17, v7;
	v23 =	vld.idx.msk [tilespmem:v9+s15+$0x0], $0xffff;
	[tilespmem:v37+s16+$0x0] =	vst.idx.msk $0xffff, v27  }
0x1fe: {  	v45 =	vor.u32 s19, v6;
	v19 =	vld.idx.msk [tilespmem:v19+s15+$0x0], $0xffff;
	[tilespmem:$0x1FBF0] =	vst v8  }
0x1ff: {  	v27 =	vor.u32 s21, v7;
	v1 =	vld.idx.msk [tilespmem:v1+s15+$0x0], $0xffff  }
0x200: {  	v29 =	vor.u32 v48, v39;
	[tilespmem:v60+s16+$0x0] =	vst.idx.msk $0xffff, v32;
	v60 =	vor.u32 s25, v7;
	v25 =	vld.idx.msk [tilespmem:v25+s15+$0x0], $0xffff  }
0x201: {  	[tilespmem:v62+s16+$0x0] =	vst.idx.msk $0xffff, v33  }
0x202: {  	v35 =	vor.u32 v4, v42;
	[tilespmem:v46+s16+$0x0] =	vst.idx.msk $0xffff, v23  }
0x203: {  	[tilespmem:v45+s16+$0x0] =	vst.idx.msk $0xffff, v19  }
0x204: {  	[tilespmem:v27+s16+$0x0] =	vst.idx.msk $0xffff, v1  }
0x205: {  	v29 =	vld.idx.msk [tilespmem:v29+s15+$0x0], $0xffff;
	[tilespmem:v60+s16+$0x0] =	vst.idx.msk $0xffff, v25  }
0x206: {  	v38 =	vor.u32 s7, v7;
	v1 =	vld [tilespmem:$0x1FC00]  }
0x207: {  	v34 =	vor.u32 s12, v15;
	v21 =	vor.u32 v16, v40;
	v35 =	vld.idx.msk [tilespmem:v35+s15+$0x0], $0xffff;
	_ =	sdelay $0x3  }
0x208: {  	v13 =	vld.idx.msk [tilespmem:v13+s15+$0x0], $0xffff;
	[tilespmem:v38+s16+$0x0] =	vst.idx.msk $0xffff, v29  }
0x209: {  	v43 =	vor.u32 s19, v43;
	v21 =	vld.idx.msk [tilespmem:v21+s15+$0x0], $0xffff;
	[tilespmem:v34+s16+$0x0] =	vst.idx.msk $0xffff, v35  }
0x20a: {  	v27 =	vor.u32 v48, v42;
	v48 =	vor.u32 s3, v18;
	v4 =	vld [tilespmem:$0x1FC10]  }
0x20b: {  	v2 =	vcombine.low v3, v2;
	v60 =	vor.u32 s17, v18;
	v3 =	vld.idx.msk [tilespmem:v1+s15+$0x0], $0xffff  }
0x20c: {  	v0 =	vor.u32 v8, v55;
	v11 =	vor.u32 v8, v5;
	v9 =	vor.u32 v8, v40;
	v8 =	vld [tilespmem:$0x1FC20];
	_ =	sdelay $0x1  }
0x20d: {  	v19 =	vor.u32 v17, v41;
	[tilespmem:v43+s16+$0x0] =	vst.idx.msk $0xffff, v21  }
0x20e: {  	v6 =	vmov v16;
	v62 =	vor.u32 v17, v53;
	v16 =	vld [tilespmem:$0x1FE50];
	[tilespmem:v48+s16+$0x0] =	vst.idx.msk $0xffff, v13  }
0x20f: {  	[tilespmem:v60+s16+$0x0] =	vst.idx.msk $0xffff, v3  }
0x210: {  	v4 =	vcombine.low v8, v4;
	v8 =	vld [tilespmem:$0x1FC30];
	_ =	sdelay $0x1  }
0x211: {  	v29 =	vor.u32 s21, v18;
	v19 =	vld.idx.msk [tilespmem:v19+s15+$0x0], $0xffff  }
0x212: {  	v33 =	vld.idx.msk [tilespmem:v62+s15+$0x0], $0xffff;
	v62 =	vor.u32 s25, v18;
	_ =	sdelay $0x2  }
0x213: {  	v23 =	vor.u32 v17, v39  }
0x214: {  	[tilespmem:v29+s16+$0x0] =	vst.idx.msk $0xffff, v19  }
0x215: {  	[tilespmem:v62+s16+$0x0] =	vst.idx.msk $0xffff, v33;
	v37 =	vld.idx.msk [tilespmem:v8+s15+$0x0], $0xffff  }
0x216: {  	v8 =	vld [tilespmem:$0x1FC50];
	_ =	sdelay $0x1  }
0x217: {  	v38 =	vor.u32 s7, v18;
	v23 =	vld.idx.msk [tilespmem:v23+s15+$0x0], $0xffff;
	_ =	sdelay $0x1  }
0x218: {  	v21 =	vor.u32 v16, v41  }
0x219: {  	v27 =	vld.idx.msk [tilespmem:v27+s15+$0x0], $0xffff;
	v48 =	vor.u32 s12, v7;
	v13 =	vor.u32 v16, v53  }
0x21a: {  	v3 =	vor.u32 v16, v39;
	v60 =	vor.u32 s19, v15;
	v19 =	vor.u32 v17, v42;
	v17 =	vld.idx.msk [tilespmem:v31+s15+$0x0], $0xffff;
	[tilespmem:$0x1FC40] =	vst v36  }
0x21b: {  	v29 =	vor.u32 s3, v63;
	[tilespmem:v38+s16+$0x0] =	vst.idx.msk $0xffff, v23  }
0x21c: {  	v62 =	vor.u32 s17, v63;
	v15 =	vld.idx.msk [tilespmem:v8+s15+$0x0], $0xffff;
	[tilespmem:$0x1FC60] =	vst v2  }
0x21d: {  	v33 =	vor.u32 v36, v40;
	v38 =	vor.u32 s21, v63;
	v21 =	vld.idx.msk [tilespmem:v21+s15+$0x0], $0xffff  }
0x21e: {  	v32 =	vor.u32 v2, v55;
	v13 =	vld.idx.msk [tilespmem:v13+s15+$0x0], $0xffff;
	[tilespmem:v48+s16+$0x0] =	vst.idx.msk $0xffff, v27;
	v27 =	vor.u32 s25, v63  }
0x21f: {  	v45 =	vor.u32 v4, v55;
	v55 =	vor.u32 s7, v63;
	v44 =	vld.idx.msk [tilespmem:v3+s15+$0x0], $0xffff;
	[tilespmem:v60+s16+$0x0] =	vst.idx.msk $0xffff, v37  }
0x220: {  	v48 =	vor.u32 v10, v41;
	[tilespmem:v29+s16+$0x0] =	vst.idx.msk $0xffff, v17  }
0x221: {  	v17 =	vor.u32 s12, v18;
	v19 =	vld.idx.msk [tilespmem:v19+s15+$0x0], $0xffff;
	[tilespmem:v62+s16+$0x0] =	vst.idx.msk $0xffff, v15  }
0x222: {  	v60 =	vor.u32 v10, v53;
	v33 =	vld.idx.msk [tilespmem:v33+s15+$0x0], $0xffff;
	v15 =	vor.u32 s19, v7;
	[tilespmem:v38+s16+$0x0] =	vst.idx.msk $0xffff, v21  }
0x223: {  	v29 =	vor.u32 v10, v39;
	v0 =	vld.idx.msk [tilespmem:v0+s15+$0x0], $0xffff;
	v21 =	vor.u32 s3, v26;
	[tilespmem:v27+s16+$0x0] =	vst.idx.msk $0xffff, v13  }
0x224: {  	v11 =	vld.idx.msk [tilespmem:v11+s15+$0x0], $0xffff;
	[tilespmem:v55+s16+$0x0] =	vst.idx.msk $0xffff, v44  }
0x225: {  	v27 =	vld.idx.msk [tilespmem:v48+s15+$0x0], $0xffff;
	[tilespmem:$0x1FC70] =	vst v4  }
0x226: {  	v25 =	vor.u32 v2, v5;
	v62 =	vor.u32 v16, v42;
	v13 =	vor.u32 s17, v26;
	[tilespmem:v17+s16+$0x0] =	vst.idx.msk $0xffff, v19  }
0x227: {  	v1 =	vor.u32 v2, v54;
	v48 =	vor.u32 s21, v26;
	v43 =	vld.idx.msk [tilespmem:v60+s15+$0x0], $0xffff;
	[tilespmem:v15+s16+$0x0] =	vst.idx.msk $0xffff, v33  }
0x228: {  	v3 =	vor.u32 v4, v54;
	v54 =	vor.u32 s25, v26;
	v17 =	vld.idx.msk [tilespmem:v29+s15+$0x0], $0xffff;
	[tilespmem:v21+s16+$0x0] =	vst.idx.msk $0xffff, v0  }
0x229: {  	v23 =	vor.u32 v2, v40;
	v19 =	vor.u32 v14, v41;
	v29 =	vor.u32 s7, v26;
	v2 =	vld [tilespmem:$0x1FC80];
	_ =	sdelay $0x1  }
0x22a: {  	v15 =	vor.u32 v14, v53;
	v55 =	vld.idx.msk [tilespmem:v62+s15+$0x0], $0xffff;
	[tilespmem:v13+s16+$0x0] =	vst.idx.msk $0xffff, v11  }
0x22b: {  	v60 =	vor.u32 s12, v63;
	v32 =	vld.idx.msk [tilespmem:v32+s15+$0x0], $0xffff;
	[tilespmem:v48+s16+$0x0] =	vst.idx.msk $0xffff, v27  }
0x22c: {  	v11 =	vor.u32 s3, v52;
	v25 =	vld.idx.msk [tilespmem:v25+s15+$0x0], $0xffff;
	[tilespmem:v54+s16+$0x0] =	vst.idx.msk $0xffff, v43  }
0x22d: {  	v27 =	vor.u32 s17, v52;
	v19 =	vld.idx.msk [tilespmem:v19+s15+$0x0], $0xffff;
	[tilespmem:v29+s16+$0x0] =	vst.idx.msk $0xffff, v17  }
0x22e: {  	v46 =	vor.u32 v4, v40;
	v38 =	vor.u32 v4, v5;
	v17 =	vor.u32 s21, v52;
	v4 =	vld [tilespmem:$0x1FE80]  }
0x22f: {  	v62 =	vor.u32 s25, v52;
	v0 =	vor.u32 v14, v39;
	v15 =	vld.idx.msk [tilespmem:v15+s15+$0x0], $0xffff  }
0x230: {  	v21 =	vor.u32 s19, v18;
	[tilespmem:v60+s16+$0x0] =	vst.idx.msk $0xffff, v55;
	v5 =	vld.idx.msk [tilespmem:v2+s15+$0x0], $0xffff  }
0x231: {  	[tilespmem:v11+s16+$0x0] =	vst.idx.msk $0xffff, v32  }
0x232: {  	v13 =	vor.u32 v10, v42;
	[tilespmem:v27+s16+$0x0] =	vst.idx.msk $0xffff, v25  }
0x233: {  	[tilespmem:v17+s16+$0x0] =	vst.idx.msk $0xffff, v19  }
0x234: {  	v0 =	vld.idx.msk [tilespmem:v0+s15+$0x0], $0xffff;
	v29 =	vor.u32 v4, v41;
	[tilespmem:v62+s16+$0x0] =	vst.idx.msk $0xffff, v15  }
0x235: {  	v48 =	vor.u32 s7, v52;
	v27 =	vld.idx.msk [tilespmem:v45+s15+$0x0], $0xffff;
	v36 =	vor.u32 v4, v53;
	[tilespmem:v21+s16+$0x0] =	vst.idx.msk $0xffff, v5  }
0x236: {  	v44 =	vor.u32 v6, v41;
	v25 =	vor.u32 s3, v56;
	v2 =	vmov v6;
	v6 =	vld [tilespmem:$0x1FE90]  }
0x237: {  	v5 =	vld.idx.msk [tilespmem:v13+s15+$0x0], $0xffff;
	v13 =	vor.u32 v4, v39;
	v21 =	vor.u32 s12, v26  }
0x238: {  	v11 =	vor.u32 s19, v63;
	v7 =	vld.idx.msk [tilespmem:v49+s15+$0x0], $0xffff;
	v49 =	vor.u32 v14, v42  }
0x239: {  	v15 =	vld.idx.msk [tilespmem:v29+s15+$0x0], $0xffff  }
0x23a: {  	v17 =	vor.u32 s21, v56;
	v29 =	vld.idx.msk [tilespmem:v36+s15+$0x0], $0xffff;
	[tilespmem:v48+s16+$0x0] =	vst.idx.msk $0xffff, v0  }
0x23b: {  	v54 =	vor.u32 s25, v56;
	[tilespmem:v25+s16+$0x0] =	vst.idx.msk $0xffff, v27;
	v27 =	vld.idx.msk [tilespmem:v38+s15+$0x0], $0xffff;
	v19 =	vor.u32 v6, v41  }
0x23c: {  	v13 =	vld.idx.msk [tilespmem:v13+s15+$0x0], $0xffff;
	[tilespmem:v21+s16+$0x0] =	vst.idx.msk $0xffff, v5;
	v21 =	vor.u32 s7, v56;
	v5 =	vor.u32 v6, v53  }
0x23d: {  	v32 =	vld.idx.msk [tilespmem:v49+s15+$0x0], $0xffff;
	[tilespmem:v11+s16+$0x0] =	vst.idx.msk $0xffff, v7;
	v7 =	vor.u32 v6, v39;
	v11 =	vor.u32 s12, v52  }
0x23e: {  	v34 =	vor.u32 s19, v26;
	v25 =	vor.u32 v4, v42;
	v9 =	vld.idx.msk [tilespmem:v9+s15+$0x0], $0xffff  }
0x23f: {  	v55 =	vor.u32 s17, v56;
	s17 =	sor.u32 $0x2000, s21;
	v4 =	vld [tilespmem:$0x1FEB0];
	[tilespmem:v17+s16+$0x0] =	vst.idx.msk $0xffff, v15  }
0x240: {  	s20 =	sor.u32 $0x2000, s25;
	[tilespmem:v54+s16+$0x0] =	vst.idx.msk $0xffff, v29;
	v17 =	vor.u32 s17, v58;
	v15 =	vld.idx.msk [tilespmem:v19+s15+$0x0], $0xffff  }
0x241: {  	s21 =	sor.u32 $0x2000, s7;
	[tilespmem:v21+s16+$0x0] =	vst.idx.msk $0xffff, v13;
	v13 =	vor.u32 s20, v58;
	v5 =	vld.idx.msk [tilespmem:v5+s15+$0x0], $0xffff  }
0x242: {  	v21 =	vor.u32 s21, v58;
	v19 =	vor.u32 v12, v41;
	v7 =	vld.idx.msk [tilespmem:v7+s15+$0x0], $0xffff;
	[tilespmem:v11+s16+$0x0] =	vst.idx.msk $0xffff, v32  }
0x243: {  	v29 =	vor.u32 s12, v56;
	v11 =	vor.u32 v12, v53;
	v25 =	vld.idx.msk [tilespmem:v25+s15+$0x0], $0xffff;
	[tilespmem:v34+s16+$0x0] =	vst.idx.msk $0xffff, v9  }
0x244: {  	[tilespmem:v55+s16+$0x0] =	vst.idx.msk $0xffff, v27;
	v27 =	vor.u32 s19, v52;
	v9 =	vor.u32 v12, v39;
	v23 =	vld.idx.msk [tilespmem:v23+s15+$0x0], $0xffff  }
0x245: {  	v37 =	vor.u32 v6, v42;
	[tilespmem:v17+s16+$0x0] =	vst.idx.msk $0xffff, v15  }
0x246: {  	v30 =	vor.u32 v47, v41;
	v1 =	vld.idx.msk [tilespmem:v1+s15+$0x0], $0xffff;
	v15 =	vor.u32 s18, v52;
	[tilespmem:v13+s16+$0x0] =	vst.idx.msk $0xffff, v5  }
0x247: {  	v40 =	vor.u32 v24, v41;
	[tilespmem:v21+s16+$0x0] =	vst.idx.msk $0xffff, v7;
	v17 =	vld.idx.msk [tilespmem:v19+s15+$0x0], $0xffff;
	v19 =	vor.u32 s17, v20  }
0x248: {  	v43 =	vor.u32 v24, v39;
	v7 =	vor.u32 s20, v20;
	v52 =	vld.idx.msk [tilespmem:v11+s15+$0x0], $0xffff;
	[tilespmem:v29+s16+$0x0] =	vst.idx.msk $0xffff, v25  }
0x249: {  	s14 =	sor.u32 $0x2000, s12;
	v33 =	vor.u32 s20, v57;
	v60 =	vor.u32 s21, v20;
	v38 =	vor.u32 v4, v41;
	v54 =	vld.idx.msk [tilespmem:v9+s15+$0x0], $0xffff;
	[tilespmem:v27+s16+$0x0] =	vst.idx.msk $0xffff, v23  }
0x24a: {  	v24 =	vor.u32 v24, v42;
	v25 =	vor.u32 v4, v53;
	v62 =	vld.idx.msk [tilespmem:v37+s15+$0x0], $0xffff;
	v27 =	vor.u32 s14, v58;
	[tilespmem:$0x1FC90] =	vst v61  }
0x24b: {  	v35 =	vor.u32 s17, v57;
	v16 =	vor.u32 s21, v57;
	v23 =	vor.u32 v4, v39;
	[tilespmem:v15+s16+$0x0] =	vst.idx.msk $0xffff, v1  }
0x24c: {  	v45 =	vor.u32 v2, v39;
	v0 =	vor.u32 v47, v39;
	v5 =	vld.idx.msk [tilespmem:v46+s15+$0x0], $0xffff;
	[tilespmem:v19+s16+$0x0] =	vst.idx.msk $0xffff, v17  }
0x24d: {  	v55 =	vor.u32 v47, v53;
	v32 =	vor.u32 v12, v42;
	v3 =	vld.idx.msk [tilespmem:v3+s15+$0x0], $0xffff;
	[tilespmem:v7+s16+$0x0] =	vst.idx.msk $0xffff, v52  }
0x24e: {  	v63 =	vor.u32 v4, v42;
	v13 =	vor.u32 v59, v41;
	[tilespmem:v60+s16+$0x0] =	vst.idx.msk $0xffff, v54;
	v29 =	vld.idx.msk [tilespmem:v38+s15+$0x0], $0xffff  }
0x24f: {  	v21 =	vor.u32 v59, v53;
	v11 =	vor.u32 v61, v53;
	v19 =	vld.idx.msk [tilespmem:v25+s15+$0x0], $0xffff;
	[tilespmem:v27+s16+$0x0] =	vst.idx.msk $0xffff, v62  }
0x250: {  	s6 =	sadd.s32 s11, s31;
	s2 =	sshllo.u32 s30, $0x1;
	v9 =	vor.u32 v61, v41;
	v46 =	vor.u32 v50, v41;
	v1 =	vor.u32 s18, v56;
	v23 =	vld.idx.msk [tilespmem:v23+s15+$0x0], $0xffff;
	[tilespmem:$0x1FCA0] =	vst v59  }
0x251: {  	s23 =	simm.s32 $0xB0;
	v15 =	vor.u32 v59, v39;
	s18 =	smov.u32 s11;
	v7 =	vor.u32 s19, v56;
	s19 =	simm.s32 $0x4;
	v25 =	vor.u32 s21, v28;
	[tilespmem:$0x1FCB0] =	vst v50  }
.LBB2_6:
0x252: {  	_ =	sdelay $0x1  }
0x253: {  	s10 =	sadd.s32 $0xFFFFFFE0, s23;
	v4 =	vld [tilespmem:$0x1FAC0]  }
0x254: {  	[tilespmem:$0x1FA50] =	vst v24;
	v8 =	vld [tilespmem:$0x1FB80];
	v34 =	vmov s10  }
0x255: {  	s11 =	sadd.s32 $0xFFFFFFF0, s23;
	v24 =	vld [tilespmem:$0x1FFD0];
	[tilespmem:v1+s16+$0x0] =	vst.idx.msk $0xffff, v3;
	v1 =	vshll.u32 v34, $0x5  }
0x256: {  	v26 =	vld [tilespmem:$0x1FFC0];
	[tilespmem:v35+s16+$0x0] =	vst.idx.msk $0xffff, v29;
	v29 =	vor.u32 v51, v1;
	v1 =	vmov s11  }
0x257: {  	v48 =	vor.u32 v50, v39;
	v54 =	vld [tilespmem:$0x1FFA0];
	v1 =	vshll.u32 v1, $0x5  }
0x258: {  	[tilespmem:v16+s16+$0x0] =	vst.idx.msk $0xffff, v23;
	v23 =	vor.u32 v51, v1;
	v1 =	vld [tilespmem:$0x1FCB0]  }
0x259: {  	v10 =	vld [tilespmem:$0x1FB50]  }
0x25a: {  	s1 =	sadd.s32 $0xFFFFFFD0, s23;
	v12 =	vld [tilespmem:$0x1FB60]  }
0x25b: {  	v17 =	vmov s23;
	v47 =	vor.u32 v50, v53;
	[tilespmem:v7+s16+$0x0] =	vst.idx.msk $0xffff, v5;
	v5 =	vmov s1;
	v35 =	vld.idx.msk [tilespmem:v46+s15+$0x0], $0xffff  }
0x25c: {  	s0 =	sadd.s32 $0x200, s0;
	v6 =	vlaneseq.u32;
	v7 =	vshll.u32 v17, $0x5;
	v5 =	vshll.u32 v5, $0x5;
	v52 =	vld.idx.msk [tilespmem:v48+s15+$0x0], $0xffff  }
0x25d: {  	s3 =	sand.u32 $0x40, s1;
	s13 =	sand.u32 $0xC00, s0;
	s1 =	sand.u32 $0x50, s10;
	v27 =	vor.u32 v51, v7;
	v36 =	vor.u32 v6, v29;
	v46 =	vor.u32 v1, v42;
	v1 =	vld [tilespmem:$0x1FAD0]  }
0x25e: {  	v18 =	vld [tilespmem:$0x1FEF0];
	s12 =	sor.u32 s13, s1;
	v17 =	vor.u32 v51, v5;
	v5 =	vor.u32 v6, v27  }
0x25f: {  	v14 =	vld [tilespmem:$0x1FBE0];
	[tilespmem:v33+s16+$0x0] =	vst.idx.msk $0xffff, v19;
	s1 =	sor.u32 $0x2000, s12  }
0x260: {  	v47 =	vld.idx.msk [tilespmem:v47+s15+$0x0], $0xffff;
	v2 =	vor.u32 s1, v57  }
0x261: {  	v32 =	vld.idx.msk [tilespmem:v32+s15+$0x0], $0xffff;
	v7 =	vor.u32 v6, v17;
	[tilespmem:$0x1FAA0] =	vst v2  }
0x262: {  	v49 =	vor.u32 s17, v28;
	v50 =	vld.idx.msk [tilespmem:v36+s15+$0x0], $0xffff;
	[tilespmem:v25+s16+$0x0] =	vst.idx.msk $0xffff, v52;
	v2 =	vor.u32 v1, v53  }
0x263: {  	v37 =	vor.u32 s20, v28;
	v5 =	vld.idx.msk [tilespmem:v5+s15+$0x0], $0xffff;
	[tilespmem:$0x1FA40] =	vst v2;
	v2 =	vor.u32 v1, v41  }
0x264: {  	s7 =	sand.u32 $0x70, s23;
	v20 =	vmovc v58;
	v25 =	vor.u32 s14, v26;
	v19 =	vor.u32 v1, v39;
	v1 =	vor.u32 v1, v42;
	[tilespmem:$0x1FA30] =	vst v2;
	v2 =	vld [tilespmem:$0x1FAB0]  }
0x265: {  	s25 =	sor.u32 s13, s7;
	v62 =	vor.u32 s12, v20;
	v38 =	vor.u32 v6, v23;
	[tilespmem:$0x1FA70] =	vst v1;
	v1 =	vld [tilespmem:$0x1FFE0]  }
0x266: {  	v34 =	vmov v28;
	v28 =	vmov v57;
	v57 =	vld.idx.msk [tilespmem:v7+s15+$0x0], $0xffff;
	v7 =	vor.u32 s25, v58  }
0x267: {  	v22 =	vld [tilespmem:$0x1FF60];
	[tilespmem:v49+s16+$0x0] =	vst.idx.msk $0xffff, v35  }
0x268: {  	s7 =	sor.u32 s3, s13;
	v15 =	vld.idx.msk [tilespmem:v15+s15+$0x0], $0xffff;
	[tilespmem:v37+s16+$0x0] =	vst.idx.msk $0xffff, v47  }
0x269: {  	v60 =	vor.u32 s7, v20;
	v36 =	vld.idx.msk [tilespmem:v21+s15+$0x0], $0xffff;
	[tilespmem:v25+s16+$0x0] =	vst.idx.msk $0xffff, v32;
	v56 =	vcombine.low v4, v2  }
0x26a: {  	[tilespmem:v62+s16+$0x0] =	vst.idx.msk $0xffff, v50;
	v52 =	vld.idx.msk [tilespmem:v38+s15+$0x0], $0xffff;
	v61 =	vor.u32 v1, v27  }
0x26b: {  	v47 =	vor.u32 s21, v24;
	v38 =	vld [tilespmem:$0x1FC90];
	[tilespmem:v7+s16+$0x0] =	vst.idx.msk $0xffff, v5;
	v51 =	vor.u32 v1, v29;
	v3 =	vor.u32 v56, v53  }
0x26c: {  	s11 =	sand.u32 $0x60, s11;
	v5 =	vmov v40;
	v40 =	vld [tilespmem:$0x1FFB0];
	v35 =	vor.u32 v1, v17;
	[tilespmem:$0x1FA60] =	vst v3;
	v3 =	vor.u32 v56, v42  }
0x26d: {  	v33 =	vor.u32 v59, v42;
	v59 =	vor.u32 v8, v39;
	s13 =	sor.u32 s13, s11;
	v2 =	vor.u32 s20, v24;
	[tilespmem:$0x1FA80] =	vst v3;
	v3 =	vld [tilespmem:$0x1FFF0]  }
0x26e: {  	v31 =	vor.u32 s13, v20;
	v58 =	vor.u32 v8, v53;
	[tilespmem:v60+s16+$0x0] =	vst.idx.msk $0xffff, v57;
	v13 =	vld.idx.msk [tilespmem:v13+s15+$0x0], $0xffff  }
0x26f: {  	v21 =	vor.u32 v56, v39;
	v7 =	vor.u32 v56, v41;
	v56 =	vor.u32 s17, v24;
	v57 =	vld.idx.msk [tilespmem:v61+s15+$0x0], $0xffff  }
0x270: {  	v50 =	vor.u32 s25, v26;
	v51 =	vld.idx.msk [tilespmem:v51+s15+$0x0], $0xffff;
	[tilespmem:v47+s16+$0x0] =	vst.idx.msk $0xffff, v15;
	v15 =	vor.u32 v1, v23  }
0x271: {  	v32 =	vor.u32 s12, v26;
	v60 =	vor.u32 v8, v41;
	v35 =	vld.idx.msk [tilespmem:v35+s15+$0x0], $0xffff  }
0x272: {  	v61 =	vor.u32 s7, v26;
	[tilespmem:v2+s16+$0x0] =	vst.idx.msk $0xffff, v36;
	v1 =	vld [tilespmem:$0x1FF00];
	v2 =	vor.u32 v3, v29  }
0x273: {  	v6 =	vor.u32 s21, v54;
	[tilespmem:v31+s16+$0x0] =	vst.idx.msk $0xffff, v52;
	v59 =	vld.idx.msk [tilespmem:v59+s15+$0x0], $0xffff;
	v62 =	vor.u32 v3, v27  }
0x274: {  	v4 =	vor.u32 s20, v54;
	v58 =	vld.idx.msk [tilespmem:v58+s15+$0x0], $0xffff;
	[tilespmem:v56+s16+$0x0] =	vst.idx.msk $0xffff, v13;
	v25 =	vor.u32 v3, v17  }
0x275: {  	v36 =	vor.u32 s13, v26;
	v47 =	vor.u32 v8, v42;
	[tilespmem:v50+s16+$0x0] =	vst.idx.msk $0xffff, v57;
	v8 =	vld.idx.msk [tilespmem:v15+s15+$0x0], $0xffff  }
0x276: {  	v56 =	vor.u32 v38, v39;
	v57 =	vor.u32 s17, v54;
	[tilespmem:v32+s16+$0x0] =	vst.idx.msk $0xffff, v51;
	v13 =	vld.idx.msk [tilespmem:v60+s15+$0x0], $0xffff  }
0x277: {  	v37 =	vor.u32 s12, v28;
	[tilespmem:v61+s16+$0x0] =	vst.idx.msk $0xffff, v35;
	v2 =	vld.idx.msk [tilespmem:v2+s15+$0x0], $0xffff  }
0x278: {  	v32 =	vor.u32 s25, v28;
	v35 =	vld.idx.msk [tilespmem:v62+s15+$0x0], $0xffff;
	[tilespmem:v6+s16+$0x0] =	vst.idx.msk $0xffff, v59;
	v6 =	vor.u32 v3, v23  }
0x279: {  	v60 =	vld.idx.msk [tilespmem:v25+s15+$0x0], $0xffff;
	[tilespmem:v4+s16+$0x0] =	vst.idx.msk $0xffff, v58  }
0x27a: {  	v31 =	vor.u32 v18, v27;
	v11 =	vld.idx.msk [tilespmem:v11+s15+$0x0], $0xffff;
	[tilespmem:v36+s16+$0x0] =	vst.idx.msk $0xffff, v8  }
0x27b: {  	v51 =	vor.u32 s7, v28;
	v59 =	vld.idx.msk [tilespmem:v56+s15+$0x0], $0xffff;
	[tilespmem:v57+s16+$0x0] =	vst.idx.msk $0xffff, v13  }
0x27c: {  	v50 =	vcombine.low v10, v12;
	v61 =	vor.u32 v18, v17;
	[tilespmem:v37+s16+$0x0] =	vst.idx.msk $0xffff, v2;
	v37 =	vld [tilespmem:$0x1FBC0]  }
0x27d: {  	v12 =	vor.u32 s20, v40;
	v58 =	vor.u32 v18, v29;
	[tilespmem:v32+s16+$0x0] =	vst.idx.msk $0xffff, v35;
	v6 =	vld.idx.msk [tilespmem:v6+s15+$0x0], $0xffff  }
0x27e: {  	v52 =	vor.u32 s21, v40;
	v32 =	vld.idx.msk [tilespmem:v9+s15+$0x0], $0xffff  }
0x27f: {  	v31 =	vld.idx.msk [tilespmem:v31+s15+$0x0], $0xffff  }
0x280: {  	[tilespmem:v51+s16+$0x0] =	vst.idx.msk $0xffff, v60;
	v9 =	vld [tilespmem:$0x1FBD0]  }
0x281: {  	v10 =	vor.u32 s13, v28;
	v57 =	vld.idx.msk [tilespmem:v61+s15+$0x0], $0xffff  }
0x282: {  	v35 =	vor.u32 s7, v34;
	v58 =	vld.idx.msk [tilespmem:v58+s15+$0x0], $0xffff;
	[tilespmem:v12+s16+$0x0] =	vst.idx.msk $0xffff, v11  }
0x283: {  	v4 =	vor.u32 s17, v40;
	[tilespmem:v52+s16+$0x0] =	vst.idx.msk $0xffff, v59;
	v59 =	vor.u32 v18, v23;
	v18 =	vld [tilespmem:$0x1FC20]  }
0x284: {  	v48 =	vor.u32 v1, v17;
	v2 =	vor.u32 s25, v34;
	v16 =	vld.idx.msk [tilespmem:v55+s15+$0x0], $0xffff  }
0x285: {  	v8 =	vor.u32 v1, v27;
	v0 =	vld.idx.msk [tilespmem:v0+s15+$0x0], $0xffff  }
0x286: {  	v55 =	vld [tilespmem:$0x1FF10];
	[tilespmem:v10+s16+$0x0] =	vst.idx.msk $0xffff, v6  }
0x287: {  	[tilespmem:v35+s16+$0x0] =	vst.idx.msk $0xffff, v57;
	v35 =	vld [tilespmem:$0x1FBA0]  }
0x288: {  	v49 =	vor.u32 s12, v34;
	[tilespmem:v4+s16+$0x0] =	vst.idx.msk $0xffff, v32;
	v59 =	vld.idx.msk [tilespmem:v59+s15+$0x0], $0xffff  }
0x289: {  	v51 =	vcombine.low v14, v9;
	v14 =	vor.u32 v1, v29;
	[tilespmem:v2+s16+$0x0] =	vst.idx.msk $0xffff, v31;
	v32 =	vld.idx.msk [tilespmem:v48+s15+$0x0], $0xffff  }
0x28a: {  	v36 =	vor.u32 s21, v22;
	v4 =	vld.idx.msk [tilespmem:v8+s15+$0x0], $0xffff  }
0x28b: {  	v12 =	vor.u32 s20, v22;
	v2 =	vor.u32 v51, v42;
	v8 =	vld [tilespmem:$0x1FC10]  }
0x28c: {  	v62 =	vor.u32 s13, v34;
	[tilespmem:$0x1FA90] =	vst v2;
	v2 =	vld.idx.msk [tilespmem:v30+s15+$0x0], $0xffff  }
0x28d: {  	[tilespmem:v49+s16+$0x0] =	vst.idx.msk $0xffff, v58;
	v31 =	vor.u32 s17, v22;
	v11 =	vor.u32 v51, v41;
	v30 =	vld [tilespmem:$0x1FF50]  }
0x28e: {  	v9 =	vor.u32 v51, v53;
	v52 =	vor.u32 v51, v39;
	v51 =	vor.u32 s25, v24;
	v14 =	vld.idx.msk [tilespmem:v14+s15+$0x0], $0xffff  }
0x28f: {  	[tilespmem:v36+s16+$0x0] =	vst.idx.msk $0xffff, v0;
	v36 =	vld.idx.msk [tilespmem:v63+s15+$0x0], $0xffff  }
0x290: {  	v58 =	vor.u32 s7, v24;
	v6 =	vor.u32 v55, v27;
	[tilespmem:v12+s16+$0x0] =	vst.idx.msk $0xffff, v16;
	v0 =	vld [tilespmem:$0x1FCC0]  }
0x291: {  	v60 =	vor.u32 v55, v17;
	[tilespmem:v62+s16+$0x0] =	vst.idx.msk $0xffff, v59;
	v62 =	vld [tilespmem:$0x1FF70]  }
0x292: {  	v61 =	vor.u32 s12, v24;
	v16 =	vor.u32 v55, v29;
	v45 =	vld.idx.msk [tilespmem:v45+s15+$0x0], $0xffff;
	[tilespmem:v31+s16+$0x0] =	vst.idx.msk $0xffff, v2  }
0x293: {  	v8 =	vcombine.low v18, v8;
	v18 =	vor.u32 v1, v23;
	v1 =	vld [tilespmem:$0x1FC40];
	[tilespmem:v51+s16+$0x0] =	vst.idx.msk $0xffff, v4  }
0x294: {  	v63 =	vor.u32 s14, v28;
	v2 =	vld.idx.msk [tilespmem:v44+s15+$0x0], $0xffff  }
0x295: {  	[tilespmem:v58+s16+$0x0] =	vst.idx.msk $0xffff, v32;
	v10 =	vor.u32 s21, v30;
	v4 =	vld.idx.msk [tilespmem:v6+s15+$0x0], $0xffff  }
0x296: {  	v12 =	vor.u32 s17, v30;
	v48 =	vor.u32 v8, v41;
	v6 =	vld.idx.msk [tilespmem:v60+s15+$0x0], $0xffff  }
0x297: {  	v49 =	vor.u32 v8, v53;
	v51 =	vor.u32 v8, v39;
	[tilespmem:v61+s16+$0x0] =	vst.idx.msk $0xffff, v14;
	v14 =	vor.u32 s7, v54;
	v61 =	vld [tilespmem:$0x1FF20]  }
0x298: {  	v32 =	vor.u32 v8, v42;
	v8 =	vor.u32 s25, v54;
	v58 =	vor.u32 v0, v17;
	v16 =	vld.idx.msk [tilespmem:v16+s15+$0x0], $0xffff  }
0x299: {  	v18 =	vld.idx.msk [tilespmem:v18+s15+$0x0], $0xffff;
	[tilespmem:v63+s16+$0x0] =	vst.idx.msk $0xffff, v36  }
0x29a: {  	v59 =	vor.u32 s12, v54;
	v31 =	vor.u32 v0, v27;
	v63 =	vld [tilespmem:$0x1FF80];
	[tilespmem:v10+s16+$0x0] =	vst.idx.msk $0xffff, v45  }
0x29b: {  	v25 =	vor.u32 v50, v39;
	v36 =	vor.u32 v0, v29;
	v10 =	vld.idx.msk [tilespmem:v46+s15+$0x0], $0xffff;
	[tilespmem:v12+s16+$0x0] =	vst.idx.msk $0xffff, v2  }
0x29c: {  	v60 =	vor.u32 s13, v24;
	v45 =	vor.u32 v55, v23;
	v43 =	vld.idx.msk [tilespmem:v43+s15+$0x0], $0xffff;
	[tilespmem:v14+s16+$0x0] =	vst.idx.msk $0xffff, v6  }
0x29d: {  	v46 =	vor.u32 s14, v34;
	v12 =	vor.u32 v1, v39;
	v39 =	vmov v29;
	[tilespmem:v8+s16+$0x0] =	vst.idx.msk $0xffff, v4;
	v29 =	vld.idx.msk [tilespmem:v58+s15+$0x0], $0xffff  }
0x29e: {  	v2 =	vor.u32 s21, v62;
	v4 =	vld.idx.msk [tilespmem:v5+s15+$0x0], $0xffff  }
0x29f: {  	v55 =	vor.u32 s7, v40;
	[tilespmem:v59+s16+$0x0] =	vst.idx.msk $0xffff, v16;
	v6 =	vld.idx.msk [tilespmem:v31+s15+$0x0], $0xffff  }
0x2a0: {  	v15 =	vor.u32 v50, v41;
	v13 =	vor.u32 v50, v53;
	v14 =	vor.u32 s17, v62;
	v36 =	vld.idx.msk [tilespmem:v36+s15+$0x0], $0xffff  }
0x2a1: {  	v57 =	vor.u32 v35, v53;
	v58 =	vor.u32 v61, v17;
	v59 =	vor.u32 s12, v40;
	[tilespmem:v60+s16+$0x0] =	vst.idx.msk $0xffff, v18;
	v60 =	vld [tilespmem:$0x1FBB0]  }
0x2a2: {  	v16 =	vor.u32 s25, v40;
	v45 =	vld.idx.msk [tilespmem:v45+s15+$0x0], $0xffff;
	[tilespmem:v46+s16+$0x0] =	vst.idx.msk $0xffff, v10;
	v10 =	vor.u32 v61, v39  }
0x2a3: {  	v8 =	vor.u32 v1, v41;
	v41 =	vmov v27;
	[tilespmem:v2+s16+$0x0] =	vst.idx.msk $0xffff, v43;
	v2 =	vld.idx.msk [tilespmem:v33+s15+$0x0], $0xffff  }
0x2a4: {  	v18 =	vor.u32 v61, v41;
	v46 =	vor.u32 s13, v54;
	v33 =	vor.u32 v0, v23;
	v0 =	vld [tilespmem:$0x1FF30];
	[tilespmem:v55+s16+$0x0] =	vst.idx.msk $0xffff, v29  }
0x2a5: {  	v31 =	vor.u32 v1, v53;
	v43 =	vor.u32 s14, v24;
	v12 =	vld.idx.msk [tilespmem:v12+s15+$0x0], $0xffff;
	[tilespmem:v14+s16+$0x0] =	vst.idx.msk $0xffff, v4  }
0x2a6: {  	v4 =	vor.u32 s21, v63;
	v14 =	vor.u32 v60, v53;
	v53 =	vmov v17;
	v17 =	vld.idx.msk [tilespmem:v58+s15+$0x0], $0xffff;
	[tilespmem:v59+s16+$0x0] =	vst.idx.msk $0xffff, v36  }
0x2a7: {  	[tilespmem:v16+s16+$0x0] =	vst.idx.msk $0xffff, v6;
	v10 =	vld.idx.msk [tilespmem:v10+s15+$0x0], $0xffff  }
0x2a8: {  	v56 =	vor.u32 v38, v42;
	v6 =	vld.idx.msk [tilespmem:v8+s15+$0x0], $0xffff  }
0x2a9: {  	v50 =	vor.u32 v50, v42;
	v3 =	vor.u32 v37, v42;
	[tilespmem:v46+s16+$0x0] =	vst.idx.msk $0xffff, v45;
	v8 =	vld.idx.msk [tilespmem:v18+s15+$0x0], $0xffff  }
0x2aa: {  	v44 =	vor.u32 v35, v42;
	v16 =	vor.u32 s17, v63;
	v33 =	vld.idx.msk [tilespmem:v33+s15+$0x0], $0xffff;
	[tilespmem:v43+s16+$0x0] =	vst.idx.msk $0xffff, v2  }
0x2ab: {  	v27 =	vor.u32 v1, v42;
	v42 =	vmov v23;
	v23 =	vor.u32 s7, v22;
	[tilespmem:v4+s16+$0x0] =	vst.idx.msk $0xffff, v12;
	v4 =	vld.idx.msk [tilespmem:v47+s15+$0x0], $0xffff  }
0x2ac: {  	v18 =	vor.u32 s25, v22;
	v47 =	vld [tilespmem:$0x1FF90]  }
0x2ad: {  	v45 =	vor.u32 s12, v22;
	v36 =	vor.u32 v0, v53  }
0x2ae: {  	v2 =	vor.u32 v0, v39  }
0x2af: {  	v55 =	vor.u32 s13, v40;
	v58 =	vmov v20;
	v20 =	vld [tilespmem:$0x1FEE0];
	v29 =	vor.u32 v0, v41;
	[tilespmem:v16+s16+$0x0] =	vst.idx.msk $0xffff, v6  }
0x2b0: {  	v12 =	vor.u32 v61, v42;
	v61 =	vor.u32 s14, v54;
	v6 =	vld.idx.msk [tilespmem:v57+s15+$0x0], $0xffff;
	[tilespmem:v23+s16+$0x0] =	vst.idx.msk $0xffff, v17  }
0x2b1: {  	v19 =	vld.idx.msk [tilespmem:v19+s15+$0x0], $0xffff;
	[tilespmem:v18+s16+$0x0] =	vst.idx.msk $0xffff, v8;
	v8 =	vor.u32 s21, v47  }
0x2b2: {  	[tilespmem:v45+s16+$0x0] =	vst.idx.msk $0xffff, v10;
	v18 =	vld.idx.msk [tilespmem:v36+s15+$0x0], $0xffff  }
0x2b3: {  	v2 =	vld.idx.msk [tilespmem:v2+s15+$0x0], $0xffff  }
0x2b4: {  	v17 =	vor.u32 s20, v30;
	[tilespmem:v55+s16+$0x0] =	vst.idx.msk $0xffff, v33;
	v16 =	vld.idx.msk [tilespmem:v29+s15+$0x0], $0xffff  }
0x2b5: {  	v10 =	vor.u32 s25, v30;
	v12 =	vld.idx.msk [tilespmem:v12+s15+$0x0], $0xffff;
	[tilespmem:v61+s16+$0x0] =	vst.idx.msk $0xffff, v4  }
0x2b6: {  	[tilespmem:v8+s16+$0x0] =	vst.idx.msk $0xffff, v19;
	v8 =	vld.idx.msk [tilespmem:v56+s15+$0x0], $0xffff  }
0x2b7: {  	v23 =	vor.u32 s7, v30;
	v56 =	vld [tilespmem:$0x1FF40]  }
0x2b8: {  	v54 =	vor.u32 s12, v30;
	v29 =	vor.u32 v20, v41  }
0x2b9: {  	v1 =	vld [tilespmem:$0x1FED0];
	v45 =	vor.u32 v20, v53;
	[tilespmem:v17+s16+$0x0] =	vst.idx.msk $0xffff, v6  }
0x2ba: {  	v55 =	vor.u32 s13, v22;
	v4 =	vor.u32 v20, v39;
	[tilespmem:v10+s16+$0x0] =	vst.idx.msk $0xffff, v16;
	v10 =	vld.idx.msk [tilespmem:v14+s15+$0x0], $0xffff  }
0x2bb: {  	v17 =	vor.u32 s14, v40;
	v19 =	vor.u32 v0, v42;
	v0 =	vld [tilespmem:$0x1FA30]  }
0x2bc: {  	[tilespmem:v23+s16+$0x0] =	vst.idx.msk $0xffff, v18;
	v6 =	vld.idx.msk [tilespmem:v21+s15+$0x0], $0xffff;
	v14 =	vor.u32 s21, v56  }
0x2bd: {  	v16 =	vld.idx.msk [tilespmem:v29+s15+$0x0], $0xffff;
	[tilespmem:v54+s16+$0x0] =	vst.idx.msk $0xffff, v2;
	v2 =	vor.u32 s25, v62  }
0x2be: {  	v21 =	vld.idx.msk [tilespmem:v45+s15+$0x0], $0xffff  }
0x2bf: {  	[tilespmem:v55+s16+$0x0] =	vst.idx.msk $0xffff, v12;
	v4 =	vld.idx.msk [tilespmem:v4+s15+$0x0], $0xffff  }
0x2c0: {  	v18 =	vor.u32 s20, v62;
	v19 =	vld.idx.msk [tilespmem:v19+s15+$0x0], $0xffff;
	[tilespmem:v17+s16+$0x0] =	vst.idx.msk $0xffff, v8  }
0x2c1: {  	v23 =	vor.u32 s7, v62;
	[tilespmem:v14+s16+$0x0] =	vst.idx.msk $0xffff, v6;
	v6 =	vld.idx.msk [tilespmem:v3+s15+$0x0], $0xffff  }
0x2c2: {  	[tilespmem:v2+s16+$0x0] =	vst.idx.msk $0xffff, v16;
	v14 =	vor.u32 v20, v42;
	v20 =	vld [tilespmem:$0x1FCD0]  }
0x2c3: {  	v12 =	vor.u32 v1, v41;
	v3 =	vld.idx.msk [tilespmem:v0+s15+$0x0], $0xffff  }
0x2c4: {  	v61 =	vor.u32 s12, v62;
	v29 =	vor.u32 v1, v53;
	v0 =	vld [tilespmem:$0x1FA40]  }
0x2c5: {  	[tilespmem:v18+s16+$0x0] =	vst.idx.msk $0xffff, v10;
	v18 =	vor.u32 s14, v22;
	v22 =	vld [tilespmem:$0x1FEC0];
	v8 =	vor.u32 v1, v39;
	v17 =	vor.u32 s13, v30  }
0x2c6: {  	v2 =	vld.idx.msk [tilespmem:v31+s15+$0x0], $0xffff;
	[tilespmem:v23+s16+$0x0] =	vst.idx.msk $0xffff, v21;
	v21 =	vor.u32 s20, v63  }
0x2c7: {  	v10 =	vld.idx.msk [tilespmem:v25+s15+$0x0], $0xffff;
	v16 =	vor.u32 s21, v20  }
0x2c8: {  	v12 =	vld.idx.msk [tilespmem:v12+s15+$0x0], $0xffff  }
0x2c9: {  	v23 =	vld.idx.msk [tilespmem:v29+s15+$0x0], $0xffff;
	[tilespmem:v61+s16+$0x0] =	vst.idx.msk $0xffff, v4  }
0x2ca: {  	v29 =	vor.u32 s12, v63;
	[tilespmem:v17+s16+$0x0] =	vst.idx.msk $0xffff, v19;
	v8 =	vld.idx.msk [tilespmem:v8+s15+$0x0], $0xffff  }
0x2cb: {  	v17 =	vor.u32 v22, v41;
	v4 =	vor.u32 s25, v63;
	[tilespmem:v21+s16+$0x0] =	vst.idx.msk $0xffff, v2;
	v14 =	vld.idx.msk [tilespmem:v14+s15+$0x0], $0xffff  }
0x2cc: {  	v25 =	vor.u32 s7, v63;
	[tilespmem:v16+s16+$0x0] =	vst.idx.msk $0xffff, v10;
	v16 =	vor.u32 v1, v42;
	v1 =	vld.idx.msk [tilespmem:v0+s15+$0x0], $0xffff  }
0x2cd: {  	v19 =	vor.u32 v22, v53;
	[tilespmem:v18+s16+$0x0] =	vst.idx.msk $0xffff, v6;
	v0 =	vld [tilespmem:$0x1FA50]  }
0x2ce: {  	v6 =	vor.u32 v22, v39;
	v18 =	vor.u32 s13, v62;
	v10 =	vld.idx.msk [tilespmem:v44+s15+$0x0], $0xffff  }
0x2cf: {  	v2 =	vor.u32 s14, v30;
	[tilespmem:v29+s16+$0x0] =	vst.idx.msk $0xffff, v8;
	v29 =	vld [tilespmem:$0x1FE50]  }
0x2d0: {  	v59 =	vld [tilespmem:$0x1FCA0];
	[tilespmem:v4+s16+$0x0] =	vst.idx.msk $0xffff, v12  }
0x2d1: {  	v4 =	vor.u32 s17, v47;
	v12 =	vld.idx.msk [tilespmem:v17+s15+$0x0], $0xffff;
	[tilespmem:v25+s16+$0x0] =	vst.idx.msk $0xffff, v23  }
0x2d2: {  	v17 =	vor.u32 s20, v47;
	v19 =	vld.idx.msk [tilespmem:v19+s15+$0x0], $0xffff  }
0x2d3: {  	[tilespmem:v18+s16+$0x0] =	vst.idx.msk $0xffff, v14;
	v8 =	vor.u32 s25, v47;
	v6 =	vld.idx.msk [tilespmem:v6+s15+$0x0], $0xffff  }
0x2d4: {  	v23 =	vor.u32 s12, v47;
	v16 =	vld.idx.msk [tilespmem:v16+s15+$0x0], $0xffff;
	[tilespmem:v2+s16+$0x0] =	vst.idx.msk $0xffff, v10;
	v14 =	vor.u32 v29, v41  }
0x2d5: {  	v10 =	vor.u32 s13, v63;
	v2 =	vor.u32 v29, v39;
	v25 =	vld.idx.msk [tilespmem:v0+s15+$0x0], $0xffff  }
0x2d6: {  	[tilespmem:v4+s16+$0x0] =	vst.idx.msk $0xffff, v3;
	v3 =	vor.u32 v22, v42;
	v0 =	vld [tilespmem:$0x1FA60]  }
0x2d7: {  	v4 =	vld.idx.msk [tilespmem:v7+s15+$0x0], $0xffff;
	v7 =	vor.u32 s17, v56;
	[tilespmem:v17+s16+$0x0] =	vst.idx.msk $0xffff, v1  }
0x2d8: {  	v22 =	vld [tilespmem:$0x1FE60];
	[tilespmem:v8+s16+$0x0] =	vst.idx.msk $0xffff, v12  }
0x2d9: {  	v1 =	vor.u32 s14, v62;
	[tilespmem:v23+s16+$0x0] =	vst.idx.msk $0xffff, v6;
	v8 =	vld.idx.msk [tilespmem:v14+s15+$0x0], $0xffff  }
0x2da: {  	v21 =	vor.u32 s7, v47;
	[tilespmem:v10+s16+$0x0] =	vst.idx.msk $0xffff, v16;
	v2 =	vld.idx.msk [tilespmem:v2+s15+$0x0], $0xffff  }
0x2db: {  	v6 =	vor.u32 s25, v56;
	v3 =	vld.idx.msk [tilespmem:v3+s15+$0x0], $0xffff  }
0x2dc: {  	v18 =	vor.u32 v29, v53;
	[tilespmem:v7+s16+$0x0] =	vst.idx.msk $0xffff, v4;
	v4 =	vor.u32 v29, v42;
	v29 =	vld [tilespmem:$0x1FE70]  }
0x2dd: {  	v7 =	vld.idx.msk [tilespmem:v15+s15+$0x0], $0xffff  }
0x2de: {  	v12 =	vor.u32 s20, v56;
	[tilespmem:v1+s16+$0x0] =	vst.idx.msk $0xffff, v25;
	v5 =	vld.idx.msk [tilespmem:v0+s15+$0x0], $0xffff  }
0x2df: {  	v10 =	vor.u32 v22, v41;
	v25 =	vld [tilespmem:$0x1FCE0];
	[tilespmem:v21+s16+$0x0] =	vst.idx.msk $0xffff, v19;
	v19 =	vor.u32 s13, v47  }
0x2e0: {  	v21 =	vld.idx.msk [tilespmem:v27+s15+$0x0], $0xffff;
	[tilespmem:v6+s16+$0x0] =	vst.idx.msk $0xffff, v8;
	v8 =	vor.u32 s17, v20  }
0x2e1: {  	v17 =	vor.u32 s7, v56;
	v14 =	vld.idx.msk [tilespmem:v18+s15+$0x0], $0xffff  }
0x2e2: {  	v0 =	vld [tilespmem:$0x1FA70];
	v18 =	vor.u32 s12, v56  }
0x2e3: {  	v16 =	vor.u32 v22, v53;
	v27 =	vld [tilespmem:$0x1FE80];
	[tilespmem:v12+s16+$0x0] =	vst.idx.msk $0xffff, v5  }
0x2e4: {  	v1 =	vor.u32 v22, v39;
	v10 =	vld.idx.msk [tilespmem:v10+s15+$0x0], $0xffff;
	v5 =	vor.u32 s14, v63;
	[tilespmem:v19+s16+$0x0] =	vst.idx.msk $0xffff, v3  }
0x2e5: {  	[tilespmem:v8+s16+$0x0] =	vst.idx.msk $0xffff, v7;
	v7 =	vor.u32 v22, v42;
	v22 =	vld [tilespmem:$0x1FCF0]  }
0x2e6: {  	v12 =	vor.u32 s20, v20;
	v6 =	vld.idx.msk [tilespmem:v13+s15+$0x0], $0xffff;
	[tilespmem:v17+s16+$0x0] =	vst.idx.msk $0xffff, v14  }
0x2e7: {  	[tilespmem:v18+s16+$0x0] =	vst.idx.msk $0xffff, v2;
	v2 =	vor.u32 s25, v20;
	v4 =	vld.idx.msk [tilespmem:v4+s15+$0x0], $0xffff  }
0x2e8: {  	v19 =	vor.u32 s13, v56;
	v13 =	vld.idx.msk [tilespmem:v16+s15+$0x0], $0xffff  }
0x2e9: {  	v3 =	vor.u32 v29, v41;
	v14 =	vor.u32 s7, v20;
	v1 =	vld.idx.msk [tilespmem:v1+s15+$0x0], $0xffff;
	[tilespmem:v5+s16+$0x0] =	vst.idx.msk $0xffff, v21  }
0x2ea: {  	v17 =	vor.u32 s12, v20;
	v21 =	vld.idx.msk [tilespmem:v0+s15+$0x0], $0xffff  }
0x2eb: {  	v16 =	vor.u32 v29, v53;
	[tilespmem:v12+s16+$0x0] =	vst.idx.msk $0xffff, v6;
	v6 =	vld.idx.msk [tilespmem:v11+s15+$0x0], $0xffff  }
0x2ec: {  	v23 =	vor.u32 s14, v47;
	v18 =	vor.u32 v29, v39;
	[tilespmem:v2+s16+$0x0] =	vst.idx.msk $0xffff, v10;
	v0 =	vld [tilespmem:$0x1FA80]  }
0x2ed: {  	v5 =	vor.u32 s17, v25;
	[tilespmem:v19+s16+$0x0] =	vst.idx.msk $0xffff, v4;
	v2 =	vld.idx.msk [tilespmem:v9+s15+$0x0], $0xffff  }
0x2ee: {  	v15 =	vor.u32 s20, v25;
	[tilespmem:v14+s16+$0x0] =	vst.idx.msk $0xffff, v13;
	v3 =	vld.idx.msk [tilespmem:v3+s15+$0x0], $0xffff  }
0x2ef: {  	[tilespmem:v17+s16+$0x0] =	vst.idx.msk $0xffff, v1;
	v1 =	vor.u32 s25, v25;
	v7 =	vld.idx.msk [tilespmem:v7+s15+$0x0], $0xffff  }
0x2f0: {  	v8 =	vor.u32 v27, v41;
	v10 =	vor.u32 s7, v25;
	v9 =	vld.idx.msk [tilespmem:v16+s15+$0x0], $0xffff  }
0x2f1: {  	v11 =	vld.idx.msk [tilespmem:v18+s15+$0x0], $0xffff;
	[tilespmem:v23+s16+$0x0] =	vst.idx.msk $0xffff, v21  }
0x2f2: {  	v12 =	vor.u32 v27, v53;
	v13 =	vor.u32 s12, v25;
	[tilespmem:v5+s16+$0x0] =	vst.idx.msk $0xffff, v6;
	v21 =	vld [tilespmem:$0x1FE90]  }
0x2f3: {  	v17 =	vor.u32 s13, v20;
	v16 =	vor.u32 v27, v39;
	[tilespmem:v15+s16+$0x0] =	vst.idx.msk $0xffff, v2;
	v2 =	vld.idx.msk [tilespmem:v48+s15+$0x0], $0xffff  }
0x2f4: {  	v14 =	vor.u32 s17, v22;
	[tilespmem:v1+s16+$0x0] =	vst.idx.msk $0xffff, v3;
	v1 =	vld.idx.msk [tilespmem:v49+s15+$0x0], $0xffff  }
0x2f5: {  	v5 =	vor.u32 v29, v42;
	[tilespmem:v10+s16+$0x0] =	vst.idx.msk $0xffff, v9;
	v3 =	vld.idx.msk [tilespmem:v8+s15+$0x0], $0xffff;
	v9 =	vor.u32 s25, v22  }
0x2f6: {  	v19 =	vor.u32 s14, v56;
	v18 =	vld.idx.msk [tilespmem:v0+s15+$0x0], $0xffff  }
0x2f7: {  	v4 =	vor.u32 s20, v22;
	[tilespmem:v13+s16+$0x0] =	vst.idx.msk $0xffff, v11;
	v8 =	vld.idx.msk [tilespmem:v12+s15+$0x0], $0xffff  }
0x2f8: {  	v10 =	vor.u32 s7, v22;
	v11 =	vld.idx.msk [tilespmem:v16+s15+$0x0], $0xffff;
	[tilespmem:v17+s16+$0x0] =	vst.idx.msk $0xffff, v7;
	v6 =	vor.u32 v21, v41  }
0x2f9: {  	v17 =	vor.u32 s14, v20;
	v20 =	vld [tilespmem:$0x1FEA0];
	v7 =	vor.u32 v21, v53;
	[tilespmem:v14+s16+$0x0] =	vst.idx.msk $0xffff, v2  }
0x2fa: {  	v12 =	vor.u32 s12, v22;
	v5 =	vld.idx.msk [tilespmem:v5+s15+$0x0], $0xffff;
	[tilespmem:v9+s16+$0x0] =	vst.idx.msk $0xffff, v3  }
0x2fb: {  	v13 =	vor.u32 v21, v39;
	v9 =	vld [tilespmem:$0x1FA90];
	[tilespmem:v19+s16+$0x0] =	vst.idx.msk $0xffff, v18  }
0x2fc: {  	s9 =	sor.u32 $0x2000, s25;
	v15 =	vor.u32 s13, v25;
	[tilespmem:v4+s16+$0x0] =	vst.idx.msk $0xffff, v1;
	v16 =	vld.idx.msk [tilespmem:v50+s15+$0x0], $0xffff  }
0x2fd: {  	s10 =	sor.u32 $0x2000, s7;
	s17 =	smov.u32 s9;
	v2 =	vor.u32 v27, v42;
	[tilespmem:v10+s16+$0x0] =	vst.idx.msk $0xffff, v8;
	v1 =	vld.idx.msk [tilespmem:v6+s15+$0x0], $0xffff  }
0x2fe: {  	s20 =	smov.u32 s10;
	v6 =	vld.idx.msk [tilespmem:v7+s15+$0x0], $0xffff;
	v7 =	vor.u32 s17, v58  }
0x2ff: {  	v4 =	vld.idx.msk [tilespmem:v52+s15+$0x0], $0xffff;
	[tilespmem:v12+s16+$0x0] =	vst.idx.msk $0xffff, v11;
	v8 =	vor.u32 s20, v58  }
0x300: {  	v3 =	vor.u32 v20, v41;
	v12 =	vor.u32 s1, v58;
	v10 =	vld.idx.msk [tilespmem:v13+s15+$0x0], $0xffff  }
0x301: {  	v23 =	vld [tilespmem:$0x1FEB0];
	[tilespmem:v15+s16+$0x0] =	vst.idx.msk $0xffff, v5;
	v5 =	vor.u32 v20, v53  }
0x302: {  	v14 =	vor.u32 v20, v39;
	v15 =	vor.u32 s13, v22;
	v2 =	vld.idx.msk [tilespmem:v2+s15+$0x0], $0xffff;
	[tilespmem:v17+s16+$0x0] =	vst.idx.msk $0xffff, v16  }
0x303: {  	v13 =	vor.u32 s14, v25;
	v17 =	vor.u32 v21, v42;
	v16 =	vld.idx.msk [tilespmem:v9+s15+$0x0], $0xffff;
	[tilespmem:v7+s16+$0x0] =	vst.idx.msk $0xffff, v1  }
0x304: {  	v24 =	vor.u32 v60, v42;
	v50 =	vld [tilespmem:$0x1FCB0];
	v7 =	vor.u32 s21, v25;
	[tilespmem:v8+s16+$0x0] =	vst.idx.msk $0xffff, v6  }
0x305: {  	v43 =	vor.u32 v60, v39;
	[tilespmem:v12+s16+$0x0] =	vst.idx.msk $0xffff, v10;
	v10 =	vor.u32 s17, v26;
	v3 =	vld.idx.msk [tilespmem:v3+s15+$0x0], $0xffff  }
0x306: {  	v40 =	vor.u32 v60, v41;
	v55 =	vor.u32 v37, v53;
	v45 =	vor.u32 v35, v39;
	v8 =	vld.idx.msk [tilespmem:v5+s15+$0x0], $0xffff  }
0x307: {  	v6 =	vor.u32 v23, v41;
	v12 =	vor.u32 s20, v26;
	v14 =	vld.idx.msk [tilespmem:v14+s15+$0x0], $0xffff;
	[tilespmem:v15+s16+$0x0] =	vst.idx.msk $0xffff, v2  }
0x308: {  	v18 =	vor.u32 s1, v26;
	v2 =	vor.u32 v23, v53;
	v17 =	vld.idx.msk [tilespmem:v17+s15+$0x0], $0xffff;
	[tilespmem:v13+s16+$0x0] =	vst.idx.msk $0xffff, v16  }
0x309: {  	s19 =	sadd.s32 $0x4, s19;
	s3 =	sor.u32 $0x2000, s13;
	v30 =	vor.u32 v37, v41;
	v16 =	vor.u32 v23, v39;
	[tilespmem:v7+s16+$0x0] =	vst.idx.msk $0xffff, v4;
	v5 =	vld.idx.msk [tilespmem:v32+s15+$0x0], $0xffff  }
0x30a: {  	p2 =	slt.u32 s19, $0x1C;
	v57 =	vmov v28;
	v44 =	vor.u32 v35, v41;
	v27 =	vor.u32 s3, v58;
	[tilespmem:v10+s16+$0x0] =	vst.idx.msk $0xffff, v3;
	v3 =	vld.idx.msk [tilespmem:v51+s15+$0x0], $0xffff  }
.Ltmp2:
0x30b: {  	v28 =	vmovc v34;
	v33 =	vor.u32 s20, v57;
	v0 =	vor.u32 v37, v39;
	v63 =	vor.u32 v23, v42;
	v51 =	vld [tilespmem:$0x1FE40];
	(pc) =	sbr.rel @p2 .LBB2_6-.Ltmp2, $4  }
0x30c: {  	v11 =	vor.u32 v38, v53;
	v21 =	vor.u32 v59, v53;
	[tilespmem:v12+s16+$0x0] =	vst.idx.msk $0xffff, v8;
	v29 =	vld.idx.msk [tilespmem:v6+s15+$0x0], $0xffff  }
0x30d: {  	v35 =	vor.u32 s17, v57;
	v46 =	vor.u32 v50, v41;
	v1 =	vor.u32 s21, v22;
	s21 =	smov.u32 s1;
	[tilespmem:v18+s16+$0x0] =	vst.idx.msk $0xffff, v14;
	v19 =	vld.idx.msk [tilespmem:v2+s15+$0x0], $0xffff  }
0x30e: {  	v9 =	vor.u32 v38, v41;
	v15 =	vor.u32 v59, v39;
	v25 =	vor.u32 s21, v28;
	v23 =	vld.idx.msk [tilespmem:v16+s15+$0x0], $0xffff  }
0x30f: {  	s23 =	sadd.s32 $0x40, s23;
	v13 =	vor.u32 v59, v41;
	v7 =	vor.u32 s14, v22;
	s14 =	smov.u32 s3;
	v32 =	vor.u32 v20, v42;
	[tilespmem:v27+s16+$0x0] =	vst.idx.msk $0xffff, v17;
	v16 =	vld [tilespmem:$0x1FAA0]  }
0x310: {  	v20 =	vld [tilespmem:$0x1FFC0];
	_ =	sdelay $0x2  }
0x311: {  	v31 =	vld [tilespmem:$0x1FF30]  }
0x312: {  	v27 =	vld [tilespmem:$0x1FF20]  }
0x313: {  	v2 =	vld.idx.msk [tilespmem:v32+s15+$0x0], $0xffff;
	v4 =	vor.u32 s14, v20  }
0x314: {  	v49 =	vld [tilespmem:$0x1FF10]  }
0x315: {  	v26 =	vld [tilespmem:$0x1FF00]  }
0x316: {  	v36 =	vld [tilespmem:$0x1FEF0]  }
0x317: {  	v56 =	vld [tilespmem:$0x1FFF0]  }
0x318: {  	v52 =	vld [tilespmem:$0x1FFE0];
	[tilespmem:v4+s16+$0x0] =	vst.idx.msk $0xffff, v2  }
0x319: {  	v6 =	vor.u32 s14, v57;
	v2 =	vor.u32 v50, v53;
	v4 =	vld.idx.msk [tilespmem:v63+s15+$0x0], $0xffff;
	_ =	sdelay $0x2  }
0x31a: {  	[tilespmem:v35+s16+$0x0] =	vst.idx.msk $0xffff, v29  }
0x31b: {  	v12 =	vor.u32 s17, v28;
	[tilespmem:v33+s16+$0x0] =	vst.idx.msk $0xffff, v19;
	v14 =	vld.idx.msk [tilespmem:v46+s15+$0x0], $0xffff  }
0x31c: {  	v2 =	vld.idx.msk [tilespmem:v2+s15+$0x0], $0xffff;
	[tilespmem:v6+s16+$0x0] =	vst.idx.msk $0xffff, v4;
	v4 =	vor.u32 s20, v28;
	_ =	sdelay $0x2  }
0x31d: {  	[tilespmem:v16+s16+$0x0] =	vst.idx.msk $0xffff, v23  }
0x31e: {  	v8 =	vor.u32 v50, v42;
	[tilespmem:v12+s16+$0x0] =	vst.idx.msk $0xffff, v14  }
0x31f: {  	v10 =	vor.u32 v50, v39;
	[tilespmem:v4+s16+$0x0] =	vst.idx.msk $0xffff, v2  }
0x320: {  	v34 =	vld [tilespmem:$0x1FFD0];
	_ =	sdelay $0x2  }
0x321: {  	v6 =	vld.idx.msk [tilespmem:v8+s15+$0x0], $0xffff;
	v8 =	vor.u32 s14, v28  }
0x322: {  	v10 =	vld.idx.msk [tilespmem:v10+s15+$0x0], $0xffff  }
0x323: {  	v2 =	vld.idx.msk [tilespmem:v13+s15+$0x0], $0xffff;
	v4 =	vor.u32 s17, v34  }
0x324: {  	v12 =	vld.idx.msk [tilespmem:v21+s15+$0x0], $0xffff;
	v13 =	vor.u32 s20, v34  }
0x325: {  	v63 =	vld [tilespmem:$0x1FB80]  }
0x326: {  	[tilespmem:v8+s16+$0x0] =	vst.idx.msk $0xffff, v6  }
0x327: {  	[tilespmem:v25+s16+$0x0] =	vst.idx.msk $0xffff, v10  }
0x328: {  	v16 =	vor.u32 v59, v42;
	[tilespmem:v4+s16+$0x0] =	vst.idx.msk $0xffff, v2  }
0x329: {  	[tilespmem:v13+s16+$0x0] =	vst.idx.msk $0xffff, v12  }
0x32a: {  	v14 =	vor.u32 v63, v41;
	v60 =	vld [tilespmem:$0x1FFA0]  }
0x32b: {  	v6 =	vor.u32 v63, v53;
	_ =	sdelay $0x1  }
0x32c: {  	v8 =	vld.idx.msk [tilespmem:v16+s15+$0x0], $0xffff;
	v10 =	vor.u32 s14, v34  }
0x32d: {  	v15 =	vld.idx.msk [tilespmem:v15+s15+$0x0], $0xffff;
	v16 =	vor.u32 s21, v34  }
0x32e: {  	v2 =	vld.idx.msk [tilespmem:v14+s15+$0x0], $0xffff;
	v4 =	vor.u32 s17, v60  }
0x32f: {  	v6 =	vld.idx.msk [tilespmem:v6+s15+$0x0], $0xffff;
	v12 =	vor.u32 s20, v60;
	_ =	sdelay $0x1  }
0x330: {  	v17 =	vor.u32 v63, v42;
	[tilespmem:v10+s16+$0x0] =	vst.idx.msk $0xffff, v8  }
0x331: {  	[tilespmem:v16+s16+$0x0] =	vst.idx.msk $0xffff, v15  }
0x332: {  	v16 =	vld [tilespmem:$0x1FC90];
	[tilespmem:v4+s16+$0x0] =	vst.idx.msk $0xffff, v2  }
0x333: {  	v18 =	vor.u32 v63, v39;
	[tilespmem:v12+s16+$0x0] =	vst.idx.msk $0xffff, v6  }
0x334: {  	v62 =	vld [tilespmem:$0x1FFB0]  }
0x335: {  	v8 =	vld.idx.msk [tilespmem:v17+s15+$0x0], $0xffff;
	v10 =	vor.u32 s14, v60;
	_ =	sdelay $0x2  }
0x336: {  	v13 =	vld.idx.msk [tilespmem:v18+s15+$0x0], $0xffff;
	v14 =	vor.u32 s21, v60  }
0x337: {  	v4 =	vld.idx.msk [tilespmem:v9+s15+$0x0], $0xffff;
	v2 =	vor.u32 s17, v62  }
0x338: {  	v6 =	vld.idx.msk [tilespmem:v11+s15+$0x0], $0xffff;
	[tilespmem:v10+s16+$0x0] =	vst.idx.msk $0xffff, v8;
	v8 =	vor.u32 s20, v62;
	_ =	sdelay $0x2  }
0x339: {  	[tilespmem:v14+s16+$0x0] =	vst.idx.msk $0xffff, v13  }
0x33a: {  	v15 =	vor.u32 v16, v42;
	v19 =	vld [tilespmem:$0x1FBC0];
	[tilespmem:v2+s16+$0x0] =	vst.idx.msk $0xffff, v4  }
0x33b: {  	v16 =	vor.u32 v16, v39;
	[tilespmem:v8+s16+$0x0] =	vst.idx.msk $0xffff, v6  }
0x33c: {  	v29 =	vld [tilespmem:$0x1FF60];
	_ =	sdelay $0x2  }
0x33d: {  	v9 =	vld.idx.msk [tilespmem:v15+s15+$0x0], $0xffff;
	v10 =	vor.u32 s14, v62  }
0x33e: {  	v12 =	vld.idx.msk [tilespmem:v16+s15+$0x0], $0xffff;
	v11 =	vor.u32 s21, v62  }
0x33f: {  	v2 =	vld.idx.msk [tilespmem:v30+s15+$0x0], $0xffff;
	v4 =	vor.u32 s17, v29  }
0x340: {  	v8 =	vld.idx.msk [tilespmem:v55+s15+$0x0], $0xffff;
	v6 =	vor.u32 s20, v29;
	_ =	sdelay $0x1  }
0x341: {  	[tilespmem:v10+s16+$0x0] =	vst.idx.msk $0xffff, v9  }
0x342: {  	[tilespmem:v11+s16+$0x0] =	vst.idx.msk $0xffff, v12  }
0x343: {  	v13 =	vor.u32 v19, v42;
	v14 =	vld [tilespmem:$0x1FBA0];
	[tilespmem:v4+s16+$0x0] =	vst.idx.msk $0xffff, v2  }
0x344: {  	[tilespmem:v6+s16+$0x0] =	vst.idx.msk $0xffff, v8  }
0x345: {  	v25 =	vld [tilespmem:$0x1FF50];
	_ =	sdelay $0x2  }
0x346: {  	v10 =	vld.idx.msk [tilespmem:v13+s15+$0x0], $0xffff;
	v11 =	vor.u32 s14, v29  }
0x347: {  	v0 =	vld.idx.msk [tilespmem:v0+s15+$0x0], $0xffff;
	v12 =	vor.u32 s21, v29;
	v9 =	vor.u32 v14, v53  }
0x348: {  	v4 =	vld.idx.msk [tilespmem:v44+s15+$0x0], $0xffff;
	v2 =	vor.u32 s17, v25;
	_ =	sdelay $0x2  }
0x349: {  	[tilespmem:v11+s16+$0x0] =	vst.idx.msk $0xffff, v10  }
0x34a: {  	v13 =	vor.u32 v14, v42;
	v6 =	vld.idx.msk [tilespmem:v9+s15+$0x0], $0xffff;
	[tilespmem:v12+s16+$0x0] =	vst.idx.msk $0xffff, v0  }
0x34b: {  	v0 =	vld [tilespmem:$0x1FBB0];
	[tilespmem:v2+s16+$0x0] =	vst.idx.msk $0xffff, v4  }
0x34c: {  	v8 =	vor.u32 s20, v25;
	v32 =	vld [tilespmem:$0x1FF70];
	_ =	sdelay $0x2  }
0x34d: {  	v9 =	vld.idx.msk [tilespmem:v13+s15+$0x0], $0xffff;
	v10 =	vor.u32 s14, v25  }
0x34e: {  	v12 =	vld.idx.msk [tilespmem:v45+s15+$0x0], $0xffff;
	v11 =	vor.u32 s21, v25  }
0x34f: {  	v0 =	vor.u32 v0, v53;
	v2 =	vld.idx.msk [tilespmem:v40+s15+$0x0], $0xffff;
	[tilespmem:v8+s16+$0x0] =	vst.idx.msk $0xffff, v6;
	v4 =	vor.u32 s17, v32  }
0x350: {  	v46 =	vld [tilespmem:$0x1FC40];
	_ =	sdelay $0x1  }
0x351: {  	[tilespmem:v10+s16+$0x0] =	vst.idx.msk $0xffff, v9  }
0x352: {  	[tilespmem:v11+s16+$0x0] =	vst.idx.msk $0xffff, v12  }
0x353: {  	v0 =	vld.idx.msk [tilespmem:v0+s15+$0x0], $0xffff;
	[tilespmem:v4+s16+$0x0] =	vst.idx.msk $0xffff, v2  }
0x354: {  	v8 =	vor.u32 s20, v32;
	v6 =	vor.u32 v46, v41;
	v33 =	vld [tilespmem:$0x1FF80]  }
0x355: {  	v9 =	vor.u32 v46, v53;
	_ =	sdelay $0x1  }
0x356: {  	v10 =	vld.idx.msk [tilespmem:v24+s15+$0x0], $0xffff;
	v11 =	vor.u32 s14, v32  }
0x357: {  	v12 =	vld.idx.msk [tilespmem:v43+s15+$0x0], $0xffff;
	v13 =	vor.u32 s21, v32  }
0x358: {  	v2 =	vld.idx.msk [tilespmem:v6+s15+$0x0], $0xffff;
	[tilespmem:v8+s16+$0x0] =	vst.idx.msk $0xffff, v0;
	v4 =	vor.u32 s17, v33  }
0x359: {  	v6 =	vld.idx.msk [tilespmem:v9+s15+$0x0], $0xffff;
	v8 =	vor.u32 s20, v33  }
0x35a: {  	v21 =	vld [tilespmem:$0x1FAD0]  }
0x35b: {  	[tilespmem:v11+s16+$0x0] =	vst.idx.msk $0xffff, v10  }
0x35c: {  	[tilespmem:v13+s16+$0x0] =	vst.idx.msk $0xffff, v12  }
0x35d: {  	v14 =	vor.u32 v46, v42;
	[tilespmem:v4+s16+$0x0] =	vst.idx.msk $0xffff, v2  }
0x35e: {  	v15 =	vor.u32 v46, v39;
	[tilespmem:v8+s16+$0x0] =	vst.idx.msk $0xffff, v6  }
0x35f: {  	v0 =	vor.u32 v21, v41;
	v37 =	vld [tilespmem:$0x1FF90]  }
0x360: {  	v9 =	vor.u32 v21, v53;
	_ =	sdelay $0x1  }
0x361: {  	v10 =	vld.idx.msk [tilespmem:v14+s15+$0x0], $0xffff;
	v11 =	vor.u32 s14, v33  }
0x362: {  	v13 =	vld.idx.msk [tilespmem:v15+s15+$0x0], $0xffff;
	v14 =	vor.u32 s21, v33  }
0x363: {  	v0 =	vld.idx.msk [tilespmem:v0+s15+$0x0], $0xffff;
	v2 =	vor.u32 s17, v37  }
0x364: {  	v6 =	vld.idx.msk [tilespmem:v9+s15+$0x0], $0xffff;
	v8 =	vor.u32 s20, v37  }
0x365: {  	v16 =	vld [tilespmem:$0x1FB30]  }
0x366: {  	[tilespmem:v11+s16+$0x0] =	vst.idx.msk $0xffff, v10  }
0x367: {  	[tilespmem:v14+s16+$0x0] =	vst.idx.msk $0xffff, v13  }
0x368: {  	v12 =	vor.u32 v21, v42;
	[tilespmem:v2+s16+$0x0] =	vst.idx.msk $0xffff, v0  }
0x369: {  	v15 =	vor.u32 v21, v39;
	[tilespmem:v8+s16+$0x0] =	vst.idx.msk $0xffff, v6  }
0x36a: {  	v4 =	vor.u32 v16, v41;
	v23 =	vld [tilespmem:$0x1FF40]  }
0x36b: {  	v9 =	vor.u32 v16, v53;
	_ =	sdelay $0x1  }
0x36c: {  	v10 =	vld.idx.msk [tilespmem:v12+s15+$0x0], $0xffff;
	v11 =	vor.u32 s14, v37  }
0x36d: {  	v13 =	vld.idx.msk [tilespmem:v15+s15+$0x0], $0xffff;
	v14 =	vor.u32 s21, v37  }
0x36e: {  	v0 =	vld.idx.msk [tilespmem:v4+s15+$0x0], $0xffff;
	v2 =	vor.u32 s17, v23  }
0x36f: {  	v6 =	vld.idx.msk [tilespmem:v9+s15+$0x0], $0xffff;
	v8 =	vor.u32 s20, v23  }
0x370: {  	v12 =	vor.u32 v16, v42;
	v15 =	vor.u32 v16, v39;
	v16 =	vld [tilespmem:$0x1FBF0]  }
0x371: {  	[tilespmem:v11+s16+$0x0] =	vst.idx.msk $0xffff, v10  }
0x372: {  	[tilespmem:v14+s16+$0x0] =	vst.idx.msk $0xffff, v13  }
0x373: {  	[tilespmem:v2+s16+$0x0] =	vst.idx.msk $0xffff, v0  }
0x374: {  	[tilespmem:v8+s16+$0x0] =	vst.idx.msk $0xffff, v6  }
0x375: {  	v4 =	vor.u32 v16, v41;
	v17 =	vld [tilespmem:$0x1FCD0]  }
0x376: {  	v9 =	vor.u32 v16, v53;
	_ =	sdelay $0x1  }
0x377: {  	v10 =	vld.idx.msk [tilespmem:v12+s15+$0x0], $0xffff;
	v11 =	vor.u32 s14, v23  }
0x378: {  	v13 =	vld.idx.msk [tilespmem:v15+s15+$0x0], $0xffff;
	v14 =	vor.u32 s21, v23  }
0x379: {  	v0 =	vld.idx.msk [tilespmem:v4+s15+$0x0], $0xffff;
	v2 =	vor.u32 s17, v17  }
0x37a: {  	v6 =	vld.idx.msk [tilespmem:v9+s15+$0x0], $0xffff;
	v8 =	vor.u32 s20, v17  }
0x37b: {  	v12 =	vor.u32 v16, v42;
	v15 =	vor.u32 v16, v39;
	v16 =	vld [tilespmem:$0x1FC60]  }
0x37c: {  	[tilespmem:v11+s16+$0x0] =	vst.idx.msk $0xffff, v10  }
0x37d: {  	[tilespmem:v14+s16+$0x0] =	vst.idx.msk $0xffff, v13  }
0x37e: {  	[tilespmem:v2+s16+$0x0] =	vst.idx.msk $0xffff, v0  }
0x37f: {  	[tilespmem:v8+s16+$0x0] =	vst.idx.msk $0xffff, v6  }
0x380: {  	v4 =	vor.u32 v16, v41;
	v54 =	vld [tilespmem:$0x1FCE0]  }
0x381: {  	v10 =	vld.idx.msk [tilespmem:v12+s15+$0x0], $0xffff;
	v9 =	vor.u32 v16, v53;
	v11 =	vor.u32 s14, v17;
	_ =	sdelay $0x2  }
0x382: {  	v13 =	vld.idx.msk [tilespmem:v15+s15+$0x0], $0xffff;
	v14 =	vor.u32 s21, v17  }
0x383: {  	v2 =	vld.idx.msk [tilespmem:v4+s15+$0x0], $0xffff;
	v0 =	vor.u32 s17, v54  }
0x384: {  	[tilespmem:v11+s16+$0x0] =	vst.idx.msk $0xffff, v10;
	v8 =	vld.idx.msk [tilespmem:v9+s15+$0x0], $0xffff;
	v6 =	vor.u32 s20, v54  }
0x385: {  	v12 =	vor.u32 v16, v42;
	v15 =	vor.u32 v16, v39;
	v16 =	vld [tilespmem:$0x1FC70];
	_ =	sdelay $0x1  }
0x386: {  	[tilespmem:v14+s16+$0x0] =	vst.idx.msk $0xffff, v13  }
0x387: {  	[tilespmem:v0+s16+$0x0] =	vst.idx.msk $0xffff, v2  }
0x388: {  	[tilespmem:v6+s16+$0x0] =	vst.idx.msk $0xffff, v8  }
0x389: {  	v4 =	vor.u32 v16, v41;
	v55 =	vld [tilespmem:$0x1FCF0]  }
0x38a: {  	v11 =	vld.idx.msk [tilespmem:v12+s15+$0x0], $0xffff;
	v10 =	vor.u32 s14, v54;
	v9 =	vor.u32 v16, v53  }
0x38b: {  	v13 =	vld.idx.msk [tilespmem:v15+s15+$0x0], $0xffff;
	v14 =	vor.u32 s21, v54;
	v12 =	vor.u32 v16, v42  }
0x38c: {  	v15 =	vor.u32 v16, v39;
	_ =	sdelay $0x1  }
0x38d: {  	v2 =	vld.idx.msk [tilespmem:v4+s15+$0x0], $0xffff;
	v0 =	vor.u32 s17, v55  }
0x38e: {  	[tilespmem:v10+s16+$0x0] =	vst.idx.msk $0xffff, v11;
	v6 =	vld.idx.msk [tilespmem:v9+s15+$0x0], $0xffff;
	v4 =	vor.u32 s20, v55  }
0x38f: {  	[tilespmem:v14+s16+$0x0] =	vst.idx.msk $0xffff, v13;
	v8 =	vld.idx.msk [tilespmem:v12+s15+$0x0], $0xffff;
	v9 =	vor.u32 s14, v55  }
0x390: {  	[tilespmem:v7+s16+$0x0] =	vst.idx.msk $0xffff, v5;
	v7 =	vld.idx.msk [tilespmem:v15+s15+$0x0], $0xffff;
	v5 =	vor.u32 s21, v55  }
0x391: {  	[tilespmem:v1+s16+$0x0] =	vst.idx.msk $0xffff, v3  }
0x392: {  	s0 =	sshll.u32 s6, $0xB;
	s1 =	sshll.u32 s6, $0x9;
	[tilespmem:v0+s16+$0x0] =	vst.idx.msk $0xffff, v2  }
0x393: {  	s0 =	sand.u32 $0xFFFC000, s0;
	s1 =	sand.u32 $0xC00, s1;
	[tilespmem:v4+s16+$0x0] =	vst.idx.msk $0xffff, v6  }
0x394: {  	s0 =	sor.u32 s1, s0;
	s20 =	rddreg [dreg:$0x2];
	[tilespmem:v9+s16+$0x0] =	vst.idx.msk $0xffff, v8  }
0x395: {  	s1 =	sadd.s32 s20, s0;
	[tilespmem:v5+s16+$0x0] =	vst.idx.msk $0xffff, v7  }
0x396: {  	[hbm4b:s1+s4] =	stream.linear.scatter [tilespmem:s16], [sflag:$0x3], $0x1000, $0x38;
	[tilespmem:$0x10400] =	vst v63  }
0x397: {  	s21 =	rddreg [dreg:$0x6]  }
0x398: {  	s3 =	simm.s32 $0x9400;
	s23 =	rddreg [dreg:$0x7];
	s1 =	sadd.s32 s0, s21  }
0x399: {  	[hbm4b:s1+s4] =	stream.linear.scatter [tilespmem:s3], [sflag:$0x3], $0x1000, $0x38;
	[tilespmem:$0x10400] =	vst v63  }
0x39a: {  	s25 =	simm.s32 $0xA400;
	s1 =	sadd.s32 s0, s23;
	s3 =	rddreg [dreg:$0x8]  }
0x39b: {  	[hbm4b:s1+s4] =	stream.linear.scatter [tilespmem:s25], [sflag:$0x3], $0x1000, $0x38;
	[tilespmem:$0x10400] =	vst v63  }
0x39c: {  	s6 =	simm.s32 $0xB400;
	s0 =	sadd.s32 s0, s3  }
0x39d: {  	[hbm4b:s0+s4] =	stream.linear.scatter [tilespmem:s6], [sflag:$0x3], $0x1000, $0x38;
	[tilespmem:$0x10400] =	vst v63  }
0x39e: {  	_ =	swait.ge [sflag:s22], $0x1000  }
0x39f: {  	[sflag:s22] =	ssyncset.done $0x0  }
0x3a0: {  	[sflag:s22] =	ssyncadd.s32 $0xFFFFF000  }
0x3a1: {  	_ =	swait.ge [sflag:s22], $0x1000  }
0x3a2: {  	[sflag:s22] =	ssyncset.done $0x0  }
0x3a3: {  	[sflag:s22] =	ssyncadd.s32 $0xFFFFF000  }
0x3a4: {  	_ =	swait.ge [sflag:s22], $0x1000  }
0x3a5: {  	[sflag:s22] =	ssyncset.done $0x0  }
0x3a6: {  	[sflag:s22] =	ssyncadd.s32 $0xFFFFF000  }
0x3a7: {  	_ =	swait.ge [sflag:s22], $0x1000  }
0x3a8: {  	[sflag:s22] =	ssyncset.done $0x0  }
0x3a9: {  	s0 =	simm.s32 @!p0 $0x5;
	[sflag:s22] =	ssyncadd.s32 $0xFFFFF000  }
0x3aa: {  	_ =	swait.ge @!p0 [sflag:s0], $0x200  }
0x3ab: {  	s3 =	simm.s32 @!p0 $0x400;
	[sflag:s0] =	ssyncset.done @!p0 $0x0  }
0x3ac: {  	s1 =	simm.s32 @!p0 $0x0;
	[sflag:s0] =	ssyncadd.s32 @!p0 $0xFFFFFE00;
	s0 =	simm.s32 @!p0 $0x80  }
0x3ad: {  	[tilespmem:s3], [sflag:$0x1] =	stream.indirect.gather @!p0 [hbm4b:s5+s0], $0x20, s1, s0, $0xb8;
	[tilespmem:$0x10400] =	vst v63  }
0x3ae: {  	s1 =	simm.s32 @!p0 $0x1400  }
0x3af: {  	[tilespmem:s1], [sflag:$0x1] =	stream.indirect.gather @!p0 [hbm4b:s5+s0], $0x20, s0, s0, $0xb8;
	[tilespmem:$0x10400] =	vst v63  }
0x3b0: {  	s6 =	simm.s32 @!p0 $0x2400;
	s1 =	simm.s32 @!p0 $0x100  }
0x3b1: {  	[tilespmem:s6], [sflag:$0x1] =	stream.indirect.gather @!p0 [hbm4b:s5+s0], $0x20, s1, s0, $0xb8;
	[tilespmem:$0x10400] =	vst v63  }
0x3b2: {  	s1 =	simm.s32 @!p0 $0x180;
	s6 =	simm.s32 @!p0 $0x3400  }
0x3b3: {  	[tilespmem:s6], [sflag:$0x1] =	stream.indirect.gather @!p0 [hbm4b:s5+s0], $0x20, s1, s0, $0xb8;
	[tilespmem:$0x10400] =	vst v63  }
0x3b4: {  	s1 =	rddreg [dreg:$0xa]  }
0x3b5: {  	s25 =	rddreg [dreg:$0x0];
	s1 =	sadd.s32 @!p0 s31, s1  }
0x3b6: {  	s6 =	sshll.u32 @!p0 s1, $0x6;
	s7 =	sshll.u32 @!p0 s1, $0x9;
	s1 =	sshll.u32 @!p0 s1, $0x1  }
0x3b7: {  	s6 =	sand.u32 @!p0 $0xFFFF000, s6;
	s7 =	sand.u32 @!p0 $0xE00, s7;
	s1 =	sand.u32 @!p0 $0x70, s1  }
0x3b8: {  	s6 =	sor.u32 @!p0 s7, s6;
	s1 =	sadd.s32 @!p0 s25, s1  }
0x3b9: {  	s1 =	sadd.s32 @!p0 s6, s1;
	s6 =	simm.s32 @!p0 $0x200  }
0x3ba: {  	[tilespmem:s6], [sflag:$0x6] =	stream.strided.gather @!p0 [hbm4b:s1+s0], $0x200, s3, s0, $0x38;
	[tilespmem:$0x10400] =	vst v63  }
0x3bb: {  	p0 =	por p0, !p1  }
0x3bc: {  	_ =	swait.ge @p0 [sflag:s29], $0x1000  }
0x3bd: {  	[sflag:s29] =	ssyncset.done @p0 $0x0  }
0x3be: {  	[sflag:s29] =	ssyncadd.s32 @p0 $0xFFFFF000  }
0x3bf: {  	s7 =	simm.s32 $0x0;
	_ =	swait.ge @p0 [sflag:s29], $0x1000  }
0x3c0: {  	s9 =	simm.s32 $0x10;
	v0 =	vmov s7;
	[sflag:s29] =	ssyncset.done @p0 $0x0  }
0x3c1: {  	v1 =	vmov s9;
	v0 =	vshll.u32 v0, $0x5;
	[sflag:s29] =	ssyncadd.s32 @p0 $0xFFFFF000  }
0x3c2: {  	v59 =	vlaneseq.u32;
	v1 =	vshll.u32 v1, $0x5;
	v44 =	vor.u32 v51, v0;
	_ =	swait.ge @p0 [sflag:s29], $0x1000  }
0x3c3: {  	v48 =	vor.u32 v51, v1;
	v0 =	vor.u32 v59, v44;
	[sflag:s29] =	ssyncset.done @p0 $0x0  }
0x3c4: {  	v1 =	vor.u32 v59, v48;
	[sflag:s29] =	ssyncadd.s32 @p0 $0xFFFFF000  }
0x3c5: {  	s10 =	simm.s32 $0x0;
	_ =	swait.ge @p0 [sflag:s29], $0x1000  }
0x3c6: {  	s11 =	sand.u32 $0xC00, s10;
	s0 =	sand.u32 $0x40, s7;
	[sflag:s29] =	ssyncset.done @p0 $0x0  }
0x3c7: {  	s12 =	sand.u32 $0x50, s9;
	s13 =	sor.u32 s0, s11;
	[sflag:s29] =	ssyncadd.s32 @p0 $0xFFFFF000  }
0x3c8: {  	s3 =	sor.u32 s11, s12;
	v2 =	vor.u32 s13, v58;
	v0 =	vld.idx.msk [tilespmem:v0+s26+$0x0], $0xffff  }
0x3c9: {  	v4 =	vor.u32 s3, v58;
	v3 =	vor.u32 v52, v44;
	v1 =	vld.idx.msk [tilespmem:v1+s26+$0x0], $0xffff  }
0x3ca: {  	s14 =	simm.s32 $0x30;
	v5 =	vor.u32 v52, v48  }
0x3cb: {  	v6 =	vmov s14  }
0x3cc: {  	v6 =	vshll.u32 v6, $0x5  }
0x3cd: {  	v43 =	vor.u32 v51, v6;
	[tilespmem:v2+s8+$0x0] =	vst.idx.msk $0xffff, v0  }
0x3ce: {  	v0 =	vor.u32 v59, v43;
	[tilespmem:v4+s8+$0x0] =	vst.idx.msk $0xffff, v1;
	v1 =	vor.u32 s13, v20;
	v2 =	vld.idx.msk [tilespmem:v3+s26+$0x0], $0xffff  }
0x3cf: {  	s17 =	simm.s32 $0x20;
	v4 =	vor.u32 v56, v44;
	v3 =	vld.idx.msk [tilespmem:v5+s26+$0x0], $0xffff;
	v5 =	vor.u32 s3, v20  }
0x3d0: {  	v7 =	vor.u32 v56, v48;
	v6 =	vmov s17  }
0x3d1: {  	v6 =	vshll.u32 v6, $0x5;
	s0 =	sand.u32 $0x70, s14  }
0x3d2: {  	v45 =	vor.u32 v51, v6;
	s0 =	sor.u32 s11, s0  }
0x3d3: {  	v6 =	vor.u32 v59, v45;
	v8 =	vor.u32 s0, v58;
	v0 =	vld.idx.msk [tilespmem:v0+s26+$0x0], $0xffff;
	[tilespmem:v1+s8+$0x0] =	vst.idx.msk $0xffff, v2  }
0x3d4: {  	v1 =	vor.u32 v52, v43;
	[tilespmem:v5+s8+$0x0] =	vst.idx.msk $0xffff, v3;
	v3 =	vor.u32 s13, v57;
	v2 =	vld.idx.msk [tilespmem:v4+s26+$0x0], $0xffff  }
0x3d5: {  	v5 =	vor.u32 v36, v44;
	v4 =	vld.idx.msk [tilespmem:v7+s26+$0x0], $0xffff;
	v7 =	vor.u32 s3, v57  }
0x3d6: {  	v9 =	vor.u32 v36, v48;
	s7 =	sand.u32 $0x60, s17  }
0x3d7: {  	s6 =	sor.u32 s11, s7  }
0x3d8: {  	v10 =	vor.u32 s6, v58;
	v6 =	vld.idx.msk [tilespmem:v6+s26+$0x0], $0xffff;
	[tilespmem:v8+s8+$0x0] =	vst.idx.msk $0xffff, v0  }
0x3d9: {  	v0 =	vor.u32 v52, v45;
	v8 =	vor.u32 s0, v20;
	v1 =	vld.idx.msk [tilespmem:v1+s26+$0x0], $0xffff;
	[tilespmem:v3+s8+$0x0] =	vst.idx.msk $0xffff, v2  }
0x3da: {  	v2 =	vor.u32 v56, v43;
	[tilespmem:v7+s8+$0x0] =	vst.idx.msk $0xffff, v4;
	v4 =	vor.u32 s13, v28;
	v3 =	vld.idx.msk [tilespmem:v5+s26+$0x0], $0xffff  }
0x3db: {  	v7 =	vor.u32 v26, v44;
	v5 =	vld.idx.msk [tilespmem:v9+s26+$0x0], $0xffff;
	v9 =	vor.u32 s3, v28  }
0x3dc: {  	v11 =	vor.u32 v26, v48  }
0x3dd: {  	[tilespmem:v10+s8+$0x0] =	vst.idx.msk $0xffff, v6  }
0x3de: {  	v6 =	vor.u32 s6, v20;
	v0 =	vld.idx.msk [tilespmem:v0+s26+$0x0], $0xffff;
	[tilespmem:v8+s8+$0x0] =	vst.idx.msk $0xffff, v1  }
0x3df: {  	v8 =	vor.u32 s0, v57;
	v2 =	vld.idx.msk [tilespmem:v2+s26+$0x0], $0xffff;
	[tilespmem:v4+s8+$0x0] =	vst.idx.msk $0xffff, v3  }
0x3e0: {  	[tilespmem:v9+s8+$0x0] =	vst.idx.msk $0xffff, v5;
	v5 =	vor.u32 s13, v34;
	v4 =	vld.idx.msk [tilespmem:v7+s26+$0x0], $0xffff  }
0x3e1: {  	v10 =	vor.u32 s3, v34;
	v7 =	vld.idx.msk [tilespmem:v11+s26+$0x0], $0xffff;
	_ =	sdelay $0x1  }
0x3e2: {  	v22 =	vmov v56;
	[tilespmem:v6+s8+$0x0] =	vst.idx.msk $0xffff, v0  }
0x3e3: {  	v1 =	vor.u32 v22, v45;
	[tilespmem:v8+s8+$0x0] =	vst.idx.msk $0xffff, v2  }
0x3e4: {  	v3 =	vor.u32 v36, v43;
	[tilespmem:v5+s8+$0x0] =	vst.idx.msk $0xffff, v4  }
0x3e5: {  	v9 =	vor.u32 v49, v44;
	[tilespmem:v10+s8+$0x0] =	vst.idx.msk $0xffff, v7  }
0x3e6: {  	v11 =	vor.u32 v49, v48;
	v61 =	vld [tilespmem:$0x1FCC0];
	_ =	sdelay $0x1  }
0x3e7: {  	v0 =	vor.u32 s6, v57;
	v1 =	vld.idx.msk [tilespmem:v1+s26+$0x0], $0xffff  }
0x3e8: {  	v12 =	vmov v60;
	v6 =	vor.u32 s0, v28;
	v2 =	vor.u32 v36, v45;
	v3 =	vld.idx.msk [tilespmem:v3+s26+$0x0], $0xffff  }
0x3e9: {  	v4 =	vor.u32 v26, v43;
	v7 =	vor.u32 s13, v12;
	v5 =	vld.idx.msk [tilespmem:v9+s26+$0x0], $0xffff  }
0x3ea: {  	v10 =	vor.u32 s3, v12;
	v8 =	vld.idx.msk [tilespmem:v11+s26+$0x0], $0xffff;
	v9 =	vor.u32 v61, v44  }
0x3eb: {  	v11 =	vor.u32 v61, v48  }
0x3ec: {  	[tilespmem:v0+s8+$0x0] =	vst.idx.msk $0xffff, v1  }
0x3ed: {  	v1 =	vor.u32 s6, v28;
	v0 =	vld.idx.msk [tilespmem:v2+s26+$0x0], $0xffff;
	[tilespmem:v6+s8+$0x0] =	vst.idx.msk $0xffff, v3  }
0x3ee: {  	v2 =	vor.u32 v26, v45;
	v3 =	vld.idx.msk [tilespmem:v4+s26+$0x0], $0xffff;
	v4 =	vor.u32 s0, v34;
	[tilespmem:v7+s8+$0x0] =	vst.idx.msk $0xffff, v5  }
0x3ef: {  	v5 =	vor.u32 v49, v43;
	[tilespmem:v10+s8+$0x0] =	vst.idx.msk $0xffff, v8;
	v7 =	vor.u32 s13, v62;
	v6 =	vld.idx.msk [tilespmem:v9+s26+$0x0], $0xffff  }
0x3f0: {  	v10 =	vor.u32 s3, v62;
	v8 =	vld.idx.msk [tilespmem:v11+s26+$0x0], $0xffff;
	v9 =	vor.u32 v27, v44  }
0x3f1: {  	v11 =	vor.u32 v27, v48  }
0x3f2: {  	[tilespmem:v1+s8+$0x0] =	vst.idx.msk $0xffff, v0  }
0x3f3: {  	v1 =	vor.u32 s6, v34;
	v0 =	vld.idx.msk [tilespmem:v2+s26+$0x0], $0xffff;
	[tilespmem:v4+s8+$0x0] =	vst.idx.msk $0xffff, v3  }
0x3f4: {  	v2 =	vor.u32 v49, v45;
	v4 =	vor.u32 s0, v12;
	v3 =	vld.idx.msk [tilespmem:v5+s26+$0x0], $0xffff;
	[tilespmem:v7+s8+$0x0] =	vst.idx.msk $0xffff, v6  }
0x3f5: {  	v5 =	vor.u32 v61, v43;
	[tilespmem:v10+s8+$0x0] =	vst.idx.msk $0xffff, v8;
	v7 =	vor.u32 s13, v29;
	v6 =	vld.idx.msk [tilespmem:v9+s26+$0x0], $0xffff  }
0x3f6: {  	v10 =	vor.u32 s3, v29;
	v8 =	vld.idx.msk [tilespmem:v11+s26+$0x0], $0xffff;
	v9 =	vor.u32 v31, v44  }
0x3f7: {  	v11 =	vor.u32 v31, v48  }
0x3f8: {  	[tilespmem:v1+s8+$0x0] =	vst.idx.msk $0xffff, v0  }
0x3f9: {  	v0 =	vld.idx.msk [tilespmem:v2+s26+$0x0], $0xffff;
	[tilespmem:v4+s8+$0x0] =	vst.idx.msk $0xffff, v3  }
0x3fa: {  	v1 =	vor.u32 s6, v12;
	v3 =	vld.idx.msk [tilespmem:v5+s26+$0x0], $0xffff;
	[tilespmem:v7+s8+$0x0] =	vst.idx.msk $0xffff, v6  }
0x3fb: {  	v4 =	vor.u32 s0, v62;
	[tilespmem:v10+s8+$0x0] =	vst.idx.msk $0xffff, v8;
	v6 =	vld.idx.msk [tilespmem:v9+s26+$0x0], $0xffff  }
0x3fc: {  	v7 =	vor.u32 s13, v25;
	v8 =	vld.idx.msk [tilespmem:v11+s26+$0x0], $0xffff  }
0x3fd: {  	v10 =	vor.u32 s3, v25;
	v24 =	vld [tilespmem:$0x1FEE0];
	_ =	sdelay $0x1  }
0x3fe: {  	[tilespmem:v1+s8+$0x0] =	vst.idx.msk $0xffff, v0  }
0x3ff: {  	v2 =	vor.u32 v61, v45;
	[tilespmem:v4+s8+$0x0] =	vst.idx.msk $0xffff, v3  }
0x400: {  	v5 =	vor.u32 v27, v43;
	[tilespmem:v7+s8+$0x0] =	vst.idx.msk $0xffff, v6  }
0x401: {  	v9 =	vor.u32 v24, v44;
	[tilespmem:v10+s8+$0x0] =	vst.idx.msk $0xffff, v8  }
0x402: {  	v60 =	vmov v52;
	v11 =	vor.u32 v24, v48;
	v52 =	vld [tilespmem:$0x1FED0];
	_ =	sdelay $0x1  }
0x403: {  	v1 =	vor.u32 s6, v62;
	v0 =	vld.idx.msk [tilespmem:v2+s26+$0x0], $0xffff  }
0x404: {  	v4 =	vor.u32 s0, v29;
	v2 =	vor.u32 v27, v45;
	v3 =	vld.idx.msk [tilespmem:v5+s26+$0x0], $0xffff  }
0x405: {  	v5 =	vor.u32 v31, v43;
	v7 =	vor.u32 s13, v32;
	v6 =	vld.idx.msk [tilespmem:v9+s26+$0x0], $0xffff  }
0x406: {  	v10 =	vor.u32 s3, v32;
	v8 =	vld.idx.msk [tilespmem:v11+s26+$0x0], $0xffff;
	v9 =	vor.u32 v52, v44  }
0x407: {  	v11 =	vor.u32 v52, v48  }
0x408: {  	[tilespmem:v1+s8+$0x0] =	vst.idx.msk $0xffff, v0  }
0x409: {  	[tilespmem:v4+s8+$0x0] =	vst.idx.msk $0xffff, v3;
	v0 =	vld.idx.msk [tilespmem:v2+s26+$0x0], $0xffff  }
0x40a: {  	v1 =	vor.u32 s6, v29;
	v3 =	vld.idx.msk [tilespmem:v5+s26+$0x0], $0xffff;
	[tilespmem:v7+s8+$0x0] =	vst.idx.msk $0xffff, v6  }
0x40b: {  	v4 =	vor.u32 s0, v25;
	[tilespmem:v10+s8+$0x0] =	vst.idx.msk $0xffff, v8;
	v6 =	vld.idx.msk [tilespmem:v9+s26+$0x0], $0xffff  }
0x40c: {  	v7 =	vor.u32 s13, v33;
	v8 =	vld.idx.msk [tilespmem:v11+s26+$0x0], $0xffff  }
0x40d: {  	v53 =	vmov v17;
	v10 =	vor.u32 s3, v33;
	v17 =	vld [tilespmem:$0x1FEC0];
	_ =	sdelay $0x1  }
0x40e: {  	[tilespmem:v1+s8+$0x0] =	vst.idx.msk $0xffff, v0  }
0x40f: {  	v2 =	vor.u32 v31, v45;
	[tilespmem:v4+s8+$0x0] =	vst.idx.msk $0xffff, v3  }
0x410: {  	v5 =	vor.u32 v24, v43;
	[tilespmem:v7+s8+$0x0] =	vst.idx.msk $0xffff, v6  }
0x411: {  	v9 =	vor.u32 v17, v44;
	[tilespmem:v10+s8+$0x0] =	vst.idx.msk $0xffff, v8  }
0x412: {  	v11 =	vor.u32 v17, v48;
	v18 =	vld [tilespmem:$0x1FE50];
	_ =	sdelay $0x1  }
0x413: {  	v1 =	vor.u32 s6, v25;
	v0 =	vld.idx.msk [tilespmem:v2+s26+$0x0], $0xffff  }
0x414: {  	v4 =	vor.u32 s0, v32;
	v2 =	vor.u32 v24, v45;
	v3 =	vld.idx.msk [tilespmem:v5+s26+$0x0], $0xffff  }
0x415: {  	v5 =	vor.u32 v52, v43;
	v7 =	vor.u32 s13, v37;
	v6 =	vld.idx.msk [tilespmem:v9+s26+$0x0], $0xffff  }
0x416: {  	v10 =	vor.u32 s3, v37;
	v8 =	vld.idx.msk [tilespmem:v11+s26+$0x0], $0xffff;
	v9 =	vor.u32 v18, v44  }
0x417: {  	v11 =	vor.u32 v18, v48  }
0x418: {  	[tilespmem:v1+s8+$0x0] =	vst.idx.msk $0xffff, v0  }
0x419: {  	[tilespmem:v4+s8+$0x0] =	vst.idx.msk $0xffff, v3;
	v0 =	vld.idx.msk [tilespmem:v2+s26+$0x0], $0xffff  }
0x41a: {  	v1 =	vor.u32 s6, v32;
	v3 =	vld.idx.msk [tilespmem:v5+s26+$0x0], $0xffff;
	[tilespmem:v7+s8+$0x0] =	vst.idx.msk $0xffff, v6  }
0x41b: {  	v4 =	vor.u32 s0, v33;
	[tilespmem:v10+s8+$0x0] =	vst.idx.msk $0xffff, v8;
	v6 =	vld.idx.msk [tilespmem:v9+s26+$0x0], $0xffff  }
0x41c: {  	v7 =	vor.u32 s13, v23;
	v8 =	vld.idx.msk [tilespmem:v11+s26+$0x0], $0xffff  }
0x41d: {  	v10 =	vor.u32 s3, v23;
	v50 =	vld [tilespmem:$0x1FE60];
	_ =	sdelay $0x1  }
0x41e: {  	[tilespmem:v1+s8+$0x0] =	vst.idx.msk $0xffff, v0  }
0x41f: {  	v2 =	vor.u32 v52, v45;
	[tilespmem:v4+s8+$0x0] =	vst.idx.msk $0xffff, v3  }
0x420: {  	v5 =	vor.u32 v17, v43;
	[tilespmem:v7+s8+$0x0] =	vst.idx.msk $0xffff, v6  }
0x421: {  	v9 =	vor.u32 v50, v44;
	[tilespmem:v10+s8+$0x0] =	vst.idx.msk $0xffff, v8  }
0x422: {  	v11 =	vor.u32 v50, v48;
	v16 =	vld [tilespmem:$0x1FE70];
	_ =	sdelay $0x1  }
0x423: {  	v1 =	vor.u32 s6, v33;
	v0 =	vld.idx.msk [tilespmem:v2+s26+$0x0], $0xffff  }
0x424: {  	v4 =	vor.u32 s0, v37;
	v2 =	vor.u32 v17, v45;
	v3 =	vld.idx.msk [tilespmem:v5+s26+$0x0], $0xffff  }
0x425: {  	v5 =	vor.u32 v18, v43;
	v7 =	vor.u32 s13, v53;
	v6 =	vld.idx.msk [tilespmem:v9+s26+$0x0], $0xffff  }
0x426: {  	v10 =	vor.u32 s3, v53;
	v8 =	vld.idx.msk [tilespmem:v11+s26+$0x0], $0xffff;
	v9 =	vor.u32 v16, v44  }
0x427: {  	v11 =	vor.u32 v16, v48  }
0x428: {  	[tilespmem:v1+s8+$0x0] =	vst.idx.msk $0xffff, v0  }
0x429: {  	[tilespmem:v4+s8+$0x0] =	vst.idx.msk $0xffff, v3;
	v0 =	vld.idx.msk [tilespmem:v2+s26+$0x0], $0xffff  }
0x42a: {  	v1 =	vor.u32 s6, v37;
	v3 =	vld.idx.msk [tilespmem:v5+s26+$0x0], $0xffff;
	[tilespmem:v7+s8+$0x0] =	vst.idx.msk $0xffff, v6  }
0x42b: {  	v4 =	vor.u32 s0, v23;
	[tilespmem:v10+s8+$0x0] =	vst.idx.msk $0xffff, v8;
	v6 =	vld.idx.msk [tilespmem:v9+s26+$0x0], $0xffff  }
0x42c: {  	v7 =	vor.u32 s13, v54;
	v8 =	vld.idx.msk [tilespmem:v11+s26+$0x0], $0xffff  }
0x42d: {  	v10 =	vor.u32 s3, v54;
	v14 =	vld [tilespmem:$0x1FE80];
	_ =	sdelay $0x1  }
0x42e: {  	[tilespmem:v1+s8+$0x0] =	vst.idx.msk $0xffff, v0  }
0x42f: {  	v2 =	vor.u32 v18, v45;
	[tilespmem:v4+s8+$0x0] =	vst.idx.msk $0xffff, v3  }
0x430: {  	v5 =	vor.u32 v50, v43;
	[tilespmem:v7+s8+$0x0] =	vst.idx.msk $0xffff, v6  }
0x431: {  	v9 =	vor.u32 v14, v44;
	[tilespmem:v10+s8+$0x0] =	vst.idx.msk $0xffff, v8  }
0x432: {  	v11 =	vor.u32 v14, v48;
	v30 =	vld [tilespmem:$0x1FE90];
	_ =	sdelay $0x1  }
0x433: {  	v1 =	vor.u32 s6, v23;
	v0 =	vld.idx.msk [tilespmem:v2+s26+$0x0], $0xffff  }
0x434: {  	v4 =	vor.u32 s0, v53;
	v2 =	vor.u32 v50, v45;
	v3 =	vld.idx.msk [tilespmem:v5+s26+$0x0], $0xffff  }
0x435: {  	v5 =	vor.u32 v16, v43;
	v7 =	vor.u32 s13, v55;
	v6 =	vld.idx.msk [tilespmem:v9+s26+$0x0], $0xffff  }
0x436: {  	v10 =	vor.u32 s3, v55;
	v8 =	vld.idx.msk [tilespmem:v11+s26+$0x0], $0xffff;
	v9 =	vor.u32 v30, v44;
	_ =	sdelay $0x1  }
0x437: {  	[tilespmem:v1+s8+$0x0] =	vst.idx.msk $0xffff, v0;
	v11 =	vor.u32 v30, v48  }
0x438: {  	[tilespmem:v4+s8+$0x0] =	vst.idx.msk $0xffff, v3;
	v0 =	vld.idx.msk [tilespmem:v2+s26+$0x0], $0xffff  }
0x439: {  	v1 =	vor.u32 s6, v53;
	v3 =	vld.idx.msk [tilespmem:v5+s26+$0x0], $0xffff;
	[tilespmem:v7+s8+$0x0] =	vst.idx.msk $0xffff, v6  }
0x43a: {  	s1 =	sor.u32 $0x2000, s13;
	v4 =	vor.u32 s0, v54;
	[tilespmem:v10+s8+$0x0] =	vst.idx.msk $0xffff, v8;
	v6 =	vld.idx.msk [tilespmem:v9+s26+$0x0], $0xffff  }
0x43b: {  	s12 =	sor.u32 $0x2000, s3;
	v56 =	vmov v26;
	v2 =	vor.u32 v16, v45;
	v7 =	vor.u32 s1, v58;
	v26 =	vld [tilespmem:$0x1FEA0]  }
0x43c: {  	v5 =	vor.u32 v14, v43;
	v10 =	vor.u32 s12, v58;
	v8 =	vld.idx.msk [tilespmem:v11+s26+$0x0], $0xffff;
	_ =	sdelay $0x1  }
0x43d: {  	[tilespmem:v1+s8+$0x0] =	vst.idx.msk $0xffff, v0  }
0x43e: {  	[tilespmem:v4+s8+$0x0] =	vst.idx.msk $0xffff, v3  }
0x43f: {  	v0 =	vld.idx.msk [tilespmem:v2+s26+$0x0], $0xffff;
	v9 =	vor.u32 v26, v44;
	[tilespmem:v7+s8+$0x0] =	vst.idx.msk $0xffff, v6  }
0x440: {  	v1 =	vor.u32 s6, v54;
	v3 =	vld.idx.msk [tilespmem:v5+s26+$0x0], $0xffff;
	v11 =	vor.u32 v26, v48;
	[tilespmem:v10+s8+$0x0] =	vst.idx.msk $0xffff, v8  }
0x441: {  	v4 =	vor.u32 s0, v55;
	v47 =	vld [tilespmem:$0x1FEB0]  }
0x442: {  	v5 =	vor.u32 v30, v43;
	_ =	sdelay $0x1  }
0x443: {  	v2 =	vor.u32 v14, v45;
	v6 =	vld.idx.msk [tilespmem:v9+s26+$0x0], $0xffff  }
0x444: {  	[tilespmem:v1+s8+$0x0] =	vst.idx.msk $0xffff, v0;
	v8 =	vld.idx.msk [tilespmem:v11+s26+$0x0], $0xffff;
	v9 =	vor.u32 s12, v20  }
0x445: {  	s21 =	simm.s32 $0x40;
	s31 =	sor.u32 $0x2000, s0;
	v7 =	vor.u32 s1, v20;
	v35 =	vld [tilespmem:$0x1FCB0];
	[tilespmem:v4+s8+$0x0] =	vst.idx.msk $0xffff, v3;
	v10 =	vor.u32 v47, v48  }
0x446: {  	v13 =	vmov s21;
	v4 =	vld.idx.msk [tilespmem:v5+s26+$0x0], $0xffff;
	v5 =	vor.u32 s31, v58;
	v0 =	vor.u32 v47, v44  }
0x447: {  	v13 =	vshll.u32 v13, $0x5  }
0x448: {  	v38 =	vmov v36;
	v40 =	vor.u32 v51, v13;
	v2 =	vld.idx.msk [tilespmem:v2+s26+$0x0], $0xffff;
	v11 =	vor.u32 s6, v55  }
0x449: {  	v36 =	vmov v12;
	v12 =	vor.u32 v26, v43;
	v3 =	vor.u32 v30, v45;
	[tilespmem:v9+s8+$0x0] =	vst.idx.msk $0xffff, v8  }
0x44a: {  	s9 =	simm.s32 $0x50;
	v1 =	vor.u32 v35, v48;
	[tilespmem:v7+s8+$0x0] =	vst.idx.msk $0xffff, v6;
	v9 =	vor.u32 s12, v57;
	v8 =	vld.idx.msk [tilespmem:v10+s26+$0x0], $0xffff  }
0x44b: {  	v15 =	vmov s9;
	s20 =	simm.s32 $0x70;
	s11 =	simm.s32 $0x60;
	[tilespmem:v5+s8+$0x0] =	vst.idx.msk $0xffff, v4;
	v4 =	vor.u32 v59, v40;
	v6 =	vor.u32 s1, v57;
	v0 =	vld.idx.msk [tilespmem:v0+s26+$0x0], $0xffff  }
0x44c: {  	v14 =	vor.u32 v35, v44;
	v5 =	vmov s11;
	v10 =	vmov s20  }
0x44d: {  	s19 =	sor.u32 $0x2000, s6;
	v5 =	vshll.u32 v5, $0x5;
	[tilespmem:v11+s8+$0x0] =	vst.idx.msk $0xffff, v2;
	v2 =	vshll.u32 v10, $0x5;
	v10 =	vshll.u32 v15, $0x5  }
0x44e: {  	v7 =	vor.u32 s19, v58;
	v11 =	vor.u32 s31, v20;
	v3 =	vld.idx.msk [tilespmem:v3+s26+$0x0], $0xffff;
	v41 =	vor.u32 v51, v10  }
0x44f: {  	v10 =	vld.idx.msk [tilespmem:v12+s26+$0x0], $0xffff;
	v39 =	vor.u32 v51, v2;
	v2 =	vor.u32 v59, v41;
	[tilespmem:v9+s8+$0x0] =	vst.idx.msk $0xffff, v8  }
0x450: {  	s0 =	simm.s32 $0x200;
	v42 =	vor.u32 v51, v5;
	v4 =	vld.idx.msk [tilespmem:v4+s26+$0x0], $0xffff;
	v12 =	vor.u32 v59, v39;
	[tilespmem:v6+s8+$0x0] =	vst.idx.msk $0xffff, v0  }
0x451: {  	s7 =	sand.u32 $0x40, s21;
	s13 =	sand.u32 $0xC00, s0;
	v5 =	vor.u32 v59, v42;
	v59 =	vld [tilespmem:$0x1FCA0]  }
0x452: {  	s9 =	sand.u32 $0x50, s9;
	s10 =	sor.u32 s7, s13;
	v0 =	vld.idx.msk [tilespmem:v1+s26+$0x0], $0xffff;
	v1 =	vor.u32 s12, v28  }
0x453: {  	s9 =	sor.u32 s13, s9;
	s6 =	sand.u32 $0x70, s20;
	v6 =	vld.idx.msk [tilespmem:v14+s26+$0x0], $0xffff;
	v14 =	vor.u32 s10, v58  }
0x454: {  	s6 =	sor.u32 s13, s6;
	[tilespmem:v7+s8+$0x0] =	vst.idx.msk $0xffff, v3;
	v3 =	vor.u32 v60, v40;
	v7 =	vor.u32 s9, v58;
	v2 =	vld.idx.msk [tilespmem:v2+s26+$0x0], $0xffff  }
0x455: {  	[tilespmem:v11+s8+$0x0] =	vst.idx.msk $0xffff, v10;
	v11 =	vor.u32 v60, v41;
	v10 =	vld.idx.msk [tilespmem:v12+s26+$0x0], $0xffff;
	v12 =	vor.u32 s6, v58  }
0x456: {  	s23 =	sand.u32 $0x60, s11;
	v8 =	vor.u32 s1, v28;
	v9 =	vor.u32 v59, v48  }
0x457: {  	s7 =	sor.u32 s13, s23;
	v13 =	vor.u32 v59, v44;
	[tilespmem:v1+s8+$0x0] =	vst.idx.msk $0xffff, v0  }
0x458: {  	v0 =	vor.u32 s7, v58;
	v1 =	vld.idx.msk [tilespmem:v5+s26+$0x0], $0xffff;
	[tilespmem:v14+s8+$0x0] =	vst.idx.msk $0xffff, v4  }
0x459: {  	v3 =	vld.idx.msk [tilespmem:v3+s26+$0x0], $0xffff;
	[tilespmem:v7+s8+$0x0] =	vst.idx.msk $0xffff, v2;
	v2 =	vor.u32 s10, v20  }
0x45a: {  	[tilespmem:v12+s8+$0x0] =	vst.idx.msk $0xffff, v10;
	v12 =	vor.u32 s9, v20;
	v11 =	vld.idx.msk [tilespmem:v11+s26+$0x0], $0xffff  }
0x45b: {  	v5 =	vor.u32 v60, v39;
	[tilespmem:v8+s8+$0x0] =	vst.idx.msk $0xffff, v6;
	v6 =	vld.idx.msk [tilespmem:v9+s26+$0x0], $0xffff;
	v9 =	vor.u32 s12, v34  }
0x45c: {  	v8 =	vor.u32 v60, v42;
	v4 =	vor.u32 s1, v34;
	v13 =	vld.idx.msk [tilespmem:v13+s26+$0x0], $0xffff  }
0x45d: {  	[tilespmem:v0+s8+$0x0] =	vst.idx.msk $0xffff, v1  }
0x45e: {  	v7 =	vor.u32 v63, v44;
	[tilespmem:v2+s8+$0x0] =	vst.idx.msk $0xffff, v3  }
0x45f: {  	v10 =	vor.u32 v22, v40;
	[tilespmem:v12+s8+$0x0] =	vst.idx.msk $0xffff, v11  }
0x460: {  	v14 =	vor.u32 v63, v48;
	v1 =	vld.idx.msk [tilespmem:v5+s26+$0x0], $0xffff;
	[tilespmem:v9+s8+$0x0] =	vst.idx.msk $0xffff, v6  }
0x461: {  	v8 =	vld.idx.msk [tilespmem:v8+s26+$0x0], $0xffff;
	v6 =	vor.u32 v26, v45;
	v9 =	vor.u32 s7, v20;
	[tilespmem:v4+s8+$0x0] =	vst.idx.msk $0xffff, v13  }
0x462: {  	v0 =	vor.u32 v22, v41;
	v5 =	vor.u32 s6, v20;
	v26 =	vld [tilespmem:$0x1FC90]  }
0x463: {  	v2 =	vor.u32 v22, v42;
	v3 =	vld.idx.msk [tilespmem:v7+s26+$0x0], $0xffff;
	v7 =	vor.u32 s1, v36  }
0x464: {  	v10 =	vld.idx.msk [tilespmem:v10+s26+$0x0], $0xffff;
	v12 =	vor.u32 s10, v57  }
0x465: {  	v4 =	vor.u32 v22, v39;
	v13 =	vld.idx.msk [tilespmem:v14+s26+$0x0], $0xffff;
	v14 =	vor.u32 s12, v36  }
0x466: {  	v6 =	vld.idx.msk [tilespmem:v6+s26+$0x0], $0xffff;
	[tilespmem:v9+s8+$0x0] =	vst.idx.msk $0xffff, v8;
	v8 =	vor.u32 v38, v40;
	v9 =	vor.u32 s19, v20  }
0x467: {  	v0 =	vld.idx.msk [tilespmem:v0+s26+$0x0], $0xffff;
	[tilespmem:v5+s8+$0x0] =	vst.idx.msk $0xffff, v1;
	v5 =	vor.u32 s9, v57;
	v11 =	vor.u32 v26, v48  }
0x468: {  	v1 =	vor.u32 v26, v44;
	[tilespmem:v7+s8+$0x0] =	vst.idx.msk $0xffff, v3;
	v3 =	vor.u32 s7, v57;
	v2 =	vld.idx.msk [tilespmem:v2+s26+$0x0], $0xffff  }
0x469: {  	[tilespmem:v12+s8+$0x0] =	vst.idx.msk $0xffff, v10;
	v7 =	vor.u32 v47, v43  }
0x46a: {  	v4 =	vld.idx.msk [tilespmem:v4+s26+$0x0], $0xffff;
	[tilespmem:v14+s8+$0x0] =	vst.idx.msk $0xffff, v13;
	v13 =	vor.u32 v38, v41;
	v14 =	vor.u32 s6, v57  }
0x46b: {  	v10 =	vor.u32 v38, v39;
	v8 =	vld.idx.msk [tilespmem:v8+s26+$0x0], $0xffff;
	[tilespmem:v9+s8+$0x0] =	vst.idx.msk $0xffff, v6;
	v9 =	vor.u32 s10, v28  }
0x46c: {  	v12 =	vor.u32 s12, v62;
	[tilespmem:v5+s8+$0x0] =	vst.idx.msk $0xffff, v0;
	v0 =	vor.u32 v38, v42;
	v11 =	vld.idx.msk [tilespmem:v11+s26+$0x0], $0xffff  }
0x46d: {  	v5 =	vor.u32 s1, v62;
	v1 =	vld.idx.msk [tilespmem:v1+s26+$0x0], $0xffff;
	[tilespmem:v3+s8+$0x0] =	vst.idx.msk $0xffff, v2;
	v2 =	vor.u32 v56, v40  }
0x46e: {  	v6 =	vor.u32 v19, v48;
	v3 =	vld.idx.msk [tilespmem:v7+s26+$0x0], $0xffff;
	v7 =	vor.u32 s31, v57  }
0x46f: {  	v13 =	vld.idx.msk [tilespmem:v13+s26+$0x0], $0xffff;
	[tilespmem:v14+s8+$0x0] =	vst.idx.msk $0xffff, v4;
	v4 =	vor.u32 v19, v44;
	v14 =	vor.u32 s9, v28  }
0x470: {  	v10 =	vld.idx.msk [tilespmem:v10+s26+$0x0], $0xffff;
	[tilespmem:v9+s8+$0x0] =	vst.idx.msk $0xffff, v8  }
0x471: {  	v0 =	vld.idx.msk [tilespmem:v0+s26+$0x0], $0xffff;
	[tilespmem:v12+s8+$0x0] =	vst.idx.msk $0xffff, v11;
	v11 =	vor.u32 v56, v41;
	v12 =	vor.u32 s6, v28  }
0x472: {  	[tilespmem:v5+s8+$0x0] =	vst.idx.msk $0xffff, v1;
	v1 =	vor.u32 v47, v45;
	v5 =	vor.u32 s7, v28;
	v2 =	vld.idx.msk [tilespmem:v2+s26+$0x0], $0xffff  }
0x473: {  	[tilespmem:v7+s8+$0x0] =	vst.idx.msk $0xffff, v3;
	v7 =	vor.u32 s10, v34;
	v6 =	vld.idx.msk [tilespmem:v6+s26+$0x0], $0xffff  }
0x474: {  	v9 =	vor.u32 s12, v29;
	[tilespmem:v14+s8+$0x0] =	vst.idx.msk $0xffff, v13;
	v4 =	vld.idx.msk [tilespmem:v4+s26+$0x0], $0xffff  }
0x475: {  	v8 =	vor.u32 v56, v39;
	v13 =	vor.u32 v56, v42;
	v14 =	vor.u32 s1, v29;
	v56 =	vld [tilespmem:$0x1FBA0]  }
0x476: {  	v11 =	vld.idx.msk [tilespmem:v11+s26+$0x0], $0xffff;
	[tilespmem:v12+s8+$0x0] =	vst.idx.msk $0xffff, v10;
	v12 =	vor.u32 s9, v34  }
0x477: {  	[tilespmem:v5+s8+$0x0] =	vst.idx.msk $0xffff, v0;
	v1 =	vld.idx.msk [tilespmem:v1+s26+$0x0], $0xffff;
	v5 =	vor.u32 s19, v57  }
0x478: {  	[tilespmem:v7+s8+$0x0] =	vst.idx.msk $0xffff, v2  }
0x479: {  	v0 =	vor.u32 v49, v40;
	[tilespmem:v9+s8+$0x0] =	vst.idx.msk $0xffff, v6  }
0x47a: {  	v10 =	vor.u32 v56, v44;
	[tilespmem:v14+s8+$0x0] =	vst.idx.msk $0xffff, v4  }
0x47b: {  	v2 =	vor.u32 v49, v39;
	v3 =	vor.u32 v56, v48;
	v8 =	vld.idx.msk [tilespmem:v8+s26+$0x0], $0xffff;
	[tilespmem:v12+s8+$0x0] =	vst.idx.msk $0xffff, v11  }
0x47c: {  	v13 =	vld.idx.msk [tilespmem:v13+s26+$0x0], $0xffff;
	v4 =	vor.u32 v35, v45;
	v14 =	vor.u32 s7, v34;
	[tilespmem:v5+s8+$0x0] =	vst.idx.msk $0xffff, v1  }
0x47d: {  	v6 =	vor.u32 v49, v41;
	v9 =	vor.u32 s6, v34;
	v11 =	vor.u32 v49, v42;
	v49 =	vld [tilespmem:$0x1FBB0]  }
0x47e: {  	v0 =	vld.idx.msk [tilespmem:v0+s26+$0x0], $0xffff;
	v5 =	vor.u32 s10, v36  }
0x47f: {  	v12 =	vor.u32 s1, v25;
	v10 =	vld.idx.msk [tilespmem:v10+s26+$0x0], $0xffff  }
0x480: {  	v7 =	vor.u32 s12, v25;
	v3 =	vld.idx.msk [tilespmem:v3+s26+$0x0], $0xffff  }
0x481: {  	[tilespmem:v14+s8+$0x0] =	vst.idx.msk $0xffff, v13;
	v13 =	vor.u32 v61, v40;
	v4 =	vld.idx.msk [tilespmem:v4+s26+$0x0], $0xffff;
	v14 =	vor.u32 s19, v28  }
0x482: {  	[tilespmem:v9+s8+$0x0] =	vst.idx.msk $0xffff, v8;
	v1 =	vor.u32 v49, v48  }
0x483: {  	v6 =	vld.idx.msk [tilespmem:v6+s26+$0x0], $0xffff;
	v9 =	vor.u32 s9, v36;
	[tilespmem:v5+s8+$0x0] =	vst.idx.msk $0xffff, v0;
	v8 =	vor.u32 v49, v44  }
0x484: {  	v11 =	vld.idx.msk [tilespmem:v11+s26+$0x0], $0xffff;
	[tilespmem:v12+s8+$0x0] =	vst.idx.msk $0xffff, v10;
	v10 =	vor.u32 v59, v45;
	v12 =	vor.u32 s7, v36  }
0x485: {  	v2 =	vld.idx.msk [tilespmem:v2+s26+$0x0], $0xffff;
	[tilespmem:v7+s8+$0x0] =	vst.idx.msk $0xffff, v3;
	v3 =	vor.u32 v61, v41;
	v7 =	vor.u32 s6, v36  }
0x486: {  	v13 =	vld.idx.msk [tilespmem:v13+s26+$0x0], $0xffff;
	[tilespmem:v14+s8+$0x0] =	vst.idx.msk $0xffff, v4;
	v14 =	vor.u32 s10, v62  }
0x487: {  	v0 =	vor.u32 v61, v39;
	v5 =	vor.u32 s12, v32;
	v1 =	vld.idx.msk [tilespmem:v1+s26+$0x0], $0xffff  }
0x488: {  	[tilespmem:v9+s8+$0x0] =	vst.idx.msk $0xffff, v6;
	v6 =	vor.u32 v61, v42;
	v9 =	vor.u32 s1, v32;
	v8 =	vld.idx.msk [tilespmem:v8+s26+$0x0], $0xffff  }
0x489: {  	[tilespmem:v12+s8+$0x0] =	vst.idx.msk $0xffff, v11;
	v11 =	vor.u32 v27, v40;
	v10 =	vld.idx.msk [tilespmem:v10+s26+$0x0], $0xffff;
	v12 =	vor.u32 s19, v34  }
0x48a: {  	v4 =	vor.u32 v46, v48;
	v3 =	vld.idx.msk [tilespmem:v3+s26+$0x0], $0xffff;
	[tilespmem:v7+s8+$0x0] =	vst.idx.msk $0xffff, v2;
	v7 =	vor.u32 s9, v62  }
0x48b: {  	v2 =	vor.u32 v46, v44;
	[tilespmem:v14+s8+$0x0] =	vst.idx.msk $0xffff, v13  }
0x48c: {  	v0 =	vld.idx.msk [tilespmem:v0+s26+$0x0], $0xffff;
	[tilespmem:v5+s8+$0x0] =	vst.idx.msk $0xffff, v1;
	v1 =	vor.u32 v27, v41;
	v5 =	vor.u32 s6, v62  }
0x48d: {  	v6 =	vld.idx.msk [tilespmem:v6+s26+$0x0], $0xffff;
	[tilespmem:v9+s8+$0x0] =	vst.idx.msk $0xffff, v8;
	v8 =	vor.u32 v63, v45;
	v9 =	vor.u32 s7, v62  }
0x48e: {  	v13 =	vor.u32 v27, v39;
	v11 =	vld.idx.msk [tilespmem:v11+s26+$0x0], $0xffff;
	[tilespmem:v12+s8+$0x0] =	vst.idx.msk $0xffff, v10;
	v12 =	vor.u32 s10, v29  }
0x48f: {  	v14 =	vor.u32 s12, v33;
	[tilespmem:v7+s8+$0x0] =	vst.idx.msk $0xffff, v3;
	v3 =	vor.u32 v27, v42;
	v4 =	vld.idx.msk [tilespmem:v4+s26+$0x0], $0xffff  }
0x490: {  	v7 =	vor.u32 s1, v33;
	v10 =	vor.u32 v21, v48;
	v2 =	vld.idx.msk [tilespmem:v2+s26+$0x0], $0xffff  }
0x491: {  	[tilespmem:v5+s8+$0x0] =	vst.idx.msk $0xffff, v0;
	v0 =	vor.u32 v35, v43;
	v1 =	vld.idx.msk [tilespmem:v1+s26+$0x0], $0xffff;
	v5 =	vor.u32 s9, v29  }
0x492: {  	[tilespmem:v9+s8+$0x0] =	vst.idx.msk $0xffff, v6;
	v6 =	vor.u32 v31, v40;
	v8 =	vld.idx.msk [tilespmem:v8+s26+$0x0], $0xffff;
	v9 =	vor.u32 s19, v36  }
0x493: {  	[tilespmem:v12+s8+$0x0] =	vst.idx.msk $0xffff, v11;
	v13 =	vld.idx.msk [tilespmem:v13+s26+$0x0], $0xffff  }
0x494: {  	[tilespmem:v14+s8+$0x0] =	vst.idx.msk $0xffff, v4;
	v4 =	vor.u32 v31, v41;
	v14 =	vor.u32 s6, v29;
	v3 =	vld.idx.msk [tilespmem:v3+s26+$0x0], $0xffff  }
0x495: {  	[tilespmem:v7+s8+$0x0] =	vst.idx.msk $0xffff, v2;
	v2 =	vor.u32 v26, v45;
	v7 =	vor.u32 s7, v29;
	v10 =	vld.idx.msk [tilespmem:v10+s26+$0x0], $0xffff  }
0x496: {  	v12 =	vor.u32 s12, v37;
	[tilespmem:v5+s8+$0x0] =	vst.idx.msk $0xffff, v1;
	v0 =	vld.idx.msk [tilespmem:v0+s26+$0x0], $0xffff  }
0x497: {  	v11 =	vor.u32 v31, v39;
	v1 =	vor.u32 s31, v28;
	v6 =	vld.idx.msk [tilespmem:v6+s26+$0x0], $0xffff;
	[tilespmem:v9+s8+$0x0] =	vst.idx.msk $0xffff, v8  }
0x498: {  	v5 =	vor.u32 v31, v42;
	v9 =	vor.u32 s10, v25;
	v27 =	vld [tilespmem:$0x1FB30]  }
0x499: {  	[tilespmem:v14+s8+$0x0] =	vst.idx.msk $0xffff, v13;
	v13 =	vor.u32 v59, v43;
	v4 =	vld.idx.msk [tilespmem:v4+s26+$0x0], $0xffff;
	v14 =	vor.u32 s9, v25  }
0x49a: {  	[tilespmem:v7+s8+$0x0] =	vst.idx.msk $0xffff, v3;
	v3 =	vor.u32 v24, v40;
	v2 =	vld.idx.msk [tilespmem:v2+s26+$0x0], $0xffff;
	v7 =	vor.u32 s19, v62  }
0x49b: {  	[tilespmem:v12+s8+$0x0] =	vst.idx.msk $0xffff, v10  }
0x49c: {  	v10 =	vor.u32 v24, v41;
	v11 =	vld.idx.msk [tilespmem:v11+s26+$0x0], $0xffff;
	v12 =	vor.u32 s6, v25;
	[tilespmem:v1+s8+$0x0] =	vst.idx.msk $0xffff, v0  }
0x49d: {  	v5 =	vld.idx.msk [tilespmem:v5+s26+$0x0], $0xffff;
	[tilespmem:v9+s8+$0x0] =	vst.idx.msk $0xffff, v6;
	v8 =	vor.u32 v27, v48  }
0x49e: {  	v0 =	vor.u32 v19, v45;
	v1 =	vor.u32 s7, v25;
	[tilespmem:v14+s8+$0x0] =	vst.idx.msk $0xffff, v4;
	v13 =	vld.idx.msk [tilespmem:v13+s26+$0x0], $0xffff  }
0x49f: {  	v4 =	vor.u32 s31, v34;
	v3 =	vld.idx.msk [tilespmem:v3+s26+$0x0], $0xffff;
	[tilespmem:v7+s8+$0x0] =	vst.idx.msk $0xffff, v2  }
0x4a0: {  	v31 =	vmov v46;
	v6 =	vor.u32 v24, v39;
	v7 =	vor.u32 s10, v32;
	v46 =	vld [tilespmem:$0x1FBF0]  }
0x4a1: {  	v14 =	vor.u32 v24, v42;
	[tilespmem:v12+s8+$0x0] =	vst.idx.msk $0xffff, v11;
	v10 =	vld.idx.msk [tilespmem:v10+s26+$0x0], $0xffff;
	v12 =	vor.u32 s9, v32  }
0x4a2: {  	v9 =	vor.u32 s12, v23;
	v11 =	vor.u32 v63, v43;
	v8 =	vld.idx.msk [tilespmem:v8+s26+$0x0], $0xffff  }
0x4a3: {  	[tilespmem:v1+s8+$0x0] =	vst.idx.msk $0xffff, v5;
	v1 =	vor.u32 v52, v40;
	v0 =	vld.idx.msk [tilespmem:v0+s26+$0x0], $0xffff;
	v5 =	vor.u32 s19, v29  }
0x4a4: {  	[tilespmem:v4+s8+$0x0] =	vst.idx.msk $0xffff, v13  }
0x4a5: {  	v6 =	vld.idx.msk [tilespmem:v6+s26+$0x0], $0xffff;
	[tilespmem:v7+s8+$0x0] =	vst.idx.msk $0xffff, v3;
	v2 =	vor.u32 v46, v48  }
0x4a6: {  	v14 =	vld.idx.msk [tilespmem:v14+s26+$0x0], $0xffff;
	v4 =	vor.u32 v56, v45;
	v13 =	vor.u32 s7, v32;
	[tilespmem:v12+s8+$0x0] =	vst.idx.msk $0xffff, v10  }
0x4a7: {  	v11 =	vld.idx.msk [tilespmem:v11+s26+$0x0], $0xffff;
	[tilespmem:v9+s8+$0x0] =	vst.idx.msk $0xffff, v8;
	v8 =	vor.u32 v52, v41;
	v9 =	vor.u32 s6, v32  }
0x4a8: {  	v10 =	vor.u32 s31, v36;
	v1 =	vld.idx.msk [tilespmem:v1+s26+$0x0], $0xffff;
	[tilespmem:v5+s8+$0x0] =	vst.idx.msk $0xffff, v0  }
0x4a9: {  	v5 =	vor.u32 s10, v33;
	v15 =	vld [tilespmem:$0x1FC60]  }
0x4aa: {  	v7 =	vor.u32 s12, v53;
	v2 =	vld.idx.msk [tilespmem:v2+s26+$0x0], $0xffff  }
0x4ab: {  	v4 =	vld.idx.msk [tilespmem:v4+s26+$0x0], $0xffff;
	[tilespmem:v13+s8+$0x0] =	vst.idx.msk $0xffff, v14;
	v14 =	vor.u32 s19, v25  }
0x4ac: {  	v3 =	vor.u32 v52, v39;
	[tilespmem:v9+s8+$0x0] =	vst.idx.msk $0xffff, v6;
	v8 =	vld.idx.msk [tilespmem:v8+s26+$0x0], $0xffff;
	v9 =	vor.u32 s9, v33  }
0x4ad: {  	[tilespmem:v10+s8+$0x0] =	vst.idx.msk $0xffff, v11  }
0x4ae: {  	[tilespmem:v5+s8+$0x0] =	vst.idx.msk $0xffff, v1;
	v0 =	vor.u32 v15, v48  }
0x4af: {  	v12 =	vor.u32 v52, v42;
	[tilespmem:v7+s8+$0x0] =	vst.idx.msk $0xffff, v2  }
0x4b0: {  	v6 =	vor.u32 v26, v43;
	[tilespmem:v14+s8+$0x0] =	vst.idx.msk $0xffff, v4  }
0x4b1: {  	v2 =	vor.u32 v17, v41;
	v3 =	vld.idx.msk [tilespmem:v3+s26+$0x0], $0xffff;
	v7 =	vor.u32 s6, v33;
	[tilespmem:v9+s8+$0x0] =	vst.idx.msk $0xffff, v8  }
0x4b2: {  	v13 =	vor.u32 v17, v40;
	v38 =	vld [tilespmem:$0x1FC70]  }
0x4b3: {  	v1 =	vor.u32 v17, v39;
	v5 =	vor.u32 s12, v54;
	v0 =	vld.idx.msk [tilespmem:v0+s26+$0x0], $0xffff  }
0x4b4: {  	v10 =	vor.u32 v49, v45;
	v11 =	vor.u32 s7, v33;
	v12 =	vld.idx.msk [tilespmem:v12+s26+$0x0], $0xffff  }
0x4b5: {  	v8 =	vor.u32 s31, v62;
	v9 =	vor.u32 v17, v42;
	v6 =	vld.idx.msk [tilespmem:v6+s26+$0x0], $0xffff  }
0x4b6: {  	[tilespmem:v7+s8+$0x0] =	vst.idx.msk $0xffff, v3;
	v3 =	vor.u32 v19, v43;
	v2 =	vld.idx.msk [tilespmem:v2+s26+$0x0], $0xffff;
	v7 =	vor.u32 s9, v37  }
0x4b7: {  	v4 =	vld.idx.msk [tilespmem:v13+s26+$0x0], $0xffff;
	v14 =	vor.u32 s10, v37;
	v13 =	vor.u32 v38, v48  }
0x4b8: {  	v1 =	vld.idx.msk [tilespmem:v1+s26+$0x0], $0xffff;
	[tilespmem:v5+s8+$0x0] =	vst.idx.msk $0xffff, v0;
	v0 =	vor.u32 v18, v41;
	v5 =	vor.u32 s6, v37  }
0x4b9: {  	v10 =	vld.idx.msk [tilespmem:v10+s26+$0x0], $0xffff;
	[tilespmem:v11+s8+$0x0] =	vst.idx.msk $0xffff, v12;
	v11 =	vor.u32 v18, v40;
	v12 =	vor.u32 s19, v32  }
0x4ba: {  	v9 =	vld.idx.msk [tilespmem:v9+s26+$0x0], $0xffff;
	[tilespmem:v8+s8+$0x0] =	vst.idx.msk $0xffff, v6;
	v6 =	vor.u32 v31, v45;
	v8 =	vor.u32 s7, v37  }
0x4bb: {  	[tilespmem:v7+s8+$0x0] =	vst.idx.msk $0xffff, v2;
	v2 =	vor.u32 s31, v29;
	v7 =	vor.u32 v18, v42;
	v3 =	vld.idx.msk [tilespmem:v3+s26+$0x0], $0xffff  }
0x4bc: {  	[tilespmem:v14+s8+$0x0] =	vst.idx.msk $0xffff, v4;
	v4 =	vor.u32 v18, v39;
	v14 =	vor.u32 s12, v55;
	v13 =	vld.idx.msk [tilespmem:v13+s26+$0x0], $0xffff  }
0x4bd: {  	[tilespmem:v5+s8+$0x0] =	vst.idx.msk $0xffff, v1;
	v1 =	vor.u32 v56, v43;
	v0 =	vld.idx.msk [tilespmem:v0+s26+$0x0], $0xffff;
	v5 =	vor.u32 s9, v23  }
0x4be: {  	v11 =	vld.idx.msk [tilespmem:v11+s26+$0x0], $0xffff;
	[tilespmem:v12+s8+$0x0] =	vst.idx.msk $0xffff, v10;
	v10 =	vor.u32 v21, v44;
	v12 =	vor.u32 s10, v23  }
0x4bf: {  	[tilespmem:v8+s8+$0x0] =	vst.idx.msk $0xffff, v9;
	v8 =	vor.u32 v50, v40;
	v6 =	vld.idx.msk [tilespmem:v6+s26+$0x0], $0xffff;
	v9 =	vor.u32 s19, v33  }
0x4c0: {  	v7 =	vld.idx.msk [tilespmem:v7+s26+$0x0], $0xffff;
	[tilespmem:v2+s8+$0x0] =	vst.idx.msk $0xffff, v3;
	v2 =	vor.u32 v21, v45;
	v3 =	vor.u32 s7, v23  }
0x4c1: {  	v4 =	vld.idx.msk [tilespmem:v4+s26+$0x0], $0xffff;
	[tilespmem:v14+s8+$0x0] =	vst.idx.msk $0xffff, v13;
	v13 =	vor.u32 v50, v41;
	v14 =	vor.u32 s6, v23  }
0x4c2: {  	[tilespmem:v5+s8+$0x0] =	vst.idx.msk $0xffff, v0;
	v0 =	vor.u32 s31, v25;
	v5 =	vor.u32 v50, v42;
	v1 =	vld.idx.msk [tilespmem:v1+s26+$0x0], $0xffff  }
0x4c3: {  	[tilespmem:v12+s8+$0x0] =	vst.idx.msk $0xffff, v11;
	v11 =	vor.u32 v50, v39;
	v10 =	vld.idx.msk [tilespmem:v10+s26+$0x0], $0xffff;
	v12 =	vor.u32 s1, v37  }
0x4c4: {  	v8 =	vld.idx.msk [tilespmem:v8+s26+$0x0], $0xffff;
	[tilespmem:v9+s8+$0x0] =	vst.idx.msk $0xffff, v6;
	v9 =	vor.u32 s10, v53  }
0x4c5: {  	[tilespmem:v3+s8+$0x0] =	vst.idx.msk $0xffff, v7;
	v2 =	vld.idx.msk [tilespmem:v2+s26+$0x0], $0xffff;
	v7 =	vor.u32 s19, v37  }
0x4c6: {  	[tilespmem:v14+s8+$0x0] =	vst.idx.msk $0xffff, v4;
	v13 =	vld.idx.msk [tilespmem:v13+s26+$0x0], $0xffff;
	v14 =	vor.u32 s9, v53  }
0x4c7: {  	v6 =	vor.u32 v27, v44;
	v5 =	vld.idx.msk [tilespmem:v5+s26+$0x0], $0xffff;
	[tilespmem:v0+s8+$0x0] =	vst.idx.msk $0xffff, v1;
	v1 =	vor.u32 s7, v53  }
0x4c8: {  	[tilespmem:v12+s8+$0x0] =	vst.idx.msk $0xffff, v10;
	v12 =	vor.u32 s6, v53;
	v4 =	vor.u32 v49, v43;
	v11 =	vld.idx.msk [tilespmem:v11+s26+$0x0], $0xffff  }
0x4c9: {  	[tilespmem:v9+s8+$0x0] =	vst.idx.msk $0xffff, v8  }
0x4ca: {  	v3 =	vor.u32 v16, v40;
	[tilespmem:v7+s8+$0x0] =	vst.idx.msk $0xffff, v2  }
0x4cb: {  	v0 =	vor.u32 v27, v45;
	[tilespmem:v14+s8+$0x0] =	vst.idx.msk $0xffff, v13  }
0x4cc: {  	v10 =	vor.u32 v16, v41;
	v6 =	vld.idx.msk [tilespmem:v6+s26+$0x0], $0xffff;
	[tilespmem:v1+s8+$0x0] =	vst.idx.msk $0xffff, v5  }
0x4cd: {  	v13 =	vor.u32 s31, v32;
	v14 =	vor.u32 v16, v42;
	v4 =	vld.idx.msk [tilespmem:v4+s26+$0x0], $0xffff;
	[tilespmem:v12+s8+$0x0] =	vst.idx.msk $0xffff, v11  }
0x4ce: {  	v8 =	vor.u32 v16, v39;
	v9 =	vor.u32 s1, v23;
	v16 =	vld [tilespmem:$0x1FE80]  }
0x4cf: {  	v3 =	vld.idx.msk [tilespmem:v3+s26+$0x0], $0xffff;
	v7 =	vor.u32 s10, v54  }
0x4d0: {  	v2 =	vor.u32 v46, v44;
	v0 =	vld.idx.msk [tilespmem:v0+s26+$0x0], $0xffff;
	v5 =	vor.u32 s19, v23  }
0x4d1: {  	v11 =	vor.u32 v31, v43;
	v10 =	vld.idx.msk [tilespmem:v10+s26+$0x0], $0xffff;
	v12 =	vor.u32 s9, v54  }
0x4d2: {  	v14 =	vld.idx.msk [tilespmem:v14+s26+$0x0], $0xffff;
	[tilespmem:v13+s8+$0x0] =	vst.idx.msk $0xffff, v4;
	v4 =	vor.u32 v46, v45;
	v13 =	vor.u32 s7, v54  }
0x4d3: {  	[tilespmem:v9+s8+$0x0] =	vst.idx.msk $0xffff, v6;
	v1 =	vor.u32 v16, v40  }
0x4d4: {  	v8 =	vld.idx.msk [tilespmem:v8+s26+$0x0], $0xffff;
	v9 =	vor.u32 s6, v54;
	[tilespmem:v7+s8+$0x0] =	vst.idx.msk $0xffff, v3;
	v6 =	vor.u32 v16, v41  }
0x4d5: {  	v7 =	vor.u32 s1, v53;
	v2 =	vld.idx.msk [tilespmem:v2+s26+$0x0], $0xffff;
	[tilespmem:v5+s8+$0x0] =	vst.idx.msk $0xffff, v0;
	v3 =	vor.u32 v16, v39  }
0x4d6: {  	[tilespmem:v12+s8+$0x0] =	vst.idx.msk $0xffff, v10;
	v10 =	vor.u32 s31, v33;
	v11 =	vld.idx.msk [tilespmem:v11+s26+$0x0], $0xffff;
	v12 =	vor.u32 v16, v42  }
0x4d7: {  	[tilespmem:v13+s8+$0x0] =	vst.idx.msk $0xffff, v14;
	v4 =	vld.idx.msk [tilespmem:v4+s26+$0x0], $0xffff;
	v14 =	vor.u32 s19, v53  }
0x4d8: {  	v5 =	vor.u32 s10, v55;
	v1 =	vld.idx.msk [tilespmem:v1+s26+$0x0], $0xffff  }
0x4d9: {  	[tilespmem:v9+s8+$0x0] =	vst.idx.msk $0xffff, v8;
	v9 =	vor.u32 s9, v55;
	v6 =	vld.idx.msk [tilespmem:v6+s26+$0x0], $0xffff  }
0x4da: {  	v0 =	vor.u32 v15, v44;
	[tilespmem:v7+s8+$0x0] =	vst.idx.msk $0xffff, v2;
	v7 =	vor.u32 s6, v55;
	v3 =	vld.idx.msk [tilespmem:v3+s26+$0x0], $0xffff  }
0x4db: {  	v8 =	vor.u32 v21, v43;
	[tilespmem:v10+s8+$0x0] =	vst.idx.msk $0xffff, v11;
	v11 =	vor.u32 s7, v55;
	v12 =	vld.idx.msk [tilespmem:v12+s26+$0x0], $0xffff  }
0x4dc: {  	[tilespmem:v14+s8+$0x0] =	vst.idx.msk $0xffff, v4  }
0x4dd: {  	v10 =	vor.u32 v15, v45;
	[tilespmem:v5+s8+$0x0] =	vst.idx.msk $0xffff, v1  }
0x4de: {  	v13 =	vor.u32 v30, v40;
	[tilespmem:v9+s8+$0x0] =	vst.idx.msk $0xffff, v6  }
0x4df: {  	v2 =	vor.u32 v30, v41;
	v0 =	vld.idx.msk [tilespmem:v0+s26+$0x0], $0xffff;
	[tilespmem:v7+s8+$0x0] =	vst.idx.msk $0xffff, v3  }
0x4e0: {  	v8 =	vld.idx.msk [tilespmem:v8+s26+$0x0], $0xffff;
	v6 =	vor.u32 s31, v37;
	[tilespmem:v11+s8+$0x0] =	vst.idx.msk $0xffff, v12  }
0x4e1: {  	v1 =	vor.u32 v30, v39;
	v5 =	vor.u32 s1, v54;
	v16 =	vld [tilespmem:$0x1FEA0]  }
0x4e2: {  	s17 =	sor.u32 $0x2000, s10;
	v10 =	vld.idx.msk [tilespmem:v10+s26+$0x0], $0xffff;
	v9 =	vor.u32 v30, v42;
	v12 =	vor.u32 s19, v54  }
0x4e3: {  	s20 =	sor.u32 $0x2000, s9;
	v14 =	vor.u32 s17, v58;
	v4 =	vld.idx.msk [tilespmem:v13+s26+$0x0], $0xffff;
	v13 =	vor.u32 v38, v44  }
0x4e4: {  	v3 =	vor.u32 v27, v43;
	v7 =	vor.u32 s20, v58;
	v2 =	vld.idx.msk [tilespmem:v2+s26+$0x0], $0xffff  }
0x4e5: {  	s6 =	sor.u32 $0x2000, s6;
	[tilespmem:v6+s8+$0x0] =	vst.idx.msk $0xffff, v8;
	v8 =	vor.u32 v38, v45  }
0x4e6: {  	s21 =	sor.u32 $0x2000, s7;
	[tilespmem:v5+s8+$0x0] =	vst.idx.msk $0xffff, v0;
	v1 =	vld.idx.msk [tilespmem:v1+s26+$0x0], $0xffff;
	v5 =	vor.u32 s6, v58;
	v11 =	vor.u32 v16, v40  }
0x4e7: {  	v6 =	vld.idx.msk [tilespmem:v9+s26+$0x0], $0xffff;
	v9 =	vor.u32 s21, v58;
	[tilespmem:v12+s8+$0x0] =	vst.idx.msk $0xffff, v10;
	v0 =	vor.u32 v16, v41  }
0x4e8: {  	[tilespmem:v14+s8+$0x0] =	vst.idx.msk $0xffff, v4;
	v4 =	vor.u32 v16, v39;
	v13 =	vld.idx.msk [tilespmem:v13+s26+$0x0], $0xffff;
	v14 =	vor.u32 s1, v55  }
0x4e9: {  	[tilespmem:v7+s8+$0x0] =	vst.idx.msk $0xffff, v2;
	v2 =	vor.u32 s31, v23;
	v3 =	vld.idx.msk [tilespmem:v3+s26+$0x0], $0xffff  }
0x4ea: {  	v12 =	vor.u32 s19, v55;
	v7 =	vor.u32 v16, v42;
	v8 =	vld.idx.msk [tilespmem:v8+s26+$0x0], $0xffff  }
0x4eb: {  	[tilespmem:v5+s8+$0x0] =	vst.idx.msk $0xffff, v1;
	v1 =	vor.u32 v46, v43;
	v10 =	vld.idx.msk [tilespmem:v11+s26+$0x0], $0xffff;
	v11 =	vor.u32 s17, v20  }
0x4ec: {  	v5 =	vor.u32 s20, v20;
	[tilespmem:v9+s8+$0x0] =	vst.idx.msk $0xffff, v6;
	v6 =	vor.u32 v47, v40;
	v0 =	vld.idx.msk [tilespmem:v0+s26+$0x0], $0xffff  }
0x4ed: {  	[tilespmem:v14+s8+$0x0] =	vst.idx.msk $0xffff, v13;
	v13 =	vor.u32 v47, v41;
	v4 =	vld.idx.msk [tilespmem:v4+s26+$0x0], $0xffff;
	v14 =	vor.u32 s6, v20  }
0x4ee: {  	[tilespmem:v2+s8+$0x0] =	vst.idx.msk $0xffff, v3  }
0x4ef: {  	v9 =	vld.idx.msk [tilespmem:v7+s26+$0x0], $0xffff;
	[tilespmem:v12+s8+$0x0] =	vst.idx.msk $0xffff, v8  }
0x4f0: {  	v52 =	vmov v49;
	v44 =	vor.u32 v35, v41;
	v7 =	vld.idx.msk [tilespmem:v1+s26+$0x0], $0xffff;
	[tilespmem:v11+s8+$0x0] =	vst.idx.msk $0xffff, v10  }
0x4f1: {  	s2 =	sadd.s32 s18, s2;
	v45 =	vor.u32 s17, v57;
	v1 =	vor.u32 v38, v43;
	[tilespmem:v5+s8+$0x0] =	vst.idx.msk $0xffff, v0;
	v0 =	vor.u32 s31, v53;
	v11 =	vld.idx.msk [tilespmem:v6+s26+$0x0], $0xffff  }
0x4f2: {  	s14 =	simm.s32 $0x4;
	s11 =	smov.u32 s18;
	s19 =	simm.s32 $0xB0;
	v3 =	vor.u32 s31, v54;
	v5 =	vor.u32 v15, v43;
	[tilespmem:v14+s8+$0x0] =	vst.idx.msk $0xffff, v4;
	v15 =	vor.u32 s20, v57;
	v13 =	vld.idx.msk [tilespmem:v13+s26+$0x0], $0xffff  }
.LBB2_8:
0x4f3: {  	s1 =	sadd.s32 $0xFFFFFFD0, s19;
	v2 =	vmov s19;
	v4 =	vor.u32 v35, v40  }
0x4f4: {  	s3 =	sadd.s32 $0xFFFFFFE0, s19;
	v14 =	vlaneseq.u32;
	v8 =	vmov s1;
	v2 =	vshll.u32 v2, $0x5  }
0x4f5: {  	v10 =	vmov s3;
	v8 =	vshll.u32 v8, $0x5;
	v43 =	vor.u32 v51, v2  }
0x4f6: {  	v10 =	vshll.u32 v10, $0x5;
	v49 =	vor.u32 v51, v8;
	v2 =	vor.u32 v14, v43;
	[tilespmem:v0+s8+$0x0] =	vst.idx.msk $0xffff, v7  }
0x4f7: {  	s12 =	sadd.s32 $0xFFFFFFF0, s19;
	v0 =	vor.u32 v51, v10;
	v7 =	vor.u32 v14, v49;
	v5 =	vld.idx.msk [tilespmem:v5+s26+$0x0], $0xffff  }
0x4f8: {  	v10 =	vmov s12;
	[tilespmem:v15+s8+$0x0] =	vst.idx.msk $0xffff, v13;
	v8 =	vor.u32 v35, v0;
	v12 =	vor.u32 v14, v0  }
0x4f9: {  	s0 =	sadd.s32 $0x200, s0;
	[tilespmem:v45+s8+$0x0] =	vst.idx.msk $0xffff, v11;
	v10 =	vshll.u32 v10, $0x5;
	v11 =	vld.idx.msk [tilespmem:v44+s26+$0x0], $0xffff;
	v44 =	vmov v8;
	v8 =	vor.u32 s20, v28  }
0x4fa: {  	s10 =	sand.u32 $0xC00, s0;
	s1 =	sand.u32 $0x40, s1;
	v13 =	vor.u32 v59, v41;
	v4 =	vld.idx.msk [tilespmem:v4+s26+$0x0], $0xffff;
	v48 =	vor.u32 v51, v10;
	v10 =	vor.u32 s17, v28  }
0x4fb: {  	s9 =	sand.u32 $0x50, s3;
	s7 =	sor.u32 s1, s10;
	v14 =	vor.u32 v14, v48;
	v2 =	vld.idx.msk [tilespmem:v2+s26+$0x0], $0xffff  }
0x4fc: {  	s13 =	sor.u32 s10, s9;
	v15 =	vor.u32 v59, v40;
	v7 =	vld.idx.msk [tilespmem:v7+s26+$0x0], $0xffff;
	[tilespmem:v3+s8+$0x0] =	vst.idx.msk $0xffff, v5;
	v3 =	vor.u32 s7, v58  }
0x4fd: {  	s23 =	sand.u32 $0x70, s19;
	v16 =	vor.u32 s13, v58;
	v5 =	vld.idx.msk [tilespmem:v12+s26+$0x0], $0xffff  }
0x4fe: {  	v6 =	vor.u32 s31, v55;
	s18 =	sand.u32 $0x60, s12;
	s23 =	sor.u32 s10, s23;
	v12 =	vor.u32 v60, v49;
	[tilespmem:v8+s8+$0x0] =	vst.idx.msk $0xffff, v11;
	v1 =	vld.idx.msk [tilespmem:v1+s26+$0x0], $0xffff  }
0x4ff: {  	s12 =	sor.u32 s10, s18;
	v8 =	vor.u32 v60, v0;
	[tilespmem:v10+s8+$0x0] =	vst.idx.msk $0xffff, v4;
	v4 =	vld.idx.msk [tilespmem:v13+s26+$0x0], $0xffff;
	v13 =	vor.u32 s23, v58  }
0x500: {  	v11 =	vor.u32 s12, v58;
	v10 =	vld.idx.msk [tilespmem:v14+s26+$0x0], $0xffff  }
0x501: {  	v14 =	vor.u32 v60, v43;
	v15 =	vld.idx.msk [tilespmem:v15+s26+$0x0], $0xffff;
	[tilespmem:v3+s8+$0x0] =	vst.idx.msk $0xffff, v7;
	v7 =	vor.u32 s20, v34  }
0x502: {  	v3 =	vor.u32 v60, v48;
	[tilespmem:v16+s8+$0x0] =	vst.idx.msk $0xffff, v5;
	v5 =	vor.u32 s17, v34  }
0x503: {  	v17 =	vor.u32 s7, v20;
	v16 =	vor.u32 v63, v41;
	v12 =	vld.idx.msk [tilespmem:v12+s26+$0x0], $0xffff;
	[tilespmem:v6+s8+$0x0] =	vst.idx.msk $0xffff, v1  }
0x504: {  	v8 =	vld.idx.msk [tilespmem:v8+s26+$0x0], $0xffff;
	v6 =	vor.u32 s13, v20;
	[tilespmem:v13+s8+$0x0] =	vst.idx.msk $0xffff, v2  }
0x505: {  	v18 =	vor.u32 v63, v40;
	[tilespmem:v11+s8+$0x0] =	vst.idx.msk $0xffff, v10  }
0x506: {  	v1 =	vor.u32 v22, v49;
	v11 =	vld.idx.msk [tilespmem:v14+s26+$0x0], $0xffff;
	[tilespmem:v7+s8+$0x0] =	vst.idx.msk $0xffff, v4  }
0x507: {  	v3 =	vld.idx.msk [tilespmem:v3+s26+$0x0], $0xffff;
	[tilespmem:v5+s8+$0x0] =	vst.idx.msk $0xffff, v15  }
0x508: {  	v2 =	vor.u32 v22, v0;
	v13 =	vor.u32 s23, v20;
	v5 =	vld.idx.msk [tilespmem:v16+s26+$0x0], $0xffff;
	[tilespmem:v17+s8+$0x0] =	vst.idx.msk $0xffff, v12  }
0x509: {  	v10 =	vor.u32 s12, v20;
	[tilespmem:v6+s8+$0x0] =	vst.idx.msk $0xffff, v8;
	v6 =	vor.u32 v26, v41;
	v16 =	vor.u32 v26, v40;
	v26 =	vld [tilespmem:$0x1FEF0]  }
0x50a: {  	v14 =	vor.u32 s20, v36;
	v4 =	vor.u32 v22, v43;
	v12 =	vld.idx.msk [tilespmem:v18+s26+$0x0], $0xffff  }
0x50b: {  	v7 =	vor.u32 v22, v48;
	v15 =	vld.idx.msk [tilespmem:v1+s26+$0x0], $0xffff;
	v1 =	vor.u32 s17, v36  }
0x50c: {  	v50 =	vld [tilespmem:$0x1FF00];
	v8 =	vor.u32 s7, v57  }
0x50d: {  	v2 =	vld.idx.msk [tilespmem:v2+s26+$0x0], $0xffff;
	v18 =	vor.u32 s13, v57;
	[tilespmem:v13+s8+$0x0] =	vst.idx.msk $0xffff, v11  }
0x50e: {  	v61 =	vld [tilespmem:$0x1FF10];
	[tilespmem:v10+s8+$0x0] =	vst.idx.msk $0xffff, v3;
	v10 =	vor.u32 s21, v20;
	v17 =	vor.u32 v26, v49  }
0x50f: {  	v13 =	vor.u32 s23, v57;
	v4 =	vld.idx.msk [tilespmem:v4+s26+$0x0], $0xffff;
	v11 =	vor.u32 v26, v0;
	[tilespmem:v14+s8+$0x0] =	vst.idx.msk $0xffff, v5  }
0x510: {  	v3 =	vor.u32 s12, v57;
	v7 =	vld.idx.msk [tilespmem:v7+s26+$0x0], $0xffff;
	v5 =	vor.u32 v47, v39;
	[tilespmem:v1+s8+$0x0] =	vst.idx.msk $0xffff, v12  }
0x511: {  	v14 =	vor.u32 v26, v43;
	v6 =	vld.idx.msk [tilespmem:v6+s26+$0x0], $0xffff;
	[tilespmem:v8+s8+$0x0] =	vst.idx.msk $0xffff, v15;
	v15 =	vor.u32 s20, v62  }
0x512: {  	[tilespmem:v18+s8+$0x0] =	vst.idx.msk $0xffff, v2;
	v2 =	vor.u32 s17, v62;
	v8 =	vor.u32 v26, v48;
	v12 =	vld.idx.msk [tilespmem:v16+s26+$0x0], $0xffff  }
0x513: {  	v18 =	vor.u32 s7, v28;
	[tilespmem:v10+s8+$0x0] =	vst.idx.msk $0xffff, v9;
	v16 =	vld.idx.msk [tilespmem:v17+s26+$0x0], $0xffff;
	v17 =	vor.u32 v19, v41  }
0x514: {  	v26 =	vmov v19;
	[tilespmem:v13+s8+$0x0] =	vst.idx.msk $0xffff, v4;
	v11 =	vld.idx.msk [tilespmem:v11+s26+$0x0], $0xffff;
	v19 =	vor.u32 v19, v40  }
0x515: {  	s31 =	smov.u32 s6;
	v9 =	vor.u32 v50, v49;
	v10 =	vor.u32 s13, v28;
	v4 =	vld.idx.msk [tilespmem:v5+s26+$0x0], $0xffff;
	[tilespmem:v3+s8+$0x0] =	vst.idx.msk $0xffff, v7  }
0x516: {  	v5 =	vor.u32 v50, v0;
	v3 =	vld.idx.msk [tilespmem:v14+s26+$0x0], $0xffff;
	v7 =	vor.u32 s31, v57;
	[tilespmem:v15+s8+$0x0] =	vst.idx.msk $0xffff, v6  }
0x517: {  	v13 =	vor.u32 s23, v28;
	v8 =	vld.idx.msk [tilespmem:v8+s26+$0x0], $0xffff;
	v6 =	vor.u32 v47, v42;
	[tilespmem:v2+s8+$0x0] =	vst.idx.msk $0xffff, v12  }
0x518: {  	v14 =	vor.u32 s12, v28;
	v2 =	vld.idx.msk [tilespmem:v17+s26+$0x0], $0xffff;
	[tilespmem:v18+s8+$0x0] =	vst.idx.msk $0xffff, v16  }
0x519: {  	v15 =	vor.u32 v50, v43;
	v17 =	vor.u32 s20, v29;
	v16 =	vld.idx.msk [tilespmem:v19+s26+$0x0], $0xffff  }
0x51a: {  	v12 =	vor.u32 v50, v48;
	[tilespmem:v10+s8+$0x0] =	vst.idx.msk $0xffff, v11;
	v10 =	vor.u32 s17, v29;
	v9 =	vld.idx.msk [tilespmem:v9+s26+$0x0], $0xffff  }
0x51b: {  	v11 =	vor.u32 v56, v41;
	[tilespmem:v7+s8+$0x0] =	vst.idx.msk $0xffff, v4;
	v7 =	vor.u32 s13, v34;
	v5 =	vld.idx.msk [tilespmem:v5+s26+$0x0], $0xffff  }
0x51c: {  	v18 =	vor.u32 s7, v34;
	[tilespmem:v13+s8+$0x0] =	vst.idx.msk $0xffff, v3;
	v3 =	vld.idx.msk [tilespmem:v6+s26+$0x0], $0xffff;
	v6 =	vor.u32 v61, v0  }
0x51d: {  	v24 =	vld [tilespmem:$0x1FCC0];
	v19 =	vor.u32 v56, v40;
	[tilespmem:v14+s8+$0x0] =	vst.idx.msk $0xffff, v8  }
0x51e: {  	v4 =	vor.u32 v61, v49;
	v13 =	vor.u32 s21, v57;
	v8 =	vld.idx.msk [tilespmem:v15+s26+$0x0], $0xffff;
	[tilespmem:v17+s8+$0x0] =	vst.idx.msk $0xffff, v2  }
0x51f: {  	v14 =	vor.u32 s23, v34;
	v12 =	vld.idx.msk [tilespmem:v12+s26+$0x0], $0xffff;
	[tilespmem:v10+s8+$0x0] =	vst.idx.msk $0xffff, v16  }
0x520: {  	v15 =	vor.u32 s12, v34;
	v2 =	vor.u32 v35, v42;
	v10 =	vld.idx.msk [tilespmem:v11+s26+$0x0], $0xffff;
	[tilespmem:v7+s8+$0x0] =	vst.idx.msk $0xffff, v5  }
0x521: {  	v17 =	vor.u32 v61, v43;
	v16 =	vor.u32 s20, v25;
	[tilespmem:v18+s8+$0x0] =	vst.idx.msk $0xffff, v9;
	v6 =	vld.idx.msk [tilespmem:v6+s26+$0x0], $0xffff  }
0x522: {  	v5 =	vor.u32 s17, v25;
	v9 =	vor.u32 v61, v48;
	v11 =	vld.idx.msk [tilespmem:v19+s26+$0x0], $0xffff  }
0x523: {  	v7 =	vor.u32 v52, v41;
	v18 =	vor.u32 s7, v36;
	[tilespmem:v13+s8+$0x0] =	vst.idx.msk $0xffff, v3;
	v4 =	vld.idx.msk [tilespmem:v4+s26+$0x0], $0xffff  }
0x524: {  	v13 =	vor.u32 s13, v36;
	[tilespmem:v14+s8+$0x0] =	vst.idx.msk $0xffff, v8;
	v61 =	vld [tilespmem:$0x1FF20];
	v19 =	vor.u32 v52, v40  }
0x525: {  	v3 =	vor.u32 v24, v49;
	v14 =	vor.u32 s21, v28;
	v2 =	vld.idx.msk [tilespmem:v2+s26+$0x0], $0xffff;
	[tilespmem:v15+s8+$0x0] =	vst.idx.msk $0xffff, v12  }
0x526: {  	v8 =	vor.u32 v24, v0;
	v12 =	vld.idx.msk [tilespmem:v17+s26+$0x0], $0xffff;
	v15 =	vor.u32 s23, v36;
	[tilespmem:v16+s8+$0x0] =	vst.idx.msk $0xffff, v10  }
0x527: {  	v10 =	vor.u32 v59, v42;
	v16 =	vor.u32 s12, v36;
	v9 =	vld.idx.msk [tilespmem:v9+s26+$0x0], $0xffff;
	[tilespmem:v5+s8+$0x0] =	vst.idx.msk $0xffff, v11  }
0x528: {  	v5 =	vld.idx.msk [tilespmem:v7+s26+$0x0], $0xffff;
	v11 =	vor.u32 s20, v32;
	[tilespmem:v18+s8+$0x0] =	vst.idx.msk $0xffff, v4  }
0x529: {  	v17 =	vor.u32 v24, v43;
	[tilespmem:v13+s8+$0x0] =	vst.idx.msk $0xffff, v6;
	v6 =	vor.u32 s17, v32;
	v7 =	vld.idx.msk [tilespmem:v19+s26+$0x0], $0xffff  }
0x52a: {  	v18 =	vor.u32 s7, v62;
	v3 =	vld.idx.msk [tilespmem:v3+s26+$0x0], $0xffff;
	[tilespmem:v14+s8+$0x0] =	vst.idx.msk $0xffff, v2  }
0x52b: {  	v13 =	vor.u32 v31, v41;
	v8 =	vld.idx.msk [tilespmem:v8+s26+$0x0], $0xffff;
	[tilespmem:v15+s8+$0x0] =	vst.idx.msk $0xffff, v12  }
0x52c: {  	v4 =	vor.u32 v24, v48;
	v10 =	vld.idx.msk [tilespmem:v10+s26+$0x0], $0xffff;
	[tilespmem:v16+s8+$0x0] =	vst.idx.msk $0xffff, v9  }
0x52d: {  	v19 =	vor.u32 v31, v40;
	v2 =	vor.u32 v61, v49;
	v14 =	vor.u32 s13, v62;
	[tilespmem:v11+s8+$0x0] =	vst.idx.msk $0xffff, v5  }
0x52e: {  	v12 =	vor.u32 v61, v0;
	v15 =	vor.u32 s21, v34;
	v9 =	vld.idx.msk [tilespmem:v17+s26+$0x0], $0xffff;
	[tilespmem:v6+s8+$0x0] =	vst.idx.msk $0xffff, v7  }
0x52f: {  	v16 =	vor.u32 s23, v62;
	v17 =	vor.u32 v61, v43;
	[tilespmem:v18+s8+$0x0] =	vst.idx.msk $0xffff, v3;
	v3 =	vor.u32 v61, v48;
	v61 =	vld [tilespmem:$0x1FF30]  }
0x530: {  	v6 =	vld.idx.msk [tilespmem:v13+s26+$0x0], $0xffff;
	v13 =	vor.u32 s20, v33  }
0x531: {  	v5 =	vor.u32 v63, v42;
	v11 =	vor.u32 s12, v62;
	v4 =	vld.idx.msk [tilespmem:v4+s26+$0x0], $0xffff  }
0x532: {  	[tilespmem:v14+s8+$0x0] =	vst.idx.msk $0xffff, v8;
	v8 =	vor.u32 s17, v33;
	v7 =	vld.idx.msk [tilespmem:v19+s26+$0x0], $0xffff  }
0x533: {  	v14 =	vor.u32 v21, v41;
	[tilespmem:v15+s8+$0x0] =	vst.idx.msk $0xffff, v10;
	v2 =	vld.idx.msk [tilespmem:v2+s26+$0x0], $0xffff;
	v19 =	vor.u32 s7, v29  }
0x534: {  	v30 =	vmov v21;
	v21 =	vor.u32 s13, v29;
	v12 =	vld.idx.msk [tilespmem:v12+s26+$0x0], $0xffff;
	[tilespmem:v16+s8+$0x0] =	vst.idx.msk $0xffff, v9;
	v15 =	vor.u32 v61, v49  }
0x535: {  	[tilespmem:v13+s8+$0x0] =	vst.idx.msk $0xffff, v6;
	v6 =	vld [tilespmem:$0x1FC90]  }
0x536: {  	v5 =	vld.idx.msk [tilespmem:v5+s26+$0x0], $0xffff;
	[tilespmem:v11+s8+$0x0] =	vst.idx.msk $0xffff, v4  }
0x537: {  	v1 =	vor.u32 v35, v39;
	v4 =	vld.idx.msk [tilespmem:v17+s26+$0x0], $0xffff;
	[tilespmem:v8+s8+$0x0] =	vst.idx.msk $0xffff, v7  }
0x538: {  	v9 =	vor.u32 v61, v0;
	v7 =	vld.idx.msk [tilespmem:v14+s26+$0x0], $0xffff;
	v8 =	vor.u32 s20, v37;
	[tilespmem:v19+s8+$0x0] =	vst.idx.msk $0xffff, v2  }
0x539: {  	v24 =	vmov v34;
	v11 =	vor.u32 s21, v36;
	[tilespmem:v21+s8+$0x0] =	vst.idx.msk $0xffff, v12;
	v12 =	vor.u32 v27, v41;
	v14 =	vld.idx.msk [tilespmem:v15+s26+$0x0], $0xffff  }
0x53a: {  	v34 =	vmovc v24;
	v16 =	vor.u32 s23, v29;
	v6 =	vor.u32 v6, v42;
	v15 =	vor.u32 s31, v24;
	v24 =	vld [tilespmem:$0x1FEE0]  }
0x53b: {  	v13 =	vor.u32 s12, v29;
	v3 =	vld.idx.msk [tilespmem:v3+s26+$0x0], $0xffff;
	v17 =	vor.u32 v61, v43  }
0x53c: {  	v18 =	vor.u32 s31, v28;
	v1 =	vld.idx.msk [tilespmem:v1+s26+$0x0], $0xffff;
	v2 =	vor.u32 v61, v48  }
0x53d: {  	v10 =	vor.u32 v59, v39;
	v19 =	vor.u32 s7, v25;
	v9 =	vld.idx.msk [tilespmem:v9+s26+$0x0], $0xffff;
	[tilespmem:v8+s8+$0x0] =	vst.idx.msk $0xffff, v7  }
0x53e: {  	v21 =	vor.u32 s13, v25;
	[tilespmem:v11+s8+$0x0] =	vst.idx.msk $0xffff, v5;
	v12 =	vld.idx.msk [tilespmem:v12+s26+$0x0], $0xffff  }
0x53f: {  	[tilespmem:v16+s8+$0x0] =	vst.idx.msk $0xffff, v4;
	v4 =	vld.idx.msk [tilespmem:v6+s26+$0x0], $0xffff;
	v6 =	vor.u32 v24, v0  }
0x540: {  	v16 =	vor.u32 s23, v25;
	[tilespmem:v13+s8+$0x0] =	vst.idx.msk $0xffff, v3;
	v3 =	vld.idx.msk [tilespmem:v17+s26+$0x0], $0xffff;
	v13 =	vor.u32 s21, v62  }
0x541: {  	v7 =	vor.u32 v26, v42;
	[tilespmem:v18+s8+$0x0] =	vst.idx.msk $0xffff, v1;
	v11 =	vor.u32 v24, v49;
	v2 =	vld.idx.msk [tilespmem:v2+s26+$0x0], $0xffff  }
0x542: {  	v17 =	vor.u32 v24, v43;
	[tilespmem:v19+s8+$0x0] =	vst.idx.msk $0xffff, v14;
	v14 =	vor.u32 s20, v23;
	v10 =	vld.idx.msk [tilespmem:v10+s26+$0x0], $0xffff  }
0x543: {  	v1 =	vor.u32 v24, v48;
	[tilespmem:v21+s8+$0x0] =	vst.idx.msk $0xffff, v9;
	v9 =	vor.u32 v46, v41;
	v24 =	vld [tilespmem:$0x1FED0]  }
0x544: {  	v21 =	vor.u32 s13, v32;
	v6 =	vld.idx.msk [tilespmem:v6+s26+$0x0], $0xffff  }
0x545: {  	v8 =	vor.u32 s12, v25;
	[tilespmem:v13+s8+$0x0] =	vst.idx.msk $0xffff, v4;
	v4 =	vld [tilespmem:$0x1FC90]  }
0x546: {  	[tilespmem:v16+s8+$0x0] =	vst.idx.msk $0xffff, v3;
	v11 =	vld.idx.msk [tilespmem:v11+s26+$0x0], $0xffff  }
0x547: {  	v3 =	vld.idx.msk [tilespmem:v7+s26+$0x0], $0xffff;
	[tilespmem:v14+s8+$0x0] =	vst.idx.msk $0xffff, v12  }
0x548: {  	v5 =	vor.u32 v63, v39;
	v19 =	vor.u32 s7, v32;
	v9 =	vld.idx.msk [tilespmem:v9+s26+$0x0], $0xffff  }
0x549: {  	v13 =	vor.u32 v24, v49;
	v7 =	vor.u32 v24, v0;
	[tilespmem:v21+s8+$0x0] =	vst.idx.msk $0xffff, v6;
	v6 =	vld [tilespmem:$0x1FC60]  }
0x54a: {  	[tilespmem:v8+s8+$0x0] =	vst.idx.msk $0xffff, v2;
	v2 =	vld.idx.msk [tilespmem:v17+s26+$0x0], $0xffff;
	v8 =	vor.u32 s21, v29;
	v12 =	vor.u32 v56, v42  }
0x54b: {  	v16 =	vor.u32 s23, v32;
	v17 =	vor.u32 v24, v43;
	[tilespmem:v15+s8+$0x0] =	vst.idx.msk $0xffff, v10;
	v10 =	vor.u32 v24, v48;
	v24 =	vld [tilespmem:$0x1FEC0]  }
0x54c: {  	v14 =	vor.u32 s12, v32;
	v1 =	vld.idx.msk [tilespmem:v1+s26+$0x0], $0xffff  }
0x54d: {  	v5 =	vld.idx.msk [tilespmem:v5+s26+$0x0], $0xffff;
	[tilespmem:v19+s8+$0x0] =	vst.idx.msk $0xffff, v11;
	v11 =	vor.u32 s20, v53  }
0x54e: {  	v18 =	vor.u32 s31, v36;
	v13 =	vld.idx.msk [tilespmem:v13+s26+$0x0], $0xffff;
	v6 =	vor.u32 v6, v41  }
0x54f: {  	[tilespmem:v8+s8+$0x0] =	vst.idx.msk $0xffff, v3;
	v21 =	vor.u32 s13, v33;
	v7 =	vld.idx.msk [tilespmem:v7+s26+$0x0], $0xffff  }
0x550: {  	v4 =	vor.u32 v4, v39;
	v19 =	vor.u32 s7, v33;
	[tilespmem:v16+s8+$0x0] =	vst.idx.msk $0xffff, v2;
	v2 =	vld.idx.msk [tilespmem:v12+s26+$0x0], $0xffff  }
0x551: {  	v8 =	vor.u32 v24, v49;
	[tilespmem:v14+s8+$0x0] =	vst.idx.msk $0xffff, v1;
	v1 =	vld.idx.msk [tilespmem:v17+s26+$0x0], $0xffff;
	v14 =	vor.u32 s21, v25  }
0x552: {  	v16 =	vor.u32 s23, v33;
	v10 =	vld.idx.msk [tilespmem:v10+s26+$0x0], $0xffff;
	[tilespmem:v11+s8+$0x0] =	vst.idx.msk $0xffff, v9;
	v9 =	vor.u32 v52, v42  }
0x553: {  	v17 =	vor.u32 v24, v43;
	[tilespmem:v18+s8+$0x0] =	vst.idx.msk $0xffff, v5;
	v11 =	vor.u32 s12, v33;
	v6 =	vld.idx.msk [tilespmem:v6+s26+$0x0], $0xffff  }
0x554: {  	v12 =	vor.u32 v24, v0;
	[tilespmem:v21+s8+$0x0] =	vst.idx.msk $0xffff, v7;
	v21 =	vld [tilespmem:$0x1FE50]  }
0x555: {  	v15 =	vor.u32 s31, v62;
	v5 =	vor.u32 v24, v48;
	v4 =	vld.idx.msk [tilespmem:v4+s26+$0x0], $0xffff;
	[tilespmem:v19+s8+$0x0] =	vst.idx.msk $0xffff, v13  }
0x556: {  	v3 =	vor.u32 v26, v39;
	v13 =	vor.u32 s20, v54;
	[tilespmem:v14+s8+$0x0] =	vst.idx.msk $0xffff, v2;
	v8 =	vld.idx.msk [tilespmem:v8+s26+$0x0], $0xffff  }
0x557: {  	[tilespmem:v16+s8+$0x0] =	vst.idx.msk $0xffff, v1;
	v7 =	vor.u32 v38, v41;
	v41 =	vmov v0;
	v0 =	vor.u32 s7, v37;
	v1 =	vld.idx.msk [tilespmem:v9+s26+$0x0], $0xffff  }
0x558: {  	[tilespmem:v11+s8+$0x0] =	vst.idx.msk $0xffff, v10;
	v10 =	vld.idx.msk [tilespmem:v17+s26+$0x0], $0xffff  }
0x559: {  	v19 =	vor.u32 s13, v37;
	v12 =	vld.idx.msk [tilespmem:v12+s26+$0x0], $0xffff;
	v14 =	vor.u32 v21, v49  }
0x55a: {  	v11 =	vor.u32 s21, v32;
	[tilespmem:v15+s8+$0x0] =	vst.idx.msk $0xffff, v4;
	v5 =	vld.idx.msk [tilespmem:v5+s26+$0x0], $0xffff;
	v9 =	vor.u32 v21, v41  }
0x55b: {  	v16 =	vor.u32 s23, v37;
	v3 =	vld.idx.msk [tilespmem:v3+s26+$0x0], $0xffff;
	[tilespmem:v13+s8+$0x0] =	vst.idx.msk $0xffff, v6;
	v6 =	vor.u32 v31, v42  }
0x55c: {  	v13 =	vor.u32 s12, v37;
	v17 =	vor.u32 v21, v43;
	[tilespmem:v0+s8+$0x0] =	vst.idx.msk $0xffff, v8;
	v0 =	vor.u32 v21, v48;
	v21 =	vld [tilespmem:$0x1FE60]  }
0x55d: {  	v18 =	vor.u32 s31, v29;
	v7 =	vld.idx.msk [tilespmem:v7+s26+$0x0], $0xffff  }
0x55e: {  	v4 =	vor.u32 s20, v55;
	[tilespmem:v19+s8+$0x0] =	vst.idx.msk $0xffff, v12;
	v8 =	vld.idx.msk [tilespmem:v14+s26+$0x0], $0xffff  }
0x55f: {  	[tilespmem:v11+s8+$0x0] =	vst.idx.msk $0xffff, v1;
	v12 =	vor.u32 v30, v40;
	v9 =	vld.idx.msk [tilespmem:v9+s26+$0x0], $0xffff  }
0x560: {  	v2 =	vor.u32 v56, v39;
	v15 =	vor.u32 s7, v23;
	[tilespmem:v16+s8+$0x0] =	vst.idx.msk $0xffff, v10;
	v19 =	vor.u32 s13, v23;
	v6 =	vld.idx.msk [tilespmem:v6+s26+$0x0], $0xffff  }
0x561: {  	v11 =	vor.u32 v21, v49;
	v10 =	vor.u32 v21, v41;
	[tilespmem:v13+s8+$0x0] =	vst.idx.msk $0xffff, v5;
	v5 =	vld.idx.msk [tilespmem:v17+s26+$0x0], $0xffff  }
0x562: {  	v13 =	vor.u32 s21, v33;
	v17 =	vor.u32 v21, v43;
	[tilespmem:v18+s8+$0x0] =	vst.idx.msk $0xffff, v3;
	v3 =	vor.u32 v21, v48;
	v21 =	vld [tilespmem:$0x1FE70]  }
0x563: {  	v16 =	vor.u32 s23, v23;
	v0 =	vld.idx.msk [tilespmem:v0+s26+$0x0], $0xffff;
	[tilespmem:v4+s8+$0x0] =	vst.idx.msk $0xffff, v7;
	v4 =	vor.u32 v30, v42  }
0x564: {  	v7 =	vor.u32 s12, v23;
	v12 =	vld.idx.msk [tilespmem:v12+s26+$0x0], $0xffff  }
0x565: {  	v14 =	vor.u32 s31, v25;
	v2 =	vld.idx.msk [tilespmem:v2+s26+$0x0], $0xffff;
	[tilespmem:v15+s8+$0x0] =	vst.idx.msk $0xffff, v8  }
0x566: {  	[tilespmem:v19+s8+$0x0] =	vst.idx.msk $0xffff, v9;
	v11 =	vld.idx.msk [tilespmem:v11+s26+$0x0], $0xffff  }
0x567: {  	v1 =	vor.u32 v52, v39;
	v18 =	vor.u32 s7, v53;
	v8 =	vor.u32 s17, v37;
	[tilespmem:v13+s8+$0x0] =	vst.idx.msk $0xffff, v6;
	v10 =	vld.idx.msk [tilespmem:v10+s26+$0x0], $0xffff  }
0x568: {  	v9 =	vor.u32 v27, v40;
	v13 =	vor.u32 v21, v49;
	[tilespmem:v16+s8+$0x0] =	vst.idx.msk $0xffff, v5;
	v4 =	vld.idx.msk [tilespmem:v4+s26+$0x0], $0xffff  }
0x569: {  	v19 =	vor.u32 s13, v53;
	v5 =	vor.u32 v21, v41;
	[tilespmem:v7+s8+$0x0] =	vst.idx.msk $0xffff, v0;
	v0 =	vld.idx.msk [tilespmem:v17+s26+$0x0], $0xffff  }
0x56a: {  	v7 =	vor.u32 s21, v37;
	v17 =	vor.u32 v21, v43;
	[tilespmem:v14+s8+$0x0] =	vst.idx.msk $0xffff, v2;
	v2 =	vor.u32 v21, v48;
	v21 =	vld [tilespmem:$0x1FE80]  }
0x56b: {  	v16 =	vor.u32 s23, v53;
	v3 =	vld.idx.msk [tilespmem:v3+s26+$0x0], $0xffff  }
0x56c: {  	v1 =	vld.idx.msk [tilespmem:v1+s26+$0x0], $0xffff;
	[tilespmem:v8+s8+$0x0] =	vst.idx.msk $0xffff, v12;
	v8 =	vor.u32 v27, v42;
	v12 =	vor.u32 s12, v53  }
0x56d: {  	v15 =	vor.u32 s31, v32;
	v9 =	vld.idx.msk [tilespmem:v9+s26+$0x0], $0xffff;
	[tilespmem:v18+s8+$0x0] =	vst.idx.msk $0xffff, v11  }
0x56e: {  	v11 =	vor.u32 s17, v23;
	[tilespmem:v19+s8+$0x0] =	vst.idx.msk $0xffff, v10  }
0x56f: {  	v10 =	vor.u32 v46, v40;
	v18 =	vor.u32 s7, v54;
	[tilespmem:v7+s8+$0x0] =	vst.idx.msk $0xffff, v4;
	v13 =	vld.idx.msk [tilespmem:v13+s26+$0x0], $0xffff  }
0x570: {  	[tilespmem:v16+s8+$0x0] =	vst.idx.msk $0xffff, v0;
	v5 =	vld.idx.msk [tilespmem:v5+s26+$0x0], $0xffff  }
0x571: {  	v6 =	vor.u32 v31, v39;
	v19 =	vor.u32 s13, v54;
	v0 =	vld.idx.msk [tilespmem:v8+s26+$0x0], $0xffff;
	[tilespmem:v12+s8+$0x0] =	vst.idx.msk $0xffff, v3  }
0x572: {  	v7 =	vor.u32 v21, v49;
	v8 =	vor.u32 v21, v41;
	v3 =	vld.idx.msk [tilespmem:v17+s26+$0x0], $0xffff;
	[tilespmem:v15+s8+$0x0] =	vst.idx.msk $0xffff, v1  }
0x573: {  	v17 =	vor.u32 v21, v43;
	v1 =	vor.u32 v21, v48;
	v21 =	vld [tilespmem:$0x1FE90];
	[tilespmem:v11+s8+$0x0] =	vst.idx.msk $0xffff, v9  }
0x574: {  	v10 =	vld.idx.msk [tilespmem:v10+s26+$0x0], $0xffff;
	[tilespmem:v18+s8+$0x0] =	vst.idx.msk $0xffff, v13;
	v13 =	vor.u32 s17, v53  }
0x575: {  	v12 =	vor.u32 s21, v23;
	v2 =	vld.idx.msk [tilespmem:v2+s26+$0x0], $0xffff  }
0x576: {  	v16 =	vor.u32 s23, v54;
	v9 =	vor.u32 v46, v42;
	[tilespmem:v19+s8+$0x0] =	vst.idx.msk $0xffff, v5;
	v5 =	vld [tilespmem:$0x1FC60]  }
0x577: {  	v11 =	vor.u32 s12, v54;
	v6 =	vld.idx.msk [tilespmem:v6+s26+$0x0], $0xffff  }
0x578: {  	v14 =	vor.u32 s31, v33;
	v7 =	vld.idx.msk [tilespmem:v7+s26+$0x0], $0xffff  }
0x579: {  	v4 =	vor.u32 v30, v39;
	[tilespmem:v13+s8+$0x0] =	vst.idx.msk $0xffff, v10;
	v10 =	vld [tilespmem:$0x1FC60]  }
0x57a: {  	v19 =	vor.u32 s13, v55;
	v8 =	vld.idx.msk [tilespmem:v8+s26+$0x0], $0xffff;
	[tilespmem:v12+s8+$0x0] =	vst.idx.msk $0xffff, v0  }
0x57b: {  	v18 =	vor.u32 s7, v55;
	[tilespmem:v16+s8+$0x0] =	vst.idx.msk $0xffff, v3;
	v3 =	vld.idx.msk [tilespmem:v9+s26+$0x0], $0xffff;
	v5 =	vor.u32 v5, v40  }
0x57c: {  	v9 =	vor.u32 v21, v41;
	[tilespmem:v11+s8+$0x0] =	vst.idx.msk $0xffff, v2;
	v2 =	vld.idx.msk [tilespmem:v17+s26+$0x0], $0xffff  }
0x57d: {  	v12 =	vor.u32 v21, v49;
	v11 =	vor.u32 s21, v53;
	[tilespmem:v14+s8+$0x0] =	vst.idx.msk $0xffff, v6;
	v1 =	vld.idx.msk [tilespmem:v1+s26+$0x0], $0xffff  }
0x57e: {  	v16 =	vor.u32 s23, v55;
	v17 =	vor.u32 v21, v43;
	v4 =	vld.idx.msk [tilespmem:v4+s26+$0x0], $0xffff;
	v10 =	vor.u32 v10, v42  }
0x57f: {  	v13 =	vor.u32 s12, v55;
	[tilespmem:v19+s8+$0x0] =	vst.idx.msk $0xffff, v8;
	v8 =	vor.u32 v38, v40;
	v40 =	vmov v49;
	v49 =	vld [tilespmem:$0x1FEA0]  }
0x580: {  	v5 =	vld.idx.msk [tilespmem:v5+s26+$0x0], $0xffff;
	[tilespmem:v18+s8+$0x0] =	vst.idx.msk $0xffff, v7;
	v7 =	vor.u32 s17, v54  }
0x581: {  	s9 =	sor.u32 $0x2000, s13;
	v6 =	vor.u32 v21, v48;
	v9 =	vld.idx.msk [tilespmem:v9+s26+$0x0], $0xffff  }
0x582: {  	s3 =	sor.u32 $0x2000, s7;
	s20 =	smov.u32 s9;
	v15 =	vor.u32 s31, v37;
	[tilespmem:v11+s8+$0x0] =	vst.idx.msk $0xffff, v3;
	v12 =	vld.idx.msk [tilespmem:v12+s26+$0x0], $0xffff  }
0x583: {  	v0 =	vor.u32 v27, v39;
	v19 =	vor.u32 s20, v58;
	[tilespmem:v16+s8+$0x0] =	vst.idx.msk $0xffff, v2;
	v18 =	vor.u32 s3, v58;
	v2 =	vld.idx.msk [tilespmem:v10+s26+$0x0], $0xffff  }
0x584: {  	v11 =	vor.u32 v49, v40;
	v10 =	vor.u32 v49, v41;
	[tilespmem:v13+s8+$0x0] =	vst.idx.msk $0xffff, v1;
	v1 =	vld.idx.msk [tilespmem:v17+s26+$0x0], $0xffff  }
0x585: {  	s6 =	sor.u32 $0x2000, s23;
	v13 =	vor.u32 s21, v54;
	[tilespmem:v7+s8+$0x0] =	vst.idx.msk $0xffff, v5;
	v7 =	vor.u32 v38, v42;
	v42 =	vmov v48;
	v48 =	vld [tilespmem:$0x1FC60]  }
0x586: {  	s1 =	sor.u32 $0x2000, s12;
	v16 =	vor.u32 s6, v58;
	v6 =	vld.idx.msk [tilespmem:v6+s26+$0x0], $0xffff  }
0x587: {  	v21 =	vor.u32 v49, v43;
	v17 =	vor.u32 s1, v58;
	[tilespmem:v15+s8+$0x0] =	vst.idx.msk $0xffff, v4;
	v8 =	vld.idx.msk [tilespmem:v8+s26+$0x0], $0xffff  }
0x588: {  	[tilespmem:v18+s8+$0x0] =	vst.idx.msk $0xffff, v12;
	v4 =	vor.u32 v49, v42;
	v12 =	vor.u32 s17, v55;
	v15 =	vld.idx.msk [tilespmem:v0+s26+$0x0], $0xffff  }
0x589: {  	v14 =	vor.u32 s31, v23;
	[tilespmem:v19+s8+$0x0] =	vst.idx.msk $0xffff, v9;
	s17 =	smov.u32 s3;
	v11 =	vld.idx.msk [tilespmem:v11+s26+$0x0], $0xffff  }
0x58a: {  	v18 =	vor.u32 s17, v20;
	v10 =	vld.idx.msk [tilespmem:v10+s26+$0x0], $0xffff;
	[tilespmem:v13+s8+$0x0] =	vst.idx.msk $0xffff, v2  }
0x58b: {  	v3 =	vor.u32 v46, v39;
	v13 =	vor.u32 s20, v20;
	[tilespmem:v16+s8+$0x0] =	vst.idx.msk $0xffff, v1;
	v1 =	vld.idx.msk [tilespmem:v7+s26+$0x0], $0xffff  }
0x58c: {  	s14 =	sadd.s32 $0x4, s14;
	v2 =	vor.u32 v47, v40;
	[tilespmem:v17+s8+$0x0] =	vst.idx.msk $0xffff, v6;
	v6 =	vld.idx.msk [tilespmem:v21+s26+$0x0], $0xffff;
	v17 =	vor.u32 s21, v55  }
0x58d: {  	p0 =	slt.u32 s14, $0x1C;
	v16 =	vor.u32 v47, v41;
	[tilespmem:v12+s8+$0x0] =	vst.idx.msk $0xffff, v8;
	v9 =	vld.idx.msk [tilespmem:v4+s26+$0x0], $0xffff;
	v4 =	vor.u32 s6, v20  }
.Ltmp3:
0x58e: {  	[tilespmem:v14+s8+$0x0] =	vst.idx.msk $0xffff, v15;
	(pc) =	sbr.rel @p0 .LBB2_8-.Ltmp3, $4  }
0x58f: {  	v19 =	vmov v26;
	v26 =	vld [tilespmem:$0x1FC90];
	[tilespmem:v18+s8+$0x0] =	vst.idx.msk $0xffff, v11  }
0x590: {  	v45 =	vor.u32 s3, v57;
	v0 =	vor.u32 s31, v53;
	v7 =	vld.idx.msk [tilespmem:v3+s26+$0x0], $0xffff;
	[tilespmem:v13+s8+$0x0] =	vst.idx.msk $0xffff, v10  }
0x591: {  	v5 =	vor.u32 v48, v39;
	v21 =	vmov v30;
	v15 =	vor.u32 s20, v57;
	v11 =	vld.idx.msk [tilespmem:v2+s26+$0x0], $0xffff;
	[tilespmem:v17+s8+$0x0] =	vst.idx.msk $0xffff, v1  }
0x592: {  	s19 =	sadd.s32 $0x40, s19;
	s21 =	smov.u32 s1;
	v3 =	vor.u32 s31, v54;
	v13 =	vld.idx.msk [tilespmem:v16+s26+$0x0], $0xffff;
	v1 =	vor.u32 v38, v39;
	v39 =	vmov v43;
	[tilespmem:v4+s8+$0x0] =	vst.idx.msk $0xffff, v6  }
0x593: {  	v2 =	vor.u32 s21, v20  }
0x594: {  	v4 =	vor.u32 v47, v42  }
0x595: {  	v6 =	vor.u32 v47, v39;
	_ =	sdelay $0x2  }
0x596: {  	[tilespmem:v2+s8+$0x0] =	vst.idx.msk $0xffff, v9  }
0x597: {  	v50 =	vor.u32 v35, v40;
	v8 =	vor.u32 s21, v57;
	v4 =	vld.idx.msk [tilespmem:v4+s26+$0x0], $0xffff  }
0x598: {  	v10 =	vor.u32 v35, v42;
	v6 =	vld.idx.msk [tilespmem:v6+s26+$0x0], $0xffff;
	v9 =	vor.u32 s6, v57  }
0x599: {  	v12 =	vor.u32 v35, v39  }
0x59a: {  	[tilespmem:v15+s8+$0x0] =	vst.idx.msk $0xffff, v13  }
0x59b: {  	[tilespmem:v45+s8+$0x0] =	vst.idx.msk $0xffff, v11;
	v13 =	vor.u32 s20, v28;
	v11 =	vld.idx.msk [tilespmem:v44+s26+$0x0], $0xffff  }
0x59c: {  	v14 =	vor.u32 s17, v28;
	v15 =	vor.u32 v59, v41;
	v2 =	vld.idx.msk [tilespmem:v50+s26+$0x0], $0xffff;
	[tilespmem:v8+s8+$0x0] =	vst.idx.msk $0xffff, v4  }
0x59d: {  	[tilespmem:v9+s8+$0x0] =	vst.idx.msk $0xffff, v6;
	v4 =	vor.u32 v59, v40;
	v8 =	vor.u32 s21, v28;
	v6 =	vld.idx.msk [tilespmem:v10+s26+$0x0], $0xffff  }
0x59e: {  	v9 =	vor.u32 v59, v42;
	v12 =	vld.idx.msk [tilespmem:v12+s26+$0x0], $0xffff;
	v10 =	vor.u32 s6, v28  }
0x59f: {  	v16 =	vor.u32 v59, v39  }
0x5a0: {  	[tilespmem:v13+s8+$0x0] =	vst.idx.msk $0xffff, v11  }
0x5a1: {  	[tilespmem:v14+s8+$0x0] =	vst.idx.msk $0xffff, v2;
	v11 =	vor.u32 s20, v34;
	v61 =	vld.idx.msk [tilespmem:v15+s26+$0x0], $0xffff  }
0x5a2: {  	v13 =	vor.u32 s17, v34;
	v14 =	vor.u32 v63, v41;
	v4 =	vld.idx.msk [tilespmem:v4+s26+$0x0], $0xffff;
	[tilespmem:v8+s8+$0x0] =	vst.idx.msk $0xffff, v6  }
0x5a3: {  	v6 =	vor.u32 v63, v40;
	[tilespmem:v10+s8+$0x0] =	vst.idx.msk $0xffff, v12;
	v8 =	vld.idx.msk [tilespmem:v9+s26+$0x0], $0xffff;
	v9 =	vor.u32 s21, v34  }
0x5a4: {  	v10 =	vor.u32 v63, v42;
	v12 =	vor.u32 s6, v34;
	v15 =	vld.idx.msk [tilespmem:v16+s26+$0x0], $0xffff  }
0x5a5: {  	v63 =	vor.u32 v63, v39  }
0x5a6: {  	[tilespmem:v11+s8+$0x0] =	vst.idx.msk $0xffff, v61  }
0x5a7: {  	v2 =	vld.idx.msk [tilespmem:v14+s26+$0x0], $0xffff;
	[tilespmem:v13+s8+$0x0] =	vst.idx.msk $0xffff, v4;
	v4 =	vor.u32 s20, v36  }
0x5a8: {  	v11 =	vor.u32 s17, v36;
	v13 =	vor.u32 v26, v41;
	v6 =	vld.idx.msk [tilespmem:v6+s26+$0x0], $0xffff;
	[tilespmem:v9+s8+$0x0] =	vst.idx.msk $0xffff, v8  }
0x5a9: {  	v8 =	vor.u32 v26, v40;
	[tilespmem:v12+s8+$0x0] =	vst.idx.msk $0xffff, v15;
	v9 =	vld.idx.msk [tilespmem:v10+s26+$0x0], $0xffff;
	v10 =	vor.u32 s21, v36  }
0x5aa: {  	v14 =	vor.u32 s6, v36;
	v12 =	vor.u32 v26, v42;
	v15 =	vld.idx.msk [tilespmem:v63+s26+$0x0], $0xffff  }
0x5ab: {  	v35 =	vor.u32 v26, v39  }
0x5ac: {  	[tilespmem:v4+s8+$0x0] =	vst.idx.msk $0xffff, v2  }
0x5ad: {  	v4 =	vor.u32 s20, v62;
	[tilespmem:v11+s8+$0x0] =	vst.idx.msk $0xffff, v6;
	v2 =	vld.idx.msk [tilespmem:v13+s26+$0x0], $0xffff  }
0x5ae: {  	v11 =	vor.u32 v19, v41;
	v6 =	vld.idx.msk [tilespmem:v8+s26+$0x0], $0xffff;
	v8 =	vor.u32 s17, v62;
	[tilespmem:v10+s8+$0x0] =	vst.idx.msk $0xffff, v9  }
0x5af: {  	v9 =	vor.u32 v19, v40;
	[tilespmem:v14+s8+$0x0] =	vst.idx.msk $0xffff, v15;
	v10 =	vld.idx.msk [tilespmem:v12+s26+$0x0], $0xffff;
	v12 =	vor.u32 s21, v62  }
0x5b0: {  	v13 =	vor.u32 v19, v42;
	v14 =	vor.u32 s6, v62;
	v15 =	vld.idx.msk [tilespmem:v35+s26+$0x0], $0xffff  }
0x5b1: {  	v43 =	vor.u32 v19, v39  }
0x5b2: {  	[tilespmem:v4+s8+$0x0] =	vst.idx.msk $0xffff, v2  }
0x5b3: {  	v4 =	vor.u32 s20, v29;
	[tilespmem:v8+s8+$0x0] =	vst.idx.msk $0xffff, v6;
	v2 =	vld.idx.msk [tilespmem:v11+s26+$0x0], $0xffff  }
0x5b4: {  	v8 =	vor.u32 s17, v29;
	v6 =	vld.idx.msk [tilespmem:v9+s26+$0x0], $0xffff;
	v9 =	vor.u32 v56, v41;
	[tilespmem:v12+s8+$0x0] =	vst.idx.msk $0xffff, v10  }
0x5b5: {  	v10 =	vor.u32 v56, v40;
	v12 =	vor.u32 s21, v29;
	[tilespmem:v14+s8+$0x0] =	vst.idx.msk $0xffff, v15;
	v11 =	vld.idx.msk [tilespmem:v13+s26+$0x0], $0xffff  }
0x5b6: {  	v14 =	vor.u32 s6, v29;
	v13 =	vor.u32 v56, v42;
	v15 =	vld.idx.msk [tilespmem:v43+s26+$0x0], $0xffff  }
0x5b7: {  	v44 =	vor.u32 v56, v39  }
0x5b8: {  	[tilespmem:v4+s8+$0x0] =	vst.idx.msk $0xffff, v2  }
0x5b9: {  	v4 =	vor.u32 s20, v25;
	[tilespmem:v8+s8+$0x0] =	vst.idx.msk $0xffff, v6;
	v2 =	vld.idx.msk [tilespmem:v9+s26+$0x0], $0xffff  }
0x5ba: {  	v8 =	vor.u32 s17, v25;
	v9 =	vor.u32 v52, v41;
	v6 =	vld.idx.msk [tilespmem:v10+s26+$0x0], $0xffff;
	[tilespmem:v12+s8+$0x0] =	vst.idx.msk $0xffff, v11  }
0x5bb: {  	v10 =	vor.u32 v52, v40;
	v12 =	vor.u32 s21, v25;
	[tilespmem:v14+s8+$0x0] =	vst.idx.msk $0xffff, v15;
	v11 =	vld.idx.msk [tilespmem:v13+s26+$0x0], $0xffff  }
0x5bc: {  	v14 =	vor.u32 s6, v25;
	v13 =	vor.u32 v52, v42;
	v15 =	vld.idx.msk [tilespmem:v44+s26+$0x0], $0xffff  }
0x5bd: {  	v45 =	vor.u32 v52, v39  }
0x5be: {  	[tilespmem:v4+s8+$0x0] =	vst.idx.msk $0xffff, v2  }
0x5bf: {  	v4 =	vor.u32 s20, v32;
	[tilespmem:v8+s8+$0x0] =	vst.idx.msk $0xffff, v6;
	v2 =	vld.idx.msk [tilespmem:v9+s26+$0x0], $0xffff  }
0x5c0: {  	v8 =	vor.u32 s17, v32;
	v9 =	vor.u32 v31, v41;
	v6 =	vld.idx.msk [tilespmem:v10+s26+$0x0], $0xffff;
	[tilespmem:v12+s8+$0x0] =	vst.idx.msk $0xffff, v11  }
0x5c1: {  	v10 =	vor.u32 v31, v40;
	v12 =	vor.u32 s21, v32;
	[tilespmem:v14+s8+$0x0] =	vst.idx.msk $0xffff, v15;
	v11 =	vld.idx.msk [tilespmem:v13+s26+$0x0], $0xffff  }
0x5c2: {  	v14 =	vor.u32 s6, v32;
	v13 =	vor.u32 v31, v42;
	v15 =	vld.idx.msk [tilespmem:v45+s26+$0x0], $0xffff  }
0x5c3: {  	v50 =	vor.u32 v31, v39  }
0x5c4: {  	[tilespmem:v4+s8+$0x0] =	vst.idx.msk $0xffff, v2  }
0x5c5: {  	v4 =	vor.u32 s20, v33;
	[tilespmem:v8+s8+$0x0] =	vst.idx.msk $0xffff, v6;
	v2 =	vld.idx.msk [tilespmem:v9+s26+$0x0], $0xffff  }
0x5c6: {  	v8 =	vor.u32 s17, v33;
	v9 =	vor.u32 v21, v41;
	v6 =	vld.idx.msk [tilespmem:v10+s26+$0x0], $0xffff;
	[tilespmem:v12+s8+$0x0] =	vst.idx.msk $0xffff, v11  }
0x5c7: {  	v10 =	vor.u32 v21, v40;
	v12 =	vor.u32 s21, v33;
	[tilespmem:v14+s8+$0x0] =	vst.idx.msk $0xffff, v15;
	v11 =	vld.idx.msk [tilespmem:v13+s26+$0x0], $0xffff  }
0x5c8: {  	v14 =	vor.u32 s6, v33;
	v13 =	vor.u32 v21, v42;
	v15 =	vld.idx.msk [tilespmem:v50+s26+$0x0], $0xffff  }
0x5c9: {  	v52 =	vor.u32 v21, v39  }
0x5ca: {  	[tilespmem:v4+s8+$0x0] =	vst.idx.msk $0xffff, v2  }
0x5cb: {  	v4 =	vor.u32 s20, v37;
	[tilespmem:v8+s8+$0x0] =	vst.idx.msk $0xffff, v6;
	v2 =	vld.idx.msk [tilespmem:v9+s26+$0x0], $0xffff  }
0x5cc: {  	v6 =	vor.u32 v27, v41;
	v9 =	vor.u32 s17, v37;
	v8 =	vld.idx.msk [tilespmem:v10+s26+$0x0], $0xffff;
	[tilespmem:v12+s8+$0x0] =	vst.idx.msk $0xffff, v11  }
0x5cd: {  	v10 =	vor.u32 v27, v40;
	v12 =	vor.u32 s21, v37;
	[tilespmem:v14+s8+$0x0] =	vst.idx.msk $0xffff, v15;
	v11 =	vld.idx.msk [tilespmem:v13+s26+$0x0], $0xffff  }
0x5ce: {  	v14 =	vor.u32 s6, v37;
	v13 =	vor.u32 v27, v42;
	v15 =	vld.idx.msk [tilespmem:v52+s26+$0x0], $0xffff  }
0x5cf: {  	v56 =	vor.u32 v27, v39  }
0x5d0: {  	[tilespmem:v4+s8+$0x0] =	vst.idx.msk $0xffff, v2  }
0x5d1: {  	v4 =	vor.u32 s20, v23;
	v2 =	vld.idx.msk [tilespmem:v6+s26+$0x0], $0xffff;
	[tilespmem:v9+s8+$0x0] =	vst.idx.msk $0xffff, v8  }
0x5d2: {  	v6 =	vor.u32 v46, v41;
	v9 =	vor.u32 s17, v23;
	v8 =	vld.idx.msk [tilespmem:v10+s26+$0x0], $0xffff;
	[tilespmem:v12+s8+$0x0] =	vst.idx.msk $0xffff, v11  }
0x5d3: {  	v10 =	vor.u32 v46, v40;
	v12 =	vor.u32 s21, v23;
	[tilespmem:v14+s8+$0x0] =	vst.idx.msk $0xffff, v15;
	v11 =	vld.idx.msk [tilespmem:v13+s26+$0x0], $0xffff  }
0x5d4: {  	v14 =	vor.u32 s6, v23;
	v13 =	vor.u32 v46, v42;
	v15 =	vld.idx.msk [tilespmem:v56+s26+$0x0], $0xffff  }
0x5d5: {  	v59 =	vor.u32 v46, v39  }
0x5d6: {  	[tilespmem:v4+s8+$0x0] =	vst.idx.msk $0xffff, v2  }
0x5d7: {  	v4 =	vor.u32 s20, v53;
	v2 =	vld.idx.msk [tilespmem:v6+s26+$0x0], $0xffff;
	[tilespmem:v9+s8+$0x0] =	vst.idx.msk $0xffff, v8  }
0x5d8: {  	v6 =	vor.u32 v48, v41;
	v9 =	vor.u32 s17, v53;
	v8 =	vld.idx.msk [tilespmem:v10+s26+$0x0], $0xffff;
	[tilespmem:v12+s8+$0x0] =	vst.idx.msk $0xffff, v11  }
0x5d9: {  	v10 =	vor.u32 v48, v40;
	v12 =	vor.u32 s21, v53;
	[tilespmem:v14+s8+$0x0] =	vst.idx.msk $0xffff, v15;
	v11 =	vld.idx.msk [tilespmem:v13+s26+$0x0], $0xffff  }
0x5da: {  	v14 =	vor.u32 s6, v53;
	v13 =	vor.u32 v48, v42;
	v15 =	vld.idx.msk [tilespmem:v59+s26+$0x0], $0xffff  }
0x5db: {  	[tilespmem:v0+s8+$0x0] =	vst.idx.msk $0xffff, v7;
	v61 =	vor.u32 v48, v39  }
0x5dc: {  	v5 =	vld.idx.msk [tilespmem:v5+s26+$0x0], $0xffff;
	[tilespmem:v4+s8+$0x0] =	vst.idx.msk $0xffff, v2  }
0x5dd: {  	v4 =	vor.u32 s20, v54;
	v2 =	vld.idx.msk [tilespmem:v6+s26+$0x0], $0xffff;
	[tilespmem:v9+s8+$0x0] =	vst.idx.msk $0xffff, v8  }
0x5de: {  	v6 =	vor.u32 v38, v41;
	v8 =	vor.u32 s17, v54;
	v7 =	vld.idx.msk [tilespmem:v10+s26+$0x0], $0xffff;
	[tilespmem:v12+s8+$0x0] =	vst.idx.msk $0xffff, v11  }
0x5df: {  	v9 =	vor.u32 v38, v40;
	v11 =	vor.u32 s21, v54;
	[tilespmem:v14+s8+$0x0] =	vst.idx.msk $0xffff, v15;
	v10 =	vld.idx.msk [tilespmem:v13+s26+$0x0], $0xffff  }
0x5e0: {  	v12 =	vor.u32 v38, v42;
	v13 =	vor.u32 s6, v54;
	v0 =	vld.idx.msk [tilespmem:v61+s26+$0x0], $0xffff  }
0x5e1: {  	[tilespmem:v3+s8+$0x0] =	vst.idx.msk $0xffff, v5;
	v3 =	vor.u32 v38, v39  }
0x5e2: {  	v5 =	vor.u32 s31, v55;
	v1 =	vld.idx.msk [tilespmem:v1+s26+$0x0], $0xffff;
	[tilespmem:v4+s8+$0x0] =	vst.idx.msk $0xffff, v2  }
0x5e3: {  	v4 =	vor.u32 s20, v55;
	v2 =	vld.idx.msk [tilespmem:v6+s26+$0x0], $0xffff;
	[tilespmem:v8+s8+$0x0] =	vst.idx.msk $0xffff, v7  }
0x5e4: {  	v7 =	vor.u32 s17, v55;
	v6 =	vld.idx.msk [tilespmem:v9+s26+$0x0], $0xffff;
	[tilespmem:v11+s8+$0x0] =	vst.idx.msk $0xffff, v10  }
0x5e5: {  	v9 =	vor.u32 s21, v55;
	[tilespmem:v13+s8+$0x0] =	vst.idx.msk $0xffff, v0;
	v8 =	vld.idx.msk [tilespmem:v12+s26+$0x0], $0xffff  }
0x5e6: {  	v63 =	vor.u32 s6, v55;
	v3 =	vld.idx.msk [tilespmem:v3+s26+$0x0], $0xffff  }
0x5e7: {  	[tilespmem:v5+s8+$0x0] =	vst.idx.msk $0xffff, v1  }
0x5e8: {  	[tilespmem:v4+s8+$0x0] =	vst.idx.msk $0xffff, v2  }
0x5e9: {  	[tilespmem:v7+s8+$0x0] =	vst.idx.msk $0xffff, v6  }
0x5ea: {  	[tilespmem:v9+s8+$0x0] =	vst.idx.msk $0xffff, v8  }
0x5eb: {  	[tilespmem:v63+s8+$0x0] =	vst.idx.msk $0xffff, v3  }
0x5ec: {  	s0 =	sshll.u32 s2, $0xB;
	s1 =	sshll.u32 s2, $0x9;
	v27 =	vld [tilespmem:$0x1FEF0]  }
0x5ed: {  	s0 =	sand.u32 $0xFFFC000, s0;
	s1 =	sand.u32 $0xE00, s1;
	v31 =	vld [tilespmem:$0x1FF00]  }
0x5ee: {  	s0 =	sor.u32 s1, s0;
	s17 =	rddreg [dreg:$0x2];
	v14 =	vld [tilespmem:$0x1FF10]  }
0x5ef: {  	s1 =	sadd.s32 s17, s0;
	v12 =	vld [tilespmem:$0x1FF30]  }
0x5f0: {  	[hbm4b:s1+s4] =	stream.linear.scatter [tilespmem:s8], [sflag:$0x4], $0x1000, $0x38;
	v39 =	vld [tilespmem:$0x1FF20]  }
0x5f1: {  	s30 =	sadd.s32 $0x1, s30;
	s18 =	rddreg [dreg:$0x6];
	v42 =	vld [tilespmem:$0x1FEE0]  }
0x5f2: {  	s19 =	simm.s32 $0xD400;
	p0 =	sne.s32 s30, $0x19;
	v38 =	vld [tilespmem:$0x1FE50];
	s1 =	sadd.s32 s0, s18  }
0x5f3: {  	v10 =	vld [tilespmem:$0x1FED0];
	[hbm4b:s1+s4] =	stream.linear.scatter [tilespmem:s19], [sflag:$0x4], $0x1000, $0x38  }
.Ltmp4:
0x5f4: {  	s20 =	rddreg [dreg:$0x7];
	v35 =	vld [tilespmem:$0x1FEC0];
	(pc) =	sbr.rel @p0 .LBB2_2-.Ltmp4, $4  }
0x5f5: {  	s21 =	simm.s32 $0xE400;
	s23 =	rddreg [dreg:$0x8];
	v46 =	vld [tilespmem:$0x1FE60];
	s1 =	sadd.s32 s0, s20  }
0x5f6: {  	v41 =	vld [tilespmem:$0x1FE70];
	[hbm4b:s1+s4] =	stream.linear.scatter [tilespmem:s21], [sflag:$0x4], $0x1000, $0x38  }
0x5f7: {  	s31 =	simm.s32 $0xF400;
	v4 =	vmov v47;
	v47 =	vld [tilespmem:$0x1FE90];
	s0 =	sadd.s32 s0, s23  }
0x5f8: {  	v30 =	vlaneseq.u32;
	v44 =	vld [tilespmem:$0x1FE80];
	[hbm4b:s0+s4] =	stream.linear.scatter [tilespmem:s31], [sflag:$0x4], $0x1000, $0x38  }
0x5f9: {  	_ =	swait.ge [sflag:s28], $0x1000  }
0x5fa: {  	[sflag:s28] =	ssyncset.done $0x0  }
0x5fb: {  	[sflag:s28] =	ssyncadd.s32 $0xFFFFF000  }
0x5fc: {  	_ =	swait.ge [sflag:s28], $0x1000  }
0x5fd: {  	[sflag:s28] =	ssyncset.done $0x0  }
0x5fe: {  	[sflag:s28] =	ssyncadd.s32 $0xFFFFF000  }
0x5ff: {  	_ =	swait.ge [sflag:s28], $0x1000  }
0x600: {  	[sflag:s28] =	ssyncset.done $0x0  }
0x601: {  	[sflag:s28] =	ssyncadd.s32 $0xFFFFF000  }
0x602: {  	_ =	swait.ge [sflag:s28], $0x1000  }
0x603: {  	[sflag:s28] =	ssyncset.done $0x0  }
0x604: {  	[sflag:s28] =	ssyncadd.s32 $0xFFFFF000  }
0x605: {  	_ =	swait.ge [sflag:s29], $0x1000  }
0x606: {  	[sflag:s29] =	ssyncset.done $0x0  }
0x607: {  	[sflag:s29] =	ssyncadd.s32 $0xFFFFF000  }
0x608: {  	_ =	swait.ge [sflag:s29], $0x1000  }
0x609: {  	[sflag:s29] =	ssyncset.done $0x0  }
0x60a: {  	[sflag:s29] =	ssyncadd.s32 $0xFFFFF000  }
0x60b: {  	_ =	swait.ge [sflag:s29], $0x1000  }
0x60c: {  	[sflag:s29] =	ssyncset.done $0x0  }
0x60d: {  	[sflag:s29] =	ssyncadd.s32 $0xFFFFF000  }
0x60e: {  	_ =	swait.ge [sflag:s29], $0x1000  }
0x60f: {  	s1 =	rddreg [dreg:$0xc]  }
0x610: {  	s0 =	rddreg [dreg:$0xb];
	s1 =	sadd.s32 $0x1, s1  }
0x611: {  	p0 =	sne.s32 s1, s0  }
.Ltmp5:
0x612: {  	_ = 	snop;
	(pc) =	sbr.rel @p0 .LBB2_1-.Ltmp5, $3  }
0x613: {  	_ =	sdelay $0x1  }
0x614: {  	[sflag:s29] =	ssyncset.done $0x0  }
0x615: {  	[sflag:s29] =	ssyncadd.s32 $0xFFFFF000  }
0x616: {  	_ =	sfence.sel $0x180000  }
0x617: {  	[bflag:$0x0] =	sbarrier.arrive $0xFFFF  }
0x618: {  	_ =	strace $0x90000047  }
0x619: {  	s0 =	stileid.u32;
	[bflag:$0x2] =	sbarrier.arrive $0xFFFF  }
0x61a: {  	p0 =	sne.s32 s0, $0x0;
	s0 =	rddreg [dreg:$0x3]  }
0x61b: {  	s0 =	sadd.s32 @!p0 $0x100000, s0  }
0x61c: {  	[sflag:s0] =	ssyncadd.tile.s32 @!p0 $0x1;
	_ =	shalt  }
.Lfunc_end2:
_tile_overlayer_lowered:
.L_overlay_start_2:
0x61d: {  	(tag) =	ssettag $0x2  }
0x61e: {  	s0 =	rddreg [dreg:$0x0];
	s2 =	stileid.u32  }
0x61f: {  	s1 =	rddreg [dreg:$0x1];
	p0 =	sne.s32 s2, $0x0  }
0x620: {  	s3 =	rddreg [dreg:$0x2];
	[bflag:$0x3] =	sbarrier.arrive $0xFFFF;
	s2 =	simm.s32 @!p0 $0x1C07  }
0x621: {  	[timem:s3], [sflag:s2] =	dma.local @!p0 [hbm:s0], s1  }
0x622: {  	s0 =	simm.s32 @!p0 $0x7  }
0x623: {  	_ =	swait.ge @!p0 [sflag:s0], s1  }
0x624: {  	s1 =	ssub.s32 @!p0 $0x0, s1;
	[sflag:s0] =	ssyncset.done @!p0 $0x0  }
0x625: {  	[sflag:s0] =	ssyncadd.s32 @!p0 s1  }
0x626: {  	[bflag:$0x3] =	sbarrier.arrive $0xFFFF  }
0x627: {  	_ =	shalt  }

</sc_bundles>
